<compile_context>
chip_gen: v7x
topology: tpu7x:2x2x1
jax: 0.10.2.dev20260603
libtpu: 0.0.44.dev20260713+nightly
codegen_flags: <defaults>
</compile_context>

<pallas_src>
import functools

import jax
import jax.numpy as jnp
from jax import lax
from jax.experimental import pallas as pl
from jax.experimental.pallas import tpu as pltpu
from jax.experimental.pallas import tpu_sc as plsc

N = 100000
E = 3200000
D = 10
DP = 16
NC = 2
NS = 16
NW = NC * NS
P = N // NW
CHUNK = 3200
BG = 128


def _tc_pre_body(x_ref, wy_ref, wz_ref, b1_ref, y_ref, z_ref):
    xb = x_ref[...]
    y_ref[...] = jnp.dot(xb, wy_ref[...], preferred_element_type=jnp.float32)
    z_ref[...] = (
        jnp.dot(xb, wz_ref[...], preferred_element_type=jnp.float32) + b1_ref[...]
    )


def _tc_pre(xp, wy, wz, b1p):
    br = 2000
    grid = N // br
    return pl.pallas_call(
        _tc_pre_body,
        grid=(grid,),
        in_specs=[
            pl.BlockSpec((br, D), lambda i: (i, 0)),
            pl.BlockSpec((D, DP), lambda i: (0, 0)),
            pl.BlockSpec((D, DP), lambda i: (0, 0)),
            pl.BlockSpec((1, DP), lambda i: (0, 0)),
        ],
        out_specs=[
            pl.BlockSpec((br, DP), lambda i: (i, 0)),
            pl.BlockSpec((br, DP), lambda i: (i, 0)),
        ],
        out_shape=[
            jax.ShapeDtypeStruct((N, DP), jnp.float32),
            jax.ShapeDtypeStruct((N, DP), jnp.float32),
        ],
    )(xp, wy, wz, b1p)


def _tc_post_body(m_ref, z_ref, w2_ref, b2_ref, o_ref):
    m = m_ref[...]
    agg = jnp.where(m == -jnp.inf, 0.0, z_ref[...] + m)
    o_ref[...] = (
        jnp.dot(agg, w2_ref[...], preferred_element_type=jnp.float32) + b2_ref[...]
    )


def _tc_post(m2, z16, w2p, b2p):
    br = 2000
    grid = N // br
    return pl.pallas_call(
        _tc_post_body,
        grid=(grid,),
        in_specs=[
            pl.BlockSpec((br, DP), lambda i: (i, 0)),
            pl.BlockSpec((br, DP), lambda i: (i, 0)),
            pl.BlockSpec((DP, D), lambda i: (0, 0)),
            pl.BlockSpec((1, D), lambda i: (0, 0)),
        ],
        out_specs=pl.BlockSpec((br, D), lambda i: (i, 0)),
        out_shape=jax.ShapeDtypeStruct((N, D), jnp.float32),
    )(m2, z16, w2p, b2p)


NCHUNK = E // CHUNK
WAVE = 1
COMP = CHUNK + 2 * BG
UNROLL = 8


def _sc_body(
    y_hbm, dst_hbm, src_hbm, m_hbm,
    acc0, acc1, dstca, srcca, dstcb, srccb,
    dlca, slca, dlcb, slcb, rowsa, rowsb,
    semca, semcb, semga, semgb,
):
    cid = lax.axis_index("c")
    sid = lax.axis_index("s")
    wid = sid * NC + cid
    base = wid * P
    iota = lax.iota(jnp.int32, 16)
    neg_inf = jnp.full((16,), -jnp.inf, jnp.float32)
    dump_row = jnp.full((16,), P, jnp.int32)
    ones = jnp.full((16,), 1, jnp.int32)
    zeros = jnp.full((16,), 0, jnp.int32)
    pu = jnp.uint32(P)

    def init_body(i, _):
        plsc.store_scatter(acc0, [i * 16 + iota], neg_inf)
        plsc.store_scatter(acc1, [i * 16 + iota], neg_inf)
        return 0

    lax.fori_loop(0, P + 1, init_body, 0)

    def fire_chunk(c, dref, sref, semc):
        off = c * CHUNK
        pltpu.async_copy(dst_hbm.at[pl.ds(off, CHUNK)], dref, semc)
        pltpu.async_copy(src_hbm.at[pl.ds(off, CHUNK)], sref, semc)

    def wait_chunk(c, dref, sref, semc):
        off = c * CHUNK
        pltpu.make_async_copy(dst_hbm.at[pl.ds(off, CHUNK)], dref, semc).wait()
        pltpu.make_async_copy(src_hbm.at[pl.ds(off, CHUNK)], sref, semc).wait()

    lane15 = jnp.full((16,), 15, jnp.int32)

    def bcast_last(vec):
        return lax.gather(
            vec,
            lane15[:, None],
            dimension_numbers=lax.GatherDimensionNumbers(
                offset_dims=(), collapsed_slice_dims=(0,), start_index_map=(0,)
            ),
            slice_sizes=(1,),
            mode=lax.GatherScatterMode.PROMISE_IN_BOUNDS,
        )

    def scan_chunk(dref, sref, dlc, slc):
        def scan_body(g4, cntv):
            g = g4 * (16 * UNROLL)
            parts = []
            for k in range(UNROLL):
                d16 = dref[pl.ds(g + k * 16, 16)]
                s16 = sref[pl.ds(g + k * 16, 16)]
                dl = d16 - base
                msk = dl.astype(jnp.uint32) < pu
                mi = jnp.where(msk, ones, zeros)
                pos = plsc.cumsum(mi)
                parts.append((dl, s16, msk, pos))
            for dl, s16, msk, pos in parts:
                offs = pos + cntv
                plsc.store_scatter(dlc, [offs], dl, mask=msk)
                plsc.store_scatter(slc, [offs], s16, mask=msk)
                cntv = cntv + bcast_last(pos)
            return cntv

        cntv = lax.fori_loop(
            0, CHUNK // (16 * UNROLL), scan_body,
            jnp.full((16,), -1, jnp.int32),
        )
        return jnp.max(cntv) + 1

    def dump_fill(cnt, dlc, slc):
        def dump_body(j, _):
            idx16 = cnt + j * 16 + iota
            plsc.store_scatter(dlc, [idx16], dump_row)
            plsc.store_scatter(slc, [idx16], (idx16 * 1237 + wid * 61) & 0xFFFF)
            return 0

        lax.fori_loop(0, BG // 16, dump_body, 0)

    def fire_gathers(nblk, slc, rows, semg):
        nb = jnp.minimum(nblk, WAVE)

        def fire_blk(k, _):
            pltpu.async_copy(
                y_hbm.at[slc.at[pl.ds(k * BG, BG)]],
                rows.at[pl.ds(k * BG, BG)],
                semg,
            )
            return 0

        lax.fori_loop(0, nb, fire_blk, 0)

    def rmw_edges(b0, nb, cnt, dlc, rows):
        npairs = (jnp.clip(cnt - b0 * BG, 0, nb * BG) + 1) // 2
        nquad = (npairs + 3) // 4

        def edge_body(j, _):
            for q in range(4):
                e = b0 * BG + 8 * j + 2 * q
                r = 8 * j + 2 * q
                dl0 = plsc.load_gather(dlc, [jnp.full((16,), e, jnp.int32)])
                dl1 = plsc.load_gather(dlc, [jnp.full((16,), e + 1, jnp.int32)])
                msg0 = rows[r]
                msg1 = rows[r + 1]
                f0 = dl0 * 16 + iota
                f1 = dl1 * 16 + iota
                cur0 = plsc.load_gather(acc0, [f0])
                cur1 = plsc.load_gather(acc1, [f1])
                plsc.store_scatter(acc0, [f0], jnp.maximum(cur0, msg0))
                plsc.store_scatter(acc1, [f1], jnp.maximum(cur1, msg1))
            return 0

        lax.fori_loop(0, nquad, edge_body, 0)

    def drain_and_rmw(cnt, dlc, slc, rows, semg):
        nblk = (cnt + BG - 1) // BG
        nb0 = jnp.minimum(nblk, WAVE)

        def drain_blk(k, _):
            pltpu.make_async_copy(
                y_hbm.at[slc.at[pl.ds(k * BG, BG)]],
                rows.at[pl.ds(k * BG, BG)],
                semg,
            ).wait()
            return 0

        lax.fori_loop(0, nb0, drain_blk, 0)
        rmw_edges(0, nb0, cnt, dlc, rows)

        def over_body(b, _):
            pltpu.async_copy(
                y_hbm.at[slc.at[pl.ds(b * BG, BG)]],
                rows.at[pl.ds(0, BG)],
                semg,
            ).wait()
            npairs = (jnp.clip(cnt - b * BG, 0, BG) + 1) // 2

            def edge_body(j, _):
                e = b * BG + 2 * j
                dl0 = plsc.load_gather(dlc, [jnp.full((16,), e, jnp.int32)])
                dl1 = plsc.load_gather(dlc, [jnp.full((16,), e + 1, jnp.int32)])
                msg0 = rows[2 * j]
                msg1 = rows[2 * j + 1]
                f0 = dl0 * 16 + iota
                f1 = dl1 * 16 + iota
                cur0 = plsc.load_gather(acc0, [f0])
                cur1 = plsc.load_gather(acc1, [f1])
                plsc.store_scatter(acc0, [f0], jnp.maximum(cur0, msg0))
                plsc.store_scatter(acc1, [f1], jnp.maximum(cur1, msg1))
                return 0

            lax.fori_loop(0, npairs, edge_body, 0)
            return 0

        lax.fori_loop(WAVE, nblk, over_body, 0)

    fire_chunk(0, dstca, srcca, semca)
    fire_chunk(1, dstcb, srccb, semcb)

    def pair_body(t, cnt_b):
        ca = 2 * t
        wait_chunk(ca, dstca, srcca, semca)
        cnt_a = scan_chunk(dstca, srcca, dlca, slca)
        dump_fill(cnt_a, dlca, slca)
        fire_gathers((cnt_a + BG - 1) // BG, slca, rowsa, semga)

        @pl.when(t < NCHUNK // 2 - 1)
        def _():
            fire_chunk(ca + 2, dstca, srcca, semca)

        drain_and_rmw(cnt_b, dlcb, slcb, rowsb, semgb)

        cb = 2 * t + 1
        wait_chunk(cb, dstcb, srccb, semcb)
        cnt_b = scan_chunk(dstcb, srccb, dlcb, slcb)
        dump_fill(cnt_b, dlcb, slcb)
        fire_gathers((cnt_b + BG - 1) // BG, slcb, rowsb, semgb)

        @pl.when(t < NCHUNK // 2 - 1)
        def _():
            fire_chunk(cb + 2, dstcb, srccb, semcb)

        drain_and_rmw(cnt_a, dlca, slca, rowsa, semga)
        return cnt_b

    cnt_last = lax.fori_loop(0, NCHUNK // 2, pair_body, 0)
    drain_and_rmw(cnt_last, dlcb, slcb, rowsb, semgb)

    def merge_body(i, _):
        a0 = acc0[pl.ds(i * 16, 16)]
        a1 = acc1[pl.ds(i * 16, 16)]
        acc0[pl.ds(i * 16, 16)] = jnp.maximum(a0, a1)
        return 0

    lax.fori_loop(0, P, merge_body, 0)

    pltpu.sync_copy(acc0.at[pl.ds(0, P * DP)], m_hbm.at[wid])


@functools.partial(
    pl.kernel,
    out_type=jax.ShapeDtypeStruct((NW, P * DP), jnp.float32),
    mesh=plsc.VectorSubcoreMesh(core_axis_name="c", subcore_axis_name="s"),
    compiler_params=pltpu.CompilerParams(
        needs_layout_passes=False, use_tc_tiling_on_sc=False
    ),
    scratch_types=[
        pltpu.VMEM(((P + 1) * DP,), jnp.float32),
        pltpu.VMEM(((P + 1) * DP,), jnp.float32),
        pltpu.VMEM((CHUNK,), jnp.int32),
        pltpu.VMEM((CHUNK,), jnp.int32),
        pltpu.VMEM((CHUNK,), jnp.int32),
        pltpu.VMEM((CHUNK,), jnp.int32),
        pltpu.VMEM((COMP,), jnp.int32),
        pltpu.VMEM((COMP,), jnp.int32),
        pltpu.VMEM((COMP,), jnp.int32),
        pltpu.VMEM((COMP,), jnp.int32),
        pltpu.VMEM((WAVE * BG + 8, DP), jnp.float32),
        pltpu.VMEM((WAVE * BG + 8, DP), jnp.float32),
        pltpu.SemaphoreType.DMA,
        pltpu.SemaphoreType.DMA,
        pltpu.SemaphoreType.DMA,
        pltpu.SemaphoreType.DMA,
    ],
)
def _sc_segmax(
    y_hbm, dst_hbm, src_hbm, m_hbm,
    acc0, acc1, dstca, srcca, dstcb, srccb,
    dlca, slca, dlcb, slcb, rowsa, rowsb,
    semca, semcb, semga, semgb,
):
    _sc_body(
        y_hbm, dst_hbm, src_hbm, m_hbm,
        acc0, acc1, dstca, srcca, dstcb, srccb,
        dlca, slca, dlcb, slcb, rowsa, rowsb,
        semca, semcb, semga, semgb,
    )


@jax.jit
def kernel(x, edge_index, mask, W1, b1, W2, b2):
    del mask
    w1a = W1[:, :D]
    w1b = W1[:, D:]
    wy = jnp.zeros((D, DP), jnp.float32).at[:, :D].set(w1b.T)
    wz = jnp.zeros((D, DP), jnp.float32).at[:, :D].set((w1a - w1b).T)
    b1p = jnp.zeros((1, DP), jnp.float32).at[0, :D].set(b1)
    w2p = jnp.zeros((DP, D), jnp.float32).at[:D, :].set(W2.T)
    b2p = b2.reshape(1, D)

    y16, z16 = _tc_pre(x, wy, wz, b1p)
    src = edge_index[0].astype(jnp.int32)
    dst = edge_index[1].astype(jnp.int32)
    m = _sc_segmax(y16, dst, src)
    return _tc_post(m.reshape(N, DP), z16, w2p, b2p)

# --- scband reference (transcript-rebuilt; emitter-appended) ---
"""Pipeline reference for scband-graph-nn-knn-v0-v1-17970143167393 (READ-ONLY COPY).

The authoritative reference and input builder live on the scoring server;
editing this copy changes nothing except your own understanding.
"""

import jax, jax.numpy as jnp
import numpy as np

N = 100000
E = 3200000
D = 10
DOUT = 10


def setup_inputs(seed: int = 0) -> dict:
    key = jax.random.key(seed)
    k1, k2, k3, k4, k5 = jax.random.split(key, 5)
    x = jax.random.normal(k1, (N, D), dtype=jnp.float32)
    edge_index = jax.random.randint(k2, (2, E), 0, N)
    mask = jax.random.randint(k3, (N,), 0, N)
    # EdgeConv inner MLP: Linear(20, 10)
    W1 = jax.random.normal(k4, (10, 2 * D), dtype=jnp.float32) * (1.0 / np.sqrt(2 * D))
    b1 = jnp.zeros((10,), dtype=jnp.float32)
    # output head: Linear(10, dim_out)
    W2 = jax.random.normal(k5, (DOUT, 10), dtype=jnp.float32) * (1.0 / np.sqrt(10))
    b2 = jnp.zeros((DOUT,), dtype=jnp.float32)
    return {"x": x, "edge_index": edge_index, "mask": mask, "W1": W1, "b1": b1, "W2": W2, "b2": b2}


def reference(x, edge_index, mask, W1, b1, W2, b2):
    # EdgeConv (aggr='max'): for edge (j -> i): msg = nn([x_i, x_j - x_i]); out_i = max_j msg
    src = edge_index[0]  # j (source)
    dst = edge_index[1]  # i (target)
    x_i = jnp.take(x, dst, axis=0)
    x_j = jnp.take(x, src, axis=0)
    msg = jnp.concatenate([x_i, x_j - x_i], axis=-1) @ W1.T + b1
    agg = jax.ops.segment_max(msg, dst, num_segments=N)
    # PyG fills nodes with no incoming edges with 0
    agg = jnp.where(jnp.isneginf(agg), 0.0, agg)
    out = agg @ W2.T + b2
    return out

if __name__ == "__main__":
    import jax
    _d = setup_inputs()
    print(jax.jit(kernel)(*tuple(_d.values())))

</pallas_src>

<mosaic_0001>
#map = affine_map<(d0, d1) -> (0, 0)>
#map1 = affine_map<(d0, d1) -> (0)>
module attributes {stable_mosaic.version = 14 : i64} {
  func.func @_sc_segmax(%arg0: i32, %arg1: i32, %arg2: memref<100000x16xf32, #tpu.memory_space<hbm>>, %arg3: memref<3200000xi32, #tpu.memory_space<hbm>>, %arg4: memref<3200000xi32, #tpu.memory_space<hbm>>, %arg5: memref<32x50000xf32, #tpu.memory_space<hbm>>, %arg6: memref<50016xf32, #tpu.memory_space<vmem>>, %arg7: memref<50016xf32, #tpu.memory_space<vmem>>, %arg8: memref<3200xi32, #tpu.memory_space<vmem>>, %arg9: memref<3200xi32, #tpu.memory_space<vmem>>, %arg10: memref<3200xi32, #tpu.memory_space<vmem>>, %arg11: memref<3200xi32, #tpu.memory_space<vmem>>, %arg12: memref<3456xi32, #tpu.memory_space<vmem>>, %arg13: memref<3456xi32, #tpu.memory_space<vmem>>, %arg14: memref<3456xi32, #tpu.memory_space<vmem>>, %arg15: memref<3456xi32, #tpu.memory_space<vmem>>, %arg16: memref<136x16xf32, #tpu.memory_space<vmem>>, %arg17: memref<136x16xf32, #tpu.memory_space<vmem>>, %arg18: memref<!tpu.dma_semaphore, #tpu.memory_space<semaphore_mem>>, %arg19: memref<!tpu.dma_semaphore, #tpu.memory_space<semaphore_mem>>, %arg20: memref<!tpu.dma_semaphore, #tpu.memory_space<semaphore_mem>>, %arg21: memref<!tpu.dma_semaphore, #tpu.memory_space<semaphore_mem>>) attributes {dimension_semantics = [#tpu.dimension_semantics<core_parallel>, #tpu.dimension_semantics<subcore_parallel>], iteration_bounds = array<i64: 2, 16>, scalar_prefetch = 0 : i64, scratch_operands = 16 : i64, tpu.core_type = #tpu.core_type<sc_vector_subcore>, window_params = [{transform_indices = #map}, {transform_indices = #map1}, {transform_indices = #map1}, {transform_indices = #map}]} {
    %mul3A = arith.constant 2 : i32
    %mul3A_0 = arith.muli %arg1, %mul3A : i32
    %add3A = arith.addi %mul3A_0, %arg0 : i32
    %mul3A_1 = arith.constant 3125 : i32
    %mul3A_2 = arith.muli %add3A, %mul3A_1 : i32
    %iota3A = tpu.iota {dimensions = array<i32: 0>} : vector<16xi32>
    %broadcast_in_dim3A = arith.constant 0xFF800000 : f32
    %broadcast_in_dim3A_3 = vector.broadcast %broadcast_in_dim3A : f32 to vector<16xf32>
    %broadcast_in_dim3A_4 = arith.constant 3125 : i32
    %broadcast_in_dim3A_5 = vector.broadcast %broadcast_in_dim3A_4 : i32 to vector<16xi32>
    %broadcast_in_dim3A_6 = arith.constant 1 : i32
    %broadcast_in_dim3A_7 = vector.broadcast %broadcast_in_dim3A_6 : i32 to vector<16xi32>
    %broadcast_in_dim3A_8 = arith.constant 0 : i32
    %broadcast_in_dim3A_9 = vector.broadcast %broadcast_in_dim3A_8 : i32 to vector<16xi32>
    %scan3A = arith.constant 0 : i32
    %scan3A_10 = arith.constant 0 : i32
    %scan3A_11 = arith.constant 3126 : i32
    %scan3A_12 = arith.addi %scan3A_10, %scan3A_11 : i32
    %scan3A_13 = arith.constant 1 : i32
    %scan3A_14 = scf.for %scan3A_162 = %scan3A_10 to %scan3A_12 step %scan3A_13 iter_args(%scan3A_163 = %scan3A) -> (i32)  : i32 {
      %mul3A_164 = arith.constant 16 : i32
      %mul3A_165 = arith.muli %scan3A_162, %mul3A_164 : i32
      %add3A_166 = vector.broadcast %mul3A_165 : i32 to vector<16xi32>
      %add3A_167 = arith.addi %add3A_166, %iota3A : vector<16xi32>
      tpu.vector_store_idx %arg6[%add3A_167], %broadcast_in_dim3A_3 : memref<50016xf32, #tpu.memory_space<vmem>>[vector<16xi32>], vector<16xf32>,
      %mul3A_168 = arith.constant 16 : i32
      %mul3A_169 = arith.muli %scan3A_162, %mul3A_168 : i32
      %add3A_170 = vector.broadcast %mul3A_169 : i32 to vector<16xi32>
      %add3A_171 = arith.addi %add3A_170, %iota3A : vector<16xi32>
      tpu.vector_store_idx %arg7[%add3A_171], %broadcast_in_dim3A_3 : memref<50016xf32, #tpu.memory_space<vmem>>[vector<16xi32>], vector<16xf32>,
      %scan3A_172 = arith.constant 0 : i32
      scf.yield %scan3A_172 : i32
    }
    %scan3A_15 = arith.constant 3126 : i32
    %broadcast_in_dim3A_16 = arith.constant 15 : i32
    %broadcast_in_dim3A_17 = vector.broadcast %broadcast_in_dim3A_16 : i32 to vector<16xi32>
    %dma_start3A = arith.constant 0 : i32
    %dma_start3A_18 = tpu.memref_slice %arg3[%dma_start3A] : memref<3200000xi32, #tpu.memory_space<hbm>> -> memref<3200xi32, #tpu.memory_space<hbm>>
    %dma_start3A_19 = arith.constant 0 : i32
    %dma_start3A_20 = tpu.memref_slice %arg3[%dma_start3A_19] : memref<3200000xi32, #tpu.memory_space<hbm>> -> memref<3200xi32, #tpu.memory_space<hbm>>
    tpu.enqueue_dma source(%dma_start3A_20 : memref<3200xi32, #tpu.memory_space<hbm>>) target(%arg8 : memref<3200xi32, #tpu.memory_space<vmem>>) target_semaphore(%arg18 : memref<!tpu.dma_semaphore, #tpu.memory_space<semaphore_mem>>)
    %dma_start3A_21 = arith.constant 0 : i32
    %dma_start3A_22 = tpu.memref_slice %arg4[%dma_start3A_21] : memref<3200000xi32, #tpu.memory_space<hbm>> -> memref<3200xi32, #tpu.memory_space<hbm>>
    %dma_start3A_23 = arith.constant 0 : i32
    %dma_start3A_24 = tpu.memref_slice %arg4[%dma_start3A_23] : memref<3200000xi32, #tpu.memory_space<hbm>> -> memref<3200xi32, #tpu.memory_space<hbm>>
    tpu.enqueue_dma source(%dma_start3A_24 : memref<3200xi32, #tpu.memory_space<hbm>>) target(%arg9 : memref<3200xi32, #tpu.memory_space<vmem>>) target_semaphore(%arg18 : memref<!tpu.dma_semaphore, #tpu.memory_space<semaphore_mem>>)
    %dma_start3A_25 = arith.constant 3200 : i32
    %dma_start3A_26 = tpu.memref_slice %arg3[%dma_start3A_25] : memref<3200000xi32, #tpu.memory_space<hbm>> -> memref<3200xi32, #tpu.memory_space<hbm>>
    %dma_start3A_27 = arith.constant 3200 : i32
    %dma_start3A_28 = tpu.memref_slice %arg3[%dma_start3A_27] : memref<3200000xi32, #tpu.memory_space<hbm>> -> memref<3200xi32, #tpu.memory_space<hbm>>
    tpu.enqueue_dma source(%dma_start3A_28 : memref<3200xi32, #tpu.memory_space<hbm>>) target(%arg10 : memref<3200xi32, #tpu.memory_space<vmem>>) target_semaphore(%arg19 : memref<!tpu.dma_semaphore, #tpu.memory_space<semaphore_mem>>)
    %dma_start3A_29 = arith.constant 3200 : i32
    %dma_start3A_30 = tpu.memref_slice %arg4[%dma_start3A_29] : memref<3200000xi32, #tpu.memory_space<hbm>> -> memref<3200xi32, #tpu.memory_space<hbm>>
    %dma_start3A_31 = arith.constant 3200 : i32
    %dma_start3A_32 = tpu.memref_slice %arg4[%dma_start3A_31] : memref<3200000xi32, #tpu.memory_space<hbm>> -> memref<3200xi32, #tpu.memory_space<hbm>>
    tpu.enqueue_dma source(%dma_start3A_32 : memref<3200xi32, #tpu.memory_space<hbm>>) target(%arg11 : memref<3200xi32, #tpu.memory_space<vmem>>) target_semaphore(%arg19 : memref<!tpu.dma_semaphore, #tpu.memory_space<semaphore_mem>>)
    %scan3A_33 = arith.constant 3125 : i32
    %scan3A_34 = arith.constant 0 : i32
    %scan3A_35 = arith.constant 0 : i32
    %scan3A_36 = arith.constant 500 : i32
    %scan3A_37 = arith.addi %scan3A_35, %scan3A_36 : i32
    %scan3A_38 = arith.constant 1 : i32
    %scan3A_39 = scf.for %scan3A_162 = %scan3A_35 to %scan3A_37 step %scan3A_38 iter_args(%scan3A_163 = %scan3A_34) -> (i32)  : i32 {
      %mul3A_164 = arith.constant 2 : i32
      %mul3A_165 = arith.muli %mul3A_164, %scan3A_162 : i32
      %mul3A_166 = arith.constant 3200 : i32
      %mul3A_167 = arith.muli %mul3A_165, %mul3A_166 : i32
      %dma_wait3A = tpu.memref_slice %arg3[%mul3A_167] : memref<3200000xi32, #tpu.memory_space<hbm>> -> memref<3200xi32, #tpu.memory_space<hbm>>
      %dma_wait3A_168 = tpu.memref_slice %arg3[%mul3A_167] : memref<3200000xi32, #tpu.memory_space<hbm>> -> memref<3200xi32, #tpu.memory_space<hbm>>
      tpu.wait_dma2 semaphore(%arg18 : memref<!tpu.dma_semaphore, #tpu.memory_space<semaphore_mem>>) src(%dma_wait3A_168 : memref<3200xi32, #tpu.memory_space<hbm>>) dst(%arg8 : memref<3200xi32, #tpu.memory_space<vmem>>)
      %dma_wait3A_169 = tpu.memref_slice %arg4[%mul3A_167] : memref<3200000xi32, #tpu.memory_space<hbm>> -> memref<3200xi32, #tpu.memory_space<hbm>>
      %dma_wait3A_170 = tpu.memref_slice %arg4[%mul3A_167] : memref<3200000xi32, #tpu.memory_space<hbm>> -> memref<3200xi32, #tpu.memory_space<hbm>>
      tpu.wait_dma2 semaphore(%arg18 : memref<!tpu.dma_semaphore, #tpu.memory_space<semaphore_mem>>) src(%dma_wait3A_170 : memref<3200xi32, #tpu.memory_space<hbm>>) dst(%arg9 : memref<3200xi32, #tpu.memory_space<vmem>>)
      %broadcast_in_dim3A_171 = arith.constant -1 : i32
      %broadcast_in_dim3A_172 = vector.broadcast %broadcast_in_dim3A_171 : i32 to vector<16xi32>
      %scan3A_173 = arith.constant 0 : i32
      %scan3A_174 = arith.constant 25 : i32
      %scan3A_175 = arith.addi %scan3A_173, %scan3A_174 : i32
      %scan3A_176 = arith.constant 1 : i32
      %scan3A_177 = scf.for %scan3A_571 = %scan3A_173 to %scan3A_175 step %scan3A_176 iter_args(%scan3A_572 = %broadcast_in_dim3A_172) -> (vector<16xi32>)  : i32 {
        %mul3A_573 = arith.constant 128 : i32
        %mul3A_574 = arith.muli %scan3A_571, %mul3A_573 : i32
        %add3A_575 = arith.constant 0 : i32
        %add3A_576 = arith.addi %mul3A_574, %add3A_575 : i32
        %get3A = arith.index_cast %add3A_576 : i32 to index
        %get3A_577 = tpu.vector_load %arg8[%get3A] {strides = array<i32>} : memref<3200xi32, #tpu.memory_space<vmem>>, vector<16xi32>,
        %add3A_578 = arith.constant 0 : i32
        %add3A_579 = arith.addi %mul3A_574, %add3A_578 : i32
        %get3A_580 = arith.index_cast %add3A_579 : i32 to index
        %get3A_581 = tpu.vector_load %arg9[%get3A_580] {strides = array<i32>} : memref<3200xi32, #tpu.memory_space<vmem>>, vector<16xi32>,
        %sub3A_582 = vector.broadcast %mul3A_2 : i32 to vector<16xi32>
        %sub3A_583 = arith.subi %get3A_577, %sub3A_582 : vector<16xi32>
        %lt3A_584 = vector.broadcast %scan3A_33 : i32 to vector<16xi32>
        %lt3A_585 = arith.cmpi ult, %sub3A_583, %lt3A_584 : vector<16xi32>
        %select_n3A_586 = arith.select %lt3A_585, %broadcast_in_dim3A_7, %broadcast_in_dim3A_9 : vector<16xi1>, vector<16xi32>
        %broadcast_in_dim3A_587 = arith.constant true
        %broadcast_in_dim3A_588 = vector.broadcast %broadcast_in_dim3A_587 : i1 to vector<16xi1>
        %masked_cumsum3A = tpu.scan <sum>, %select_n3A_586 masked %broadcast_in_dim3A_588 : vector<16xi32>, vector<16xi1> -> vector<16xi32>
        %add3A_589 = arith.constant 16 : i32
        %add3A_590 = arith.addi %mul3A_574, %add3A_589 : i32
        %get3A_591 = arith.index_cast %add3A_590 : i32 to index
        %get3A_592 = tpu.vector_load %arg8[%get3A_591] {strides = array<i32>} : memref<3200xi32, #tpu.memory_space<vmem>>, vector<16xi32>,
        %add3A_593 = arith.constant 16 : i32
        %add3A_594 = arith.addi %mul3A_574, %add3A_593 : i32
        %get3A_595 = arith.index_cast %add3A_594 : i32 to index
        %get3A_596 = tpu.vector_load %arg9[%get3A_595] {strides = array<i32>} : memref<3200xi32, #tpu.memory_space<vmem>>, vector<16xi32>,
        %sub3A_597 = vector.broadcast %mul3A_2 : i32 to vector<16xi32>
        %sub3A_598 = arith.subi %get3A_592, %sub3A_597 : vector<16xi32>
        %lt3A_599 = vector.broadcast %scan3A_33 : i32 to vector<16xi32>
        %lt3A_600 = arith.cmpi ult, %sub3A_598, %lt3A_599 : vector<16xi32>
        %select_n3A_601 = arith.select %lt3A_600, %broadcast_in_dim3A_7, %broadcast_in_dim3A_9 : vector<16xi1>, vector<16xi32>
        %broadcast_in_dim3A_602 = arith.constant true
        %broadcast_in_dim3A_603 = vector.broadcast %broadcast_in_dim3A_602 : i1 to vector<16xi1>
        %masked_cumsum3A_604 = tpu.scan <sum>, %select_n3A_601 masked %broadcast_in_dim3A_603 : vector<16xi32>, vector<16xi1> -> vector<16xi32>
        %add3A_605 = arith.constant 32 : i32
        %add3A_606 = arith.addi %mul3A_574, %add3A_605 : i32
        %get3A_607 = arith.index_cast %add3A_606 : i32 to index
        %get3A_608 = tpu.vector_load %arg8[%get3A_607] {strides = array<i32>} : memref<3200xi32, #tpu.memory_space<vmem>>, vector<16xi32>,
        %add3A_609 = arith.constant 32 : i32
        %add3A_610 = arith.addi %mul3A_574, %add3A_609 : i32
        %get3A_611 = arith.index_cast %add3A_610 : i32 to index
        %get3A_612 = tpu.vector_load %arg9[%get3A_611] {strides = array<i32>} : memref<3200xi32, #tpu.memory_space<vmem>>, vector<16xi32>,
        %sub3A_613 = vector.broadcast %mul3A_2 : i32 to vector<16xi32>
        %sub3A_614 = arith.subi %get3A_608, %sub3A_613 : vector<16xi32>
        %lt3A_615 = vector.broadcast %scan3A_33 : i32 to vector<16xi32>
        %lt3A_616 = arith.cmpi ult, %sub3A_614, %lt3A_615 : vector<16xi32>
        %select_n3A_617 = arith.select %lt3A_616, %broadcast_in_dim3A_7, %broadcast_in_dim3A_9 : vector<16xi1>, vector<16xi32>
        %broadcast_in_dim3A_618 = arith.constant true
        %broadcast_in_dim3A_619 = vector.broadcast %broadcast_in_dim3A_618 : i1 to vector<16xi1>
        %masked_cumsum3A_620 = tpu.scan <sum>, %select_n3A_617 masked %broadcast_in_dim3A_619 : vector<16xi32>, vector<16xi1> -> vector<16xi32>
        %add3A_621 = arith.constant 48 : i32
        %add3A_622 = arith.addi %mul3A_574, %add3A_621 : i32
        %get3A_623 = arith.index_cast %add3A_622 : i32 to index
        %get3A_624 = tpu.vector_load %arg8[%get3A_623] {strides = array<i32>} : memref<3200xi32, #tpu.memory_space<vmem>>, vector<16xi32>,
        %add3A_625 = arith.constant 48 : i32
        %add3A_626 = arith.addi %mul3A_574, %add3A_625 : i32
        %get3A_627 = arith.index_cast %add3A_626 : i32 to index
        %get3A_628 = tpu.vector_load %arg9[%get3A_627] {strides = array<i32>} : memref<3200xi32, #tpu.memory_space<vmem>>, vector<16xi32>,
        %sub3A_629 = vector.broadcast %mul3A_2 : i32 to vector<16xi32>
        %sub3A_630 = arith.subi %get3A_624, %sub3A_629 : vector<16xi32>
        %lt3A_631 = vector.broadcast %scan3A_33 : i32 to vector<16xi32>
        %lt3A_632 = arith.cmpi ult, %sub3A_630, %lt3A_631 : vector<16xi32>
        %select_n3A_633 = arith.select %lt3A_632, %broadcast_in_dim3A_7, %broadcast_in_dim3A_9 : vector<16xi1>, vector<16xi32>
        %broadcast_in_dim3A_634 = arith.constant true
        %broadcast_in_dim3A_635 = vector.broadcast %broadcast_in_dim3A_634 : i1 to vector<16xi1>
        %masked_cumsum3A_636 = tpu.scan <sum>, %select_n3A_633 masked %broadcast_in_dim3A_635 : vector<16xi32>, vector<16xi1> -> vector<16xi32>
        %add3A_637 = arith.constant 64 : i32
        %add3A_638 = arith.addi %mul3A_574, %add3A_637 : i32
        %get3A_639 = arith.index_cast %add3A_638 : i32 to index
        %get3A_640 = tpu.vector_load %arg8[%get3A_639] {strides = array<i32>} : memref<3200xi32, #tpu.memory_space<vmem>>, vector<16xi32>,
        %add3A_641 = arith.constant 64 : i32
        %add3A_642 = arith.addi %mul3A_574, %add3A_641 : i32
        %get3A_643 = arith.index_cast %add3A_642 : i32 to index
        %get3A_644 = tpu.vector_load %arg9[%get3A_643] {strides = array<i32>} : memref<3200xi32, #tpu.memory_space<vmem>>, vector<16xi32>,
        %sub3A_645 = vector.broadcast %mul3A_2 : i32 to vector<16xi32>
        %sub3A_646 = arith.subi %get3A_640, %sub3A_645 : vector<16xi32>
        %lt3A_647 = vector.broadcast %scan3A_33 : i32 to vector<16xi32>
        %lt3A_648 = arith.cmpi ult, %sub3A_646, %lt3A_647 : vector<16xi32>
        %select_n3A_649 = arith.select %lt3A_648, %broadcast_in_dim3A_7, %broadcast_in_dim3A_9 : vector<16xi1>, vector<16xi32>
        %broadcast_in_dim3A_650 = arith.constant true
        %broadcast_in_dim3A_651 = vector.broadcast %broadcast_in_dim3A_650 : i1 to vector<16xi1>
        %masked_cumsum3A_652 = tpu.scan <sum>, %select_n3A_649 masked %broadcast_in_dim3A_651 : vector<16xi32>, vector<16xi1> -> vector<16xi32>
        %add3A_653 = arith.constant 80 : i32
        %add3A_654 = arith.addi %mul3A_574, %add3A_653 : i32
        %get3A_655 = arith.index_cast %add3A_654 : i32 to index
        %get3A_656 = tpu.vector_load %arg8[%get3A_655] {strides = array<i32>} : memref<3200xi32, #tpu.memory_space<vmem>>, vector<16xi32>,
        %add3A_657 = arith.constant 80 : i32
        %add3A_658 = arith.addi %mul3A_574, %add3A_657 : i32
        %get3A_659 = arith.index_cast %add3A_658 : i32 to index
        %get3A_660 = tpu.vector_load %arg9[%get3A_659] {strides = array<i32>} : memref<3200xi32, #tpu.memory_space<vmem>>, vector<16xi32>,
        %sub3A_661 = vector.broadcast %mul3A_2 : i32 to vector<16xi32>
        %sub3A_662 = arith.subi %get3A_656, %sub3A_661 : vector<16xi32>
        %lt3A_663 = vector.broadcast %scan3A_33 : i32 to vector<16xi32>
        %lt3A_664 = arith.cmpi ult, %sub3A_662, %lt3A_663 : vector<16xi32>
        %select_n3A_665 = arith.select %lt3A_664, %broadcast_in_dim3A_7, %broadcast_in_dim3A_9 : vector<16xi1>, vector<16xi32>
        %broadcast_in_dim3A_666 = arith.constant true
        %broadcast_in_dim3A_667 = vector.broadcast %broadcast_in_dim3A_666 : i1 to vector<16xi1>
        %masked_cumsum3A_668 = tpu.scan <sum>, %select_n3A_665 masked %broadcast_in_dim3A_667 : vector<16xi32>, vector<16xi1> -> vector<16xi32>
        %add3A_669 = arith.constant 96 : i32
        %add3A_670 = arith.addi %mul3A_574, %add3A_669 : i32
        %get3A_671 = arith.index_cast %add3A_670 : i32 to index
        %get3A_672 = tpu.vector_load %arg8[%get3A_671] {strides = array<i32>} : memref<3200xi32, #tpu.memory_space<vmem>>, vector<16xi32>,
        %add3A_673 = arith.constant 96 : i32
        %add3A_674 = arith.addi %mul3A_574, %add3A_673 : i32
        %get3A_675 = arith.index_cast %add3A_674 : i32 to index
        %get3A_676 = tpu.vector_load %arg9[%get3A_675] {strides = array<i32>} : memref<3200xi32, #tpu.memory_space<vmem>>, vector<16xi32>,
        %sub3A_677 = vector.broadcast %mul3A_2 : i32 to vector<16xi32>
        %sub3A_678 = arith.subi %get3A_672, %sub3A_677 : vector<16xi32>
        %lt3A_679 = vector.broadcast %scan3A_33 : i32 to vector<16xi32>
        %lt3A_680 = arith.cmpi ult, %sub3A_678, %lt3A_679 : vector<16xi32>
        %select_n3A_681 = arith.select %lt3A_680, %broadcast_in_dim3A_7, %broadcast_in_dim3A_9 : vector<16xi1>, vector<16xi32>
        %broadcast_in_dim3A_682 = arith.constant true
        %broadcast_in_dim3A_683 = vector.broadcast %broadcast_in_dim3A_682 : i1 to vector<16xi1>
        %masked_cumsum3A_684 = tpu.scan <sum>, %select_n3A_681 masked %broadcast_in_dim3A_683 : vector<16xi32>, vector<16xi1> -> vector<16xi32>
        %add3A_685 = arith.constant 112 : i32
        %add3A_686 = arith.addi %mul3A_574, %add3A_685 : i32
        %get3A_687 = arith.index_cast %add3A_686 : i32 to index
        %get3A_688 = tpu.vector_load %arg8[%get3A_687] {strides = array<i32>} : memref<3200xi32, #tpu.memory_space<vmem>>, vector<16xi32>,
        %add3A_689 = arith.constant 112 : i32
        %add3A_690 = arith.addi %mul3A_574, %add3A_689 : i32
        %get3A_691 = arith.index_cast %add3A_690 : i32 to index
        %get3A_692 = tpu.vector_load %arg9[%get3A_691] {strides = array<i32>} : memref<3200xi32, #tpu.memory_space<vmem>>, vector<16xi32>,
        %sub3A_693 = vector.broadcast %mul3A_2 : i32 to vector<16xi32>
        %sub3A_694 = arith.subi %get3A_688, %sub3A_693 : vector<16xi32>
        %lt3A_695 = vector.broadcast %scan3A_33 : i32 to vector<16xi32>
        %lt3A_696 = arith.cmpi ult, %sub3A_694, %lt3A_695 : vector<16xi32>
        %select_n3A_697 = arith.select %lt3A_696, %broadcast_in_dim3A_7, %broadcast_in_dim3A_9 : vector<16xi1>, vector<16xi32>
        %broadcast_in_dim3A_698 = arith.constant true
        %broadcast_in_dim3A_699 = vector.broadcast %broadcast_in_dim3A_698 : i1 to vector<16xi1>
        %masked_cumsum3A_700 = tpu.scan <sum>, %select_n3A_697 masked %broadcast_in_dim3A_699 : vector<16xi32>, vector<16xi1> -> vector<16xi32>
        %add3A_701 = arith.addi %masked_cumsum3A, %scan3A_572 : vector<16xi32>
        tpu.vector_store_idx %arg12[%add3A_701], %sub3A_583 masked %lt3A_585 : memref<3456xi32, #tpu.memory_space<vmem>>[vector<16xi32>], vector<16xi32>, vector<16xi1>
        tpu.vector_store_idx %arg13[%add3A_701], %get3A_581 masked %lt3A_585 : memref<3456xi32, #tpu.memory_space<vmem>>[vector<16xi32>], vector<16xi32>, vector<16xi1>
        %broadcast_in_dim3A_702 = vector.shape_cast %broadcast_in_dim3A_17 : vector<16xi32> to vector<16x1xi32>
        %gather3A = vector.shape_cast %broadcast_in_dim3A_702 : vector<16x1xi32> to vector<16xi32>
        %gather3A_703 = tpu.dynamic_gather %masked_cumsum3A[%gather3A] in [0] : vector<16xi32>, vector<16xi32> -> vector<16xi32>
        %add3A_704 = arith.addi %scan3A_572, %gather3A_703 : vector<16xi32>
        %add3A_705 = arith.addi %masked_cumsum3A_604, %add3A_704 : vector<16xi32>
        tpu.vector_store_idx %arg12[%add3A_705], %sub3A_598 masked %lt3A_600 : memref<3456xi32, #tpu.memory_space<vmem>>[vector<16xi32>], vector<16xi32>, vector<16xi1>
        tpu.vector_store_idx %arg13[%add3A_705], %get3A_596 masked %lt3A_600 : memref<3456xi32, #tpu.memory_space<vmem>>[vector<16xi32>], vector<16xi32>, vector<16xi1>
        %broadcast_in_dim3A_706 = vector.shape_cast %broadcast_in_dim3A_17 : vector<16xi32> to vector<16x1xi32>
        %gather3A_707 = vector.shape_cast %broadcast_in_dim3A_706 : vector<16x1xi32> to vector<16xi32>
        %gather3A_708 = tpu.dynamic_gather %masked_cumsum3A_604[%gather3A_707] in [0] : vector<16xi32>, vector<16xi32> -> vector<16xi32>
        %add3A_709 = arith.addi %add3A_704, %gather3A_708 : vector<16xi32>
        %add3A_710 = arith.addi %masked_cumsum3A_620, %add3A_709 : vector<16xi32>
        tpu.vector_store_idx %arg12[%add3A_710], %sub3A_614 masked %lt3A_616 : memref<3456xi32, #tpu.memory_space<vmem>>[vector<16xi32>], vector<16xi32>, vector<16xi1>
        tpu.vector_store_idx %arg13[%add3A_710], %get3A_612 masked %lt3A_616 : memref<3456xi32, #tpu.memory_space<vmem>>[vector<16xi32>], vector<16xi32>, vector<16xi1>
        %broadcast_in_dim3A_711 = vector.shape_cast %broadcast_in_dim3A_17 : vector<16xi32> to vector<16x1xi32>
        %gather3A_712 = vector.shape_cast %broadcast_in_dim3A_711 : vector<16x1xi32> to vector<16xi32>
        %gather3A_713 = tpu.dynamic_gather %masked_cumsum3A_620[%gather3A_712] in [0] : vector<16xi32>, vector<16xi32> -> vector<16xi32>
        %add3A_714 = arith.addi %add3A_709, %gather3A_713 : vector<16xi32>
        %add3A_715 = arith.addi %masked_cumsum3A_636, %add3A_714 : vector<16xi32>
        tpu.vector_store_idx %arg12[%add3A_715], %sub3A_630 masked %lt3A_632 : memref<3456xi32, #tpu.memory_space<vmem>>[vector<16xi32>], vector<16xi32>, vector<16xi1>
        tpu.vector_store_idx %arg13[%add3A_715], %get3A_628 masked %lt3A_632 : memref<3456xi32, #tpu.memory_space<vmem>>[vector<16xi32>], vector<16xi32>, vector<16xi1>
        %broadcast_in_dim3A_716 = vector.shape_cast %broadcast_in_dim3A_17 : vector<16xi32> to vector<16x1xi32>
        %gather3A_717 = vector.shape_cast %broadcast_in_dim3A_716 : vector<16x1xi32> to vector<16xi32>
        %gather3A_718 = tpu.dynamic_gather %masked_cumsum3A_636[%gather3A_717] in [0] : vector<16xi32>, vector<16xi32> -> vector<16xi32>
        %add3A_719 = arith.addi %add3A_714, %gather3A_718 : vector<16xi32>
        %add3A_720 = arith.addi %masked_cumsum3A_652, %add3A_719 : vector<16xi32>
        tpu.vector_store_idx %arg12[%add3A_720], %sub3A_646 masked %lt3A_648 : memref<3456xi32, #tpu.memory_space<vmem>>[vector<16xi32>], vector<16xi32>, vector<16xi1>
        tpu.vector_store_idx %arg13[%add3A_720], %get3A_644 masked %lt3A_648 : memref<3456xi32, #tpu.memory_space<vmem>>[vector<16xi32>], vector<16xi32>, vector<16xi1>
        %broadcast_in_dim3A_721 = vector.shape_cast %broadcast_in_dim3A_17 : vector<16xi32> to vector<16x1xi32>
        %gather3A_722 = vector.shape_cast %broadcast_in_dim3A_721 : vector<16x1xi32> to vector<16xi32>
        %gather3A_723 = tpu.dynamic_gather %masked_cumsum3A_652[%gather3A_722] in [0] : vector<16xi32>, vector<16xi32> -> vector<16xi32>
        %add3A_724 = arith.addi %add3A_719, %gather3A_723 : vector<16xi32>
        %add3A_725 = arith.addi %masked_cumsum3A_668, %add3A_724 : vector<16xi32>
        tpu.vector_store_idx %arg12[%add3A_725], %sub3A_662 masked %lt3A_664 : memref<3456xi32, #tpu.memory_space<vmem>>[vector<16xi32>], vector<16xi32>, vector<16xi1>
        tpu.vector_store_idx %arg13[%add3A_725], %get3A_660 masked %lt3A_664 : memref<3456xi32, #tpu.memory_space<vmem>>[vector<16xi32>], vector<16xi32>, vector<16xi1>
        %broadcast_in_dim3A_726 = vector.shape_cast %broadcast_in_dim3A_17 : vector<16xi32> to vector<16x1xi32>
        %gather3A_727 = vector.shape_cast %broadcast_in_dim3A_726 : vector<16x1xi32> to vector<16xi32>
        %gather3A_728 = tpu.dynamic_gather %masked_cumsum3A_668[%gather3A_727] in [0] : vector<16xi32>, vector<16xi32> -> vector<16xi32>
        %add3A_729 = arith.addi %add3A_724, %gather3A_728 : vector<16xi32>
        %add3A_730 = arith.addi %masked_cumsum3A_684, %add3A_729 : vector<16xi32>
        tpu.vector_store_idx %arg12[%add3A_730], %sub3A_678 masked %lt3A_680 : memref<3456xi32, #tpu.memory_space<vmem>>[vector<16xi32>], vector<16xi32>, vector<16xi1>
        tpu.vector_store_idx %arg13[%add3A_730], %get3A_676 masked %lt3A_680 : memref<3456xi32, #tpu.memory_space<vmem>>[vector<16xi32>], vector<16xi32>, vector<16xi1>
        %broadcast_in_dim3A_731 = vector.shape_cast %broadcast_in_dim3A_17 : vector<16xi32> to vector<16x1xi32>
        %gather3A_732 = vector.shape_cast %broadcast_in_dim3A_731 : vector<16x1xi32> to vector<16xi32>
        %gather3A_733 = tpu.dynamic_gather %masked_cumsum3A_684[%gather3A_732] in [0] : vector<16xi32>, vector<16xi32> -> vector<16xi32>
        %add3A_734 = arith.addi %add3A_729, %gather3A_733 : vector<16xi32>
        %add3A_735 = arith.addi %masked_cumsum3A_700, %add3A_734 : vector<16xi32>
        tpu.vector_store_idx %arg12[%add3A_735], %sub3A_694 masked %lt3A_696 : memref<3456xi32, #tpu.memory_space<vmem>>[vector<16xi32>], vector<16xi32>, vector<16xi1>
        tpu.vector_store_idx %arg13[%add3A_735], %get3A_692 masked %lt3A_696 : memref<3456xi32, #tpu.memory_space<vmem>>[vector<16xi32>], vector<16xi32>, vector<16xi1>
        %broadcast_in_dim3A_736 = vector.shape_cast %broadcast_in_dim3A_17 : vector<16xi32> to vector<16x1xi32>
        %gather3A_737 = vector.shape_cast %broadcast_in_dim3A_736 : vector<16x1xi32> to vector<16xi32>
        %gather3A_738 = tpu.dynamic_gather %masked_cumsum3A_700[%gather3A_737] in [0] : vector<16xi32>, vector<16xi32> -> vector<16xi32>
        %add3A_739 = arith.addi %add3A_734, %gather3A_738 : vector<16xi32>
        scf.yield %add3A_739 : vector<16xi32>
      }
      %scan3A_178 = arith.constant 25 : i32
      %reduce_max3A = arith.constant true
      %reduce_max3A_179 = vector.broadcast %reduce_max3A : i1 to vector<16xi1>
      %reduce_max3A_180 = arith.constant -2147483648 : i32
      %reduce_max3A_181 = vector.broadcast %reduce_max3A_180 : i32 to vector<16xi32>
      %reduce_max3A_182 = arith.xori %scan3A_177, %reduce_max3A_181 : vector<16xi32>
      %reduce_max3A_183 = tpu.scan <max>, %reduce_max3A_182 masked %reduce_max3A_179 : vector<16xi32>, vector<16xi1> -> vector<16xi32>
      %reduce_max3A_184 = arith.xori %reduce_max3A_183, %reduce_max3A_181 : vector<16xi32>
      %reduce_max3A_185 = vector.extract %reduce_max3A_184[15] : i32 from vector<16xi32>
      %add3A_186 = arith.constant 1 : i32
      %add3A_187 = arith.addi %reduce_max3A_185, %add3A_186 : i32
      %scan3A_188 = arith.constant 0 : i32
      %scan3A_189 = arith.constant 0 : i32
      %scan3A_190 = arith.constant 8 : i32
      %scan3A_191 = arith.addi %scan3A_189, %scan3A_190 : i32
      %scan3A_192 = arith.constant 1 : i32
      %scan3A_193 = scf.for %scan3A_571 = %scan3A_189 to %scan3A_191 step %scan3A_192 iter_args(%scan3A_572 = %scan3A_188) -> (i32)  : i32 {
        %mul3A_573 = arith.constant 16 : i32
        %mul3A_574 = arith.muli %scan3A_571, %mul3A_573 : i32
        %add3A_575 = arith.addi %add3A_187, %mul3A_574 : i32
        %add3A_576 = vector.broadcast %add3A_575 : i32 to vector<16xi32>
        %add3A_577 = arith.addi %add3A_576, %iota3A : vector<16xi32>
        tpu.vector_store_idx %arg12[%add3A_577], %broadcast_in_dim3A_5 : memref<3456xi32, #tpu.memory_space<vmem>>[vector<16xi32>], vector<16xi32>,
        %mul3A_578 = arith.constant 1237 : i32
        %mul3A_579 = vector.broadcast %mul3A_578 : i32 to vector<16xi32>
        %mul3A_580 = arith.muli %add3A_577, %mul3A_579 : vector<16xi32>
        %mul3A_581 = arith.constant 61 : i32
        %mul3A_582 = arith.muli %add3A, %mul3A_581 : i32
        %add3A_583 = vector.broadcast %mul3A_582 : i32 to vector<16xi32>
        %add3A_584 = arith.addi %mul3A_580, %add3A_583 : vector<16xi32>
        %and3A_585 = arith.constant 65535 : i32
        %and3A_586 = vector.broadcast %and3A_585 : i32 to vector<16xi32>
        %and3A_587 = arith.andi %add3A_584, %and3A_586 : vector<16xi32>
        tpu.vector_store_idx %arg13[%add3A_577], %and3A_587 : memref<3456xi32, #tpu.memory_space<vmem>>[vector<16xi32>], vector<16xi32>,
        %scan3A_588 = arith.constant 0 : i32
        scf.yield %scan3A_588 : i32
      }
      %scan3A_194 = arith.constant 8 : i32
      %add3A_195 = arith.constant 128 : i32
      %add3A_196 = arith.addi %add3A_187, %add3A_195 : i32
      %sub3A_197 = arith.constant 1 : i32
      %sub3A_198 = arith.subi %add3A_196, %sub3A_197 : i32
      %jit3A_199 = arith.constant 128 : i32
      %div3A_200 = arith.divsi %sub3A_198, %jit3A_199 : i32
      %sign3A_201 = arith.constant 0 : i32
      %sign3A_202 = arith.cmpi sgt, %sub3A_198, %sign3A_201 : i32
      %sign3A_203 = arith.extui %sign3A_202 : i1 to i32
      %sign3A_204 = arith.constant 0 : i32
      %sign3A_205 = arith.cmpi slt, %sub3A_198, %sign3A_204 : i32
      %sign3A_206 = arith.extui %sign3A_205 : i1 to i32
      %sign3A_207 = arith.subi %sign3A_203, %sign3A_206 : i32
      %sign3A_208 = arith.constant 0 : i32
      %sign3A_209 = arith.cmpi sgt, %jit3A_199, %sign3A_208 : i32
      %sign3A_210 = arith.extui %sign3A_209 : i1 to i32
      %sign3A_211 = arith.constant 0 : i32
      %sign3A_212 = arith.cmpi slt, %jit3A_199, %sign3A_211 : i32
      %sign3A_213 = arith.extui %sign3A_212 : i1 to i32
      %sign3A_214 = arith.subi %sign3A_210, %sign3A_213 : i32
      %ne3A_215 = arith.cmpi ne, %sign3A_207, %sign3A_214 : i32
      %rem3A_216 = arith.remsi %sub3A_198, %jit3A_199 : i32
      %ne3A_217 = arith.constant 0 : i32
      %ne3A_218 = arith.cmpi ne, %rem3A_216, %ne3A_217 : i32
      %and3A_219 = arith.andi %ne3A_215, %ne3A_218 : i1
      %sub3A_220 = arith.constant 1 : i32
      %sub3A_221 = arith.subi %div3A_200, %sub3A_220 : i32
      %select_n3A_222 = arith.select %and3A_219, %sub3A_221, %div3A_200 : i32
      %min3A_223 = arith.constant 1 : i32
      %min3A_224 = arith.minsi %select_n3A_222, %min3A_223 : i32
      %while3A_225 = arith.constant 0 : i32
      %while3A_226 = arith.constant 0 : i32
      %while3A_227 = arith.subi %min3A_224, %while3A_225 : i32
      %while3A_228 = arith.addi %while3A_225, %while3A_227 : i32
      %while3A_229 = arith.constant 1 : i32
      %while3A_230 = arith.divsi %while3A_227, %while3A_229 : i32
      %while3A_231 = arith.muli %while3A_230, %while3A_229 : i32
      %while3A_232 = arith.addi %while3A_225, %while3A_231 : i32
      %while3A_233 = arith.constant 1 : i32
      %while3A_234 = scf.for %while3A_571 = %while3A_225 to %while3A_232 step %while3A_233 iter_args(%while3A_572 = %while3A_226) -> (i32)  : i32 {
        %mul3A_573 = arith.constant 128 : i32
        %mul3A_574 = arith.muli %while3A_571, %mul3A_573 : i32
        %mul3A_575 = arith.constant 128 : i32
        %mul3A_576 = arith.muli %while3A_571, %mul3A_575 : i32
        %dma_start3A_577 = arith.constant 0 : i32
        %dma_start3A_578 = tpu.memref_slice %arg16[%mul3A_576, %dma_start3A_577] : memref<136x16xf32, #tpu.memory_space<vmem>> -> memref<128x16xf32, #tpu.memory_space<vmem>>
        %dma_start3A_579 = tpu.memref_slice %arg13[%mul3A_574] : memref<3456xi32, #tpu.memory_space<vmem>> -> memref<128xi32, #tpu.memory_space<vmem>>
        %dma_start3A_580 = arith.constant 0 : i32
        %dma_start3A_581 = arith.constant 0 : i32
        %dma_start3A_582 = tpu.memref_slice %arg2[%dma_start3A_580, %dma_start3A_581] : memref<100000x16xf32, #tpu.memory_space<hbm>> -> memref<100000x16xf32, #tpu.memory_space<hbm>>
        tpu.enqueue_indirect_dma source(%dma_start3A_582 : memref<100000x16xf32, #tpu.memory_space<hbm>>) target(%dma_start3A_578 : memref<128x16xf32, #tpu.memory_space<vmem>>) offsets(%dma_start3A_579 : memref<128xi32, #tpu.memory_space<vmem>>) semaphore(%arg20 : memref<!tpu.dma_semaphore, #tpu.memory_space<semaphore_mem>>)
        %while3A_583 = arith.constant 0 : i32
        scf.yield %while3A_583 : i32
      }
      %while3A_235 = arith.constant 1 : i32
      %while3A_236 = scf.for %while3A_571 = %while3A_232 to %while3A_228 step %while3A_235 iter_args(%while3A_572 = %while3A_234) -> (i32)  : i32 {
        %mul3A_573 = arith.constant 128 : i32
        %mul3A_574 = arith.muli %while3A_571, %mul3A_573 : i32
        %mul3A_575 = arith.constant 128 : i32
        %mul3A_576 = arith.muli %while3A_571, %mul3A_575 : i32
        %dma_start3A_577 = arith.constant 0 : i32
        %dma_start3A_578 = tpu.memref_slice %arg16[%mul3A_576, %dma_start3A_577] : memref<136x16xf32, #tpu.memory_space<vmem>> -> memref<128x16xf32, #tpu.memory_space<vmem>>
        %dma_start3A_579 = tpu.memref_slice %arg13[%mul3A_574] : memref<3456xi32, #tpu.memory_space<vmem>> -> memref<128xi32, #tpu.memory_space<vmem>>
        %dma_start3A_580 = arith.constant 0 : i32
        %dma_start3A_581 = arith.constant 0 : i32
        %dma_start3A_582 = tpu.memref_slice %arg2[%dma_start3A_580, %dma_start3A_581] : memref<100000x16xf32, #tpu.memory_space<hbm>> -> memref<100000x16xf32, #tpu.memory_space<hbm>>
        tpu.enqueue_indirect_dma source(%dma_start3A_582 : memref<100000x16xf32, #tpu.memory_space<hbm>>) target(%dma_start3A_578 : memref<128x16xf32, #tpu.memory_space<vmem>>) offsets(%dma_start3A_579 : memref<128xi32, #tpu.memory_space<vmem>>) semaphore(%arg20 : memref<!tpu.dma_semaphore, #tpu.memory_space<semaphore_mem>>)
        %while3A_583 = arith.constant 0 : i32
        scf.yield %while3A_583 : i32
      }
      %lt3A = arith.constant 499 : i32
      %lt3A_237 = arith.cmpi slt, %scan3A_162, %lt3A : i32
      %convert_element_type3A = arith.extui %lt3A_237 : i1 to i32
      %cond3A = arith.constant 0 : i32
      %cond3A_238 = arith.cmpi ne, %convert_element_type3A, %cond3A : i32
      scf.if %cond3A_238 {
        %add3A_571 = arith.constant 2 : i32
        %add3A_572 = arith.addi %mul3A_165, %add3A_571 : i32
        %mul3A_573 = arith.constant 3200 : i32
        %mul3A_574 = arith.muli %add3A_572, %mul3A_573 : i32
        %dma_start3A_575 = tpu.memref_slice %arg3[%mul3A_574] : memref<3200000xi32, #tpu.memory_space<hbm>> -> memref<3200xi32, #tpu.memory_space<hbm>>
        %dma_start3A_576 = tpu.memref_slice %arg3[%mul3A_574] : memref<3200000xi32, #tpu.memory_space<hbm>> -> memref<3200xi32, #tpu.memory_space<hbm>>
        tpu.enqueue_dma source(%dma_start3A_576 : memref<3200xi32, #tpu.memory_space<hbm>>) target(%arg8 : memref<3200xi32, #tpu.memory_space<vmem>>) target_semaphore(%arg18 : memref<!tpu.dma_semaphore, #tpu.memory_space<semaphore_mem>>)
        %dma_start3A_577 = tpu.memref_slice %arg4[%mul3A_574] : memref<3200000xi32, #tpu.memory_space<hbm>> -> memref<3200xi32, #tpu.memory_space<hbm>>
        %dma_start3A_578 = tpu.memref_slice %arg4[%mul3A_574] : memref<3200000xi32, #tpu.memory_space<hbm>> -> memref<3200xi32, #tpu.memory_space<hbm>>
        tpu.enqueue_dma source(%dma_start3A_578 : memref<3200xi32, #tpu.memory_space<hbm>>) target(%arg9 : memref<3200xi32, #tpu.memory_space<vmem>>) target_semaphore(%arg18 : memref<!tpu.dma_semaphore, #tpu.memory_space<semaphore_mem>>)
      } else {
      }
      %add3A_239 = arith.constant 128 : i32
      %add3A_240 = arith.addi %scan3A_163, %add3A_239 : i32
      %sub3A_241 = arith.constant 1 : i32
      %sub3A_242 = arith.subi %add3A_240, %sub3A_241 : i32
      %jit3A_243 = arith.constant 128 : i32
      %div3A_244 = arith.divsi %sub3A_242, %jit3A_243 : i32
      %sign3A_245 = arith.constant 0 : i32
      %sign3A_246 = arith.cmpi sgt, %sub3A_242, %sign3A_245 : i32
      %sign3A_247 = arith.extui %sign3A_246 : i1 to i32
      %sign3A_248 = arith.constant 0 : i32
      %sign3A_249 = arith.cmpi slt, %sub3A_242, %sign3A_248 : i32
      %sign3A_250 = arith.extui %sign3A_249 : i1 to i32
      %sign3A_251 = arith.subi %sign3A_247, %sign3A_250 : i32
      %sign3A_252 = arith.constant 0 : i32
      %sign3A_253 = arith.cmpi sgt, %jit3A_243, %sign3A_252 : i32
      %sign3A_254 = arith.extui %sign3A_253 : i1 to i32
      %sign3A_255 = arith.constant 0 : i32
      %sign3A_256 = arith.cmpi slt, %jit3A_243, %sign3A_255 : i32
      %sign3A_257 = arith.extui %sign3A_256 : i1 to i32
      %sign3A_258 = arith.subi %sign3A_254, %sign3A_257 : i32
      %ne3A_259 = arith.cmpi ne, %sign3A_251, %sign3A_258 : i32
      %rem3A_260 = arith.remsi %sub3A_242, %jit3A_243 : i32
      %ne3A_261 = arith.constant 0 : i32
      %ne3A_262 = arith.cmpi ne, %rem3A_260, %ne3A_261 : i32
      %and3A_263 = arith.andi %ne3A_259, %ne3A_262 : i1
      %sub3A_264 = arith.constant 1 : i32
      %sub3A_265 = arith.subi %div3A_244, %sub3A_264 : i32
      %select_n3A_266 = arith.select %and3A_263, %sub3A_265, %div3A_244 : i32
      %min3A_267 = arith.constant 1 : i32
      %min3A_268 = arith.minsi %select_n3A_266, %min3A_267 : i32
      %while3A_269 = arith.constant 0 : i32
      %while3A_270 = arith.constant 0 : i32
      %while3A_271 = arith.subi %min3A_268, %while3A_269 : i32
      %while3A_272 = arith.addi %while3A_269, %while3A_271 : i32
      %while3A_273 = arith.constant 1 : i32
      %while3A_274 = arith.divsi %while3A_271, %while3A_273 : i32
      %while3A_275 = arith.muli %while3A_274, %while3A_273 : i32
      %while3A_276 = arith.addi %while3A_269, %while3A_275 : i32
      %while3A_277 = arith.constant 1 : i32
      %while3A_278 = scf.for %while3A_571 = %while3A_269 to %while3A_276 step %while3A_277 iter_args(%while3A_572 = %while3A_270) -> (i32)  : i32 {
        %mul3A_573 = arith.constant 128 : i32
        %mul3A_574 = arith.muli %while3A_571, %mul3A_573 : i32
        %mul3A_575 = arith.constant 128 : i32
        %mul3A_576 = arith.muli %while3A_571, %mul3A_575 : i32
        %dma_wait3A_577 = arith.constant 0 : i32
        %dma_wait3A_578 = tpu.memref_slice %arg17[%mul3A_576, %dma_wait3A_577] : memref<136x16xf32, #tpu.memory_space<vmem>> -> memref<128x16xf32, #tpu.memory_space<vmem>>
        %dma_wait3A_579 = tpu.memref_slice %arg15[%mul3A_574] : memref<3456xi32, #tpu.memory_space<vmem>> -> memref<128xi32, #tpu.memory_space<vmem>>
        %dma_wait3A_580 = arith.constant 0 : i32
        %dma_wait3A_581 = arith.constant 0 : i32
        %dma_wait3A_582 = tpu.memref_slice %arg2[%dma_wait3A_580, %dma_wait3A_581] : memref<100000x16xf32, #tpu.memory_space<hbm>> -> memref<100000x16xf32, #tpu.memory_space<hbm>>
        tpu.wait_indirect_dma semaphore(%arg21 : memref<!tpu.dma_semaphore, #tpu.memory_space<semaphore_mem>>) src(%dma_wait3A_582 : memref<100000x16xf32, #tpu.memory_space<hbm>>) dst(%dma_wait3A_578 : memref<128x16xf32, #tpu.memory_space<vmem>>)
        %while3A_583 = arith.constant 0 : i32
        scf.yield %while3A_583 : i32
      }
      %while3A_279 = arith.constant 1 : i32
      %while3A_280 = scf.for %while3A_571 = %while3A_276 to %while3A_272 step %while3A_279 iter_args(%while3A_572 = %while3A_278) -> (i32)  : i32 {
        %mul3A_573 = arith.constant 128 : i32
        %mul3A_574 = arith.muli %while3A_571, %mul3A_573 : i32
        %mul3A_575 = arith.constant 128 : i32
        %mul3A_576 = arith.muli %while3A_571, %mul3A_575 : i32
        %dma_wait3A_577 = arith.constant 0 : i32
        %dma_wait3A_578 = tpu.memref_slice %arg17[%mul3A_576, %dma_wait3A_577] : memref<136x16xf32, #tpu.memory_space<vmem>> -> memref<128x16xf32, #tpu.memory_space<vmem>>
        %dma_wait3A_579 = tpu.memref_slice %arg15[%mul3A_574] : memref<3456xi32, #tpu.memory_space<vmem>> -> memref<128xi32, #tpu.memory_space<vmem>>
        %dma_wait3A_580 = arith.constant 0 : i32
        %dma_wait3A_581 = arith.constant 0 : i32
        %dma_wait3A_582 = tpu.memref_slice %arg2[%dma_wait3A_580, %dma_wait3A_581] : memref<100000x16xf32, #tpu.memory_space<hbm>> -> memref<100000x16xf32, #tpu.memory_space<hbm>>
        tpu.wait_indirect_dma semaphore(%arg21 : memref<!tpu.dma_semaphore, #tpu.memory_space<semaphore_mem>>) src(%dma_wait3A_582 : memref<100000x16xf32, #tpu.memory_space<hbm>>) dst(%dma_wait3A_578 : memref<128x16xf32, #tpu.memory_space<vmem>>)
        %while3A_583 = arith.constant 0 : i32
        scf.yield %while3A_583 : i32
      }
      %sub3A_281 = arith.constant 0 : i32
      %sub3A_282 = arith.subi %scan3A_163, %sub3A_281 : i32
      %mul3A_283 = arith.constant 128 : i32
      %mul3A_284 = arith.muli %min3A_268, %mul3A_283 : i32
      %jit3A_285 = arith.constant 0 : i32
      %max3A_286 = arith.maxsi %jit3A_285, %sub3A_282 : i32
      %min3A_287 = arith.minsi %mul3A_284, %max3A_286 : i32
      %add3A_288 = arith.constant 1 : i32
      %add3A_289 = arith.addi %min3A_287, %add3A_288 : i32
      %jit3A_290 = arith.constant 2 : i32
      %div3A_291 = arith.divsi %add3A_289, %jit3A_290 : i32
      %sign3A_292 = arith.constant 0 : i32
      %sign3A_293 = arith.cmpi sgt, %add3A_289, %sign3A_292 : i32
      %sign3A_294 = arith.extui %sign3A_293 : i1 to i32
      %sign3A_295 = arith.constant 0 : i32
      %sign3A_296 = arith.cmpi slt, %add3A_289, %sign3A_295 : i32
      %sign3A_297 = arith.extui %sign3A_296 : i1 to i32
      %sign3A_298 = arith.subi %sign3A_294, %sign3A_297 : i32
      %sign3A_299 = arith.constant 0 : i32
      %sign3A_300 = arith.cmpi sgt, %jit3A_290, %sign3A_299 : i32
      %sign3A_301 = arith.extui %sign3A_300 : i1 to i32
      %sign3A_302 = arith.constant 0 : i32
      %sign3A_303 = arith.cmpi slt, %jit3A_290, %sign3A_302 : i32
      %sign3A_304 = arith.extui %sign3A_303 : i1 to i32
      %sign3A_305 = arith.subi %sign3A_301, %sign3A_304 : i32
      %ne3A_306 = arith.cmpi ne, %sign3A_298, %sign3A_305 : i32
      %rem3A_307 = arith.remsi %add3A_289, %jit3A_290 : i32
      %ne3A_308 = arith.constant 0 : i32
      %ne3A_309 = arith.cmpi ne, %rem3A_307, %ne3A_308 : i32
      %and3A_310 = arith.andi %ne3A_306, %ne3A_309 : i1
      %sub3A_311 = arith.constant 1 : i32
      %sub3A_312 = arith.subi %div3A_291, %sub3A_311 : i32
      %select_n3A_313 = arith.select %and3A_310, %sub3A_312, %div3A_291 : i32
      %add3A_314 = arith.constant 3 : i32
      %add3A_315 = arith.addi %select_n3A_313, %add3A_314 : i32
      %jit3A_316 = arith.constant 4 : i32
      %div3A_317 = arith.divsi %add3A_315, %jit3A_316 : i32
      %sign3A_318 = arith.constant 0 : i32
      %sign3A_319 = arith.cmpi sgt, %add3A_315, %sign3A_318 : i32
      %sign3A_320 = arith.extui %sign3A_319 : i1 to i32
      %sign3A_321 = arith.constant 0 : i32
      %sign3A_322 = arith.cmpi slt, %add3A_315, %sign3A_321 : i32
      %sign3A_323 = arith.extui %sign3A_322 : i1 to i32
      %sign3A_324 = arith.subi %sign3A_320, %sign3A_323 : i32
      %sign3A_325 = arith.constant 0 : i32
      %sign3A_326 = arith.cmpi sgt, %jit3A_316, %sign3A_325 : i32
      %sign3A_327 = arith.extui %sign3A_326 : i1 to i32
      %sign3A_328 = arith.constant 0 : i32
      %sign3A_329 = arith.cmpi slt, %jit3A_316, %sign3A_328 : i32
      %sign3A_330 = arith.extui %sign3A_329 : i1 to i32
      %sign3A_331 = arith.subi %sign3A_327, %sign3A_330 : i32
      %ne3A_332 = arith.cmpi ne, %sign3A_324, %sign3A_331 : i32
      %rem3A_333 = arith.remsi %add3A_315, %jit3A_316 : i32
      %ne3A_334 = arith.constant 0 : i32
      %ne3A_335 = arith.cmpi ne, %rem3A_333, %ne3A_334 : i32
      %and3A_336 = arith.andi %ne3A_332, %ne3A_335 : i1
      %sub3A_337 = arith.constant 1 : i32
      %sub3A_338 = arith.subi %div3A_317, %sub3A_337 : i32
      %select_n3A_339 = arith.select %and3A_336, %sub3A_338, %div3A_317 : i32
      %while3A_340 = arith.constant 0 : i32
      %while3A_341 = arith.constant 0 : i32
      %while3A_342 = arith.subi %select_n3A_339, %while3A_340 : i32
      %while3A_343 = arith.addi %while3A_340, %while3A_342 : i32
      %while3A_344 = arith.constant 1 : i32
      %while3A_345 = arith.divsi %while3A_342, %while3A_344 : i32
      %while3A_346 = arith.muli %while3A_345, %while3A_344 : i32
      %while3A_347 = arith.addi %while3A_340, %while3A_346 : i32
      %while3A_348 = arith.constant 1 : i32
      %while3A_349 = scf.for %while3A_571 = %while3A_340 to %while3A_347 step %while3A_348 iter_args(%while3A_572 = %while3A_341) -> (i32)  : i32 {
        %mul3A_573 = arith.constant 8 : i32
        %mul3A_574 = arith.muli %mul3A_573, %while3A_571 : i32
        %add3A_575 = arith.constant 0 : i32
        %add3A_576 = arith.addi %add3A_575, %mul3A_574 : i32
        %add3A_577 = arith.constant 0 : i32
        %add3A_578 = arith.addi %add3A_576, %add3A_577 : i32
        %mul3A_579 = arith.constant 8 : i32
        %mul3A_580 = arith.muli %mul3A_579, %while3A_571 : i32
        %add3A_581 = arith.constant 0 : i32
        %add3A_582 = arith.addi %mul3A_580, %add3A_581 : i32
        %broadcast_in_dim3A_583 = vector.broadcast %add3A_578 : i32 to vector<16xi32>
        %gather3A = tpu.vector_load_idx %arg14[%broadcast_in_dim3A_583] : memref<3456xi32, #tpu.memory_space<vmem>>[vector<16xi32>], vector<16xi32>,
        %add3A_584 = arith.constant 1 : i32
        %add3A_585 = arith.addi %add3A_578, %add3A_584 : i32
        %broadcast_in_dim3A_586 = vector.broadcast %add3A_585 : i32 to vector<16xi32>
        %gather3A_587 = tpu.vector_load_idx %arg14[%broadcast_in_dim3A_586] : memref<3456xi32, #tpu.memory_space<vmem>>[vector<16xi32>], vector<16xi32>,
        %get3A = arith.index_cast %add3A_582 : i32 to index
        %get3A_588 = arith.constant 0 : index
        %get3A_589 = tpu.vector_load %arg17[%get3A, %get3A_588] {strides = array<i32>} : memref<136x16xf32, #tpu.memory_space<vmem>>, vector<16xf32>,
        %add3A_590 = arith.constant 1 : i32
        %add3A_591 = arith.addi %add3A_582, %add3A_590 : i32
        %get3A_592 = arith.index_cast %add3A_591 : i32 to index
        %get3A_593 = arith.constant 0 : index
        %get3A_594 = tpu.vector_load %arg17[%get3A_592, %get3A_593] {strides = array<i32>} : memref<136x16xf32, #tpu.memory_space<vmem>>, vector<16xf32>,
        %mul3A_595 = arith.constant 16 : i32
        %mul3A_596 = vector.broadcast %mul3A_595 : i32 to vector<16xi32>
        %mul3A_597 = arith.muli %gather3A, %mul3A_596 : vector<16xi32>
        %add3A_598 = arith.addi %mul3A_597, %iota3A : vector<16xi32>
        %mul3A_599 = arith.constant 16 : i32
        %mul3A_600 = vector.broadcast %mul3A_599 : i32 to vector<16xi32>
        %mul3A_601 = arith.muli %gather3A_587, %mul3A_600 : vector<16xi32>
        %add3A_602 = arith.addi %mul3A_601, %iota3A : vector<16xi32>
        %gather3A_603 = tpu.vector_load_idx %arg6[%add3A_598] : memref<50016xf32, #tpu.memory_space<vmem>>[vector<16xi32>], vector<16xf32>,
        %gather3A_604 = tpu.vector_load_idx %arg7[%add3A_602] : memref<50016xf32, #tpu.memory_space<vmem>>[vector<16xi32>], vector<16xf32>,
        %max3A_605 = arith.maximumf %gather3A_603, %get3A_589 : vector<16xf32>
        tpu.vector_store_idx %arg6[%add3A_598], %max3A_605 : memref<50016xf32, #tpu.memory_space<vmem>>[vector<16xi32>], vector<16xf32>,
        %max3A_606 = arith.maximumf %gather3A_604, %get3A_594 : vector<16xf32>
        tpu.vector_store_idx %arg7[%add3A_602], %max3A_606 : memref<50016xf32, #tpu.memory_space<vmem>>[vector<16xi32>], vector<16xf32>,
        %mul3A_607 = arith.constant 8 : i32
        %mul3A_608 = arith.muli %mul3A_607, %while3A_571 : i32
        %add3A_609 = arith.constant 0 : i32
        %add3A_610 = arith.addi %add3A_609, %mul3A_608 : i32
        %add3A_611 = arith.constant 2 : i32
        %add3A_612 = arith.addi %add3A_610, %add3A_611 : i32
        %mul3A_613 = arith.constant 8 : i32
        %mul3A_614 = arith.muli %mul3A_613, %while3A_571 : i32
        %add3A_615 = arith.constant 2 : i32
        %add3A_616 = arith.addi %mul3A_614, %add3A_615 : i32
        %broadcast_in_dim3A_617 = vector.broadcast %add3A_612 : i32 to vector<16xi32>
        %gather3A_618 = tpu.vector_load_idx %arg14[%broadcast_in_dim3A_617] : memref<3456xi32, #tpu.memory_space<vmem>>[vector<16xi32>], vector<16xi32>,
        %add3A_619 = arith.constant 1 : i32
        %add3A_620 = arith.addi %add3A_612, %add3A_619 : i32
        %broadcast_in_dim3A_621 = vector.broadcast %add3A_620 : i32 to vector<16xi32>
        %gather3A_622 = tpu.vector_load_idx %arg14[%broadcast_in_dim3A_621] : memref<3456xi32, #tpu.memory_space<vmem>>[vector<16xi32>], vector<16xi32>,
        %get3A_623 = arith.index_cast %add3A_616 : i32 to index
        %get3A_624 = arith.constant 0 : index
        %get3A_625 = tpu.vector_load %arg17[%get3A_623, %get3A_624] {strides = array<i32>} : memref<136x16xf32, #tpu.memory_space<vmem>>, vector<16xf32>,
        %add3A_626 = arith.constant 1 : i32
        %add3A_627 = arith.addi %add3A_616, %add3A_626 : i32
        %get3A_628 = arith.index_cast %add3A_627 : i32 to index
        %get3A_629 = arith.constant 0 : index
        %get3A_630 = tpu.vector_load %arg17[%get3A_628, %get3A_629] {strides = array<i32>} : memref<136x16xf32, #tpu.memory_space<vmem>>, vector<16xf32>,
        %mul3A_631 = arith.constant 16 : i32
        %mul3A_632 = vector.broadcast %mul3A_631 : i32 to vector<16xi32>
        %mul3A_633 = arith.muli %gather3A_618, %mul3A_632 : vector<16xi32>
        %add3A_634 = arith.addi %mul3A_633, %iota3A : vector<16xi32>
        %mul3A_635 = arith.constant 16 : i32
        %mul3A_636 = vector.broadcast %mul3A_635 : i32 to vector<16xi32>
        %mul3A_637 = arith.muli %gather3A_622, %mul3A_636 : vector<16xi32>
        %add3A_638 = arith.addi %mul3A_637, %iota3A : vector<16xi32>
        %gather3A_639 = tpu.vector_load_idx %arg6[%add3A_634] : memref<50016xf32, #tpu.memory_space<vmem>>[vector<16xi32>], vector<16xf32>,
        %gather3A_640 = tpu.vector_load_idx %arg7[%add3A_638] : memref<50016xf32, #tpu.memory_space<vmem>>[vector<16xi32>], vector<16xf32>,
        %max3A_641 = arith.maximumf %gather3A_639, %get3A_625 : vector<16xf32>
        tpu.vector_store_idx %arg6[%add3A_634], %max3A_641 : memref<50016xf32, #tpu.memory_space<vmem>>[vector<16xi32>], vector<16xf32>,
        %max3A_642 = arith.maximumf %gather3A_640, %get3A_630 : vector<16xf32>
        tpu.vector_store_idx %arg7[%add3A_638], %max3A_642 : memref<50016xf32, #tpu.memory_space<vmem>>[vector<16xi32>], vector<16xf32>,
        %mul3A_643 = arith.constant 8 : i32
        %mul3A_644 = arith.muli %mul3A_643, %while3A_571 : i32
        %add3A_645 = arith.constant 0 : i32
        %add3A_646 = arith.addi %add3A_645, %mul3A_644 : i32
        %add3A_647 = arith.constant 4 : i32
        %add3A_648 = arith.addi %add3A_646, %add3A_647 : i32
        %mul3A_649 = arith.constant 8 : i32
        %mul3A_650 = arith.muli %mul3A_649, %while3A_571 : i32
        %add3A_651 = arith.constant 4 : i32
        %add3A_652 = arith.addi %mul3A_650, %add3A_651 : i32
        %broadcast_in_dim3A_653 = vector.broadcast %add3A_648 : i32 to vector<16xi32>
        %gather3A_654 = tpu.vector_load_idx %arg14[%broadcast_in_dim3A_653] : memref<3456xi32, #tpu.memory_space<vmem>>[vector<16xi32>], vector<16xi32>,
        %add3A_655 = arith.constant 1 : i32
        %add3A_656 = arith.addi %add3A_648, %add3A_655 : i32
        %broadcast_in_dim3A_657 = vector.broadcast %add3A_656 : i32 to vector<16xi32>
        %gather3A_658 = tpu.vector_load_idx %arg14[%broadcast_in_dim3A_657] : memref<3456xi32, #tpu.memory_space<vmem>>[vector<16xi32>], vector<16xi32>,
        %get3A_659 = arith.index_cast %add3A_652 : i32 to index
        %get3A_660 = arith.constant 0 : index
        %get3A_661 = tpu.vector_load %arg17[%get3A_659, %get3A_660] {strides = array<i32>} : memref<136x16xf32, #tpu.memory_space<vmem>>, vector<16xf32>,
        %add3A_662 = arith.constant 1 : i32
        %add3A_663 = arith.addi %add3A_652, %add3A_662 : i32
        %get3A_664 = arith.index_cast %add3A_663 : i32 to index
        %get3A_665 = arith.constant 0 : index
        %get3A_666 = tpu.vector_load %arg17[%get3A_664, %get3A_665] {strides = array<i32>} : memref<136x16xf32, #tpu.memory_space<vmem>>, vector<16xf32>,
        %mul3A_667 = arith.constant 16 : i32
        %mul3A_668 = vector.broadcast %mul3A_667 : i32 to vector<16xi32>
        %mul3A_669 = arith.muli %gather3A_654, %mul3A_668 : vector<16xi32>
        %add3A_670 = arith.addi %mul3A_669, %iota3A : vector<16xi32>
        %mul3A_671 = arith.constant 16 : i32
        %mul3A_672 = vector.broadcast %mul3A_671 : i32 to vector<16xi32>
        %mul3A_673 = arith.muli %gather3A_658, %mul3A_672 : vector<16xi32>
        %add3A_674 = arith.addi %mul3A_673, %iota3A : vector<16xi32>
        %gather3A_675 = tpu.vector_load_idx %arg6[%add3A_670] : memref<50016xf32, #tpu.memory_space<vmem>>[vector<16xi32>], vector<16xf32>,
        %gather3A_676 = tpu.vector_load_idx %arg7[%add3A_674] : memref<50016xf32, #tpu.memory_space<vmem>>[vector<16xi32>], vector<16xf32>,
        %max3A_677 = arith.maximumf %gather3A_675, %get3A_661 : vector<16xf32>
        tpu.vector_store_idx %arg6[%add3A_670], %max3A_677 : memref<50016xf32, #tpu.memory_space<vmem>>[vector<16xi32>], vector<16xf32>,
        %max3A_678 = arith.maximumf %gather3A_676, %get3A_666 : vector<16xf32>
        tpu.vector_store_idx %arg7[%add3A_674], %max3A_678 : memref<50016xf32, #tpu.memory_space<vmem>>[vector<16xi32>], vector<16xf32>,
        %mul3A_679 = arith.constant 8 : i32
        %mul3A_680 = arith.muli %mul3A_679, %while3A_571 : i32
        %add3A_681 = arith.constant 0 : i32
        %add3A_682 = arith.addi %add3A_681, %mul3A_680 : i32
        %add3A_683 = arith.constant 6 : i32
        %add3A_684 = arith.addi %add3A_682, %add3A_683 : i32
        %mul3A_685 = arith.constant 8 : i32
        %mul3A_686 = arith.muli %mul3A_685, %while3A_571 : i32
        %add3A_687 = arith.constant 6 : i32
        %add3A_688 = arith.addi %mul3A_686, %add3A_687 : i32
        %broadcast_in_dim3A_689 = vector.broadcast %add3A_684 : i32 to vector<16xi32>
        %gather3A_690 = tpu.vector_load_idx %arg14[%broadcast_in_dim3A_689] : memref<3456xi32, #tpu.memory_space<vmem>>[vector<16xi32>], vector<16xi32>,
        %add3A_691 = arith.constant 1 : i32
        %add3A_692 = arith.addi %add3A_684, %add3A_691 : i32
        %broadcast_in_dim3A_693 = vector.broadcast %add3A_692 : i32 to vector<16xi32>
        %gather3A_694 = tpu.vector_load_idx %arg14[%broadcast_in_dim3A_693] : memref<3456xi32, #tpu.memory_space<vmem>>[vector<16xi32>], vector<16xi32>,
        %get3A_695 = arith.index_cast %add3A_688 : i32 to index
        %get3A_696 = arith.constant 0 : index
        %get3A_697 = tpu.vector_load %arg17[%get3A_695, %get3A_696] {strides = array<i32>} : memref<136x16xf32, #tpu.memory_space<vmem>>, vector<16xf32>,
        %add3A_698 = arith.constant 1 : i32
        %add3A_699 = arith.addi %add3A_688, %add3A_698 : i32
        %get3A_700 = arith.index_cast %add3A_699 : i32 to index
        %get3A_701 = arith.constant 0 : index
        %get3A_702 = tpu.vector_load %arg17[%get3A_700, %get3A_701] {strides = array<i32>} : memref<136x16xf32, #tpu.memory_space<vmem>>, vector<16xf32>,
        %mul3A_703 = arith.constant 16 : i32
        %mul3A_704 = vector.broadcast %mul3A_703 : i32 to vector<16xi32>
        %mul3A_705 = arith.muli %gather3A_690, %mul3A_704 : vector<16xi32>
        %add3A_706 = arith.addi %mul3A_705, %iota3A : vector<16xi32>
        %mul3A_707 = arith.constant 16 : i32
        %mul3A_708 = vector.broadcast %mul3A_707 : i32 to vector<16xi32>
        %mul3A_709 = arith.muli %gather3A_694, %mul3A_708 : vector<16xi32>
        %add3A_710 = arith.addi %mul3A_709, %iota3A : vector<16xi32>
        %gather3A_711 = tpu.vector_load_idx %arg6[%add3A_706] : memref<50016xf32, #tpu.memory_space<vmem>>[vector<16xi32>], vector<16xf32>,
        %gather3A_712 = tpu.vector_load_idx %arg7[%add3A_710] : memref<50016xf32, #tpu.memory_space<vmem>>[vector<16xi32>], vector<16xf32>,
        %max3A_713 = arith.maximumf %gather3A_711, %get3A_697 : vector<16xf32>
        tpu.vector_store_idx %arg6[%add3A_706], %max3A_713 : memref<50016xf32, #tpu.memory_space<vmem>>[vector<16xi32>], vector<16xf32>,
        %max3A_714 = arith.maximumf %gather3A_712, %get3A_702 : vector<16xf32>
        tpu.vector_store_idx %arg7[%add3A_710], %max3A_714 : memref<50016xf32, #tpu.memory_space<vmem>>[vector<16xi32>], vector<16xf32>,
        %while3A_715 = arith.constant 0 : i32
        scf.yield %while3A_715 : i32
      }
      %while3A_350 = arith.constant 1 : i32
      %while3A_351 = scf.for %while3A_571 = %while3A_347 to %while3A_343 step %while3A_350 iter_args(%while3A_572 = %while3A_349) -> (i32)  : i32 {
        %mul3A_573 = arith.constant 8 : i32
        %mul3A_574 = arith.muli %mul3A_573, %while3A_571 : i32
        %add3A_575 = arith.constant 0 : i32
        %add3A_576 = arith.addi %add3A_575, %mul3A_574 : i32
        %add3A_577 = arith.constant 0 : i32
        %add3A_578 = arith.addi %add3A_576, %add3A_577 : i32
        %mul3A_579 = arith.constant 8 : i32
        %mul3A_580 = arith.muli %mul3A_579, %while3A_571 : i32
        %add3A_581 = arith.constant 0 : i32
        %add3A_582 = arith.addi %mul3A_580, %add3A_581 : i32
        %broadcast_in_dim3A_583 = vector.broadcast %add3A_578 : i32 to vector<16xi32>
        %gather3A = tpu.vector_load_idx %arg14[%broadcast_in_dim3A_583] : memref<3456xi32, #tpu.memory_space<vmem>>[vector<16xi32>], vector<16xi32>,
        %add3A_584 = arith.constant 1 : i32
        %add3A_585 = arith.addi %add3A_578, %add3A_584 : i32
        %broadcast_in_dim3A_586 = vector.broadcast %add3A_585 : i32 to vector<16xi32>
        %gather3A_587 = tpu.vector_load_idx %arg14[%broadcast_in_dim3A_586] : memref<3456xi32, #tpu.memory_space<vmem>>[vector<16xi32>], vector<16xi32>,
        %get3A = arith.index_cast %add3A_582 : i32 to index
        %get3A_588 = arith.constant 0 : index
        %get3A_589 = tpu.vector_load %arg17[%get3A, %get3A_588] {strides = array<i32>} : memref<136x16xf32, #tpu.memory_space<vmem>>, vector<16xf32>,
        %add3A_590 = arith.constant 1 : i32
        %add3A_591 = arith.addi %add3A_582, %add3A_590 : i32
        %get3A_592 = arith.index_cast %add3A_591 : i32 to index
        %get3A_593 = arith.constant 0 : index
        %get3A_594 = tpu.vector_load %arg17[%get3A_592, %get3A_593] {strides = array<i32>} : memref<136x16xf32, #tpu.memory_space<vmem>>, vector<16xf32>,
        %mul3A_595 = arith.constant 16 : i32
        %mul3A_596 = vector.broadcast %mul3A_595 : i32 to vector<16xi32>
        %mul3A_597 = arith.muli %gather3A, %mul3A_596 : vector<16xi32>
        %add3A_598 = arith.addi %mul3A_597, %iota3A : vector<16xi32>
        %mul3A_599 = arith.constant 16 : i32
        %mul3A_600 = vector.broadcast %mul3A_599 : i32 to vector<16xi32>
        %mul3A_601 = arith.muli %gather3A_587, %mul3A_600 : vector<16xi32>
        %add3A_602 = arith.addi %mul3A_601, %iota3A : vector<16xi32>
        %gather3A_603 = tpu.vector_load_idx %arg6[%add3A_598] : memref<50016xf32, #tpu.memory_space<vmem>>[vector<16xi32>], vector<16xf32>,
        %gather3A_604 = tpu.vector_load_idx %arg7[%add3A_602] : memref<50016xf32, #tpu.memory_space<vmem>>[vector<16xi32>], vector<16xf32>,
        %max3A_605 = arith.maximumf %gather3A_603, %get3A_589 : vector<16xf32>
        tpu.vector_store_idx %arg6[%add3A_598], %max3A_605 : memref<50016xf32, #tpu.memory_space<vmem>>[vector<16xi32>], vector<16xf32>,
        %max3A_606 = arith.maximumf %gather3A_604, %get3A_594 : vector<16xf32>
        tpu.vector_store_idx %arg7[%add3A_602], %max3A_606 : memref<50016xf32, #tpu.memory_space<vmem>>[vector<16xi32>], vector<16xf32>,
        %mul3A_607 = arith.constant 8 : i32
        %mul3A_608 = arith.muli %mul3A_607, %while3A_571 : i32
        %add3A_609 = arith.constant 0 : i32
        %add3A_610 = arith.addi %add3A_609, %mul3A_608 : i32
        %add3A_611 = arith.constant 2 : i32
        %add3A_612 = arith.addi %add3A_610, %add3A_611 : i32
        %mul3A_613 = arith.constant 8 : i32
        %mul3A_614 = arith.muli %mul3A_613, %while3A_571 : i32
        %add3A_615 = arith.constant 2 : i32
        %add3A_616 = arith.addi %mul3A_614, %add3A_615 : i32
        %broadcast_in_dim3A_617 = vector.broadcast %add3A_612 : i32 to vector<16xi32>
        %gather3A_618 = tpu.vector_load_idx %arg14[%broadcast_in_dim3A_617] : memref<3456xi32, #tpu.memory_space<vmem>>[vector<16xi32>], vector<16xi32>,
        %add3A_619 = arith.constant 1 : i32
        %add3A_620 = arith.addi %add3A_612, %add3A_619 : i32
        %broadcast_in_dim3A_621 = vector.broadcast %add3A_620 : i32 to vector<16xi32>
        %gather3A_622 = tpu.vector_load_idx %arg14[%broadcast_in_dim3A_621] : memref<3456xi32, #tpu.memory_space<vmem>>[vector<16xi32>], vector<16xi32>,
        %get3A_623 = arith.index_cast %add3A_616 : i32 to index
        %get3A_624 = arith.constant 0 : index
        %get3A_625 = tpu.vector_load %arg17[%get3A_623, %get3A_624] {strides = array<i32>} : memref<136x16xf32, #tpu.memory_space<vmem>>, vector<16xf32>,
        %add3A_626 = arith.constant 1 : i32
        %add3A_627 = arith.addi %add3A_616, %add3A_626 : i32
        %get3A_628 = arith.index_cast %add3A_627 : i32 to index
        %get3A_629 = arith.constant 0 : index
        %get3A_630 = tpu.vector_load %arg17[%get3A_628, %get3A_629] {strides = array<i32>} : memref<136x16xf32, #tpu.memory_space<vmem>>, vector<16xf32>,
        %mul3A_631 = arith.constant 16 : i32
        %mul3A_632 = vector.broadcast %mul3A_631 : i32 to vector<16xi32>
        %mul3A_633 = arith.muli %gather3A_618, %mul3A_632 : vector<16xi32>
        %add3A_634 = arith.addi %mul3A_633, %iota3A : vector<16xi32>
        %mul3A_635 = arith.constant 16 : i32
        %mul3A_636 = vector.broadcast %mul3A_635 : i32 to vector<16xi32>
        %mul3A_637 = arith.muli %gather3A_622, %mul3A_636 : vector<16xi32>
        %add3A_638 = arith.addi %mul3A_637, %iota3A : vector<16xi32>
        %gather3A_639 = tpu.vector_load_idx %arg6[%add3A_634] : memref<50016xf32, #tpu.memory_space<vmem>>[vector<16xi32>], vector<16xf32>,
        %gather3A_640 = tpu.vector_load_idx %arg7[%add3A_638] : memref<50016xf32, #tpu.memory_space<vmem>>[vector<16xi32>], vector<16xf32>,
        %max3A_641 = arith.maximumf %gather3A_639, %get3A_625 : vector<16xf32>
        tpu.vector_store_idx %arg6[%add3A_634], %max3A_641 : memref<50016xf32, #tpu.memory_space<vmem>>[vector<16xi32>], vector<16xf32>,
        %max3A_642 = arith.maximumf %gather3A_640, %get3A_630 : vector<16xf32>
        tpu.vector_store_idx %arg7[%add3A_638], %max3A_642 : memref<50016xf32, #tpu.memory_space<vmem>>[vector<16xi32>], vector<16xf32>,
        %mul3A_643 = arith.constant 8 : i32
        %mul3A_644 = arith.muli %mul3A_643, %while3A_571 : i32
        %add3A_645 = arith.constant 0 : i32
        %add3A_646 = arith.addi %add3A_645, %mul3A_644 : i32
        %add3A_647 = arith.constant 4 : i32
        %add3A_648 = arith.addi %add3A_646, %add3A_647 : i32
        %mul3A_649 = arith.constant 8 : i32
        %mul3A_650 = arith.muli %mul3A_649, %while3A_571 : i32
        %add3A_651 = arith.constant 4 : i32
        %add3A_652 = arith.addi %mul3A_650, %add3A_651 : i32
        %broadcast_in_dim3A_653 = vector.broadcast %add3A_648 : i32 to vector<16xi32>
        %gather3A_654 = tpu.vector_load_idx %arg14[%broadcast_in_dim3A_653] : memref<3456xi32, #tpu.memory_space<vmem>>[vector<16xi32>], vector<16xi32>,
        %add3A_655 = arith.constant 1 : i32
        %add3A_656 = arith.addi %add3A_648, %add3A_655 : i32
        %broadcast_in_dim3A_657 = vector.broadcast %add3A_656 : i32 to vector<16xi32>
        %gather3A_658 = tpu.vector_load_idx %arg14[%broadcast_in_dim3A_657] : memref<3456xi32, #tpu.memory_space<vmem>>[vector<16xi32>], vector<16xi32>,
        %get3A_659 = arith.index_cast %add3A_652 : i32 to index
        %get3A_660 = arith.constant 0 : index
        %get3A_661 = tpu.vector_load %arg17[%get3A_659, %get3A_660] {strides = array<i32>} : memref<136x16xf32, #tpu.memory_space<vmem>>, vector<16xf32>,
        %add3A_662 = arith.constant 1 : i32
        %add3A_663 = arith.addi %add3A_652, %add3A_662 : i32
        %get3A_664 = arith.index_cast %add3A_663 : i32 to index
        %get3A_665 = arith.constant 0 : index
        %get3A_666 = tpu.vector_load %arg17[%get3A_664, %get3A_665] {strides = array<i32>} : memref<136x16xf32, #tpu.memory_space<vmem>>, vector<16xf32>,
        %mul3A_667 = arith.constant 16 : i32
        %mul3A_668 = vector.broadcast %mul3A_667 : i32 to vector<16xi32>
        %mul3A_669 = arith.muli %gather3A_654, %mul3A_668 : vector<16xi32>
        %add3A_670 = arith.addi %mul3A_669, %iota3A : vector<16xi32>
        %mul3A_671 = arith.constant 16 : i32
        %mul3A_672 = vector.broadcast %mul3A_671 : i32 to vector<16xi32>
        %mul3A_673 = arith.muli %gather3A_658, %mul3A_672 : vector<16xi32>
        %add3A_674 = arith.addi %mul3A_673, %iota3A : vector<16xi32>
        %gather3A_675 = tpu.vector_load_idx %arg6[%add3A_670] : memref<50016xf32, #tpu.memory_space<vmem>>[vector<16xi32>], vector<16xf32>,
        %gather3A_676 = tpu.vector_load_idx %arg7[%add3A_674] : memref<50016xf32, #tpu.memory_space<vmem>>[vector<16xi32>], vector<16xf32>,
        %max3A_677 = arith.maximumf %gather3A_675, %get3A_661 : vector<16xf32>
        tpu.vector_store_idx %arg6[%add3A_670], %max3A_677 : memref<50016xf32, #tpu.memory_space<vmem>>[vector<16xi32>], vector<16xf32>,
        %max3A_678 = arith.maximumf %gather3A_676, %get3A_666 : vector<16xf32>
        tpu.vector_store_idx %arg7[%add3A_674], %max3A_678 : memref<50016xf32, #tpu.memory_space<vmem>>[vector<16xi32>], vector<16xf32>,
        %mul3A_679 = arith.constant 8 : i32
        %mul3A_680 = arith.muli %mul3A_679, %while3A_571 : i32
        %add3A_681 = arith.constant 0 : i32
        %add3A_682 = arith.addi %add3A_681, %mul3A_680 : i32
        %add3A_683 = arith.constant 6 : i32
        %add3A_684 = arith.addi %add3A_682, %add3A_683 : i32
        %mul3A_685 = arith.constant 8 : i32
        %mul3A_686 = arith.muli %mul3A_685, %while3A_571 : i32
        %add3A_687 = arith.constant 6 : i32
        %add3A_688 = arith.addi %mul3A_686, %add3A_687 : i32
        %broadcast_in_dim3A_689 = vector.broadcast %add3A_684 : i32 to vector<16xi32>
        %gather3A_690 = tpu.vector_load_idx %arg14[%broadcast_in_dim3A_689] : memref<3456xi32, #tpu.memory_space<vmem>>[vector<16xi32>], vector<16xi32>,
        %add3A_691 = arith.constant 1 : i32
        %add3A_692 = arith.addi %add3A_684, %add3A_691 : i32
        %broadcast_in_dim3A_693 = vector.broadcast %add3A_692 : i32 to vector<16xi32>
        %gather3A_694 = tpu.vector_load_idx %arg14[%broadcast_in_dim3A_693] : memref<3456xi32, #tpu.memory_space<vmem>>[vector<16xi32>], vector<16xi32>,
        %get3A_695 = arith.index_cast %add3A_688 : i32 to index
        %get3A_696 = arith.constant 0 : index
        %get3A_697 = tpu.vector_load %arg17[%get3A_695, %get3A_696] {strides = array<i32>} : memref<136x16xf32, #tpu.memory_space<vmem>>, vector<16xf32>,
        %add3A_698 = arith.constant 1 : i32
        %add3A_699 = arith.addi %add3A_688, %add3A_698 : i32
        %get3A_700 = arith.index_cast %add3A_699 : i32 to index
        %get3A_701 = arith.constant 0 : index
        %get3A_702 = tpu.vector_load %arg17[%get3A_700, %get3A_701] {strides = array<i32>} : memref<136x16xf32, #tpu.memory_space<vmem>>, vector<16xf32>,
        %mul3A_703 = arith.constant 16 : i32
        %mul3A_704 = vector.broadcast %mul3A_703 : i32 to vector<16xi32>
        %mul3A_705 = arith.muli %gather3A_690, %mul3A_704 : vector<16xi32>
        %add3A_706 = arith.addi %mul3A_705, %iota3A : vector<16xi32>
        %mul3A_707 = arith.constant 16 : i32
        %mul3A_708 = vector.broadcast %mul3A_707 : i32 to vector<16xi32>
        %mul3A_709 = arith.muli %gather3A_694, %mul3A_708 : vector<16xi32>
        %add3A_710 = arith.addi %mul3A_709, %iota3A : vector<16xi32>
        %gather3A_711 = tpu.vector_load_idx %arg6[%add3A_706] : memref<50016xf32, #tpu.memory_space<vmem>>[vector<16xi32>], vector<16xf32>,
        %gather3A_712 = tpu.vector_load_idx %arg7[%add3A_710] : memref<50016xf32, #tpu.memory_space<vmem>>[vector<16xi32>], vector<16xf32>,
        %max3A_713 = arith.maximumf %gather3A_711, %get3A_697 : vector<16xf32>
        tpu.vector_store_idx %arg6[%add3A_706], %max3A_713 : memref<50016xf32, #tpu.memory_space<vmem>>[vector<16xi32>], vector<16xf32>,
        %max3A_714 = arith.maximumf %gather3A_712, %get3A_702 : vector<16xf32>
        tpu.vector_store_idx %arg7[%add3A_710], %max3A_714 : memref<50016xf32, #tpu.memory_space<vmem>>[vector<16xi32>], vector<16xf32>,
        %while3A_715 = arith.constant 0 : i32
        scf.yield %while3A_715 : i32
      }
      %while3A_352 = arith.constant 1 : i32
      %while3A_353 = arith.constant 0 : i32
      %while3A_354 = arith.subi %select_n3A_266, %while3A_352 : i32
      %while3A_355 = arith.addi %while3A_352, %while3A_354 : i32
      %while3A_356 = arith.constant 1 : i32
      %while3A_357 = arith.divsi %while3A_354, %while3A_356 : i32
      %while3A_358 = arith.muli %while3A_357, %while3A_356 : i32
      %while3A_359 = arith.addi %while3A_352, %while3A_358 : i32
      %while3A_360 = arith.constant 1 : i32
      %while3A_361 = scf.for %while3A_571 = %while3A_352 to %while3A_359 step %while3A_360 iter_args(%while3A_572 = %while3A_353) -> (i32)  : i32 {
        %mul3A_573 = arith.constant 128 : i32
        %mul3A_574 = arith.muli %while3A_571, %mul3A_573 : i32
        %dma_start3A_575 = arith.constant 0 : i32
        %dma_start3A_576 = arith.constant 0 : i32
        %dma_start3A_577 = tpu.memref_slice %arg17[%dma_start3A_575, %dma_start3A_576] : memref<136x16xf32, #tpu.memory_space<vmem>> -> memref<128x16xf32, #tpu.memory_space<vmem>>
        %dma_start3A_578 = tpu.memref_slice %arg15[%mul3A_574] : memref<3456xi32, #tpu.memory_space<vmem>> -> memref<128xi32, #tpu.memory_space<vmem>>
        %dma_start3A_579 = arith.constant 0 : i32
        %dma_start3A_580 = arith.constant 0 : i32
        %dma_start3A_581 = tpu.memref_slice %arg2[%dma_start3A_579, %dma_start3A_580] : memref<100000x16xf32, #tpu.memory_space<hbm>> -> memref<100000x16xf32, #tpu.memory_space<hbm>>
        tpu.enqueue_indirect_dma source(%dma_start3A_581 : memref<100000x16xf32, #tpu.memory_space<hbm>>) target(%dma_start3A_577 : memref<128x16xf32, #tpu.memory_space<vmem>>) offsets(%dma_start3A_578 : memref<128xi32, #tpu.memory_space<vmem>>) semaphore(%arg21 : memref<!tpu.dma_semaphore, #tpu.memory_space<semaphore_mem>>)
        %dma_wait3A_582 = arith.constant 0 : i32
        %dma_wait3A_583 = arith.constant 0 : i32
        %dma_wait3A_584 = tpu.memref_slice %arg17[%dma_wait3A_582, %dma_wait3A_583] : memref<136x16xf32, #tpu.memory_space<vmem>> -> memref<128x16xf32, #tpu.memory_space<vmem>>
        %dma_wait3A_585 = tpu.memref_slice %arg15[%mul3A_574] : memref<3456xi32, #tpu.memory_space<vmem>> -> memref<128xi32, #tpu.memory_space<vmem>>
        %dma_wait3A_586 = arith.constant 0 : i32
        %dma_wait3A_587 = arith.constant 0 : i32
        %dma_wait3A_588 = tpu.memref_slice %arg2[%dma_wait3A_586, %dma_wait3A_587] : memref<100000x16xf32, #tpu.memory_space<hbm>> -> memref<100000x16xf32, #tpu.memory_space<hbm>>
        tpu.wait_indirect_dma semaphore(%arg21 : memref<!tpu.dma_semaphore, #tpu.memory_space<semaphore_mem>>) src(%dma_wait3A_588 : memref<100000x16xf32, #tpu.memory_space<hbm>>) dst(%dma_wait3A_584 : memref<128x16xf32, #tpu.memory_space<vmem>>)
        %mul3A_589 = arith.constant 128 : i32
        %mul3A_590 = arith.muli %while3A_571, %mul3A_589 : i32
        %sub3A_591 = arith.subi %scan3A_163, %mul3A_590 : i32
        %jit3A_592 = arith.constant 0 : i32
        %jit3A_593 = arith.constant 128 : i32
        %max3A_594 = arith.maxsi %jit3A_592, %sub3A_591 : i32
        %min3A_595 = arith.minsi %jit3A_593, %max3A_594 : i32
        %add3A_596 = arith.constant 1 : i32
        %add3A_597 = arith.addi %min3A_595, %add3A_596 : i32
        %jit3A_598 = arith.constant 2 : i32
        %div3A_599 = arith.divsi %add3A_597, %jit3A_598 : i32
        %sign3A_600 = arith.constant 0 : i32
        %sign3A_601 = arith.cmpi sgt, %add3A_597, %sign3A_600 : i32
        %sign3A_602 = arith.extui %sign3A_601 : i1 to i32
        %sign3A_603 = arith.constant 0 : i32
        %sign3A_604 = arith.cmpi slt, %add3A_597, %sign3A_603 : i32
        %sign3A_605 = arith.extui %sign3A_604 : i1 to i32
        %sign3A_606 = arith.subi %sign3A_602, %sign3A_605 : i32
        %sign3A_607 = arith.constant 0 : i32
        %sign3A_608 = arith.cmpi sgt, %jit3A_598, %sign3A_607 : i32
        %sign3A_609 = arith.extui %sign3A_608 : i1 to i32
        %sign3A_610 = arith.constant 0 : i32
        %sign3A_611 = arith.cmpi slt, %jit3A_598, %sign3A_610 : i32
        %sign3A_612 = arith.extui %sign3A_611 : i1 to i32
        %sign3A_613 = arith.subi %sign3A_609, %sign3A_612 : i32
        %ne3A_614 = arith.cmpi ne, %sign3A_606, %sign3A_613 : i32
        %rem3A_615 = arith.remsi %add3A_597, %jit3A_598 : i32
        %ne3A_616 = arith.constant 0 : i32
        %ne3A_617 = arith.cmpi ne, %rem3A_615, %ne3A_616 : i32
        %and3A_618 = arith.andi %ne3A_614, %ne3A_617 : i1
        %sub3A_619 = arith.constant 1 : i32
        %sub3A_620 = arith.subi %div3A_599, %sub3A_619 : i32
        %select_n3A_621 = arith.select %and3A_618, %sub3A_620, %div3A_599 : i32
        %while3A_622 = arith.constant 0 : i32
        %while3A_623 = arith.constant 0 : i32
        %while3A_624 = arith.subi %select_n3A_621, %while3A_622 : i32
        %while3A_625 = arith.addi %while3A_622, %while3A_624 : i32
        %while3A_626 = arith.constant 1 : i32
        %while3A_627 = arith.divsi %while3A_624, %while3A_626 : i32
        %while3A_628 = arith.muli %while3A_627, %while3A_626 : i32
        %while3A_629 = arith.addi %while3A_622, %while3A_628 : i32
        %while3A_630 = arith.constant 1 : i32
        %while3A_631 = scf.for %while3A_635 = %while3A_622 to %while3A_629 step %while3A_630 iter_args(%while3A_636 = %while3A_623) -> (i32)  : i32 {
          %mul3A_637 = arith.constant 128 : i32
          %mul3A_638 = arith.muli %while3A_571, %mul3A_637 : i32
          %mul3A_639 = arith.constant 2 : i32
          %mul3A_640 = arith.muli %mul3A_639, %while3A_635 : i32
          %add3A_641 = arith.addi %mul3A_638, %mul3A_640 : i32
          %broadcast_in_dim3A_642 = vector.broadcast %add3A_641 : i32 to vector<16xi32>
          %gather3A = tpu.vector_load_idx %arg14[%broadcast_in_dim3A_642] : memref<3456xi32, #tpu.memory_space<vmem>>[vector<16xi32>], vector<16xi32>,
          %add3A_643 = arith.constant 1 : i32
          %add3A_644 = arith.addi %add3A_641, %add3A_643 : i32
          %broadcast_in_dim3A_645 = vector.broadcast %add3A_644 : i32 to vector<16xi32>
          %gather3A_646 = tpu.vector_load_idx %arg14[%broadcast_in_dim3A_645] : memref<3456xi32, #tpu.memory_space<vmem>>[vector<16xi32>], vector<16xi32>,
          %mul3A_647 = arith.constant 2 : i32
          %mul3A_648 = arith.muli %mul3A_647, %while3A_635 : i32
          %get3A = arith.index_cast %mul3A_648 : i32 to index
          %get3A_649 = arith.constant 0 : index
          %get3A_650 = tpu.vector_load %arg17[%get3A, %get3A_649] {strides = array<i32>} : memref<136x16xf32, #tpu.memory_space<vmem>>, vector<16xf32>,
          %mul3A_651 = arith.constant 2 : i32
          %mul3A_652 = arith.muli %mul3A_651, %while3A_635 : i32
          %add3A_653 = arith.constant 1 : i32
          %add3A_654 = arith.addi %mul3A_652, %add3A_653 : i32
          %get3A_655 = arith.index_cast %add3A_654 : i32 to index
          %get3A_656 = arith.constant 0 : index
          %get3A_657 = tpu.vector_load %arg17[%get3A_655, %get3A_656] {strides = array<i32>} : memref<136x16xf32, #tpu.memory_space<vmem>>, vector<16xf32>,
          %mul3A_658 = arith.constant 16 : i32
          %mul3A_659 = vector.broadcast %mul3A_658 : i32 to vector<16xi32>
          %mul3A_660 = arith.muli %gather3A, %mul3A_659 : vector<16xi32>
          %add3A_661 = arith.addi %mul3A_660, %iota3A : vector<16xi32>
          %mul3A_662 = arith.constant 16 : i32
          %mul3A_663 = vector.broadcast %mul3A_662 : i32 to vector<16xi32>
          %mul3A_664 = arith.muli %gather3A_646, %mul3A_663 : vector<16xi32>
          %add3A_665 = arith.addi %mul3A_664, %iota3A : vector<16xi32>
          %gather3A_666 = tpu.vector_load_idx %arg6[%add3A_661] : memref<50016xf32, #tpu.memory_space<vmem>>[vector<16xi32>], vector<16xf32>,
          %gather3A_667 = tpu.vector_load_idx %arg7[%add3A_665] : memref<50016xf32, #tpu.memory_space<vmem>>[vector<16xi32>], vector<16xf32>,
          %max3A_668 = arith.maximumf %gather3A_666, %get3A_650 : vector<16xf32>
          tpu.vector_store_idx %arg6[%add3A_661], %max3A_668 : memref<50016xf32, #tpu.memory_space<vmem>>[vector<16xi32>], vector<16xf32>,
          %max3A_669 = arith.maximumf %gather3A_667, %get3A_657 : vector<16xf32>
          tpu.vector_store_idx %arg7[%add3A_665], %max3A_669 : memref<50016xf32, #tpu.memory_space<vmem>>[vector<16xi32>], vector<16xf32>,
          %while3A_670 = arith.constant 0 : i32
          scf.yield %while3A_670 : i32
        }
        %while3A_632 = arith.constant 1 : i32
        %while3A_633 = scf.for %while3A_635 = %while3A_629 to %while3A_625 step %while3A_632 iter_args(%while3A_636 = %while3A_631) -> (i32)  : i32 {
          %mul3A_637 = arith.constant 128 : i32
          %mul3A_638 = arith.muli %while3A_571, %mul3A_637 : i32
          %mul3A_639 = arith.constant 2 : i32
          %mul3A_640 = arith.muli %mul3A_639, %while3A_635 : i32
          %add3A_641 = arith.addi %mul3A_638, %mul3A_640 : i32
          %broadcast_in_dim3A_642 = vector.broadcast %add3A_641 : i32 to vector<16xi32>
          %gather3A = tpu.vector_load_idx %arg14[%broadcast_in_dim3A_642] : memref<3456xi32, #tpu.memory_space<vmem>>[vector<16xi32>], vector<16xi32>,
          %add3A_643 = arith.constant 1 : i32
          %add3A_644 = arith.addi %add3A_641, %add3A_643 : i32
          %broadcast_in_dim3A_645 = vector.broadcast %add3A_644 : i32 to vector<16xi32>
          %gather3A_646 = tpu.vector_load_idx %arg14[%broadcast_in_dim3A_645] : memref<3456xi32, #tpu.memory_space<vmem>>[vector<16xi32>], vector<16xi32>,
          %mul3A_647 = arith.constant 2 : i32
          %mul3A_648 = arith.muli %mul3A_647, %while3A_635 : i32
          %get3A = arith.index_cast %mul3A_648 : i32 to index
          %get3A_649 = arith.constant 0 : index
          %get3A_650 = tpu.vector_load %arg17[%get3A, %get3A_649] {strides = array<i32>} : memref<136x16xf32, #tpu.memory_space<vmem>>, vector<16xf32>,
          %mul3A_651 = arith.constant 2 : i32
          %mul3A_652 = arith.muli %mul3A_651, %while3A_635 : i32
          %add3A_653 = arith.constant 1 : i32
          %add3A_654 = arith.addi %mul3A_652, %add3A_653 : i32
          %get3A_655 = arith.index_cast %add3A_654 : i32 to index
          %get3A_656 = arith.constant 0 : index
          %get3A_657 = tpu.vector_load %arg17[%get3A_655, %get3A_656] {strides = array<i32>} : memref<136x16xf32, #tpu.memory_space<vmem>>, vector<16xf32>,
          %mul3A_658 = arith.constant 16 : i32
          %mul3A_659 = vector.broadcast %mul3A_658 : i32 to vector<16xi32>
          %mul3A_660 = arith.muli %gather3A, %mul3A_659 : vector<16xi32>
          %add3A_661 = arith.addi %mul3A_660, %iota3A : vector<16xi32>
          %mul3A_662 = arith.constant 16 : i32
          %mul3A_663 = vector.broadcast %mul3A_662 : i32 to vector<16xi32>
          %mul3A_664 = arith.muli %gather3A_646, %mul3A_663 : vector<16xi32>
          %add3A_665 = arith.addi %mul3A_664, %iota3A : vector<16xi32>
          %gather3A_666 = tpu.vector_load_idx %arg6[%add3A_661] : memref<50016xf32, #tpu.memory_space<vmem>>[vector<16xi32>], vector<16xf32>,
          %gather3A_667 = tpu.vector_load_idx %arg7[%add3A_665] : memref<50016xf32, #tpu.memory_space<vmem>>[vector<16xi32>], vector<16xf32>,
          %max3A_668 = arith.maximumf %gather3A_666, %get3A_650 : vector<16xf32>
          tpu.vector_store_idx %arg6[%add3A_661], %max3A_668 : memref<50016xf32, #tpu.memory_space<vmem>>[vector<16xi32>], vector<16xf32>,
          %max3A_669 = arith.maximumf %gather3A_667, %get3A_657 : vector<16xf32>
          tpu.vector_store_idx %arg7[%add3A_665], %max3A_669 : memref<50016xf32, #tpu.memory_space<vmem>>[vector<16xi32>], vector<16xf32>,
          %while3A_670 = arith.constant 0 : i32
          scf.yield %while3A_670 : i32
        }
        %while3A_634 = arith.constant 0 : i32
        scf.yield %while3A_634 : i32
      }
      %while3A_362 = arith.constant 1 : i32
      %while3A_363 = scf.for %while3A_571 = %while3A_359 to %while3A_355 step %while3A_362 iter_args(%while3A_572 = %while3A_361) -> (i32)  : i32 {
        %mul3A_573 = arith.constant 128 : i32
        %mul3A_574 = arith.muli %while3A_571, %mul3A_573 : i32
        %dma_start3A_575 = arith.constant 0 : i32
        %dma_start3A_576 = arith.constant 0 : i32
        %dma_start3A_577 = tpu.memref_slice %arg17[%dma_start3A_575, %dma_start3A_576] : memref<136x16xf32, #tpu.memory_space<vmem>> -> memref<128x16xf32, #tpu.memory_space<vmem>>
        %dma_start3A_578 = tpu.memref_slice %arg15[%mul3A_574] : memref<3456xi32, #tpu.memory_space<vmem>> -> memref<128xi32, #tpu.memory_space<vmem>>
        %dma_start3A_579 = arith.constant 0 : i32
        %dma_start3A_580 = arith.constant 0 : i32
        %dma_start3A_581 = tpu.memref_slice %arg2[%dma_start3A_579, %dma_start3A_580] : memref<100000x16xf32, #tpu.memory_space<hbm>> -> memref<100000x16xf32, #tpu.memory_space<hbm>>
        tpu.enqueue_indirect_dma source(%dma_start3A_581 : memref<100000x16xf32, #tpu.memory_space<hbm>>) target(%dma_start3A_577 : memref<128x16xf32, #tpu.memory_space<vmem>>) offsets(%dma_start3A_578 : memref<128xi32, #tpu.memory_space<vmem>>) semaphore(%arg21 : memref<!tpu.dma_semaphore, #tpu.memory_space<semaphore_mem>>)
        %dma_wait3A_582 = arith.constant 0 : i32
        %dma_wait3A_583 = arith.constant 0 : i32
        %dma_wait3A_584 = tpu.memref_slice %arg17[%dma_wait3A_582, %dma_wait3A_583] : memref<136x16xf32, #tpu.memory_space<vmem>> -> memref<128x16xf32, #tpu.memory_space<vmem>>
        %dma_wait3A_585 = tpu.memref_slice %arg15[%mul3A_574] : memref<3456xi32, #tpu.memory_space<vmem>> -> memref<128xi32, #tpu.memory_space<vmem>>
        %dma_wait3A_586 = arith.constant 0 : i32
        %dma_wait3A_587 = arith.constant 0 : i32
        %dma_wait3A_588 = tpu.memref_slice %arg2[%dma_wait3A_586, %dma_wait3A_587] : memref<100000x16xf32, #tpu.memory_space<hbm>> -> memref<100000x16xf32, #tpu.memory_space<hbm>>
        tpu.wait_indirect_dma semaphore(%arg21 : memref<!tpu.dma_semaphore, #tpu.memory_space<semaphore_mem>>) src(%dma_wait3A_588 : memref<100000x16xf32, #tpu.memory_space<hbm>>) dst(%dma_wait3A_584 : memref<128x16xf32, #tpu.memory_space<vmem>>)
        %mul3A_589 = arith.constant 128 : i32
        %mul3A_590 = arith.muli %while3A_571, %mul3A_589 : i32
        %sub3A_591 = arith.subi %scan3A_163, %mul3A_590 : i32
        %jit3A_592 = arith.constant 0 : i32
        %jit3A_593 = arith.constant 128 : i32
        %max3A_594 = arith.maxsi %jit3A_592, %sub3A_591 : i32
        %min3A_595 = arith.minsi %jit3A_593, %max3A_594 : i32
        %add3A_596 = arith.constant 1 : i32
        %add3A_597 = arith.addi %min3A_595, %add3A_596 : i32
        %jit3A_598 = arith.constant 2 : i32
        %div3A_599 = arith.divsi %add3A_597, %jit3A_598 : i32
        %sign3A_600 = arith.constant 0 : i32
        %sign3A_601 = arith.cmpi sgt, %add3A_597, %sign3A_600 : i32
        %sign3A_602 = arith.extui %sign3A_601 : i1 to i32
        %sign3A_603 = arith.constant 0 : i32
        %sign3A_604 = arith.cmpi slt, %add3A_597, %sign3A_603 : i32
        %sign3A_605 = arith.extui %sign3A_604 : i1 to i32
        %sign3A_606 = arith.subi %sign3A_602, %sign3A_605 : i32
        %sign3A_607 = arith.constant 0 : i32
        %sign3A_608 = arith.cmpi sgt, %jit3A_598, %sign3A_607 : i32
        %sign3A_609 = arith.extui %sign3A_608 : i1 to i32
        %sign3A_610 = arith.constant 0 : i32
        %sign3A_611 = arith.cmpi slt, %jit3A_598, %sign3A_610 : i32
        %sign3A_612 = arith.extui %sign3A_611 : i1 to i32
        %sign3A_613 = arith.subi %sign3A_609, %sign3A_612 : i32
        %ne3A_614 = arith.cmpi ne, %sign3A_606, %sign3A_613 : i32
        %rem3A_615 = arith.remsi %add3A_597, %jit3A_598 : i32
        %ne3A_616 = arith.constant 0 : i32
        %ne3A_617 = arith.cmpi ne, %rem3A_615, %ne3A_616 : i32
        %and3A_618 = arith.andi %ne3A_614, %ne3A_617 : i1
        %sub3A_619 = arith.constant 1 : i32
        %sub3A_620 = arith.subi %div3A_599, %sub3A_619 : i32
        %select_n3A_621 = arith.select %and3A_618, %sub3A_620, %div3A_599 : i32
        %while3A_622 = arith.constant 0 : i32
        %while3A_623 = arith.constant 0 : i32
        %while3A_624 = arith.subi %select_n3A_621, %while3A_622 : i32
        %while3A_625 = arith.addi %while3A_622, %while3A_624 : i32
        %while3A_626 = arith.constant 1 : i32
        %while3A_627 = arith.divsi %while3A_624, %while3A_626 : i32
        %while3A_628 = arith.muli %while3A_627, %while3A_626 : i32
        %while3A_629 = arith.addi %while3A_622, %while3A_628 : i32
        %while3A_630 = arith.constant 1 : i32
        %while3A_631 = scf.for %while3A_635 = %while3A_622 to %while3A_629 step %while3A_630 iter_args(%while3A_636 = %while3A_623) -> (i32)  : i32 {
          %mul3A_637 = arith.constant 128 : i32
          %mul3A_638 = arith.muli %while3A_571, %mul3A_637 : i32
          %mul3A_639 = arith.constant 2 : i32
          %mul3A_640 = arith.muli %mul3A_639, %while3A_635 : i32
          %add3A_641 = arith.addi %mul3A_638, %mul3A_640 : i32
          %broadcast_in_dim3A_642 = vector.broadcast %add3A_641 : i32 to vector<16xi32>
          %gather3A = tpu.vector_load_idx %arg14[%broadcast_in_dim3A_642] : memref<3456xi32, #tpu.memory_space<vmem>>[vector<16xi32>], vector<16xi32>,
          %add3A_643 = arith.constant 1 : i32
          %add3A_644 = arith.addi %add3A_641, %add3A_643 : i32
          %broadcast_in_dim3A_645 = vector.broadcast %add3A_644 : i32 to vector<16xi32>
          %gather3A_646 = tpu.vector_load_idx %arg14[%broadcast_in_dim3A_645] : memref<3456xi32, #tpu.memory_space<vmem>>[vector<16xi32>], vector<16xi32>,
          %mul3A_647 = arith.constant 2 : i32
          %mul3A_648 = arith.muli %mul3A_647, %while3A_635 : i32
          %get3A = arith.index_cast %mul3A_648 : i32 to index
          %get3A_649 = arith.constant 0 : index
          %get3A_650 = tpu.vector_load %arg17[%get3A, %get3A_649] {strides = array<i32>} : memref<136x16xf32, #tpu.memory_space<vmem>>, vector<16xf32>,
          %mul3A_651 = arith.constant 2 : i32
          %mul3A_652 = arith.muli %mul3A_651, %while3A_635 : i32
          %add3A_653 = arith.constant 1 : i32
          %add3A_654 = arith.addi %mul3A_652, %add3A_653 : i32
          %get3A_655 = arith.index_cast %add3A_654 : i32 to index
          %get3A_656 = arith.constant 0 : index
          %get3A_657 = tpu.vector_load %arg17[%get3A_655, %get3A_656] {strides = array<i32>} : memref<136x16xf32, #tpu.memory_space<vmem>>, vector<16xf32>,
          %mul3A_658 = arith.constant 16 : i32
          %mul3A_659 = vector.broadcast %mul3A_658 : i32 to vector<16xi32>
          %mul3A_660 = arith.muli %gather3A, %mul3A_659 : vector<16xi32>
          %add3A_661 = arith.addi %mul3A_660, %iota3A : vector<16xi32>
          %mul3A_662 = arith.constant 16 : i32
          %mul3A_663 = vector.broadcast %mul3A_662 : i32 to vector<16xi32>
          %mul3A_664 = arith.muli %gather3A_646, %mul3A_663 : vector<16xi32>
          %add3A_665 = arith.addi %mul3A_664, %iota3A : vector<16xi32>
          %gather3A_666 = tpu.vector_load_idx %arg6[%add3A_661] : memref<50016xf32, #tpu.memory_space<vmem>>[vector<16xi32>], vector<16xf32>,
          %gather3A_667 = tpu.vector_load_idx %arg7[%add3A_665] : memref<50016xf32, #tpu.memory_space<vmem>>[vector<16xi32>], vector<16xf32>,
          %max3A_668 = arith.maximumf %gather3A_666, %get3A_650 : vector<16xf32>
          tpu.vector_store_idx %arg6[%add3A_661], %max3A_668 : memref<50016xf32, #tpu.memory_space<vmem>>[vector<16xi32>], vector<16xf32>,
          %max3A_669 = arith.maximumf %gather3A_667, %get3A_657 : vector<16xf32>
          tpu.vector_store_idx %arg7[%add3A_665], %max3A_669 : memref<50016xf32, #tpu.memory_space<vmem>>[vector<16xi32>], vector<16xf32>,
          %while3A_670 = arith.constant 0 : i32
          scf.yield %while3A_670 : i32
        }
        %while3A_632 = arith.constant 1 : i32
        %while3A_633 = scf.for %while3A_635 = %while3A_629 to %while3A_625 step %while3A_632 iter_args(%while3A_636 = %while3A_631) -> (i32)  : i32 {
          %mul3A_637 = arith.constant 128 : i32
          %mul3A_638 = arith.muli %while3A_571, %mul3A_637 : i32
          %mul3A_639 = arith.constant 2 : i32
          %mul3A_640 = arith.muli %mul3A_639, %while3A_635 : i32
          %add3A_641 = arith.addi %mul3A_638, %mul3A_640 : i32
          %broadcast_in_dim3A_642 = vector.broadcast %add3A_641 : i32 to vector<16xi32>
          %gather3A = tpu.vector_load_idx %arg14[%broadcast_in_dim3A_642] : memref<3456xi32, #tpu.memory_space<vmem>>[vector<16xi32>], vector<16xi32>,
          %add3A_643 = arith.constant 1 : i32
          %add3A_644 = arith.addi %add3A_641, %add3A_643 : i32
          %broadcast_in_dim3A_645 = vector.broadcast %add3A_644 : i32 to vector<16xi32>
          %gather3A_646 = tpu.vector_load_idx %arg14[%broadcast_in_dim3A_645] : memref<3456xi32, #tpu.memory_space<vmem>>[vector<16xi32>], vector<16xi32>,
          %mul3A_647 = arith.constant 2 : i32
          %mul3A_648 = arith.muli %mul3A_647, %while3A_635 : i32
          %get3A = arith.index_cast %mul3A_648 : i32 to index
          %get3A_649 = arith.constant 0 : index
          %get3A_650 = tpu.vector_load %arg17[%get3A, %get3A_649] {strides = array<i32>} : memref<136x16xf32, #tpu.memory_space<vmem>>, vector<16xf32>,
          %mul3A_651 = arith.constant 2 : i32
          %mul3A_652 = arith.muli %mul3A_651, %while3A_635 : i32
          %add3A_653 = arith.constant 1 : i32
          %add3A_654 = arith.addi %mul3A_652, %add3A_653 : i32
          %get3A_655 = arith.index_cast %add3A_654 : i32 to index
          %get3A_656 = arith.constant 0 : index
          %get3A_657 = tpu.vector_load %arg17[%get3A_655, %get3A_656] {strides = array<i32>} : memref<136x16xf32, #tpu.memory_space<vmem>>, vector<16xf32>,
          %mul3A_658 = arith.constant 16 : i32
          %mul3A_659 = vector.broadcast %mul3A_658 : i32 to vector<16xi32>
          %mul3A_660 = arith.muli %gather3A, %mul3A_659 : vector<16xi32>
          %add3A_661 = arith.addi %mul3A_660, %iota3A : vector<16xi32>
          %mul3A_662 = arith.constant 16 : i32
          %mul3A_663 = vector.broadcast %mul3A_662 : i32 to vector<16xi32>
          %mul3A_664 = arith.muli %gather3A_646, %mul3A_663 : vector<16xi32>
          %add3A_665 = arith.addi %mul3A_664, %iota3A : vector<16xi32>
          %gather3A_666 = tpu.vector_load_idx %arg6[%add3A_661] : memref<50016xf32, #tpu.memory_space<vmem>>[vector<16xi32>], vector<16xf32>,
          %gather3A_667 = tpu.vector_load_idx %arg7[%add3A_665] : memref<50016xf32, #tpu.memory_space<vmem>>[vector<16xi32>], vector<16xf32>,
          %max3A_668 = arith.maximumf %gather3A_666, %get3A_650 : vector<16xf32>
          tpu.vector_store_idx %arg6[%add3A_661], %max3A_668 : memref<50016xf32, #tpu.memory_space<vmem>>[vector<16xi32>], vector<16xf32>,
          %max3A_669 = arith.maximumf %gather3A_667, %get3A_657 : vector<16xf32>
          tpu.vector_store_idx %arg7[%add3A_665], %max3A_669 : memref<50016xf32, #tpu.memory_space<vmem>>[vector<16xi32>], vector<16xf32>,
          %while3A_670 = arith.constant 0 : i32
          scf.yield %while3A_670 : i32
        }
        %while3A_634 = arith.constant 0 : i32
        scf.yield %while3A_634 : i32
      }
      %mul3A_364 = arith.constant 2 : i32
      %mul3A_365 = arith.muli %mul3A_364, %scan3A_162 : i32
      %add3A_366 = arith.constant 1 : i32
      %add3A_367 = arith.addi %mul3A_365, %add3A_366 : i32
      %mul3A_368 = arith.constant 3200 : i32
      %mul3A_369 = arith.muli %add3A_367, %mul3A_368 : i32
      %dma_wait3A_370 = tpu.memref_slice %arg3[%mul3A_369] : memref<3200000xi32, #tpu.memory_space<hbm>> -> memref<3200xi32, #tpu.memory_space<hbm>>
      %dma_wait3A_371 = tpu.memref_slice %arg3[%mul3A_369] : memref<3200000xi32, #tpu.memory_space<hbm>> -> memref<3200xi32, #tpu.memory_space<hbm>>
      tpu.wait_dma2 semaphore(%arg19 : memref<!tpu.dma_semaphore, #tpu.memory_space<semaphore_mem>>) src(%dma_wait3A_371 : memref<3200xi32, #tpu.memory_space<hbm>>) dst(%arg10 : memref<3200xi32, #tpu.memory_space<vmem>>)
      %dma_wait3A_372 = tpu.memref_slice %arg4[%mul3A_369] : memref<3200000xi32, #tpu.memory_space<hbm>> -> memref<3200xi32, #tpu.memory_space<hbm>>
      %dma_wait3A_373 = tpu.memref_slice %arg4[%mul3A_369] : memref<3200000xi32, #tpu.memory_space<hbm>> -> memref<3200xi32, #tpu.memory_space<hbm>>
      tpu.wait_dma2 semaphore(%arg19 : memref<!tpu.dma_semaphore, #tpu.memory_space<semaphore_mem>>) src(%dma_wait3A_373 : memref<3200xi32, #tpu.memory_space<hbm>>) dst(%arg11 : memref<3200xi32, #tpu.memory_space<vmem>>)
      %broadcast_in_dim3A_374 = arith.constant -1 : i32
      %broadcast_in_dim3A_375 = vector.broadcast %broadcast_in_dim3A_374 : i32 to vector<16xi32>
      %scan3A_376 = arith.constant 0 : i32
      %scan3A_377 = arith.constant 25 : i32
      %scan3A_378 = arith.addi %scan3A_376, %scan3A_377 : i32
      %scan3A_379 = arith.constant 1 : i32
      %scan3A_380 = scf.for %scan3A_571 = %scan3A_376 to %scan3A_378 step %scan3A_379 iter_args(%scan3A_572 = %broadcast_in_dim3A_375) -> (vector<16xi32>)  : i32 {
        %mul3A_573 = arith.constant 128 : i32
        %mul3A_574 = arith.muli %scan3A_571, %mul3A_573 : i32
        %add3A_575 = arith.constant 0 : i32
        %add3A_576 = arith.addi %mul3A_574, %add3A_575 : i32
        %get3A = arith.index_cast %add3A_576 : i32 to index
        %get3A_577 = tpu.vector_load %arg10[%get3A] {strides = array<i32>} : memref<3200xi32, #tpu.memory_space<vmem>>, vector<16xi32>,
        %add3A_578 = arith.constant 0 : i32
        %add3A_579 = arith.addi %mul3A_574, %add3A_578 : i32
        %get3A_580 = arith.index_cast %add3A_579 : i32 to index
        %get3A_581 = tpu.vector_load %arg11[%get3A_580] {strides = array<i32>} : memref<3200xi32, #tpu.memory_space<vmem>>, vector<16xi32>,
        %sub3A_582 = vector.broadcast %mul3A_2 : i32 to vector<16xi32>
        %sub3A_583 = arith.subi %get3A_577, %sub3A_582 : vector<16xi32>
        %lt3A_584 = vector.broadcast %scan3A_33 : i32 to vector<16xi32>
        %lt3A_585 = arith.cmpi ult, %sub3A_583, %lt3A_584 : vector<16xi32>
        %select_n3A_586 = arith.select %lt3A_585, %broadcast_in_dim3A_7, %broadcast_in_dim3A_9 : vector<16xi1>, vector<16xi32>
        %broadcast_in_dim3A_587 = arith.constant true
        %broadcast_in_dim3A_588 = vector.broadcast %broadcast_in_dim3A_587 : i1 to vector<16xi1>
        %masked_cumsum3A = tpu.scan <sum>, %select_n3A_586 masked %broadcast_in_dim3A_588 : vector<16xi32>, vector<16xi1> -> vector<16xi32>
        %add3A_589 = arith.constant 16 : i32
        %add3A_590 = arith.addi %mul3A_574, %add3A_589 : i32
        %get3A_591 = arith.index_cast %add3A_590 : i32 to index
        %get3A_592 = tpu.vector_load %arg10[%get3A_591] {strides = array<i32>} : memref<3200xi32, #tpu.memory_space<vmem>>, vector<16xi32>,
        %add3A_593 = arith.constant 16 : i32
        %add3A_594 = arith.addi %mul3A_574, %add3A_593 : i32
        %get3A_595 = arith.index_cast %add3A_594 : i32 to index
        %get3A_596 = tpu.vector_load %arg11[%get3A_595] {strides = array<i32>} : memref<3200xi32, #tpu.memory_space<vmem>>, vector<16xi32>,
        %sub3A_597 = vector.broadcast %mul3A_2 : i32 to vector<16xi32>
        %sub3A_598 = arith.subi %get3A_592, %sub3A_597 : vector<16xi32>
        %lt3A_599 = vector.broadcast %scan3A_33 : i32 to vector<16xi32>
        %lt3A_600 = arith.cmpi ult, %sub3A_598, %lt3A_599 : vector<16xi32>
        %select_n3A_601 = arith.select %lt3A_600, %broadcast_in_dim3A_7, %broadcast_in_dim3A_9 : vector<16xi1>, vector<16xi32>
        %broadcast_in_dim3A_602 = arith.constant true
        %broadcast_in_dim3A_603 = vector.broadcast %broadcast_in_dim3A_602 : i1 to vector<16xi1>
        %masked_cumsum3A_604 = tpu.scan <sum>, %select_n3A_601 masked %broadcast_in_dim3A_603 : vector<16xi32>, vector<16xi1> -> vector<16xi32>
        %add3A_605 = arith.constant 32 : i32
        %add3A_606 = arith.addi %mul3A_574, %add3A_605 : i32
        %get3A_607 = arith.index_cast %add3A_606 : i32 to index
        %get3A_608 = tpu.vector_load %arg10[%get3A_607] {strides = array<i32>} : memref<3200xi32, #tpu.memory_space<vmem>>, vector<16xi32>,
        %add3A_609 = arith.constant 32 : i32
        %add3A_610 = arith.addi %mul3A_574, %add3A_609 : i32
        %get3A_611 = arith.index_cast %add3A_610 : i32 to index
        %get3A_612 = tpu.vector_load %arg11[%get3A_611] {strides = array<i32>} : memref<3200xi32, #tpu.memory_space<vmem>>, vector<16xi32>,
        %sub3A_613 = vector.broadcast %mul3A_2 : i32 to vector<16xi32>
        %sub3A_614 = arith.subi %get3A_608, %sub3A_613 : vector<16xi32>
        %lt3A_615 = vector.broadcast %scan3A_33 : i32 to vector<16xi32>
        %lt3A_616 = arith.cmpi ult, %sub3A_614, %lt3A_615 : vector<16xi32>
        %select_n3A_617 = arith.select %lt3A_616, %broadcast_in_dim3A_7, %broadcast_in_dim3A_9 : vector<16xi1>, vector<16xi32>
        %broadcast_in_dim3A_618 = arith.constant true
        %broadcast_in_dim3A_619 = vector.broadcast %broadcast_in_dim3A_618 : i1 to vector<16xi1>
        %masked_cumsum3A_620 = tpu.scan <sum>, %select_n3A_617 masked %broadcast_in_dim3A_619 : vector<16xi32>, vector<16xi1> -> vector<16xi32>
        %add3A_621 = arith.constant 48 : i32
        %add3A_622 = arith.addi %mul3A_574, %add3A_621 : i32
        %get3A_623 = arith.index_cast %add3A_622 : i32 to index
        %get3A_624 = tpu.vector_load %arg10[%get3A_623] {strides = array<i32>} : memref<3200xi32, #tpu.memory_space<vmem>>, vector<16xi32>,
        %add3A_625 = arith.constant 48 : i32
        %add3A_626 = arith.addi %mul3A_574, %add3A_625 : i32
        %get3A_627 = arith.index_cast %add3A_626 : i32 to index
        %get3A_628 = tpu.vector_load %arg11[%get3A_627] {strides = array<i32>} : memref<3200xi32, #tpu.memory_space<vmem>>, vector<16xi32>,
        %sub3A_629 = vector.broadcast %mul3A_2 : i32 to vector<16xi32>
        %sub3A_630 = arith.subi %get3A_624, %sub3A_629 : vector<16xi32>
        %lt3A_631 = vector.broadcast %scan3A_33 : i32 to vector<16xi32>
        %lt3A_632 = arith.cmpi ult, %sub3A_630, %lt3A_631 : vector<16xi32>
        %select_n3A_633 = arith.select %lt3A_632, %broadcast_in_dim3A_7, %broadcast_in_dim3A_9 : vector<16xi1>, vector<16xi32>
        %broadcast_in_dim3A_634 = arith.constant true
        %broadcast_in_dim3A_635 = vector.broadcast %broadcast_in_dim3A_634 : i1 to vector<16xi1>
        %masked_cumsum3A_636 = tpu.scan <sum>, %select_n3A_633 masked %broadcast_in_dim3A_635 : vector<16xi32>, vector<16xi1> -> vector<16xi32>
        %add3A_637 = arith.constant 64 : i32
        %add3A_638 = arith.addi %mul3A_574, %add3A_637 : i32
        %get3A_639 = arith.index_cast %add3A_638 : i32 to index
        %get3A_640 = tpu.vector_load %arg10[%get3A_639] {strides = array<i32>} : memref<3200xi32, #tpu.memory_space<vmem>>, vector<16xi32>,
        %add3A_641 = arith.constant 64 : i32
        %add3A_642 = arith.addi %mul3A_574, %add3A_641 : i32
        %get3A_643 = arith.index_cast %add3A_642 : i32 to index
        %get3A_644 = tpu.vector_load %arg11[%get3A_643] {strides = array<i32>} : memref<3200xi32, #tpu.memory_space<vmem>>, vector<16xi32>,
        %sub3A_645 = vector.broadcast %mul3A_2 : i32 to vector<16xi32>
        %sub3A_646 = arith.subi %get3A_640, %sub3A_645 : vector<16xi32>
        %lt3A_647 = vector.broadcast %scan3A_33 : i32 to vector<16xi32>
        %lt3A_648 = arith.cmpi ult, %sub3A_646, %lt3A_647 : vector<16xi32>
        %select_n3A_649 = arith.select %lt3A_648, %broadcast_in_dim3A_7, %broadcast_in_dim3A_9 : vector<16xi1>, vector<16xi32>
        %broadcast_in_dim3A_650 = arith.constant true
        %broadcast_in_dim3A_651 = vector.broadcast %broadcast_in_dim3A_650 : i1 to vector<16xi1>
        %masked_cumsum3A_652 = tpu.scan <sum>, %select_n3A_649 masked %broadcast_in_dim3A_651 : vector<16xi32>, vector<16xi1> -> vector<16xi32>
        %add3A_653 = arith.constant 80 : i32
        %add3A_654 = arith.addi %mul3A_574, %add3A_653 : i32
        %get3A_655 = arith.index_cast %add3A_654 : i32 to index
        %get3A_656 = tpu.vector_load %arg10[%get3A_655] {strides = array<i32>} : memref<3200xi32, #tpu.memory_space<vmem>>, vector<16xi32>,
        %add3A_657 = arith.constant 80 : i32
        %add3A_658 = arith.addi %mul3A_574, %add3A_657 : i32
        %get3A_659 = arith.index_cast %add3A_658 : i32 to index
        %get3A_660 = tpu.vector_load %arg11[%get3A_659] {strides = array<i32>} : memref<3200xi32, #tpu.memory_space<vmem>>, vector<16xi32>,
        %sub3A_661 = vector.broadcast %mul3A_2 : i32 to vector<16xi32>
        %sub3A_662 = arith.subi %get3A_656, %sub3A_661 : vector<16xi32>
        %lt3A_663 = vector.broadcast %scan3A_33 : i32 to vector<16xi32>
        %lt3A_664 = arith.cmpi ult, %sub3A_662, %lt3A_663 : vector<16xi32>
        %select_n3A_665 = arith.select %lt3A_664, %broadcast_in_dim3A_7, %broadcast_in_dim3A_9 : vector<16xi1>, vector<16xi32>
        %broadcast_in_dim3A_666 = arith.constant true
        %broadcast_in_dim3A_667 = vector.broadcast %broadcast_in_dim3A_666 : i1 to vector<16xi1>
        %masked_cumsum3A_668 = tpu.scan <sum>, %select_n3A_665 masked %broadcast_in_dim3A_667 : vector<16xi32>, vector<16xi1> -> vector<16xi32>
        %add3A_669 = arith.constant 96 : i32
        %add3A_670 = arith.addi %mul3A_574, %add3A_669 : i32
        %get3A_671 = arith.index_cast %add3A_670 : i32 to index
        %get3A_672 = tpu.vector_load %arg10[%get3A_671] {strides = array<i32>} : memref<3200xi32, #tpu.memory_space<vmem>>, vector<16xi32>,
        %add3A_673 = arith.constant 96 : i32
        %add3A_674 = arith.addi %mul3A_574, %add3A_673 : i32
        %get3A_675 = arith.index_cast %add3A_674 : i32 to index
        %get3A_676 = tpu.vector_load %arg11[%get3A_675] {strides = array<i32>} : memref<3200xi32, #tpu.memory_space<vmem>>, vector<16xi32>,
        %sub3A_677 = vector.broadcast %mul3A_2 : i32 to vector<16xi32>
        %sub3A_678 = arith.subi %get3A_672, %sub3A_677 : vector<16xi32>
        %lt3A_679 = vector.broadcast %scan3A_33 : i32 to vector<16xi32>
        %lt3A_680 = arith.cmpi ult, %sub3A_678, %lt3A_679 : vector<16xi32>
        %select_n3A_681 = arith.select %lt3A_680, %broadcast_in_dim3A_7, %broadcast_in_dim3A_9 : vector<16xi1>, vector<16xi32>
        %broadcast_in_dim3A_682 = arith.constant true
        %broadcast_in_dim3A_683 = vector.broadcast %broadcast_in_dim3A_682 : i1 to vector<16xi1>
        %masked_cumsum3A_684 = tpu.scan <sum>, %select_n3A_681 masked %broadcast_in_dim3A_683 : vector<16xi32>, vector<16xi1> -> vector<16xi32>
        %add3A_685 = arith.constant 112 : i32
        %add3A_686 = arith.addi %mul3A_574, %add3A_685 : i32
        %get3A_687 = arith.index_cast %add3A_686 : i32 to index
        %get3A_688 = tpu.vector_load %arg10[%get3A_687] {strides = array<i32>} : memref<3200xi32, #tpu.memory_space<vmem>>, vector<16xi32>,
        %add3A_689 = arith.constant 112 : i32
        %add3A_690 = arith.addi %mul3A_574, %add3A_689 : i32
        %get3A_691 = arith.index_cast %add3A_690 : i32 to index
        %get3A_692 = tpu.vector_load %arg11[%get3A_691] {strides = array<i32>} : memref<3200xi32, #tpu.memory_space<vmem>>, vector<16xi32>,
        %sub3A_693 = vector.broadcast %mul3A_2 : i32 to vector<16xi32>
        %sub3A_694 = arith.subi %get3A_688, %sub3A_693 : vector<16xi32>
        %lt3A_695 = vector.broadcast %scan3A_33 : i32 to vector<16xi32>
        %lt3A_696 = arith.cmpi ult, %sub3A_694, %lt3A_695 : vector<16xi32>
        %select_n3A_697 = arith.select %lt3A_696, %broadcast_in_dim3A_7, %broadcast_in_dim3A_9 : vector<16xi1>, vector<16xi32>
        %broadcast_in_dim3A_698 = arith.constant true
        %broadcast_in_dim3A_699 = vector.broadcast %broadcast_in_dim3A_698 : i1 to vector<16xi1>
        %masked_cumsum3A_700 = tpu.scan <sum>, %select_n3A_697 masked %broadcast_in_dim3A_699 : vector<16xi32>, vector<16xi1> -> vector<16xi32>
        %add3A_701 = arith.addi %masked_cumsum3A, %scan3A_572 : vector<16xi32>
        tpu.vector_store_idx %arg14[%add3A_701], %sub3A_583 masked %lt3A_585 : memref<3456xi32, #tpu.memory_space<vmem>>[vector<16xi32>], vector<16xi32>, vector<16xi1>
        tpu.vector_store_idx %arg15[%add3A_701], %get3A_581 masked %lt3A_585 : memref<3456xi32, #tpu.memory_space<vmem>>[vector<16xi32>], vector<16xi32>, vector<16xi1>
        %broadcast_in_dim3A_702 = vector.shape_cast %broadcast_in_dim3A_17 : vector<16xi32> to vector<16x1xi32>
        %gather3A = vector.shape_cast %broadcast_in_dim3A_702 : vector<16x1xi32> to vector<16xi32>
        %gather3A_703 = tpu.dynamic_gather %masked_cumsum3A[%gather3A] in [0] : vector<16xi32>, vector<16xi32> -> vector<16xi32>
        %add3A_704 = arith.addi %scan3A_572, %gather3A_703 : vector<16xi32>
        %add3A_705 = arith.addi %masked_cumsum3A_604, %add3A_704 : vector<16xi32>
        tpu.vector_store_idx %arg14[%add3A_705], %sub3A_598 masked %lt3A_600 : memref<3456xi32, #tpu.memory_space<vmem>>[vector<16xi32>], vector<16xi32>, vector<16xi1>
        tpu.vector_store_idx %arg15[%add3A_705], %get3A_596 masked %lt3A_600 : memref<3456xi32, #tpu.memory_space<vmem>>[vector<16xi32>], vector<16xi32>, vector<16xi1>
        %broadcast_in_dim3A_706 = vector.shape_cast %broadcast_in_dim3A_17 : vector<16xi32> to vector<16x1xi32>
        %gather3A_707 = vector.shape_cast %broadcast_in_dim3A_706 : vector<16x1xi32> to vector<16xi32>
        %gather3A_708 = tpu.dynamic_gather %masked_cumsum3A_604[%gather3A_707] in [0] : vector<16xi32>, vector<16xi32> -> vector<16xi32>
        %add3A_709 = arith.addi %add3A_704, %gather3A_708 : vector<16xi32>
        %add3A_710 = arith.addi %masked_cumsum3A_620, %add3A_709 : vector<16xi32>
        tpu.vector_store_idx %arg14[%add3A_710], %sub3A_614 masked %lt3A_616 : memref<3456xi32, #tpu.memory_space<vmem>>[vector<16xi32>], vector<16xi32>, vector<16xi1>
        tpu.vector_store_idx %arg15[%add3A_710], %get3A_612 masked %lt3A_616 : memref<3456xi32, #tpu.memory_space<vmem>>[vector<16xi32>], vector<16xi32>, vector<16xi1>
        %broadcast_in_dim3A_711 = vector.shape_cast %broadcast_in_dim3A_17 : vector<16xi32> to vector<16x1xi32>
        %gather3A_712 = vector.shape_cast %broadcast_in_dim3A_711 : vector<16x1xi32> to vector<16xi32>
        %gather3A_713 = tpu.dynamic_gather %masked_cumsum3A_620[%gather3A_712] in [0] : vector<16xi32>, vector<16xi32> -> vector<16xi32>
        %add3A_714 = arith.addi %add3A_709, %gather3A_713 : vector<16xi32>
        %add3A_715 = arith.addi %masked_cumsum3A_636, %add3A_714 : vector<16xi32>
        tpu.vector_store_idx %arg14[%add3A_715], %sub3A_630 masked %lt3A_632 : memref<3456xi32, #tpu.memory_space<vmem>>[vector<16xi32>], vector<16xi32>, vector<16xi1>
        tpu.vector_store_idx %arg15[%add3A_715], %get3A_628 masked %lt3A_632 : memref<3456xi32, #tpu.memory_space<vmem>>[vector<16xi32>], vector<16xi32>, vector<16xi1>
        %broadcast_in_dim3A_716 = vector.shape_cast %broadcast_in_dim3A_17 : vector<16xi32> to vector<16x1xi32>
        %gather3A_717 = vector.shape_cast %broadcast_in_dim3A_716 : vector<16x1xi32> to vector<16xi32>
        %gather3A_718 = tpu.dynamic_gather %masked_cumsum3A_636[%gather3A_717] in [0] : vector<16xi32>, vector<16xi32> -> vector<16xi32>
        %add3A_719 = arith.addi %add3A_714, %gather3A_718 : vector<16xi32>
        %add3A_720 = arith.addi %masked_cumsum3A_652, %add3A_719 : vector<16xi32>
        tpu.vector_store_idx %arg14[%add3A_720], %sub3A_646 masked %lt3A_648 : memref<3456xi32, #tpu.memory_space<vmem>>[vector<16xi32>], vector<16xi32>, vector<16xi1>
        tpu.vector_store_idx %arg15[%add3A_720], %get3A_644 masked %lt3A_648 : memref<3456xi32, #tpu.memory_space<vmem>>[vector<16xi32>], vector<16xi32>, vector<16xi1>
        %broadcast_in_dim3A_721 = vector.shape_cast %broadcast_in_dim3A_17 : vector<16xi32> to vector<16x1xi32>
        %gather3A_722 = vector.shape_cast %broadcast_in_dim3A_721 : vector<16x1xi32> to vector<16xi32>
        %gather3A_723 = tpu.dynamic_gather %masked_cumsum3A_652[%gather3A_722] in [0] : vector<16xi32>, vector<16xi32> -> vector<16xi32>
        %add3A_724 = arith.addi %add3A_719, %gather3A_723 : vector<16xi32>
        %add3A_725 = arith.addi %masked_cumsum3A_668, %add3A_724 : vector<16xi32>
        tpu.vector_store_idx %arg14[%add3A_725], %sub3A_662 masked %lt3A_664 : memref<3456xi32, #tpu.memory_space<vmem>>[vector<16xi32>], vector<16xi32>, vector<16xi1>
        tpu.vector_store_idx %arg15[%add3A_725], %get3A_660 masked %lt3A_664 : memref<3456xi32, #tpu.memory_space<vmem>>[vector<16xi32>], vector<16xi32>, vector<16xi1>
        %broadcast_in_dim3A_726 = vector.shape_cast %broadcast_in_dim3A_17 : vector<16xi32> to vector<16x1xi32>
        %gather3A_727 = vector.shape_cast %broadcast_in_dim3A_726 : vector<16x1xi32> to vector<16xi32>
        %gather3A_728 = tpu.dynamic_gather %masked_cumsum3A_668[%gather3A_727] in [0] : vector<16xi32>, vector<16xi32> -> vector<16xi32>
        %add3A_729 = arith.addi %add3A_724, %gather3A_728 : vector<16xi32>
        %add3A_730 = arith.addi %masked_cumsum3A_684, %add3A_729 : vector<16xi32>
        tpu.vector_store_idx %arg14[%add3A_730], %sub3A_678 masked %lt3A_680 : memref<3456xi32, #tpu.memory_space<vmem>>[vector<16xi32>], vector<16xi32>, vector<16xi1>
        tpu.vector_store_idx %arg15[%add3A_730], %get3A_676 masked %lt3A_680 : memref<3456xi32, #tpu.memory_space<vmem>>[vector<16xi32>], vector<16xi32>, vector<16xi1>
        %broadcast_in_dim3A_731 = vector.shape_cast %broadcast_in_dim3A_17 : vector<16xi32> to vector<16x1xi32>
        %gather3A_732 = vector.shape_cast %broadcast_in_dim3A_731 : vector<16x1xi32> to vector<16xi32>
        %gather3A_733 = tpu.dynamic_gather %masked_cumsum3A_684[%gather3A_732] in [0] : vector<16xi32>, vector<16xi32> -> vector<16xi32>
        %add3A_734 = arith.addi %add3A_729, %gather3A_733 : vector<16xi32>
        %add3A_735 = arith.addi %masked_cumsum3A_700, %add3A_734 : vector<16xi32>
        tpu.vector_store_idx %arg14[%add3A_735], %sub3A_694 masked %lt3A_696 : memref<3456xi32, #tpu.memory_space<vmem>>[vector<16xi32>], vector<16xi32>, vector<16xi1>
        tpu.vector_store_idx %arg15[%add3A_735], %get3A_692 masked %lt3A_696 : memref<3456xi32, #tpu.memory_space<vmem>>[vector<16xi32>], vector<16xi32>, vector<16xi1>
        %broadcast_in_dim3A_736 = vector.shape_cast %broadcast_in_dim3A_17 : vector<16xi32> to vector<16x1xi32>
        %gather3A_737 = vector.shape_cast %broadcast_in_dim3A_736 : vector<16x1xi32> to vector<16xi32>
        %gather3A_738 = tpu.dynamic_gather %masked_cumsum3A_700[%gather3A_737] in [0] : vector<16xi32>, vector<16xi32> -> vector<16xi32>
        %add3A_739 = arith.addi %add3A_734, %gather3A_738 : vector<16xi32>
        scf.yield %add3A_739 : vector<16xi32>
      }
      %scan3A_381 = arith.constant 25 : i32
      %reduce_max3A_382 = arith.constant true
      %reduce_max3A_383 = vector.broadcast %reduce_max3A_382 : i1 to vector<16xi1>
      %reduce_max3A_384 = arith.constant -2147483648 : i32
      %reduce_max3A_385 = vector.broadcast %reduce_max3A_384 : i32 to vector<16xi32>
      %reduce_max3A_386 = arith.xori %scan3A_380, %reduce_max3A_385 : vector<16xi32>
      %reduce_max3A_387 = tpu.scan <max>, %reduce_max3A_386 masked %reduce_max3A_383 : vector<16xi32>, vector<16xi1> -> vector<16xi32>
      %reduce_max3A_388 = arith.xori %reduce_max3A_387, %reduce_max3A_385 : vector<16xi32>
      %reduce_max3A_389 = vector.extract %reduce_max3A_388[15] : i32 from vector<16xi32>
      %add3A_390 = arith.constant 1 : i32
      %add3A_391 = arith.addi %reduce_max3A_389, %add3A_390 : i32
      %scan3A_392 = arith.constant 0 : i32
      %scan3A_393 = arith.constant 0 : i32
      %scan3A_394 = arith.constant 8 : i32
      %scan3A_395 = arith.addi %scan3A_393, %scan3A_394 : i32
      %scan3A_396 = arith.constant 1 : i32
      %scan3A_397 = scf.for %scan3A_571 = %scan3A_393 to %scan3A_395 step %scan3A_396 iter_args(%scan3A_572 = %scan3A_392) -> (i32)  : i32 {
        %mul3A_573 = arith.constant 16 : i32
        %mul3A_574 = arith.muli %scan3A_571, %mul3A_573 : i32
        %add3A_575 = arith.addi %add3A_391, %mul3A_574 : i32
        %add3A_576 = vector.broadcast %add3A_575 : i32 to vector<16xi32>
        %add3A_577 = arith.addi %add3A_576, %iota3A : vector<16xi32>
        tpu.vector_store_idx %arg14[%add3A_577], %broadcast_in_dim3A_5 : memref<3456xi32, #tpu.memory_space<vmem>>[vector<16xi32>], vector<16xi32>,
        %mul3A_578 = arith.constant 1237 : i32
        %mul3A_579 = vector.broadcast %mul3A_578 : i32 to vector<16xi32>
        %mul3A_580 = arith.muli %add3A_577, %mul3A_579 : vector<16xi32>
        %mul3A_581 = arith.constant 61 : i32
        %mul3A_582 = arith.muli %add3A, %mul3A_581 : i32
        %add3A_583 = vector.broadcast %mul3A_582 : i32 to vector<16xi32>
        %add3A_584 = arith.addi %mul3A_580, %add3A_583 : vector<16xi32>
        %and3A_585 = arith.constant 65535 : i32
        %and3A_586 = vector.broadcast %and3A_585 : i32 to vector<16xi32>
        %and3A_587 = arith.andi %add3A_584, %and3A_586 : vector<16xi32>
        tpu.vector_store_idx %arg15[%add3A_577], %and3A_587 : memref<3456xi32, #tpu.memory_space<vmem>>[vector<16xi32>], vector<16xi32>,
        %scan3A_588 = arith.constant 0 : i32
        scf.yield %scan3A_588 : i32
      }
      %scan3A_398 = arith.constant 8 : i32
      %add3A_399 = arith.constant 128 : i32
      %add3A_400 = arith.addi %add3A_391, %add3A_399 : i32
      %sub3A_401 = arith.constant 1 : i32
      %sub3A_402 = arith.subi %add3A_400, %sub3A_401 : i32
      %jit3A_403 = arith.constant 128 : i32
      %div3A_404 = arith.divsi %sub3A_402, %jit3A_403 : i32
      %sign3A_405 = arith.constant 0 : i32
      %sign3A_406 = arith.cmpi sgt, %sub3A_402, %sign3A_405 : i32
      %sign3A_407 = arith.extui %sign3A_406 : i1 to i32
      %sign3A_408 = arith.constant 0 : i32
      %sign3A_409 = arith.cmpi slt, %sub3A_402, %sign3A_408 : i32
      %sign3A_410 = arith.extui %sign3A_409 : i1 to i32
      %sign3A_411 = arith.subi %sign3A_407, %sign3A_410 : i32
      %sign3A_412 = arith.constant 0 : i32
      %sign3A_413 = arith.cmpi sgt, %jit3A_403, %sign3A_412 : i32
      %sign3A_414 = arith.extui %sign3A_413 : i1 to i32
      %sign3A_415 = arith.constant 0 : i32
      %sign3A_416 = arith.cmpi slt, %jit3A_403, %sign3A_415 : i32
      %sign3A_417 = arith.extui %sign3A_416 : i1 to i32
      %sign3A_418 = arith.subi %sign3A_414, %sign3A_417 : i32
      %ne3A_419 = arith.cmpi ne, %sign3A_411, %sign3A_418 : i32
      %rem3A_420 = arith.remsi %sub3A_402, %jit3A_403 : i32
      %ne3A_421 = arith.constant 0 : i32
      %ne3A_422 = arith.cmpi ne, %rem3A_420, %ne3A_421 : i32
      %and3A_423 = arith.andi %ne3A_419, %ne3A_422 : i1
      %sub3A_424 = arith.constant 1 : i32
      %sub3A_425 = arith.subi %div3A_404, %sub3A_424 : i32
      %select_n3A_426 = arith.select %and3A_423, %sub3A_425, %div3A_404 : i32
      %min3A_427 = arith.constant 1 : i32
      %min3A_428 = arith.minsi %select_n3A_426, %min3A_427 : i32
      %while3A_429 = arith.constant 0 : i32
      %while3A_430 = arith.constant 0 : i32
      %while3A_431 = arith.subi %min3A_428, %while3A_429 : i32
      %while3A_432 = arith.addi %while3A_429, %while3A_431 : i32
      %while3A_433 = arith.constant 1 : i32
      %while3A_434 = arith.divsi %while3A_431, %while3A_433 : i32
      %while3A_435 = arith.muli %while3A_434, %while3A_433 : i32
      %while3A_436 = arith.addi %while3A_429, %while3A_435 : i32
      %while3A_437 = arith.constant 1 : i32
      %while3A_438 = scf.for %while3A_571 = %while3A_429 to %while3A_436 step %while3A_437 iter_args(%while3A_572 = %while3A_430) -> (i32)  : i32 {
        %mul3A_573 = arith.constant 128 : i32
        %mul3A_574 = arith.muli %while3A_571, %mul3A_573 : i32
        %mul3A_575 = arith.constant 128 : i32
        %mul3A_576 = arith.muli %while3A_571, %mul3A_575 : i32
        %dma_start3A_577 = arith.constant 0 : i32
        %dma_start3A_578 = tpu.memref_slice %arg17[%mul3A_576, %dma_start3A_577] : memref<136x16xf32, #tpu.memory_space<vmem>> -> memref<128x16xf32, #tpu.memory_space<vmem>>
        %dma_start3A_579 = tpu.memref_slice %arg15[%mul3A_574] : memref<3456xi32, #tpu.memory_space<vmem>> -> memref<128xi32, #tpu.memory_space<vmem>>
        %dma_start3A_580 = arith.constant 0 : i32
        %dma_start3A_581 = arith.constant 0 : i32
        %dma_start3A_582 = tpu.memref_slice %arg2[%dma_start3A_580, %dma_start3A_581] : memref<100000x16xf32, #tpu.memory_space<hbm>> -> memref<100000x16xf32, #tpu.memory_space<hbm>>
        tpu.enqueue_indirect_dma source(%dma_start3A_582 : memref<100000x16xf32, #tpu.memory_space<hbm>>) target(%dma_start3A_578 : memref<128x16xf32, #tpu.memory_space<vmem>>) offsets(%dma_start3A_579 : memref<128xi32, #tpu.memory_space<vmem>>) semaphore(%arg21 : memref<!tpu.dma_semaphore, #tpu.memory_space<semaphore_mem>>)
        %while3A_583 = arith.constant 0 : i32
        scf.yield %while3A_583 : i32
      }
      %while3A_439 = arith.constant 1 : i32
      %while3A_440 = scf.for %while3A_571 = %while3A_436 to %while3A_432 step %while3A_439 iter_args(%while3A_572 = %while3A_438) -> (i32)  : i32 {
        %mul3A_573 = arith.constant 128 : i32
        %mul3A_574 = arith.muli %while3A_571, %mul3A_573 : i32
        %mul3A_575 = arith.constant 128 : i32
        %mul3A_576 = arith.muli %while3A_571, %mul3A_575 : i32
        %dma_start3A_577 = arith.constant 0 : i32
        %dma_start3A_578 = tpu.memref_slice %arg17[%mul3A_576, %dma_start3A_577] : memref<136x16xf32, #tpu.memory_space<vmem>> -> memref<128x16xf32, #tpu.memory_space<vmem>>
        %dma_start3A_579 = tpu.memref_slice %arg15[%mul3A_574] : memref<3456xi32, #tpu.memory_space<vmem>> -> memref<128xi32, #tpu.memory_space<vmem>>
        %dma_start3A_580 = arith.constant 0 : i32
        %dma_start3A_581 = arith.constant 0 : i32
        %dma_start3A_582 = tpu.memref_slice %arg2[%dma_start3A_580, %dma_start3A_581] : memref<100000x16xf32, #tpu.memory_space<hbm>> -> memref<100000x16xf32, #tpu.memory_space<hbm>>
        tpu.enqueue_indirect_dma source(%dma_start3A_582 : memref<100000x16xf32, #tpu.memory_space<hbm>>) target(%dma_start3A_578 : memref<128x16xf32, #tpu.memory_space<vmem>>) offsets(%dma_start3A_579 : memref<128xi32, #tpu.memory_space<vmem>>) semaphore(%arg21 : memref<!tpu.dma_semaphore, #tpu.memory_space<semaphore_mem>>)
        %while3A_583 = arith.constant 0 : i32
        scf.yield %while3A_583 : i32
      }
      %lt3A_441 = arith.constant 499 : i32
      %lt3A_442 = arith.cmpi slt, %scan3A_162, %lt3A_441 : i32
      %convert_element_type3A_443 = arith.extui %lt3A_442 : i1 to i32
      %cond3A_444 = arith.constant 0 : i32
      %cond3A_445 = arith.cmpi ne, %convert_element_type3A_443, %cond3A_444 : i32
      scf.if %cond3A_445 {
        %add3A_571 = arith.constant 2 : i32
        %add3A_572 = arith.addi %add3A_367, %add3A_571 : i32
        %mul3A_573 = arith.constant 3200 : i32
        %mul3A_574 = arith.muli %add3A_572, %mul3A_573 : i32
        %dma_start3A_575 = tpu.memref_slice %arg3[%mul3A_574] : memref<3200000xi32, #tpu.memory_space<hbm>> -> memref<3200xi32, #tpu.memory_space<hbm>>
        %dma_start3A_576 = tpu.memref_slice %arg3[%mul3A_574] : memref<3200000xi32, #tpu.memory_space<hbm>> -> memref<3200xi32, #tpu.memory_space<hbm>>
        tpu.enqueue_dma source(%dma_start3A_576 : memref<3200xi32, #tpu.memory_space<hbm>>) target(%arg10 : memref<3200xi32, #tpu.memory_space<vmem>>) target_semaphore(%arg19 : memref<!tpu.dma_semaphore, #tpu.memory_space<semaphore_mem>>)
        %dma_start3A_577 = tpu.memref_slice %arg4[%mul3A_574] : memref<3200000xi32, #tpu.memory_space<hbm>> -> memref<3200xi32, #tpu.memory_space<hbm>>
        %dma_start3A_578 = tpu.memref_slice %arg4[%mul3A_574] : memref<3200000xi32, #tpu.memory_space<hbm>> -> memref<3200xi32, #tpu.memory_space<hbm>>
        tpu.enqueue_dma source(%dma_start3A_578 : memref<3200xi32, #tpu.memory_space<hbm>>) target(%arg11 : memref<3200xi32, #tpu.memory_space<vmem>>) target_semaphore(%arg19 : memref<!tpu.dma_semaphore, #tpu.memory_space<semaphore_mem>>)
      } else {
      }
      %add3A_446 = arith.constant 128 : i32
      %add3A_447 = arith.addi %add3A_187, %add3A_446 : i32
      %sub3A_448 = arith.constant 1 : i32
      %sub3A_449 = arith.subi %add3A_447, %sub3A_448 : i32
      %jit3A_450 = arith.constant 128 : i32
      %div3A_451 = arith.divsi %sub3A_449, %jit3A_450 : i32
      %sign3A_452 = arith.constant 0 : i32
      %sign3A_453 = arith.cmpi sgt, %sub3A_449, %sign3A_452 : i32
      %sign3A_454 = arith.extui %sign3A_453 : i1 to i32
      %sign3A_455 = arith.constant 0 : i32
      %sign3A_456 = arith.cmpi slt, %sub3A_449, %sign3A_455 : i32
      %sign3A_457 = arith.extui %sign3A_456 : i1 to i32
      %sign3A_458 = arith.subi %sign3A_454, %sign3A_457 : i32
      %sign3A_459 = arith.constant 0 : i32
      %sign3A_460 = arith.cmpi sgt, %jit3A_450, %sign3A_459 : i32
      %sign3A_461 = arith.extui %sign3A_460 : i1 to i32
      %sign3A_462 = arith.constant 0 : i32
      %sign3A_463 = arith.cmpi slt, %jit3A_450, %sign3A_462 : i32
      %sign3A_464 = arith.extui %sign3A_463 : i1 to i32
      %sign3A_465 = arith.subi %sign3A_461, %sign3A_464 : i32
      %ne3A_466 = arith.cmpi ne, %sign3A_458, %sign3A_465 : i32
      %rem3A_467 = arith.remsi %sub3A_449, %jit3A_450 : i32
      %ne3A_468 = arith.constant 0 : i32
      %ne3A_469 = arith.cmpi ne, %rem3A_467, %ne3A_468 : i32
      %and3A_470 = arith.andi %ne3A_466, %ne3A_469 : i1
      %sub3A_471 = arith.constant 1 : i32
      %sub3A_472 = arith.subi %div3A_451, %sub3A_471 : i32
      %select_n3A_473 = arith.select %and3A_470, %sub3A_472, %div3A_451 : i32
      %min3A_474 = arith.constant 1 : i32
      %min3A_475 = arith.minsi %select_n3A_473, %min3A_474 : i32
      %while3A_476 = arith.constant 0 : i32
      %while3A_477 = arith.constant 0 : i32
      %while3A_478 = arith.subi %min3A_475, %while3A_476 : i32
      %while3A_479 = arith.addi %while3A_476, %while3A_478 : i32
      %while3A_480 = arith.constant 1 : i32
      %while3A_481 = arith.divsi %while3A_478, %while3A_480 : i32
      %while3A_482 = arith.muli %while3A_481, %while3A_480 : i32
      %while3A_483 = arith.addi %while3A_476, %while3A_482 : i32
      %while3A_484 = arith.constant 1 : i32
      %while3A_485 = scf.for %while3A_571 = %while3A_476 to %while3A_483 step %while3A_484 iter_args(%while3A_572 = %while3A_477) -> (i32)  : i32 {
        %mul3A_573 = arith.constant 128 : i32
        %mul3A_574 = arith.muli %while3A_571, %mul3A_573 : i32
        %mul3A_575 = arith.constant 128 : i32
        %mul3A_576 = arith.muli %while3A_571, %mul3A_575 : i32
        %dma_wait3A_577 = arith.constant 0 : i32
        %dma_wait3A_578 = tpu.memref_slice %arg16[%mul3A_576, %dma_wait3A_577] : memref<136x16xf32, #tpu.memory_space<vmem>> -> memref<128x16xf32, #tpu.memory_space<vmem>>
        %dma_wait3A_579 = tpu.memref_slice %arg13[%mul3A_574] : memref<3456xi32, #tpu.memory_space<vmem>> -> memref<128xi32, #tpu.memory_space<vmem>>
        %dma_wait3A_580 = arith.constant 0 : i32
        %dma_wait3A_581 = arith.constant 0 : i32
        %dma_wait3A_582 = tpu.memref_slice %arg2[%dma_wait3A_580, %dma_wait3A_581] : memref<100000x16xf32, #tpu.memory_space<hbm>> -> memref<100000x16xf32, #tpu.memory_space<hbm>>
        tpu.wait_indirect_dma semaphore(%arg20 : memref<!tpu.dma_semaphore, #tpu.memory_space<semaphore_mem>>) src(%dma_wait3A_582 : memref<100000x16xf32, #tpu.memory_space<hbm>>) dst(%dma_wait3A_578 : memref<128x16xf32, #tpu.memory_space<vmem>>)
        %while3A_583 = arith.constant 0 : i32
        scf.yield %while3A_583 : i32
      }
      %while3A_486 = arith.constant 1 : i32
      %while3A_487 = scf.for %while3A_571 = %while3A_483 to %while3A_479 step %while3A_486 iter_args(%while3A_572 = %while3A_485) -> (i32)  : i32 {
        %mul3A_573 = arith.constant 128 : i32
        %mul3A_574 = arith.muli %while3A_571, %mul3A_573 : i32
        %mul3A_575 = arith.constant 128 : i32
        %mul3A_576 = arith.muli %while3A_571, %mul3A_575 : i32
        %dma_wait3A_577 = arith.constant 0 : i32
        %dma_wait3A_578 = tpu.memref_slice %arg16[%mul3A_576, %dma_wait3A_577] : memref<136x16xf32, #tpu.memory_space<vmem>> -> memref<128x16xf32, #tpu.memory_space<vmem>>
        %dma_wait3A_579 = tpu.memref_slice %arg13[%mul3A_574] : memref<3456xi32, #tpu.memory_space<vmem>> -> memref<128xi32, #tpu.memory_space<vmem>>
        %dma_wait3A_580 = arith.constant 0 : i32
        %dma_wait3A_581 = arith.constant 0 : i32
        %dma_wait3A_582 = tpu.memref_slice %arg2[%dma_wait3A_580, %dma_wait3A_581] : memref<100000x16xf32, #tpu.memory_space<hbm>> -> memref<100000x16xf32, #tpu.memory_space<hbm>>
        tpu.wait_indirect_dma semaphore(%arg20 : memref<!tpu.dma_semaphore, #tpu.memory_space<semaphore_mem>>) src(%dma_wait3A_582 : memref<100000x16xf32, #tpu.memory_space<hbm>>) dst(%dma_wait3A_578 : memref<128x16xf32, #tpu.memory_space<vmem>>)
        %while3A_583 = arith.constant 0 : i32
        scf.yield %while3A_583 : i32
      }
      %sub3A_488 = arith.constant 0 : i32
      %sub3A_489 = arith.subi %add3A_187, %sub3A_488 : i32
      %mul3A_490 = arith.constant 128 : i32
      %mul3A_491 = arith.muli %min3A_475, %mul3A_490 : i32
      %jit3A_492 = arith.constant 0 : i32
      %max3A_493 = arith.maxsi %jit3A_492, %sub3A_489 : i32
      %min3A_494 = arith.minsi %mul3A_491, %max3A_493 : i32
      %add3A_495 = arith.constant 1 : i32
      %add3A_496 = arith.addi %min3A_494, %add3A_495 : i32
      %jit3A_497 = arith.constant 2 : i32
      %div3A_498 = arith.divsi %add3A_496, %jit3A_497 : i32
      %sign3A_499 = arith.constant 0 : i32
      %sign3A_500 = arith.cmpi sgt, %add3A_496, %sign3A_499 : i32
      %sign3A_501 = arith.extui %sign3A_500 : i1 to i32
      %sign3A_502 = arith.constant 0 : i32
      %sign3A_503 = arith.cmpi slt, %add3A_496, %sign3A_502 : i32
      %sign3A_504 = arith.extui %sign3A_503 : i1 to i32
      %sign3A_505 = arith.subi %sign3A_501, %sign3A_504 : i32
      %sign3A_506 = arith.constant 0 : i32
      %sign3A_507 = arith.cmpi sgt, %jit3A_497, %sign3A_506 : i32
      %sign3A_508 = arith.extui %sign3A_507 : i1 to i32
      %sign3A_509 = arith.constant 0 : i32
      %sign3A_510 = arith.cmpi slt, %jit3A_497, %sign3A_509 : i32
      %sign3A_511 = arith.extui %sign3A_510 : i1 to i32
      %sign3A_512 = arith.subi %sign3A_508, %sign3A_511 : i32
      %ne3A_513 = arith.cmpi ne, %sign3A_505, %sign3A_512 : i32
      %rem3A_514 = arith.remsi %add3A_496, %jit3A_497 : i32
      %ne3A_515 = arith.constant 0 : i32
      %ne3A_516 = arith.cmpi ne, %rem3A_514, %ne3A_515 : i32
      %and3A_517 = arith.andi %ne3A_513, %ne3A_516 : i1
      %sub3A_518 = arith.constant 1 : i32
      %sub3A_519 = arith.subi %div3A_498, %sub3A_518 : i32
      %select_n3A_520 = arith.select %and3A_517, %sub3A_519, %div3A_498 : i32
      %add3A_521 = arith.constant 3 : i32
      %add3A_522 = arith.addi %select_n3A_520, %add3A_521 : i32
      %jit3A_523 = arith.constant 4 : i32
      %div3A_524 = arith.divsi %add3A_522, %jit3A_523 : i32
      %sign3A_525 = arith.constant 0 : i32
      %sign3A_526 = arith.cmpi sgt, %add3A_522, %sign3A_525 : i32
      %sign3A_527 = arith.extui %sign3A_526 : i1 to i32
      %sign3A_528 = arith.constant 0 : i32
      %sign3A_529 = arith.cmpi slt, %add3A_522, %sign3A_528 : i32
      %sign3A_530 = arith.extui %sign3A_529 : i1 to i32
      %sign3A_531 = arith.subi %sign3A_527, %sign3A_530 : i32
      %sign3A_532 = arith.constant 0 : i32
      %sign3A_533 = arith.cmpi sgt, %jit3A_523, %sign3A_532 : i32
      %sign3A_534 = arith.extui %sign3A_533 : i1 to i32
      %sign3A_535 = arith.constant 0 : i32
      %sign3A_536 = arith.cmpi slt, %jit3A_523, %sign3A_535 : i32
      %sign3A_537 = arith.extui %sign3A_536 : i1 to i32
      %sign3A_538 = arith.subi %sign3A_534, %sign3A_537 : i32
      %ne3A_539 = arith.cmpi ne, %sign3A_531, %sign3A_538 : i32
      %rem3A_540 = arith.remsi %add3A_522, %jit3A_523 : i32
      %ne3A_541 = arith.constant 0 : i32
      %ne3A_542 = arith.cmpi ne, %rem3A_540, %ne3A_541 : i32
      %and3A_543 = arith.andi %ne3A_539, %ne3A_542 : i1
      %sub3A_544 = arith.constant 1 : i32
      %sub3A_545 = arith.subi %div3A_524, %sub3A_544 : i32
      %select_n3A_546 = arith.select %and3A_543, %sub3A_545, %div3A_524 : i32
      %while3A_547 = arith.constant 0 : i32
      %while3A_548 = arith.constant 0 : i32
      %while3A_549 = arith.subi %select_n3A_546, %while3A_547 : i32
      %while3A_550 = arith.addi %while3A_547, %while3A_549 : i32
      %while3A_551 = arith.constant 1 : i32
      %while3A_552 = arith.divsi %while3A_549, %while3A_551 : i32
      %while3A_553 = arith.muli %while3A_552, %while3A_551 : i32
      %while3A_554 = arith.addi %while3A_547, %while3A_553 : i32
      %while3A_555 = arith.constant 1 : i32
      %while3A_556 = scf.for %while3A_571 = %while3A_547 to %while3A_554 step %while3A_555 iter_args(%while3A_572 = %while3A_548) -> (i32)  : i32 {
        %mul3A_573 = arith.constant 8 : i32
        %mul3A_574 = arith.muli %mul3A_573, %while3A_571 : i32
        %add3A_575 = arith.constant 0 : i32
        %add3A_576 = arith.addi %add3A_575, %mul3A_574 : i32
        %add3A_577 = arith.constant 0 : i32
        %add3A_578 = arith.addi %add3A_576, %add3A_577 : i32
        %mul3A_579 = arith.constant 8 : i32
        %mul3A_580 = arith.muli %mul3A_579, %while3A_571 : i32
        %add3A_581 = arith.constant 0 : i32
        %add3A_582 = arith.addi %mul3A_580, %add3A_581 : i32
        %broadcast_in_dim3A_583 = vector.broadcast %add3A_578 : i32 to vector<16xi32>
        %gather3A = tpu.vector_load_idx %arg12[%broadcast_in_dim3A_583] : memref<3456xi32, #tpu.memory_space<vmem>>[vector<16xi32>], vector<16xi32>,
        %add3A_584 = arith.constant 1 : i32
        %add3A_585 = arith.addi %add3A_578, %add3A_584 : i32
        %broadcast_in_dim3A_586 = vector.broadcast %add3A_585 : i32 to vector<16xi32>
        %gather3A_587 = tpu.vector_load_idx %arg12[%broadcast_in_dim3A_586] : memref<3456xi32, #tpu.memory_space<vmem>>[vector<16xi32>], vector<16xi32>,
        %get3A = arith.index_cast %add3A_582 : i32 to index
        %get3A_588 = arith.constant 0 : index
        %get3A_589 = tpu.vector_load %arg16[%get3A, %get3A_588] {strides = array<i32>} : memref<136x16xf32, #tpu.memory_space<vmem>>, vector<16xf32>,
        %add3A_590 = arith.constant 1 : i32
        %add3A_591 = arith.addi %add3A_582, %add3A_590 : i32
        %get3A_592 = arith.index_cast %add3A_591 : i32 to index
        %get3A_593 = arith.constant 0 : index
        %get3A_594 = tpu.vector_load %arg16[%get3A_592, %get3A_593] {strides = array<i32>} : memref<136x16xf32, #tpu.memory_space<vmem>>, vector<16xf32>,
        %mul3A_595 = arith.constant 16 : i32
        %mul3A_596 = vector.broadcast %mul3A_595 : i32 to vector<16xi32>
        %mul3A_597 = arith.muli %gather3A, %mul3A_596 : vector<16xi32>
        %add3A_598 = arith.addi %mul3A_597, %iota3A : vector<16xi32>
        %mul3A_599 = arith.constant 16 : i32
        %mul3A_600 = vector.broadcast %mul3A_599 : i32 to vector<16xi32>
        %mul3A_601 = arith.muli %gather3A_587, %mul3A_600 : vector<16xi32>
        %add3A_602 = arith.addi %mul3A_601, %iota3A : vector<16xi32>
        %gather3A_603 = tpu.vector_load_idx %arg6[%add3A_598] : memref<50016xf32, #tpu.memory_space<vmem>>[vector<16xi32>], vector<16xf32>,
        %gather3A_604 = tpu.vector_load_idx %arg7[%add3A_602] : memref<50016xf32, #tpu.memory_space<vmem>>[vector<16xi32>], vector<16xf32>,
        %max3A_605 = arith.maximumf %gather3A_603, %get3A_589 : vector<16xf32>
        tpu.vector_store_idx %arg6[%add3A_598], %max3A_605 : memref<50016xf32, #tpu.memory_space<vmem>>[vector<16xi32>], vector<16xf32>,
        %max3A_606 = arith.maximumf %gather3A_604, %get3A_594 : vector<16xf32>
        tpu.vector_store_idx %arg7[%add3A_602], %max3A_606 : memref<50016xf32, #tpu.memory_space<vmem>>[vector<16xi32>], vector<16xf32>,
        %mul3A_607 = arith.constant 8 : i32
        %mul3A_608 = arith.muli %mul3A_607, %while3A_571 : i32
        %add3A_609 = arith.constant 0 : i32
        %add3A_610 = arith.addi %add3A_609, %mul3A_608 : i32
        %add3A_611 = arith.constant 2 : i32
        %add3A_612 = arith.addi %add3A_610, %add3A_611 : i32
        %mul3A_613 = arith.constant 8 : i32
        %mul3A_614 = arith.muli %mul3A_613, %while3A_571 : i32
        %add3A_615 = arith.constant 2 : i32
        %add3A_616 = arith.addi %mul3A_614, %add3A_615 : i32
        %broadcast_in_dim3A_617 = vector.broadcast %add3A_612 : i32 to vector<16xi32>
        %gather3A_618 = tpu.vector_load_idx %arg12[%broadcast_in_dim3A_617] : memref<3456xi32, #tpu.memory_space<vmem>>[vector<16xi32>], vector<16xi32>,
        %add3A_619 = arith.constant 1 : i32
        %add3A_620 = arith.addi %add3A_612, %add3A_619 : i32
        %broadcast_in_dim3A_621 = vector.broadcast %add3A_620 : i32 to vector<16xi32>
        %gather3A_622 = tpu.vector_load_idx %arg12[%broadcast_in_dim3A_621] : memref<3456xi32, #tpu.memory_space<vmem>>[vector<16xi32>], vector<16xi32>,
        %get3A_623 = arith.index_cast %add3A_616 : i32 to index
        %get3A_624 = arith.constant 0 : index
        %get3A_625 = tpu.vector_load %arg16[%get3A_623, %get3A_624] {strides = array<i32>} : memref<136x16xf32, #tpu.memory_space<vmem>>, vector<16xf32>,
        %add3A_626 = arith.constant 1 : i32
        %add3A_627 = arith.addi %add3A_616, %add3A_626 : i32
        %get3A_628 = arith.index_cast %add3A_627 : i32 to index
        %get3A_629 = arith.constant 0 : index
        %get3A_630 = tpu.vector_load %arg16[%get3A_628, %get3A_629] {strides = array<i32>} : memref<136x16xf32, #tpu.memory_space<vmem>>, vector<16xf32>,
        %mul3A_631 = arith.constant 16 : i32
        %mul3A_632 = vector.broadcast %mul3A_631 : i32 to vector<16xi32>
        %mul3A_633 = arith.muli %gather3A_618, %mul3A_632 : vector<16xi32>
        %add3A_634 = arith.addi %mul3A_633, %iota3A : vector<16xi32>
        %mul3A_635 = arith.constant 16 : i32
        %mul3A_636 = vector.broadcast %mul3A_635 : i32 to vector<16xi32>
        %mul3A_637 = arith.muli %gather3A_622, %mul3A_636 : vector<16xi32>
        %add3A_638 = arith.addi %mul3A_637, %iota3A : vector<16xi32>
        %gather3A_639 = tpu.vector_load_idx %arg6[%add3A_634] : memref<50016xf32, #tpu.memory_space<vmem>>[vector<16xi32>], vector<16xf32>,
        %gather3A_640 = tpu.vector_load_idx %arg7[%add3A_638] : memref<50016xf32, #tpu.memory_space<vmem>>[vector<16xi32>], vector<16xf32>,
        %max3A_641 = arith.maximumf %gather3A_639, %get3A_625 : vector<16xf32>
        tpu.vector_store_idx %arg6[%add3A_634], %max3A_641 : memref<50016xf32, #tpu.memory_space<vmem>>[vector<16xi32>], vector<16xf32>,
        %max3A_642 = arith.maximumf %gather3A_640, %get3A_630 : vector<16xf32>
        tpu.vector_store_idx %arg7[%add3A_638], %max3A_642 : memref<50016xf32, #tpu.memory_space<vmem>>[vector<16xi32>], vector<16xf32>,
        %mul3A_643 = arith.constant 8 : i32
        %mul3A_644 = arith.muli %mul3A_643, %while3A_571 : i32
        %add3A_645 = arith.constant 0 : i32
        %add3A_646 = arith.addi %add3A_645, %mul3A_644 : i32
        %add3A_647 = arith.constant 4 : i32
        %add3A_648 = arith.addi %add3A_646, %add3A_647 : i32
        %mul3A_649 = arith.constant 8 : i32
        %mul3A_650 = arith.muli %mul3A_649, %while3A_571 : i32
        %add3A_651 = arith.constant 4 : i32
        %add3A_652 = arith.addi %mul3A_650, %add3A_651 : i32
        %broadcast_in_dim3A_653 = vector.broadcast %add3A_648 : i32 to vector<16xi32>
        %gather3A_654 = tpu.vector_load_idx %arg12[%broadcast_in_dim3A_653] : memref<3456xi32, #tpu.memory_space<vmem>>[vector<16xi32>], vector<16xi32>,
        %add3A_655 = arith.constant 1 : i32
        %add3A_656 = arith.addi %add3A_648, %add3A_655 : i32
        %broadcast_in_dim3A_657 = vector.broadcast %add3A_656 : i32 to vector<16xi32>
        %gather3A_658 = tpu.vector_load_idx %arg12[%broadcast_in_dim3A_657] : memref<3456xi32, #tpu.memory_space<vmem>>[vector<16xi32>], vector<16xi32>,
        %get3A_659 = arith.index_cast %add3A_652 : i32 to index
        %get3A_660 = arith.constant 0 : index
        %get3A_661 = tpu.vector_load %arg16[%get3A_659, %get3A_660] {strides = array<i32>} : memref<136x16xf32, #tpu.memory_space<vmem>>, vector<16xf32>,
        %add3A_662 = arith.constant 1 : i32
        %add3A_663 = arith.addi %add3A_652, %add3A_662 : i32
        %get3A_664 = arith.index_cast %add3A_663 : i32 to index
        %get3A_665 = arith.constant 0 : index
        %get3A_666 = tpu.vector_load %arg16[%get3A_664, %get3A_665] {strides = array<i32>} : memref<136x16xf32, #tpu.memory_space<vmem>>, vector<16xf32>,
        %mul3A_667 = arith.constant 16 : i32
        %mul3A_668 = vector.broadcast %mul3A_667 : i32 to vector<16xi32>
        %mul3A_669 = arith.muli %gather3A_654, %mul3A_668 : vector<16xi32>
        %add3A_670 = arith.addi %mul3A_669, %iota3A : vector<16xi32>
        %mul3A_671 = arith.constant 16 : i32
        %mul3A_672 = vector.broadcast %mul3A_671 : i32 to vector<16xi32>
        %mul3A_673 = arith.muli %gather3A_658, %mul3A_672 : vector<16xi32>
        %add3A_674 = arith.addi %mul3A_673, %iota3A : vector<16xi32>
        %gather3A_675 = tpu.vector_load_idx %arg6[%add3A_670] : memref<50016xf32, #tpu.memory_space<vmem>>[vector<16xi32>], vector<16xf32>,
        %gather3A_676 = tpu.vector_load_idx %arg7[%add3A_674] : memref<50016xf32, #tpu.memory_space<vmem>>[vector<16xi32>], vector<16xf32>,
        %max3A_677 = arith.maximumf %gather3A_675, %get3A_661 : vector<16xf32>
        tpu.vector_store_idx %arg6[%add3A_670], %max3A_677 : memref<50016xf32, #tpu.memory_space<vmem>>[vector<16xi32>], vector<16xf32>,
        %max3A_678 = arith.maximumf %gather3A_676, %get3A_666 : vector<16xf32>
        tpu.vector_store_idx %arg7[%add3A_674], %max3A_678 : memref<50016xf32, #tpu.memory_space<vmem>>[vector<16xi32>], vector<16xf32>,
        %mul3A_679 = arith.constant 8 : i32
        %mul3A_680 = arith.muli %mul3A_679, %while3A_571 : i32
        %add3A_681 = arith.constant 0 : i32
        %add3A_682 = arith.addi %add3A_681, %mul3A_680 : i32
        %add3A_683 = arith.constant 6 : i32
        %add3A_684 = arith.addi %add3A_682, %add3A_683 : i32
        %mul3A_685 = arith.constant 8 : i32
        %mul3A_686 = arith.muli %mul3A_685, %while3A_571 : i32
        %add3A_687 = arith.constant 6 : i32
        %add3A_688 = arith.addi %mul3A_686, %add3A_687 : i32
        %broadcast_in_dim3A_689 = vector.broadcast %add3A_684 : i32 to vector<16xi32>
        %gather3A_690 = tpu.vector_load_idx %arg12[%broadcast_in_dim3A_689] : memref<3456xi32, #tpu.memory_space<vmem>>[vector<16xi32>], vector<16xi32>,
        %add3A_691 = arith.constant 1 : i32
        %add3A_692 = arith.addi %add3A_684, %add3A_691 : i32
        %broadcast_in_dim3A_693 = vector.broadcast %add3A_692 : i32 to vector<16xi32>
        %gather3A_694 = tpu.vector_load_idx %arg12[%broadcast_in_dim3A_693] : memref<3456xi32, #tpu.memory_space<vmem>>[vector<16xi32>], vector<16xi32>,
        %get3A_695 = arith.index_cast %add3A_688 : i32 to index
        %get3A_696 = arith.constant 0 : index
        %get3A_697 = tpu.vector_load %arg16[%get3A_695, %get3A_696] {strides = array<i32>} : memref<136x16xf32, #tpu.memory_space<vmem>>, vector<16xf32>,
        %add3A_698 = arith.constant 1 : i32
        %add3A_699 = arith.addi %add3A_688, %add3A_698 : i32
        %get3A_700 = arith.index_cast %add3A_699 : i32 to index
        %get3A_701 = arith.constant 0 : index
        %get3A_702 = tpu.vector_load %arg16[%get3A_700, %get3A_701] {strides = array<i32>} : memref<136x16xf32, #tpu.memory_space<vmem>>, vector<16xf32>,
        %mul3A_703 = arith.constant 16 : i32
        %mul3A_704 = vector.broadcast %mul3A_703 : i32 to vector<16xi32>
        %mul3A_705 = arith.muli %gather3A_690, %mul3A_704 : vector<16xi32>
        %add3A_706 = arith.addi %mul3A_705, %iota3A : vector<16xi32>
        %mul3A_707 = arith.constant 16 : i32
        %mul3A_708 = vector.broadcast %mul3A_707 : i32 to vector<16xi32>
        %mul3A_709 = arith.muli %gather3A_694, %mul3A_708 : vector<16xi32>
        %add3A_710 = arith.addi %mul3A_709, %iota3A : vector<16xi32>
        %gather3A_711 = tpu.vector_load_idx %arg6[%add3A_706] : memref<50016xf32, #tpu.memory_space<vmem>>[vector<16xi32>], vector<16xf32>,
        %gather3A_712 = tpu.vector_load_idx %arg7[%add3A_710] : memref<50016xf32, #tpu.memory_space<vmem>>[vector<16xi32>], vector<16xf32>,
        %max3A_713 = arith.maximumf %gather3A_711, %get3A_697 : vector<16xf32>
        tpu.vector_store_idx %arg6[%add3A_706], %max3A_713 : memref<50016xf32, #tpu.memory_space<vmem>>[vector<16xi32>], vector<16xf32>,
        %max3A_714 = arith.maximumf %gather3A_712, %get3A_702 : vector<16xf32>
        tpu.vector_store_idx %arg7[%add3A_710], %max3A_714 : memref<50016xf32, #tpu.memory_space<vmem>>[vector<16xi32>], vector<16xf32>,
        %while3A_715 = arith.constant 0 : i32
        scf.yield %while3A_715 : i32
      }
      %while3A_557 = arith.constant 1 : i32
      %while3A_558 = scf.for %while3A_571 = %while3A_554 to %while3A_550 step %while3A_557 iter_args(%while3A_572 = %while3A_556) -> (i32)  : i32 {
        %mul3A_573 = arith.constant 8 : i32
        %mul3A_574 = arith.muli %mul3A_573, %while3A_571 : i32
        %add3A_575 = arith.constant 0 : i32
        %add3A_576 = arith.addi %add3A_575, %mul3A_574 : i32
        %add3A_577 = arith.constant 0 : i32
        %add3A_578 = arith.addi %add3A_576, %add3A_577 : i32
        %mul3A_579 = arith.constant 8 : i32
        %mul3A_580 = arith.muli %mul3A_579, %while3A_571 : i32
        %add3A_581 = arith.constant 0 : i32
        %add3A_582 = arith.addi %mul3A_580, %add3A_581 : i32
        %broadcast_in_dim3A_583 = vector.broadcast %add3A_578 : i32 to vector<16xi32>
        %gather3A = tpu.vector_load_idx %arg12[%broadcast_in_dim3A_583] : memref<3456xi32, #tpu.memory_space<vmem>>[vector<16xi32>], vector<16xi32>,
        %add3A_584 = arith.constant 1 : i32
        %add3A_585 = arith.addi %add3A_578, %add3A_584 : i32
        %broadcast_in_dim3A_586 = vector.broadcast %add3A_585 : i32 to vector<16xi32>
        %gather3A_587 = tpu.vector_load_idx %arg12[%broadcast_in_dim3A_586] : memref<3456xi32, #tpu.memory_space<vmem>>[vector<16xi32>], vector<16xi32>,
        %get3A = arith.index_cast %add3A_582 : i32 to index
        %get3A_588 = arith.constant 0 : index
        %get3A_589 = tpu.vector_load %arg16[%get3A, %get3A_588] {strides = array<i32>} : memref<136x16xf32, #tpu.memory_space<vmem>>, vector<16xf32>,
        %add3A_590 = arith.constant 1 : i32
        %add3A_591 = arith.addi %add3A_582, %add3A_590 : i32
        %get3A_592 = arith.index_cast %add3A_591 : i32 to index
        %get3A_593 = arith.constant 0 : index
        %get3A_594 = tpu.vector_load %arg16[%get3A_592, %get3A_593] {strides = array<i32>} : memref<136x16xf32, #tpu.memory_space<vmem>>, vector<16xf32>,
        %mul3A_595 = arith.constant 16 : i32
        %mul3A_596 = vector.broadcast %mul3A_595 : i32 to vector<16xi32>
        %mul3A_597 = arith.muli %gather3A, %mul3A_596 : vector<16xi32>
        %add3A_598 = arith.addi %mul3A_597, %iota3A : vector<16xi32>
        %mul3A_599 = arith.constant 16 : i32
        %mul3A_600 = vector.broadcast %mul3A_599 : i32 to vector<16xi32>
        %mul3A_601 = arith.muli %gather3A_587, %mul3A_600 : vector<16xi32>
        %add3A_602 = arith.addi %mul3A_601, %iota3A : vector<16xi32>
        %gather3A_603 = tpu.vector_load_idx %arg6[%add3A_598] : memref<50016xf32, #tpu.memory_space<vmem>>[vector<16xi32>], vector<16xf32>,
        %gather3A_604 = tpu.vector_load_idx %arg7[%add3A_602] : memref<50016xf32, #tpu.memory_space<vmem>>[vector<16xi32>], vector<16xf32>,
        %max3A_605 = arith.maximumf %gather3A_603, %get3A_589 : vector<16xf32>
        tpu.vector_store_idx %arg6[%add3A_598], %max3A_605 : memref<50016xf32, #tpu.memory_space<vmem>>[vector<16xi32>], vector<16xf32>,
        %max3A_606 = arith.maximumf %gather3A_604, %get3A_594 : vector<16xf32>
        tpu.vector_store_idx %arg7[%add3A_602], %max3A_606 : memref<50016xf32, #tpu.memory_space<vmem>>[vector<16xi32>], vector<16xf32>,
        %mul3A_607 = arith.constant 8 : i32
        %mul3A_608 = arith.muli %mul3A_607, %while3A_571 : i32
        %add3A_609 = arith.constant 0 : i32
        %add3A_610 = arith.addi %add3A_609, %mul3A_608 : i32
        %add3A_611 = arith.constant 2 : i32
        %add3A_612 = arith.addi %add3A_610, %add3A_611 : i32
        %mul3A_613 = arith.constant 8 : i32
        %mul3A_614 = arith.muli %mul3A_613, %while3A_571 : i32
        %add3A_615 = arith.constant 2 : i32
        %add3A_616 = arith.addi %mul3A_614, %add3A_615 : i32
        %broadcast_in_dim3A_617 = vector.broadcast %add3A_612 : i32 to vector<16xi32>
        %gather3A_618 = tpu.vector_load_idx %arg12[%broadcast_in_dim3A_617] : memref<3456xi32, #tpu.memory_space<vmem>>[vector<16xi32>], vector<16xi32>,
        %add3A_619 = arith.constant 1 : i32
        %add3A_620 = arith.addi %add3A_612, %add3A_619 : i32
        %broadcast_in_dim3A_621 = vector.broadcast %add3A_620 : i32 to vector<16xi32>
        %gather3A_622 = tpu.vector_load_idx %arg12[%broadcast_in_dim3A_621] : memref<3456xi32, #tpu.memory_space<vmem>>[vector<16xi32>], vector<16xi32>,
        %get3A_623 = arith.index_cast %add3A_616 : i32 to index
        %get3A_624 = arith.constant 0 : index
        %get3A_625 = tpu.vector_load %arg16[%get3A_623, %get3A_624] {strides = array<i32>} : memref<136x16xf32, #tpu.memory_space<vmem>>, vector<16xf32>,
        %add3A_626 = arith.constant 1 : i32
        %add3A_627 = arith.addi %add3A_616, %add3A_626 : i32
        %get3A_628 = arith.index_cast %add3A_627 : i32 to index
        %get3A_629 = arith.constant 0 : index
        %get3A_630 = tpu.vector_load %arg16[%get3A_628, %get3A_629] {strides = array<i32>} : memref<136x16xf32, #tpu.memory_space<vmem>>, vector<16xf32>,
        %mul3A_631 = arith.constant 16 : i32
        %mul3A_632 = vector.broadcast %mul3A_631 : i32 to vector<16xi32>
        %mul3A_633 = arith.muli %gather3A_618, %mul3A_632 : vector<16xi32>
        %add3A_634 = arith.addi %mul3A_633, %iota3A : vector<16xi32>
        %mul3A_635 = arith.constant 16 : i32
        %mul3A_636 = vector.broadcast %mul3A_635 : i32 to vector<16xi32>
        %mul3A_637 = arith.muli %gather3A_622, %mul3A_636 : vector<16xi32>
        %add3A_638 = arith.addi %mul3A_637, %iota3A : vector<16xi32>
        %gather3A_639 = tpu.vector_load_idx %arg6[%add3A_634] : memref<50016xf32, #tpu.memory_space<vmem>>[vector<16xi32>], vector<16xf32>,
        %gather3A_640 = tpu.vector_load_idx %arg7[%add3A_638] : memref<50016xf32, #tpu.memory_space<vmem>>[vector<16xi32>], vector<16xf32>,
        %max3A_641 = arith.maximumf %gather3A_639, %get3A_625 : vector<16xf32>
        tpu.vector_store_idx %arg6[%add3A_634], %max3A_641 : memref<50016xf32, #tpu.memory_space<vmem>>[vector<16xi32>], vector<16xf32>,
        %max3A_642 = arith.maximumf %gather3A_640, %get3A_630 : vector<16xf32>
        tpu.vector_store_idx %arg7[%add3A_638], %max3A_642 : memref<50016xf32, #tpu.memory_space<vmem>>[vector<16xi32>], vector<16xf32>,
        %mul3A_643 = arith.constant 8 : i32
        %mul3A_644 = arith.muli %mul3A_643, %while3A_571 : i32
        %add3A_645 = arith.constant 0 : i32
        %add3A_646 = arith.addi %add3A_645, %mul3A_644 : i32
        %add3A_647 = arith.constant 4 : i32
        %add3A_648 = arith.addi %add3A_646, %add3A_647 : i32
        %mul3A_649 = arith.constant 8 : i32
        %mul3A_650 = arith.muli %mul3A_649, %while3A_571 : i32
        %add3A_651 = arith.constant 4 : i32
        %add3A_652 = arith.addi %mul3A_650, %add3A_651 : i32
        %broadcast_in_dim3A_653 = vector.broadcast %add3A_648 : i32 to vector<16xi32>
        %gather3A_654 = tpu.vector_load_idx %arg12[%broadcast_in_dim3A_653] : memref<3456xi32, #tpu.memory_space<vmem>>[vector<16xi32>], vector<16xi32>,
        %add3A_655 = arith.constant 1 : i32
        %add3A_656 = arith.addi %add3A_648, %add3A_655 : i32
        %broadcast_in_dim3A_657 = vector.broadcast %add3A_656 : i32 to vector<16xi32>
        %gather3A_658 = tpu.vector_load_idx %arg12[%broadcast_in_dim3A_657] : memref<3456xi32, #tpu.memory_space<vmem>>[vector<16xi32>], vector<16xi32>,
        %get3A_659 = arith.index_cast %add3A_652 : i32 to index
        %get3A_660 = arith.constant 0 : index
        %get3A_661 = tpu.vector_load %arg16[%get3A_659, %get3A_660] {strides = array<i32>} : memref<136x16xf32, #tpu.memory_space<vmem>>, vector<16xf32>,
        %add3A_662 = arith.constant 1 : i32
        %add3A_663 = arith.addi %add3A_652, %add3A_662 : i32
        %get3A_664 = arith.index_cast %add3A_663 : i32 to index
        %get3A_665 = arith.constant 0 : index
        %get3A_666 = tpu.vector_load %arg16[%get3A_664, %get3A_665] {strides = array<i32>} : memref<136x16xf32, #tpu.memory_space<vmem>>, vector<16xf32>,
        %mul3A_667 = arith.constant 16 : i32
        %mul3A_668 = vector.broadcast %mul3A_667 : i32 to vector<16xi32>
        %mul3A_669 = arith.muli %gather3A_654, %mul3A_668 : vector<16xi32>
        %add3A_670 = arith.addi %mul3A_669, %iota3A : vector<16xi32>
        %mul3A_671 = arith.constant 16 : i32
        %mul3A_672 = vector.broadcast %mul3A_671 : i32 to vector<16xi32>
        %mul3A_673 = arith.muli %gather3A_658, %mul3A_672 : vector<16xi32>
        %add3A_674 = arith.addi %mul3A_673, %iota3A : vector<16xi32>
        %gather3A_675 = tpu.vector_load_idx %arg6[%add3A_670] : memref<50016xf32, #tpu.memory_space<vmem>>[vector<16xi32>], vector<16xf32>,
        %gather3A_676 = tpu.vector_load_idx %arg7[%add3A_674] : memref<50016xf32, #tpu.memory_space<vmem>>[vector<16xi32>], vector<16xf32>,
        %max3A_677 = arith.maximumf %gather3A_675, %get3A_661 : vector<16xf32>
        tpu.vector_store_idx %arg6[%add3A_670], %max3A_677 : memref<50016xf32, #tpu.memory_space<vmem>>[vector<16xi32>], vector<16xf32>,
        %max3A_678 = arith.maximumf %gather3A_676, %get3A_666 : vector<16xf32>
        tpu.vector_store_idx %arg7[%add3A_674], %max3A_678 : memref<50016xf32, #tpu.memory_space<vmem>>[vector<16xi32>], vector<16xf32>,
        %mul3A_679 = arith.constant 8 : i32
        %mul3A_680 = arith.muli %mul3A_679, %while3A_571 : i32
        %add3A_681 = arith.constant 0 : i32
        %add3A_682 = arith.addi %add3A_681, %mul3A_680 : i32
        %add3A_683 = arith.constant 6 : i32
        %add3A_684 = arith.addi %add3A_682, %add3A_683 : i32
        %mul3A_685 = arith.constant 8 : i32
        %mul3A_686 = arith.muli %mul3A_685, %while3A_571 : i32
        %add3A_687 = arith.constant 6 : i32
        %add3A_688 = arith.addi %mul3A_686, %add3A_687 : i32
        %broadcast_in_dim3A_689 = vector.broadcast %add3A_684 : i32 to vector<16xi32>
        %gather3A_690 = tpu.vector_load_idx %arg12[%broadcast_in_dim3A_689] : memref<3456xi32, #tpu.memory_space<vmem>>[vector<16xi32>], vector<16xi32>,
        %add3A_691 = arith.constant 1 : i32
        %add3A_692 = arith.addi %add3A_684, %add3A_691 : i32
        %broadcast_in_dim3A_693 = vector.broadcast %add3A_692 : i32 to vector<16xi32>
        %gather3A_694 = tpu.vector_load_idx %arg12[%broadcast_in_dim3A_693] : memref<3456xi32, #tpu.memory_space<vmem>>[vector<16xi32>], vector<16xi32>,
        %get3A_695 = arith.index_cast %add3A_688 : i32 to index
        %get3A_696 = arith.constant 0 : index
        %get3A_697 = tpu.vector_load %arg16[%get3A_695, %get3A_696] {strides = array<i32>} : memref<136x16xf32, #tpu.memory_space<vmem>>, vector<16xf32>,
        %add3A_698 = arith.constant 1 : i32
        %add3A_699 = arith.addi %add3A_688, %add3A_698 : i32
        %get3A_700 = arith.index_cast %add3A_699 : i32 to index
        %get3A_701 = arith.constant 0 : index
        %get3A_702 = tpu.vector_load %arg16[%get3A_700, %get3A_701] {strides = array<i32>} : memref<136x16xf32, #tpu.memory_space<vmem>>, vector<16xf32>,
        %mul3A_703 = arith.constant 16 : i32
        %mul3A_704 = vector.broadcast %mul3A_703 : i32 to vector<16xi32>
        %mul3A_705 = arith.muli %gather3A_690, %mul3A_704 : vector<16xi32>
        %add3A_706 = arith.addi %mul3A_705, %iota3A : vector<16xi32>
        %mul3A_707 = arith.constant 16 : i32
        %mul3A_708 = vector.broadcast %mul3A_707 : i32 to vector<16xi32>
        %mul3A_709 = arith.muli %gather3A_694, %mul3A_708 : vector<16xi32>
        %add3A_710 = arith.addi %mul3A_709, %iota3A : vector<16xi32>
        %gather3A_711 = tpu.vector_load_idx %arg6[%add3A_706] : memref<50016xf32, #tpu.memory_space<vmem>>[vector<16xi32>], vector<16xf32>,
        %gather3A_712 = tpu.vector_load_idx %arg7[%add3A_710] : memref<50016xf32, #tpu.memory_space<vmem>>[vector<16xi32>], vector<16xf32>,
        %max3A_713 = arith.maximumf %gather3A_711, %get3A_697 : vector<16xf32>
        tpu.vector_store_idx %arg6[%add3A_706], %max3A_713 : memref<50016xf32, #tpu.memory_space<vmem>>[vector<16xi32>], vector<16xf32>,
        %max3A_714 = arith.maximumf %gather3A_712, %get3A_702 : vector<16xf32>
        tpu.vector_store_idx %arg7[%add3A_710], %max3A_714 : memref<50016xf32, #tpu.memory_space<vmem>>[vector<16xi32>], vector<16xf32>,
        %while3A_715 = arith.constant 0 : i32
        scf.yield %while3A_715 : i32
      }
      %while3A_559 = arith.constant 1 : i32
      %while3A_560 = arith.constant 0 : i32
      %while3A_561 = arith.subi %select_n3A_473, %while3A_559 : i32
      %while3A_562 = arith.addi %while3A_559, %while3A_561 : i32
      %while3A_563 = arith.constant 1 : i32
      %while3A_564 = arith.divsi %while3A_561, %while3A_563 : i32
      %while3A_565 = arith.muli %while3A_564, %while3A_563 : i32
      %while3A_566 = arith.addi %while3A_559, %while3A_565 : i32
      %while3A_567 = arith.constant 1 : i32
      %while3A_568 = scf.for %while3A_571 = %while3A_559 to %while3A_566 step %while3A_567 iter_args(%while3A_572 = %while3A_560) -> (i32)  : i32 {
        %mul3A_573 = arith.constant 128 : i32
        %mul3A_574 = arith.muli %while3A_571, %mul3A_573 : i32
        %dma_start3A_575 = arith.constant 0 : i32
        %dma_start3A_576 = arith.constant 0 : i32
        %dma_start3A_577 = tpu.memref_slice %arg16[%dma_start3A_575, %dma_start3A_576] : memref<136x16xf32, #tpu.memory_space<vmem>> -> memref<128x16xf32, #tpu.memory_space<vmem>>
        %dma_start3A_578 = tpu.memref_slice %arg13[%mul3A_574] : memref<3456xi32, #tpu.memory_space<vmem>> -> memref<128xi32, #tpu.memory_space<vmem>>
        %dma_start3A_579 = arith.constant 0 : i32
        %dma_start3A_580 = arith.constant 0 : i32
        %dma_start3A_581 = tpu.memref_slice %arg2[%dma_start3A_579, %dma_start3A_580] : memref<100000x16xf32, #tpu.memory_space<hbm>> -> memref<100000x16xf32, #tpu.memory_space<hbm>>
        tpu.enqueue_indirect_dma source(%dma_start3A_581 : memref<100000x16xf32, #tpu.memory_space<hbm>>) target(%dma_start3A_577 : memref<128x16xf32, #tpu.memory_space<vmem>>) offsets(%dma_start3A_578 : memref<128xi32, #tpu.memory_space<vmem>>) semaphore(%arg20 : memref<!tpu.dma_semaphore, #tpu.memory_space<semaphore_mem>>)
        %dma_wait3A_582 = arith.constant 0 : i32
        %dma_wait3A_583 = arith.constant 0 : i32
        %dma_wait3A_584 = tpu.memref_slice %arg16[%dma_wait3A_582, %dma_wait3A_583] : memref<136x16xf32, #tpu.memory_space<vmem>> -> memref<128x16xf32, #tpu.memory_space<vmem>>
        %dma_wait3A_585 = tpu.memref_slice %arg13[%mul3A_574] : memref<3456xi32, #tpu.memory_space<vmem>> -> memref<128xi32, #tpu.memory_space<vmem>>
        %dma_wait3A_586 = arith.constant 0 : i32
        %dma_wait3A_587 = arith.constant 0 : i32
        %dma_wait3A_588 = tpu.memref_slice %arg2[%dma_wait3A_586, %dma_wait3A_587] : memref<100000x16xf32, #tpu.memory_space<hbm>> -> memref<100000x16xf32, #tpu.memory_space<hbm>>
        tpu.wait_indirect_dma semaphore(%arg20 : memref<!tpu.dma_semaphore, #tpu.memory_space<semaphore_mem>>) src(%dma_wait3A_588 : memref<100000x16xf32, #tpu.memory_space<hbm>>) dst(%dma_wait3A_584 : memref<128x16xf32, #tpu.memory_space<vmem>>)
        %mul3A_589 = arith.constant 128 : i32
        %mul3A_590 = arith.muli %while3A_571, %mul3A_589 : i32
        %sub3A_591 = arith.subi %add3A_187, %mul3A_590 : i32
        %jit3A_592 = arith.constant 0 : i32
        %jit3A_593 = arith.constant 128 : i32
        %max3A_594 = arith.maxsi %jit3A_592, %sub3A_591 : i32
        %min3A_595 = arith.minsi %jit3A_593, %max3A_594 : i32
        %add3A_596 = arith.constant 1 : i32
        %add3A_597 = arith.addi %min3A_595, %add3A_596 : i32
        %jit3A_598 = arith.constant 2 : i32
        %div3A_599 = arith.divsi %add3A_597, %jit3A_598 : i32
        %sign3A_600 = arith.constant 0 : i32
        %sign3A_601 = arith.cmpi sgt, %add3A_597, %sign3A_600 : i32
        %sign3A_602 = arith.extui %sign3A_601 : i1 to i32
        %sign3A_603 = arith.constant 0 : i32
        %sign3A_604 = arith.cmpi slt, %add3A_597, %sign3A_603 : i32
        %sign3A_605 = arith.extui %sign3A_604 : i1 to i32
        %sign3A_606 = arith.subi %sign3A_602, %sign3A_605 : i32
        %sign3A_607 = arith.constant 0 : i32
        %sign3A_608 = arith.cmpi sgt, %jit3A_598, %sign3A_607 : i32
        %sign3A_609 = arith.extui %sign3A_608 : i1 to i32
        %sign3A_610 = arith.constant 0 : i32
        %sign3A_611 = arith.cmpi slt, %jit3A_598, %sign3A_610 : i32
        %sign3A_612 = arith.extui %sign3A_611 : i1 to i32
        %sign3A_613 = arith.subi %sign3A_609, %sign3A_612 : i32
        %ne3A_614 = arith.cmpi ne, %sign3A_606, %sign3A_613 : i32
        %rem3A_615 = arith.remsi %add3A_597, %jit3A_598 : i32
        %ne3A_616 = arith.constant 0 : i32
        %ne3A_617 = arith.cmpi ne, %rem3A_615, %ne3A_616 : i32
        %and3A_618 = arith.andi %ne3A_614, %ne3A_617 : i1
        %sub3A_619 = arith.constant 1 : i32
        %sub3A_620 = arith.subi %div3A_599, %sub3A_619 : i32
        %select_n3A_621 = arith.select %and3A_618, %sub3A_620, %div3A_599 : i32
        %while3A_622 = arith.constant 0 : i32
        %while3A_623 = arith.constant 0 : i32
        %while3A_624 = arith.subi %select_n3A_621, %while3A_622 : i32
        %while3A_625 = arith.addi %while3A_622, %while3A_624 : i32
        %while3A_626 = arith.constant 1 : i32
        %while3A_627 = arith.divsi %while3A_624, %while3A_626 : i32
        %while3A_628 = arith.muli %while3A_627, %while3A_626 : i32
        %while3A_629 = arith.addi %while3A_622, %while3A_628 : i32
        %while3A_630 = arith.constant 1 : i32
        %while3A_631 = scf.for %while3A_635 = %while3A_622 to %while3A_629 step %while3A_630 iter_args(%while3A_636 = %while3A_623) -> (i32)  : i32 {
          %mul3A_637 = arith.constant 128 : i32
          %mul3A_638 = arith.muli %while3A_571, %mul3A_637 : i32
          %mul3A_639 = arith.constant 2 : i32
          %mul3A_640 = arith.muli %mul3A_639, %while3A_635 : i32
          %add3A_641 = arith.addi %mul3A_638, %mul3A_640 : i32
          %broadcast_in_dim3A_642 = vector.broadcast %add3A_641 : i32 to vector<16xi32>
          %gather3A = tpu.vector_load_idx %arg12[%broadcast_in_dim3A_642] : memref<3456xi32, #tpu.memory_space<vmem>>[vector<16xi32>], vector<16xi32>,
          %add3A_643 = arith.constant 1 : i32
          %add3A_644 = arith.addi %add3A_641, %add3A_643 : i32
          %broadcast_in_dim3A_645 = vector.broadcast %add3A_644 : i32 to vector<16xi32>
          %gather3A_646 = tpu.vector_load_idx %arg12[%broadcast_in_dim3A_645] : memref<3456xi32, #tpu.memory_space<vmem>>[vector<16xi32>], vector<16xi32>,
          %mul3A_647 = arith.constant 2 : i32
          %mul3A_648 = arith.muli %mul3A_647, %while3A_635 : i32
          %get3A = arith.index_cast %mul3A_648 : i32 to index
          %get3A_649 = arith.constant 0 : index
          %get3A_650 = tpu.vector_load %arg16[%get3A, %get3A_649] {strides = array<i32>} : memref<136x16xf32, #tpu.memory_space<vmem>>, vector<16xf32>,
          %mul3A_651 = arith.constant 2 : i32
          %mul3A_652 = arith.muli %mul3A_651, %while3A_635 : i32
          %add3A_653 = arith.constant 1 : i32
          %add3A_654 = arith.addi %mul3A_652, %add3A_653 : i32
          %get3A_655 = arith.index_cast %add3A_654 : i32 to index
          %get3A_656 = arith.constant 0 : index
          %get3A_657 = tpu.vector_load %arg16[%get3A_655, %get3A_656] {strides = array<i32>} : memref<136x16xf32, #tpu.memory_space<vmem>>, vector<16xf32>,
          %mul3A_658 = arith.constant 16 : i32
          %mul3A_659 = vector.broadcast %mul3A_658 : i32 to vector<16xi32>
          %mul3A_660 = arith.muli %gather3A, %mul3A_659 : vector<16xi32>
          %add3A_661 = arith.addi %mul3A_660, %iota3A : vector<16xi32>
          %mul3A_662 = arith.constant 16 : i32
          %mul3A_663 = vector.broadcast %mul3A_662 : i32 to vector<16xi32>
          %mul3A_664 = arith.muli %gather3A_646, %mul3A_663 : vector<16xi32>
          %add3A_665 = arith.addi %mul3A_664, %iota3A : vector<16xi32>
          %gather3A_666 = tpu.vector_load_idx %arg6[%add3A_661] : memref<50016xf32, #tpu.memory_space<vmem>>[vector<16xi32>], vector<16xf32>,
          %gather3A_667 = tpu.vector_load_idx %arg7[%add3A_665] : memref<50016xf32, #tpu.memory_space<vmem>>[vector<16xi32>], vector<16xf32>,
          %max3A_668 = arith.maximumf %gather3A_666, %get3A_650 : vector<16xf32>
          tpu.vector_store_idx %arg6[%add3A_661], %max3A_668 : memref<50016xf32, #tpu.memory_space<vmem>>[vector<16xi32>], vector<16xf32>,
          %max3A_669 = arith.maximumf %gather3A_667, %get3A_657 : vector<16xf32>
          tpu.vector_store_idx %arg7[%add3A_665], %max3A_669 : memref<50016xf32, #tpu.memory_space<vmem>>[vector<16xi32>], vector<16xf32>,
          %while3A_670 = arith.constant 0 : i32
          scf.yield %while3A_670 : i32
        }
        %while3A_632 = arith.constant 1 : i32
        %while3A_633 = scf.for %while3A_635 = %while3A_629 to %while3A_625 step %while3A_632 iter_args(%while3A_636 = %while3A_631) -> (i32)  : i32 {
          %mul3A_637 = arith.constant 128 : i32
          %mul3A_638 = arith.muli %while3A_571, %mul3A_637 : i32
          %mul3A_639 = arith.constant 2 : i32
          %mul3A_640 = arith.muli %mul3A_639, %while3A_635 : i32
          %add3A_641 = arith.addi %mul3A_638, %mul3A_640 : i32
          %broadcast_in_dim3A_642 = vector.broadcast %add3A_641 : i32 to vector<16xi32>
          %gather3A = tpu.vector_load_idx %arg12[%broadcast_in_dim3A_642] : memref<3456xi32, #tpu.memory_space<vmem>>[vector<16xi32>], vector<16xi32>,
          %add3A_643 = arith.constant 1 : i32
          %add3A_644 = arith.addi %add3A_641, %add3A_643 : i32
          %broadcast_in_dim3A_645 = vector.broadcast %add3A_644 : i32 to vector<16xi32>
          %gather3A_646 = tpu.vector_load_idx %arg12[%broadcast_in_dim3A_645] : memref<3456xi32, #tpu.memory_space<vmem>>[vector<16xi32>], vector<16xi32>,
          %mul3A_647 = arith.constant 2 : i32
          %mul3A_648 = arith.muli %mul3A_647, %while3A_635 : i32
          %get3A = arith.index_cast %mul3A_648 : i32 to index
          %get3A_649 = arith.constant 0 : index
          %get3A_650 = tpu.vector_load %arg16[%get3A, %get3A_649] {strides = array<i32>} : memref<136x16xf32, #tpu.memory_space<vmem>>, vector<16xf32>,
          %mul3A_651 = arith.constant 2 : i32
          %mul3A_652 = arith.muli %mul3A_651, %while3A_635 : i32
          %add3A_653 = arith.constant 1 : i32
          %add3A_654 = arith.addi %mul3A_652, %add3A_653 : i32
          %get3A_655 = arith.index_cast %add3A_654 : i32 to index
          %get3A_656 = arith.constant 0 : index
          %get3A_657 = tpu.vector_load %arg16[%get3A_655, %get3A_656] {strides = array<i32>} : memref<136x16xf32, #tpu.memory_space<vmem>>, vector<16xf32>,
          %mul3A_658 = arith.constant 16 : i32
          %mul3A_659 = vector.broadcast %mul3A_658 : i32 to vector<16xi32>
          %mul3A_660 = arith.muli %gather3A, %mul3A_659 : vector<16xi32>
          %add3A_661 = arith.addi %mul3A_660, %iota3A : vector<16xi32>
          %mul3A_662 = arith.constant 16 : i32
          %mul3A_663 = vector.broadcast %mul3A_662 : i32 to vector<16xi32>
          %mul3A_664 = arith.muli %gather3A_646, %mul3A_663 : vector<16xi32>
          %add3A_665 = arith.addi %mul3A_664, %iota3A : vector<16xi32>
          %gather3A_666 = tpu.vector_load_idx %arg6[%add3A_661] : memref<50016xf32, #tpu.memory_space<vmem>>[vector<16xi32>], vector<16xf32>,
          %gather3A_667 = tpu.vector_load_idx %arg7[%add3A_665] : memref<50016xf32, #tpu.memory_space<vmem>>[vector<16xi32>], vector<16xf32>,
          %max3A_668 = arith.maximumf %gather3A_666, %get3A_650 : vector<16xf32>
          tpu.vector_store_idx %arg6[%add3A_661], %max3A_668 : memref<50016xf32, #tpu.memory_space<vmem>>[vector<16xi32>], vector<16xf32>,
          %max3A_669 = arith.maximumf %gather3A_667, %get3A_657 : vector<16xf32>
          tpu.vector_store_idx %arg7[%add3A_665], %max3A_669 : memref<50016xf32, #tpu.memory_space<vmem>>[vector<16xi32>], vector<16xf32>,
          %while3A_670 = arith.constant 0 : i32
          scf.yield %while3A_670 : i32
        }
        %while3A_634 = arith.constant 0 : i32
        scf.yield %while3A_634 : i32
      }
      %while3A_569 = arith.constant 1 : i32
      %while3A_570 = scf.for %while3A_571 = %while3A_566 to %while3A_562 step %while3A_569 iter_args(%while3A_572 = %while3A_568) -> (i32)  : i32 {
        %mul3A_573 = arith.constant 128 : i32
        %mul3A_574 = arith.muli %while3A_571, %mul3A_573 : i32
        %dma_start3A_575 = arith.constant 0 : i32
        %dma_start3A_576 = arith.constant 0 : i32
        %dma_start3A_577 = tpu.memref_slice %arg16[%dma_start3A_575, %dma_start3A_576] : memref<136x16xf32, #tpu.memory_space<vmem>> -> memref<128x16xf32, #tpu.memory_space<vmem>>
        %dma_start3A_578 = tpu.memref_slice %arg13[%mul3A_574] : memref<3456xi32, #tpu.memory_space<vmem>> -> memref<128xi32, #tpu.memory_space<vmem>>
        %dma_start3A_579 = arith.constant 0 : i32
        %dma_start3A_580 = arith.constant 0 : i32
        %dma_start3A_581 = tpu.memref_slice %arg2[%dma_start3A_579, %dma_start3A_580] : memref<100000x16xf32, #tpu.memory_space<hbm>> -> memref<100000x16xf32, #tpu.memory_space<hbm>>
        tpu.enqueue_indirect_dma source(%dma_start3A_581 : memref<100000x16xf32, #tpu.memory_space<hbm>>) target(%dma_start3A_577 : memref<128x16xf32, #tpu.memory_space<vmem>>) offsets(%dma_start3A_578 : memref<128xi32, #tpu.memory_space<vmem>>) semaphore(%arg20 : memref<!tpu.dma_semaphore, #tpu.memory_space<semaphore_mem>>)
        %dma_wait3A_582 = arith.constant 0 : i32
        %dma_wait3A_583 = arith.constant 0 : i32
        %dma_wait3A_584 = tpu.memref_slice %arg16[%dma_wait3A_582, %dma_wait3A_583] : memref<136x16xf32, #tpu.memory_space<vmem>> -> memref<128x16xf32, #tpu.memory_space<vmem>>
        %dma_wait3A_585 = tpu.memref_slice %arg13[%mul3A_574] : memref<3456xi32, #tpu.memory_space<vmem>> -> memref<128xi32, #tpu.memory_space<vmem>>
        %dma_wait3A_586 = arith.constant 0 : i32
        %dma_wait3A_587 = arith.constant 0 : i32
        %dma_wait3A_588 = tpu.memref_slice %arg2[%dma_wait3A_586, %dma_wait3A_587] : memref<100000x16xf32, #tpu.memory_space<hbm>> -> memref<100000x16xf32, #tpu.memory_space<hbm>>
        tpu.wait_indirect_dma semaphore(%arg20 : memref<!tpu.dma_semaphore, #tpu.memory_space<semaphore_mem>>) src(%dma_wait3A_588 : memref<100000x16xf32, #tpu.memory_space<hbm>>) dst(%dma_wait3A_584 : memref<128x16xf32, #tpu.memory_space<vmem>>)
        %mul3A_589 = arith.constant 128 : i32
        %mul3A_590 = arith.muli %while3A_571, %mul3A_589 : i32
        %sub3A_591 = arith.subi %add3A_187, %mul3A_590 : i32
        %jit3A_592 = arith.constant 0 : i32
        %jit3A_593 = arith.constant 128 : i32
        %max3A_594 = arith.maxsi %jit3A_592, %sub3A_591 : i32
        %min3A_595 = arith.minsi %jit3A_593, %max3A_594 : i32
        %add3A_596 = arith.constant 1 : i32
        %add3A_597 = arith.addi %min3A_595, %add3A_596 : i32
        %jit3A_598 = arith.constant 2 : i32
        %div3A_599 = arith.divsi %add3A_597, %jit3A_598 : i32
        %sign3A_600 = arith.constant 0 : i32
        %sign3A_601 = arith.cmpi sgt, %add3A_597, %sign3A_600 : i32
        %sign3A_602 = arith.extui %sign3A_601 : i1 to i32
        %sign3A_603 = arith.constant 0 : i32
        %sign3A_604 = arith.cmpi slt, %add3A_597, %sign3A_603 : i32
        %sign3A_605 = arith.extui %sign3A_604 : i1 to i32
        %sign3A_606 = arith.subi %sign3A_602, %sign3A_605 : i32
        %sign3A_607 = arith.constant 0 : i32
        %sign3A_608 = arith.cmpi sgt, %jit3A_598, %sign3A_607 : i32
        %sign3A_609 = arith.extui %sign3A_608 : i1 to i32
        %sign3A_610 = arith.constant 0 : i32
        %sign3A_611 = arith.cmpi slt, %jit3A_598, %sign3A_610 : i32
        %sign3A_612 = arith.extui %sign3A_611 : i1 to i32
        %sign3A_613 = arith.subi %sign3A_609, %sign3A_612 : i32
        %ne3A_614 = arith.cmpi ne, %sign3A_606, %sign3A_613 : i32
        %rem3A_615 = arith.remsi %add3A_597, %jit3A_598 : i32
        %ne3A_616 = arith.constant 0 : i32
        %ne3A_617 = arith.cmpi ne, %rem3A_615, %ne3A_616 : i32
        %and3A_618 = arith.andi %ne3A_614, %ne3A_617 : i1
        %sub3A_619 = arith.constant 1 : i32
        %sub3A_620 = arith.subi %div3A_599, %sub3A_619 : i32
        %select_n3A_621 = arith.select %and3A_618, %sub3A_620, %div3A_599 : i32
        %while3A_622 = arith.constant 0 : i32
        %while3A_623 = arith.constant 0 : i32
        %while3A_624 = arith.subi %select_n3A_621, %while3A_622 : i32
        %while3A_625 = arith.addi %while3A_622, %while3A_624 : i32
        %while3A_626 = arith.constant 1 : i32
        %while3A_627 = arith.divsi %while3A_624, %while3A_626 : i32
        %while3A_628 = arith.muli %while3A_627, %while3A_626 : i32
        %while3A_629 = arith.addi %while3A_622, %while3A_628 : i32
        %while3A_630 = arith.constant 1 : i32
        %while3A_631 = scf.for %while3A_635 = %while3A_622 to %while3A_629 step %while3A_630 iter_args(%while3A_636 = %while3A_623) -> (i32)  : i32 {
          %mul3A_637 = arith.constant 128 : i32
          %mul3A_638 = arith.muli %while3A_571, %mul3A_637 : i32
          %mul3A_639 = arith.constant 2 : i32
          %mul3A_640 = arith.muli %mul3A_639, %while3A_635 : i32
          %add3A_641 = arith.addi %mul3A_638, %mul3A_640 : i32
          %broadcast_in_dim3A_642 = vector.broadcast %add3A_641 : i32 to vector<16xi32>
          %gather3A = tpu.vector_load_idx %arg12[%broadcast_in_dim3A_642] : memref<3456xi32, #tpu.memory_space<vmem>>[vector<16xi32>], vector<16xi32>,
          %add3A_643 = arith.constant 1 : i32
          %add3A_644 = arith.addi %add3A_641, %add3A_643 : i32
          %broadcast_in_dim3A_645 = vector.broadcast %add3A_644 : i32 to vector<16xi32>
          %gather3A_646 = tpu.vector_load_idx %arg12[%broadcast_in_dim3A_645] : memref<3456xi32, #tpu.memory_space<vmem>>[vector<16xi32>], vector<16xi32>,
          %mul3A_647 = arith.constant 2 : i32
          %mul3A_648 = arith.muli %mul3A_647, %while3A_635 : i32
          %get3A = arith.index_cast %mul3A_648 : i32 to index
          %get3A_649 = arith.constant 0 : index
          %get3A_650 = tpu.vector_load %arg16[%get3A, %get3A_649] {strides = array<i32>} : memref<136x16xf32, #tpu.memory_space<vmem>>, vector<16xf32>,
          %mul3A_651 = arith.constant 2 : i32
          %mul3A_652 = arith.muli %mul3A_651, %while3A_635 : i32
          %add3A_653 = arith.constant 1 : i32
          %add3A_654 = arith.addi %mul3A_652, %add3A_653 : i32
          %get3A_655 = arith.index_cast %add3A_654 : i32 to index
          %get3A_656 = arith.constant 0 : index
          %get3A_657 = tpu.vector_load %arg16[%get3A_655, %get3A_656] {strides = array<i32>} : memref<136x16xf32, #tpu.memory_space<vmem>>, vector<16xf32>,
          %mul3A_658 = arith.constant 16 : i32
          %mul3A_659 = vector.broadcast %mul3A_658 : i32 to vector<16xi32>
          %mul3A_660 = arith.muli %gather3A, %mul3A_659 : vector<16xi32>
          %add3A_661 = arith.addi %mul3A_660, %iota3A : vector<16xi32>
          %mul3A_662 = arith.constant 16 : i32
          %mul3A_663 = vector.broadcast %mul3A_662 : i32 to vector<16xi32>
          %mul3A_664 = arith.muli %gather3A_646, %mul3A_663 : vector<16xi32>
          %add3A_665 = arith.addi %mul3A_664, %iota3A : vector<16xi32>
          %gather3A_666 = tpu.vector_load_idx %arg6[%add3A_661] : memref<50016xf32, #tpu.memory_space<vmem>>[vector<16xi32>], vector<16xf32>,
          %gather3A_667 = tpu.vector_load_idx %arg7[%add3A_665] : memref<50016xf32, #tpu.memory_space<vmem>>[vector<16xi32>], vector<16xf32>,
          %max3A_668 = arith.maximumf %gather3A_666, %get3A_650 : vector<16xf32>
          tpu.vector_store_idx %arg6[%add3A_661], %max3A_668 : memref<50016xf32, #tpu.memory_space<vmem>>[vector<16xi32>], vector<16xf32>,
          %max3A_669 = arith.maximumf %gather3A_667, %get3A_657 : vector<16xf32>
          tpu.vector_store_idx %arg7[%add3A_665], %max3A_669 : memref<50016xf32, #tpu.memory_space<vmem>>[vector<16xi32>], vector<16xf32>,
          %while3A_670 = arith.constant 0 : i32
          scf.yield %while3A_670 : i32
        }
        %while3A_632 = arith.constant 1 : i32
        %while3A_633 = scf.for %while3A_635 = %while3A_629 to %while3A_625 step %while3A_632 iter_args(%while3A_636 = %while3A_631) -> (i32)  : i32 {
          %mul3A_637 = arith.constant 128 : i32
          %mul3A_638 = arith.muli %while3A_571, %mul3A_637 : i32
          %mul3A_639 = arith.constant 2 : i32
          %mul3A_640 = arith.muli %mul3A_639, %while3A_635 : i32
          %add3A_641 = arith.addi %mul3A_638, %mul3A_640 : i32
          %broadcast_in_dim3A_642 = vector.broadcast %add3A_641 : i32 to vector<16xi32>
          %gather3A = tpu.vector_load_idx %arg12[%broadcast_in_dim3A_642] : memref<3456xi32, #tpu.memory_space<vmem>>[vector<16xi32>], vector<16xi32>,
          %add3A_643 = arith.constant 1 : i32
          %add3A_644 = arith.addi %add3A_641, %add3A_643 : i32
          %broadcast_in_dim3A_645 = vector.broadcast %add3A_644 : i32 to vector<16xi32>
          %gather3A_646 = tpu.vector_load_idx %arg12[%broadcast_in_dim3A_645] : memref<3456xi32, #tpu.memory_space<vmem>>[vector<16xi32>], vector<16xi32>,
          %mul3A_647 = arith.constant 2 : i32
          %mul3A_648 = arith.muli %mul3A_647, %while3A_635 : i32
          %get3A = arith.index_cast %mul3A_648 : i32 to index
          %get3A_649 = arith.constant 0 : index
          %get3A_650 = tpu.vector_load %arg16[%get3A, %get3A_649] {strides = array<i32>} : memref<136x16xf32, #tpu.memory_space<vmem>>, vector<16xf32>,
          %mul3A_651 = arith.constant 2 : i32
          %mul3A_652 = arith.muli %mul3A_651, %while3A_635 : i32
          %add3A_653 = arith.constant 1 : i32
          %add3A_654 = arith.addi %mul3A_652, %add3A_653 : i32
          %get3A_655 = arith.index_cast %add3A_654 : i32 to index
          %get3A_656 = arith.constant 0 : index
          %get3A_657 = tpu.vector_load %arg16[%get3A_655, %get3A_656] {strides = array<i32>} : memref<136x16xf32, #tpu.memory_space<vmem>>, vector<16xf32>,
          %mul3A_658 = arith.constant 16 : i32
          %mul3A_659 = vector.broadcast %mul3A_658 : i32 to vector<16xi32>
          %mul3A_660 = arith.muli %gather3A, %mul3A_659 : vector<16xi32>
          %add3A_661 = arith.addi %mul3A_660, %iota3A : vector<16xi32>
          %mul3A_662 = arith.constant 16 : i32
          %mul3A_663 = vector.broadcast %mul3A_662 : i32 to vector<16xi32>
          %mul3A_664 = arith.muli %gather3A_646, %mul3A_663 : vector<16xi32>
          %add3A_665 = arith.addi %mul3A_664, %iota3A : vector<16xi32>
          %gather3A_666 = tpu.vector_load_idx %arg6[%add3A_661] : memref<50016xf32, #tpu.memory_space<vmem>>[vector<16xi32>], vector<16xf32>,
          %gather3A_667 = tpu.vector_load_idx %arg7[%add3A_665] : memref<50016xf32, #tpu.memory_space<vmem>>[vector<16xi32>], vector<16xf32>,
          %max3A_668 = arith.maximumf %gather3A_666, %get3A_650 : vector<16xf32>
          tpu.vector_store_idx %arg6[%add3A_661], %max3A_668 : memref<50016xf32, #tpu.memory_space<vmem>>[vector<16xi32>], vector<16xf32>,
          %max3A_669 = arith.maximumf %gather3A_667, %get3A_657 : vector<16xf32>
          tpu.vector_store_idx %arg7[%add3A_665], %max3A_669 : memref<50016xf32, #tpu.memory_space<vmem>>[vector<16xi32>], vector<16xf32>,
          %while3A_670 = arith.constant 0 : i32
          scf.yield %while3A_670 : i32
        }
        %while3A_634 = arith.constant 0 : i32
        scf.yield %while3A_634 : i32
      }
      scf.yield %add3A_391 : i32
    }
    %scan3A_40 = arith.constant 500 : i32
    %add3A_41 = arith.constant 128 : i32
    %add3A_42 = arith.addi %scan3A_39, %add3A_41 : i32
    %sub3A = arith.constant 1 : i32
    %sub3A_43 = arith.subi %add3A_42, %sub3A : i32
    %jit3A = arith.constant 128 : i32
    %div3A = arith.divsi %sub3A_43, %jit3A : i32
    %sign3A = arith.constant 0 : i32
    %sign3A_44 = arith.cmpi sgt, %sub3A_43, %sign3A : i32
    %sign3A_45 = arith.extui %sign3A_44 : i1 to i32
    %sign3A_46 = arith.constant 0 : i32
    %sign3A_47 = arith.cmpi slt, %sub3A_43, %sign3A_46 : i32
    %sign3A_48 = arith.extui %sign3A_47 : i1 to i32
    %sign3A_49 = arith.subi %sign3A_45, %sign3A_48 : i32
    %sign3A_50 = arith.constant 0 : i32
    %sign3A_51 = arith.cmpi sgt, %jit3A, %sign3A_50 : i32
    %sign3A_52 = arith.extui %sign3A_51 : i1 to i32
    %sign3A_53 = arith.constant 0 : i32
    %sign3A_54 = arith.cmpi slt, %jit3A, %sign3A_53 : i32
    %sign3A_55 = arith.extui %sign3A_54 : i1 to i32
    %sign3A_56 = arith.subi %sign3A_52, %sign3A_55 : i32
    %ne3A = arith.cmpi ne, %sign3A_49, %sign3A_56 : i32
    %rem3A = arith.remsi %sub3A_43, %jit3A : i32
    %ne3A_57 = arith.constant 0 : i32
    %ne3A_58 = arith.cmpi ne, %rem3A, %ne3A_57 : i32
    %and3A = arith.andi %ne3A, %ne3A_58 : i1
    %sub3A_59 = arith.constant 1 : i32
    %sub3A_60 = arith.subi %div3A, %sub3A_59 : i32
    %select_n3A = arith.select %and3A, %sub3A_60, %div3A : i32
    %min3A = arith.constant 1 : i32
    %min3A_61 = arith.minsi %select_n3A, %min3A : i32
    %while3A = arith.constant 0 : i32
    %while3A_62 = arith.constant 0 : i32
    %while3A_63 = arith.subi %min3A_61, %while3A : i32
    %while3A_64 = arith.addi %while3A, %while3A_63 : i32
    %while3A_65 = arith.constant 1 : i32
    %while3A_66 = arith.divsi %while3A_63, %while3A_65 : i32
    %while3A_67 = arith.muli %while3A_66, %while3A_65 : i32
    %while3A_68 = arith.addi %while3A, %while3A_67 : i32
    %while3A_69 = arith.constant 1 : i32
    %while3A_70 = scf.for %while3A_162 = %while3A to %while3A_68 step %while3A_69 iter_args(%while3A_163 = %while3A_62) -> (i32)  : i32 {
      %mul3A_164 = arith.constant 128 : i32
      %mul3A_165 = arith.muli %while3A_162, %mul3A_164 : i32
      %mul3A_166 = arith.constant 128 : i32
      %mul3A_167 = arith.muli %while3A_162, %mul3A_166 : i32
      %dma_wait3A = arith.constant 0 : i32
      %dma_wait3A_168 = tpu.memref_slice %arg17[%mul3A_167, %dma_wait3A] : memref<136x16xf32, #tpu.memory_space<vmem>> -> memref<128x16xf32, #tpu.memory_space<vmem>>
      %dma_wait3A_169 = tpu.memref_slice %arg15[%mul3A_165] : memref<3456xi32, #tpu.memory_space<vmem>> -> memref<128xi32, #tpu.memory_space<vmem>>
      %dma_wait3A_170 = arith.constant 0 : i32
      %dma_wait3A_171 = arith.constant 0 : i32
      %dma_wait3A_172 = tpu.memref_slice %arg2[%dma_wait3A_170, %dma_wait3A_171] : memref<100000x16xf32, #tpu.memory_space<hbm>> -> memref<100000x16xf32, #tpu.memory_space<hbm>>
      tpu.wait_indirect_dma semaphore(%arg21 : memref<!tpu.dma_semaphore, #tpu.memory_space<semaphore_mem>>) src(%dma_wait3A_172 : memref<100000x16xf32, #tpu.memory_space<hbm>>) dst(%dma_wait3A_168 : memref<128x16xf32, #tpu.memory_space<vmem>>)
      %while3A_173 = arith.constant 0 : i32
      scf.yield %while3A_173 : i32
    }
    %while3A_71 = arith.constant 1 : i32
    %while3A_72 = scf.for %while3A_162 = %while3A_68 to %while3A_64 step %while3A_71 iter_args(%while3A_163 = %while3A_70) -> (i32)  : i32 {
      %mul3A_164 = arith.constant 128 : i32
      %mul3A_165 = arith.muli %while3A_162, %mul3A_164 : i32
      %mul3A_166 = arith.constant 128 : i32
      %mul3A_167 = arith.muli %while3A_162, %mul3A_166 : i32
      %dma_wait3A = arith.constant 0 : i32
      %dma_wait3A_168 = tpu.memref_slice %arg17[%mul3A_167, %dma_wait3A] : memref<136x16xf32, #tpu.memory_space<vmem>> -> memref<128x16xf32, #tpu.memory_space<vmem>>
      %dma_wait3A_169 = tpu.memref_slice %arg15[%mul3A_165] : memref<3456xi32, #tpu.memory_space<vmem>> -> memref<128xi32, #tpu.memory_space<vmem>>
      %dma_wait3A_170 = arith.constant 0 : i32
      %dma_wait3A_171 = arith.constant 0 : i32
      %dma_wait3A_172 = tpu.memref_slice %arg2[%dma_wait3A_170, %dma_wait3A_171] : memref<100000x16xf32, #tpu.memory_space<hbm>> -> memref<100000x16xf32, #tpu.memory_space<hbm>>
      tpu.wait_indirect_dma semaphore(%arg21 : memref<!tpu.dma_semaphore, #tpu.memory_space<semaphore_mem>>) src(%dma_wait3A_172 : memref<100000x16xf32, #tpu.memory_space<hbm>>) dst(%dma_wait3A_168 : memref<128x16xf32, #tpu.memory_space<vmem>>)
      %while3A_173 = arith.constant 0 : i32
      scf.yield %while3A_173 : i32
    }
    %sub3A_73 = arith.constant 0 : i32
    %sub3A_74 = arith.subi %scan3A_39, %sub3A_73 : i32
    %mul3A_75 = arith.constant 128 : i32
    %mul3A_76 = arith.muli %min3A_61, %mul3A_75 : i32
    %jit3A_77 = arith.constant 0 : i32
    %max3A = arith.maxsi %jit3A_77, %sub3A_74 : i32
    %min3A_78 = arith.minsi %mul3A_76, %max3A : i32
    %add3A_79 = arith.constant 1 : i32
    %add3A_80 = arith.addi %min3A_78, %add3A_79 : i32
    %jit3A_81 = arith.constant 2 : i32
    %div3A_82 = arith.divsi %add3A_80, %jit3A_81 : i32
    %sign3A_83 = arith.constant 0 : i32
    %sign3A_84 = arith.cmpi sgt, %add3A_80, %sign3A_83 : i32
    %sign3A_85 = arith.extui %sign3A_84 : i1 to i32
    %sign3A_86 = arith.constant 0 : i32
    %sign3A_87 = arith.cmpi slt, %add3A_80, %sign3A_86 : i32
    %sign3A_88 = arith.extui %sign3A_87 : i1 to i32
    %sign3A_89 = arith.subi %sign3A_85, %sign3A_88 : i32
    %sign3A_90 = arith.constant 0 : i32
    %sign3A_91 = arith.cmpi sgt, %jit3A_81, %sign3A_90 : i32
    %sign3A_92 = arith.extui %sign3A_91 : i1 to i32
    %sign3A_93 = arith.constant 0 : i32
    %sign3A_94 = arith.cmpi slt, %jit3A_81, %sign3A_93 : i32
    %sign3A_95 = arith.extui %sign3A_94 : i1 to i32
    %sign3A_96 = arith.subi %sign3A_92, %sign3A_95 : i32
    %ne3A_97 = arith.cmpi ne, %sign3A_89, %sign3A_96 : i32
    %rem3A_98 = arith.remsi %add3A_80, %jit3A_81 : i32
    %ne3A_99 = arith.constant 0 : i32
    %ne3A_100 = arith.cmpi ne, %rem3A_98, %ne3A_99 : i32
    %and3A_101 = arith.andi %ne3A_97, %ne3A_100 : i1
    %sub3A_102 = arith.constant 1 : i32
    %sub3A_103 = arith.subi %div3A_82, %sub3A_102 : i32
    %select_n3A_104 = arith.select %and3A_101, %sub3A_103, %div3A_82 : i32
    %add3A_105 = arith.constant 3 : i32
    %add3A_106 = arith.addi %select_n3A_104, %add3A_105 : i32
    %jit3A_107 = arith.constant 4 : i32
    %div3A_108 = arith.divsi %add3A_106, %jit3A_107 : i32
    %sign3A_109 = arith.constant 0 : i32
    %sign3A_110 = arith.cmpi sgt, %add3A_106, %sign3A_109 : i32
    %sign3A_111 = arith.extui %sign3A_110 : i1 to i32
    %sign3A_112 = arith.constant 0 : i32
    %sign3A_113 = arith.cmpi slt, %add3A_106, %sign3A_112 : i32
    %sign3A_114 = arith.extui %sign3A_113 : i1 to i32
    %sign3A_115 = arith.subi %sign3A_111, %sign3A_114 : i32
    %sign3A_116 = arith.constant 0 : i32
    %sign3A_117 = arith.cmpi sgt, %jit3A_107, %sign3A_116 : i32
    %sign3A_118 = arith.extui %sign3A_117 : i1 to i32
    %sign3A_119 = arith.constant 0 : i32
    %sign3A_120 = arith.cmpi slt, %jit3A_107, %sign3A_119 : i32
    %sign3A_121 = arith.extui %sign3A_120 : i1 to i32
    %sign3A_122 = arith.subi %sign3A_118, %sign3A_121 : i32
    %ne3A_123 = arith.cmpi ne, %sign3A_115, %sign3A_122 : i32
    %rem3A_124 = arith.remsi %add3A_106, %jit3A_107 : i32
    %ne3A_125 = arith.constant 0 : i32
    %ne3A_126 = arith.cmpi ne, %rem3A_124, %ne3A_125 : i32
    %and3A_127 = arith.andi %ne3A_123, %ne3A_126 : i1
    %sub3A_128 = arith.constant 1 : i32
    %sub3A_129 = arith.subi %div3A_108, %sub3A_128 : i32
    %select_n3A_130 = arith.select %and3A_127, %sub3A_129, %div3A_108 : i32
    %while3A_131 = arith.constant 0 : i32
    %while3A_132 = arith.constant 0 : i32
    %while3A_133 = arith.subi %select_n3A_130, %while3A_131 : i32
    %while3A_134 = arith.addi %while3A_131, %while3A_133 : i32
    %while3A_135 = arith.constant 1 : i32
    %while3A_136 = arith.divsi %while3A_133, %while3A_135 : i32
    %while3A_137 = arith.muli %while3A_136, %while3A_135 : i32
    %while3A_138 = arith.addi %while3A_131, %while3A_137 : i32
    %while3A_139 = arith.constant 1 : i32
    %while3A_140 = scf.for %while3A_162 = %while3A_131 to %while3A_138 step %while3A_139 iter_args(%while3A_163 = %while3A_132) -> (i32)  : i32 {
      %mul3A_164 = arith.constant 8 : i32
      %mul3A_165 = arith.muli %mul3A_164, %while3A_162 : i32
      %add3A_166 = arith.constant 0 : i32
      %add3A_167 = arith.addi %add3A_166, %mul3A_165 : i32
      %add3A_168 = arith.constant 0 : i32
      %add3A_169 = arith.addi %add3A_167, %add3A_168 : i32
      %mul3A_170 = arith.constant 8 : i32
      %mul3A_171 = arith.muli %mul3A_170, %while3A_162 : i32
      %add3A_172 = arith.constant 0 : i32
      %add3A_173 = arith.addi %mul3A_171, %add3A_172 : i32
      %broadcast_in_dim3A_174 = vector.broadcast %add3A_169 : i32 to vector<16xi32>
      %gather3A = tpu.vector_load_idx %arg14[%broadcast_in_dim3A_174] : memref<3456xi32, #tpu.memory_space<vmem>>[vector<16xi32>], vector<16xi32>,
      %add3A_175 = arith.constant 1 : i32
      %add3A_176 = arith.addi %add3A_169, %add3A_175 : i32
      %broadcast_in_dim3A_177 = vector.broadcast %add3A_176 : i32 to vector<16xi32>
      %gather3A_178 = tpu.vector_load_idx %arg14[%broadcast_in_dim3A_177] : memref<3456xi32, #tpu.memory_space<vmem>>[vector<16xi32>], vector<16xi32>,
      %get3A = arith.index_cast %add3A_173 : i32 to index
      %get3A_179 = arith.constant 0 : index
      %get3A_180 = tpu.vector_load %arg17[%get3A, %get3A_179] {strides = array<i32>} : memref<136x16xf32, #tpu.memory_space<vmem>>, vector<16xf32>,
      %add3A_181 = arith.constant 1 : i32
      %add3A_182 = arith.addi %add3A_173, %add3A_181 : i32
      %get3A_183 = arith.index_cast %add3A_182 : i32 to index
      %get3A_184 = arith.constant 0 : index
      %get3A_185 = tpu.vector_load %arg17[%get3A_183, %get3A_184] {strides = array<i32>} : memref<136x16xf32, #tpu.memory_space<vmem>>, vector<16xf32>,
      %mul3A_186 = arith.constant 16 : i32
      %mul3A_187 = vector.broadcast %mul3A_186 : i32 to vector<16xi32>
      %mul3A_188 = arith.muli %gather3A, %mul3A_187 : vector<16xi32>
      %add3A_189 = arith.addi %mul3A_188, %iota3A : vector<16xi32>
      %mul3A_190 = arith.constant 16 : i32
      %mul3A_191 = vector.broadcast %mul3A_190 : i32 to vector<16xi32>
      %mul3A_192 = arith.muli %gather3A_178, %mul3A_191 : vector<16xi32>
      %add3A_193 = arith.addi %mul3A_192, %iota3A : vector<16xi32>
      %gather3A_194 = tpu.vector_load_idx %arg6[%add3A_189] : memref<50016xf32, #tpu.memory_space<vmem>>[vector<16xi32>], vector<16xf32>,
      %gather3A_195 = tpu.vector_load_idx %arg7[%add3A_193] : memref<50016xf32, #tpu.memory_space<vmem>>[vector<16xi32>], vector<16xf32>,
      %max3A_196 = arith.maximumf %gather3A_194, %get3A_180 : vector<16xf32>
      tpu.vector_store_idx %arg6[%add3A_189], %max3A_196 : memref<50016xf32, #tpu.memory_space<vmem>>[vector<16xi32>], vector<16xf32>,
      %max3A_197 = arith.maximumf %gather3A_195, %get3A_185 : vector<16xf32>
      tpu.vector_store_idx %arg7[%add3A_193], %max3A_197 : memref<50016xf32, #tpu.memory_space<vmem>>[vector<16xi32>], vector<16xf32>,
      %mul3A_198 = arith.constant 8 : i32
      %mul3A_199 = arith.muli %mul3A_198, %while3A_162 : i32
      %add3A_200 = arith.constant 0 : i32
      %add3A_201 = arith.addi %add3A_200, %mul3A_199 : i32
      %add3A_202 = arith.constant 2 : i32
      %add3A_203 = arith.addi %add3A_201, %add3A_202 : i32
      %mul3A_204 = arith.constant 8 : i32
      %mul3A_205 = arith.muli %mul3A_204, %while3A_162 : i32
      %add3A_206 = arith.constant 2 : i32
      %add3A_207 = arith.addi %mul3A_205, %add3A_206 : i32
      %broadcast_in_dim3A_208 = vector.broadcast %add3A_203 : i32 to vector<16xi32>
      %gather3A_209 = tpu.vector_load_idx %arg14[%broadcast_in_dim3A_208] : memref<3456xi32, #tpu.memory_space<vmem>>[vector<16xi32>], vector<16xi32>,
      %add3A_210 = arith.constant 1 : i32
      %add3A_211 = arith.addi %add3A_203, %add3A_210 : i32
      %broadcast_in_dim3A_212 = vector.broadcast %add3A_211 : i32 to vector<16xi32>
      %gather3A_213 = tpu.vector_load_idx %arg14[%broadcast_in_dim3A_212] : memref<3456xi32, #tpu.memory_space<vmem>>[vector<16xi32>], vector<16xi32>,
      %get3A_214 = arith.index_cast %add3A_207 : i32 to index
      %get3A_215 = arith.constant 0 : index
      %get3A_216 = tpu.vector_load %arg17[%get3A_214, %get3A_215] {strides = array<i32>} : memref<136x16xf32, #tpu.memory_space<vmem>>, vector<16xf32>,
      %add3A_217 = arith.constant 1 : i32
      %add3A_218 = arith.addi %add3A_207, %add3A_217 : i32
      %get3A_219 = arith.index_cast %add3A_218 : i32 to index
      %get3A_220 = arith.constant 0 : index
      %get3A_221 = tpu.vector_load %arg17[%get3A_219, %get3A_220] {strides = array<i32>} : memref<136x16xf32, #tpu.memory_space<vmem>>, vector<16xf32>,
      %mul3A_222 = arith.constant 16 : i32
      %mul3A_223 = vector.broadcast %mul3A_222 : i32 to vector<16xi32>
      %mul3A_224 = arith.muli %gather3A_209, %mul3A_223 : vector<16xi32>
      %add3A_225 = arith.addi %mul3A_224, %iota3A : vector<16xi32>
      %mul3A_226 = arith.constant 16 : i32
      %mul3A_227 = vector.broadcast %mul3A_226 : i32 to vector<16xi32>
      %mul3A_228 = arith.muli %gather3A_213, %mul3A_227 : vector<16xi32>
      %add3A_229 = arith.addi %mul3A_228, %iota3A : vector<16xi32>
      %gather3A_230 = tpu.vector_load_idx %arg6[%add3A_225] : memref<50016xf32, #tpu.memory_space<vmem>>[vector<16xi32>], vector<16xf32>,
      %gather3A_231 = tpu.vector_load_idx %arg7[%add3A_229] : memref<50016xf32, #tpu.memory_space<vmem>>[vector<16xi32>], vector<16xf32>,
      %max3A_232 = arith.maximumf %gather3A_230, %get3A_216 : vector<16xf32>
      tpu.vector_store_idx %arg6[%add3A_225], %max3A_232 : memref<50016xf32, #tpu.memory_space<vmem>>[vector<16xi32>], vector<16xf32>,
      %max3A_233 = arith.maximumf %gather3A_231, %get3A_221 : vector<16xf32>
      tpu.vector_store_idx %arg7[%add3A_229], %max3A_233 : memref<50016xf32, #tpu.memory_space<vmem>>[vector<16xi32>], vector<16xf32>,
      %mul3A_234 = arith.constant 8 : i32
      %mul3A_235 = arith.muli %mul3A_234, %while3A_162 : i32
      %add3A_236 = arith.constant 0 : i32
      %add3A_237 = arith.addi %add3A_236, %mul3A_235 : i32
      %add3A_238 = arith.constant 4 : i32
      %add3A_239 = arith.addi %add3A_237, %add3A_238 : i32
      %mul3A_240 = arith.constant 8 : i32
      %mul3A_241 = arith.muli %mul3A_240, %while3A_162 : i32
      %add3A_242 = arith.constant 4 : i32
      %add3A_243 = arith.addi %mul3A_241, %add3A_242 : i32
      %broadcast_in_dim3A_244 = vector.broadcast %add3A_239 : i32 to vector<16xi32>
      %gather3A_245 = tpu.vector_load_idx %arg14[%broadcast_in_dim3A_244] : memref<3456xi32, #tpu.memory_space<vmem>>[vector<16xi32>], vector<16xi32>,
      %add3A_246 = arith.constant 1 : i32
      %add3A_247 = arith.addi %add3A_239, %add3A_246 : i32
      %broadcast_in_dim3A_248 = vector.broadcast %add3A_247 : i32 to vector<16xi32>
      %gather3A_249 = tpu.vector_load_idx %arg14[%broadcast_in_dim3A_248] : memref<3456xi32, #tpu.memory_space<vmem>>[vector<16xi32>], vector<16xi32>,
      %get3A_250 = arith.index_cast %add3A_243 : i32 to index
      %get3A_251 = arith.constant 0 : index
      %get3A_252 = tpu.vector_load %arg17[%get3A_250, %get3A_251] {strides = array<i32>} : memref<136x16xf32, #tpu.memory_space<vmem>>, vector<16xf32>,
      %add3A_253 = arith.constant 1 : i32
      %add3A_254 = arith.addi %add3A_243, %add3A_253 : i32
      %get3A_255 = arith.index_cast %add3A_254 : i32 to index
      %get3A_256 = arith.constant 0 : index
      %get3A_257 = tpu.vector_load %arg17[%get3A_255, %get3A_256] {strides = array<i32>} : memref<136x16xf32, #tpu.memory_space<vmem>>, vector<16xf32>,
      %mul3A_258 = arith.constant 16 : i32
      %mul3A_259 = vector.broadcast %mul3A_258 : i32 to vector<16xi32>
      %mul3A_260 = arith.muli %gather3A_245, %mul3A_259 : vector<16xi32>
      %add3A_261 = arith.addi %mul3A_260, %iota3A : vector<16xi32>
      %mul3A_262 = arith.constant 16 : i32
      %mul3A_263 = vector.broadcast %mul3A_262 : i32 to vector<16xi32>
      %mul3A_264 = arith.muli %gather3A_249, %mul3A_263 : vector<16xi32>
      %add3A_265 = arith.addi %mul3A_264, %iota3A : vector<16xi32>
      %gather3A_266 = tpu.vector_load_idx %arg6[%add3A_261] : memref<50016xf32, #tpu.memory_space<vmem>>[vector<16xi32>], vector<16xf32>,
      %gather3A_267 = tpu.vector_load_idx %arg7[%add3A_265] : memref<50016xf32, #tpu.memory_space<vmem>>[vector<16xi32>], vector<16xf32>,
      %max3A_268 = arith.maximumf %gather3A_266, %get3A_252 : vector<16xf32>
      tpu.vector_store_idx %arg6[%add3A_261], %max3A_268 : memref<50016xf32, #tpu.memory_space<vmem>>[vector<16xi32>], vector<16xf32>,
      %max3A_269 = arith.maximumf %gather3A_267, %get3A_257 : vector<16xf32>
      tpu.vector_store_idx %arg7[%add3A_265], %max3A_269 : memref<50016xf32, #tpu.memory_space<vmem>>[vector<16xi32>], vector<16xf32>,
      %mul3A_270 = arith.constant 8 : i32
      %mul3A_271 = arith.muli %mul3A_270, %while3A_162 : i32
      %add3A_272 = arith.constant 0 : i32
      %add3A_273 = arith.addi %add3A_272, %mul3A_271 : i32
      %add3A_274 = arith.constant 6 : i32
      %add3A_275 = arith.addi %add3A_273, %add3A_274 : i32
      %mul3A_276 = arith.constant 8 : i32
      %mul3A_277 = arith.muli %mul3A_276, %while3A_162 : i32
      %add3A_278 = arith.constant 6 : i32
      %add3A_279 = arith.addi %mul3A_277, %add3A_278 : i32
      %broadcast_in_dim3A_280 = vector.broadcast %add3A_275 : i32 to vector<16xi32>
      %gather3A_281 = tpu.vector_load_idx %arg14[%broadcast_in_dim3A_280] : memref<3456xi32, #tpu.memory_space<vmem>>[vector<16xi32>], vector<16xi32>,
      %add3A_282 = arith.constant 1 : i32
      %add3A_283 = arith.addi %add3A_275, %add3A_282 : i32
      %broadcast_in_dim3A_284 = vector.broadcast %add3A_283 : i32 to vector<16xi32>
      %gather3A_285 = tpu.vector_load_idx %arg14[%broadcast_in_dim3A_284] : memref<3456xi32, #tpu.memory_space<vmem>>[vector<16xi32>], vector<16xi32>,
      %get3A_286 = arith.index_cast %add3A_279 : i32 to index
      %get3A_287 = arith.constant 0 : index
      %get3A_288 = tpu.vector_load %arg17[%get3A_286, %get3A_287] {strides = array<i32>} : memref<136x16xf32, #tpu.memory_space<vmem>>, vector<16xf32>,
      %add3A_289 = arith.constant 1 : i32
      %add3A_290 = arith.addi %add3A_279, %add3A_289 : i32
      %get3A_291 = arith.index_cast %add3A_290 : i32 to index
      %get3A_292 = arith.constant 0 : index
      %get3A_293 = tpu.vector_load %arg17[%get3A_291, %get3A_292] {strides = array<i32>} : memref<136x16xf32, #tpu.memory_space<vmem>>, vector<16xf32>,
      %mul3A_294 = arith.constant 16 : i32
      %mul3A_295 = vector.broadcast %mul3A_294 : i32 to vector<16xi32>
      %mul3A_296 = arith.muli %gather3A_281, %mul3A_295 : vector<16xi32>
      %add3A_297 = arith.addi %mul3A_296, %iota3A : vector<16xi32>
      %mul3A_298 = arith.constant 16 : i32
      %mul3A_299 = vector.broadcast %mul3A_298 : i32 to vector<16xi32>
      %mul3A_300 = arith.muli %gather3A_285, %mul3A_299 : vector<16xi32>
      %add3A_301 = arith.addi %mul3A_300, %iota3A : vector<16xi32>
      %gather3A_302 = tpu.vector_load_idx %arg6[%add3A_297] : memref<50016xf32, #tpu.memory_space<vmem>>[vector<16xi32>], vector<16xf32>,
      %gather3A_303 = tpu.vector_load_idx %arg7[%add3A_301] : memref<50016xf32, #tpu.memory_space<vmem>>[vector<16xi32>], vector<16xf32>,
      %max3A_304 = arith.maximumf %gather3A_302, %get3A_288 : vector<16xf32>
      tpu.vector_store_idx %arg6[%add3A_297], %max3A_304 : memref<50016xf32, #tpu.memory_space<vmem>>[vector<16xi32>], vector<16xf32>,
      %max3A_305 = arith.maximumf %gather3A_303, %get3A_293 : vector<16xf32>
      tpu.vector_store_idx %arg7[%add3A_301], %max3A_305 : memref<50016xf32, #tpu.memory_space<vmem>>[vector<16xi32>], vector<16xf32>,
      %while3A_306 = arith.constant 0 : i32
      scf.yield %while3A_306 : i32
    }
    %while3A_141 = arith.constant 1 : i32
    %while3A_142 = scf.for %while3A_162 = %while3A_138 to %while3A_134 step %while3A_141 iter_args(%while3A_163 = %while3A_140) -> (i32)  : i32 {
      %mul3A_164 = arith.constant 8 : i32
      %mul3A_165 = arith.muli %mul3A_164, %while3A_162 : i32
      %add3A_166 = arith.constant 0 : i32
      %add3A_167 = arith.addi %add3A_166, %mul3A_165 : i32
      %add3A_168 = arith.constant 0 : i32
      %add3A_169 = arith.addi %add3A_167, %add3A_168 : i32
      %mul3A_170 = arith.constant 8 : i32
      %mul3A_171 = arith.muli %mul3A_170, %while3A_162 : i32
      %add3A_172 = arith.constant 0 : i32
      %add3A_173 = arith.addi %mul3A_171, %add3A_172 : i32
      %broadcast_in_dim3A_174 = vector.broadcast %add3A_169 : i32 to vector<16xi32>
      %gather3A = tpu.vector_load_idx %arg14[%broadcast_in_dim3A_174] : memref<3456xi32, #tpu.memory_space<vmem>>[vector<16xi32>], vector<16xi32>,
      %add3A_175 = arith.constant 1 : i32
      %add3A_176 = arith.addi %add3A_169, %add3A_175 : i32
      %broadcast_in_dim3A_177 = vector.broadcast %add3A_176 : i32 to vector<16xi32>
      %gather3A_178 = tpu.vector_load_idx %arg14[%broadcast_in_dim3A_177] : memref<3456xi32, #tpu.memory_space<vmem>>[vector<16xi32>], vector<16xi32>,
      %get3A = arith.index_cast %add3A_173 : i32 to index
      %get3A_179 = arith.constant 0 : index
      %get3A_180 = tpu.vector_load %arg17[%get3A, %get3A_179] {strides = array<i32>} : memref<136x16xf32, #tpu.memory_space<vmem>>, vector<16xf32>,
      %add3A_181 = arith.constant 1 : i32
      %add3A_182 = arith.addi %add3A_173, %add3A_181 : i32
      %get3A_183 = arith.index_cast %add3A_182 : i32 to index
      %get3A_184 = arith.constant 0 : index
      %get3A_185 = tpu.vector_load %arg17[%get3A_183, %get3A_184] {strides = array<i32>} : memref<136x16xf32, #tpu.memory_space<vmem>>, vector<16xf32>,
      %mul3A_186 = arith.constant 16 : i32
      %mul3A_187 = vector.broadcast %mul3A_186 : i32 to vector<16xi32>
      %mul3A_188 = arith.muli %gather3A, %mul3A_187 : vector<16xi32>
      %add3A_189 = arith.addi %mul3A_188, %iota3A : vector<16xi32>
      %mul3A_190 = arith.constant 16 : i32
      %mul3A_191 = vector.broadcast %mul3A_190 : i32 to vector<16xi32>
      %mul3A_192 = arith.muli %gather3A_178, %mul3A_191 : vector<16xi32>
      %add3A_193 = arith.addi %mul3A_192, %iota3A : vector<16xi32>
      %gather3A_194 = tpu.vector_load_idx %arg6[%add3A_189] : memref<50016xf32, #tpu.memory_space<vmem>>[vector<16xi32>], vector<16xf32>,
      %gather3A_195 = tpu.vector_load_idx %arg7[%add3A_193] : memref<50016xf32, #tpu.memory_space<vmem>>[vector<16xi32>], vector<16xf32>,
      %max3A_196 = arith.maximumf %gather3A_194, %get3A_180 : vector<16xf32>
      tpu.vector_store_idx %arg6[%add3A_189], %max3A_196 : memref<50016xf32, #tpu.memory_space<vmem>>[vector<16xi32>], vector<16xf32>,
      %max3A_197 = arith.maximumf %gather3A_195, %get3A_185 : vector<16xf32>
      tpu.vector_store_idx %arg7[%add3A_193], %max3A_197 : memref<50016xf32, #tpu.memory_space<vmem>>[vector<16xi32>], vector<16xf32>,
      %mul3A_198 = arith.constant 8 : i32
      %mul3A_199 = arith.muli %mul3A_198, %while3A_162 : i32
      %add3A_200 = arith.constant 0 : i32
      %add3A_201 = arith.addi %add3A_200, %mul3A_199 : i32
      %add3A_202 = arith.constant 2 : i32
      %add3A_203 = arith.addi %add3A_201, %add3A_202 : i32
      %mul3A_204 = arith.constant 8 : i32
      %mul3A_205 = arith.muli %mul3A_204, %while3A_162 : i32
      %add3A_206 = arith.constant 2 : i32
      %add3A_207 = arith.addi %mul3A_205, %add3A_206 : i32
      %broadcast_in_dim3A_208 = vector.broadcast %add3A_203 : i32 to vector<16xi32>
      %gather3A_209 = tpu.vector_load_idx %arg14[%broadcast_in_dim3A_208] : memref<3456xi32, #tpu.memory_space<vmem>>[vector<16xi32>], vector<16xi32>,
      %add3A_210 = arith.constant 1 : i32
      %add3A_211 = arith.addi %add3A_203, %add3A_210 : i32
      %broadcast_in_dim3A_212 = vector.broadcast %add3A_211 : i32 to vector<16xi32>
      %gather3A_213 = tpu.vector_load_idx %arg14[%broadcast_in_dim3A_212] : memref<3456xi32, #tpu.memory_space<vmem>>[vector<16xi32>], vector<16xi32>,
      %get3A_214 = arith.index_cast %add3A_207 : i32 to index
      %get3A_215 = arith.constant 0 : index
      %get3A_216 = tpu.vector_load %arg17[%get3A_214, %get3A_215] {strides = array<i32>} : memref<136x16xf32, #tpu.memory_space<vmem>>, vector<16xf32>,
      %add3A_217 = arith.constant 1 : i32
      %add3A_218 = arith.addi %add3A_207, %add3A_217 : i32
      %get3A_219 = arith.index_cast %add3A_218 : i32 to index
      %get3A_220 = arith.constant 0 : index
      %get3A_221 = tpu.vector_load %arg17[%get3A_219, %get3A_220] {strides = array<i32>} : memref<136x16xf32, #tpu.memory_space<vmem>>, vector<16xf32>,
      %mul3A_222 = arith.constant 16 : i32
      %mul3A_223 = vector.broadcast %mul3A_222 : i32 to vector<16xi32>
      %mul3A_224 = arith.muli %gather3A_209, %mul3A_223 : vector<16xi32>
      %add3A_225 = arith.addi %mul3A_224, %iota3A : vector<16xi32>
      %mul3A_226 = arith.constant 16 : i32
      %mul3A_227 = vector.broadcast %mul3A_226 : i32 to vector<16xi32>
      %mul3A_228 = arith.muli %gather3A_213, %mul3A_227 : vector<16xi32>
      %add3A_229 = arith.addi %mul3A_228, %iota3A : vector<16xi32>
      %gather3A_230 = tpu.vector_load_idx %arg6[%add3A_225] : memref<50016xf32, #tpu.memory_space<vmem>>[vector<16xi32>], vector<16xf32>,
      %gather3A_231 = tpu.vector_load_idx %arg7[%add3A_229] : memref<50016xf32, #tpu.memory_space<vmem>>[vector<16xi32>], vector<16xf32>,
      %max3A_232 = arith.maximumf %gather3A_230, %get3A_216 : vector<16xf32>
      tpu.vector_store_idx %arg6[%add3A_225], %max3A_232 : memref<50016xf32, #tpu.memory_space<vmem>>[vector<16xi32>], vector<16xf32>,
      %max3A_233 = arith.maximumf %gather3A_231, %get3A_221 : vector<16xf32>
      tpu.vector_store_idx %arg7[%add3A_229], %max3A_233 : memref<50016xf32, #tpu.memory_space<vmem>>[vector<16xi32>], vector<16xf32>,
      %mul3A_234 = arith.constant 8 : i32
      %mul3A_235 = arith.muli %mul3A_234, %while3A_162 : i32
      %add3A_236 = arith.constant 0 : i32
      %add3A_237 = arith.addi %add3A_236, %mul3A_235 : i32
      %add3A_238 = arith.constant 4 : i32
      %add3A_239 = arith.addi %add3A_237, %add3A_238 : i32
      %mul3A_240 = arith.constant 8 : i32
      %mul3A_241 = arith.muli %mul3A_240, %while3A_162 : i32
      %add3A_242 = arith.constant 4 : i32
      %add3A_243 = arith.addi %mul3A_241, %add3A_242 : i32
      %broadcast_in_dim3A_244 = vector.broadcast %add3A_239 : i32 to vector<16xi32>
      %gather3A_245 = tpu.vector_load_idx %arg14[%broadcast_in_dim3A_244] : memref<3456xi32, #tpu.memory_space<vmem>>[vector<16xi32>], vector<16xi32>,
      %add3A_246 = arith.constant 1 : i32
      %add3A_247 = arith.addi %add3A_239, %add3A_246 : i32
      %broadcast_in_dim3A_248 = vector.broadcast %add3A_247 : i32 to vector<16xi32>
      %gather3A_249 = tpu.vector_load_idx %arg14[%broadcast_in_dim3A_248] : memref<3456xi32, #tpu.memory_space<vmem>>[vector<16xi32>], vector<16xi32>,
      %get3A_250 = arith.index_cast %add3A_243 : i32 to index
      %get3A_251 = arith.constant 0 : index
      %get3A_252 = tpu.vector_load %arg17[%get3A_250, %get3A_251] {strides = array<i32>} : memref<136x16xf32, #tpu.memory_space<vmem>>, vector<16xf32>,
      %add3A_253 = arith.constant 1 : i32
      %add3A_254 = arith.addi %add3A_243, %add3A_253 : i32
      %get3A_255 = arith.index_cast %add3A_254 : i32 to index
      %get3A_256 = arith.constant 0 : index
      %get3A_257 = tpu.vector_load %arg17[%get3A_255, %get3A_256] {strides = array<i32>} : memref<136x16xf32, #tpu.memory_space<vmem>>, vector<16xf32>,
      %mul3A_258 = arith.constant 16 : i32
      %mul3A_259 = vector.broadcast %mul3A_258 : i32 to vector<16xi32>
      %mul3A_260 = arith.muli %gather3A_245, %mul3A_259 : vector<16xi32>
      %add3A_261 = arith.addi %mul3A_260, %iota3A : vector<16xi32>
      %mul3A_262 = arith.constant 16 : i32
      %mul3A_263 = vector.broadcast %mul3A_262 : i32 to vector<16xi32>
      %mul3A_264 = arith.muli %gather3A_249, %mul3A_263 : vector<16xi32>
      %add3A_265 = arith.addi %mul3A_264, %iota3A : vector<16xi32>
      %gather3A_266 = tpu.vector_load_idx %arg6[%add3A_261] : memref<50016xf32, #tpu.memory_space<vmem>>[vector<16xi32>], vector<16xf32>,
      %gather3A_267 = tpu.vector_load_idx %arg7[%add3A_265] : memref<50016xf32, #tpu.memory_space<vmem>>[vector<16xi32>], vector<16xf32>,
      %max3A_268 = arith.maximumf %gather3A_266, %get3A_252 : vector<16xf32>
      tpu.vector_store_idx %arg6[%add3A_261], %max3A_268 : memref<50016xf32, #tpu.memory_space<vmem>>[vector<16xi32>], vector<16xf32>,
      %max3A_269 = arith.maximumf %gather3A_267, %get3A_257 : vector<16xf32>
      tpu.vector_store_idx %arg7[%add3A_265], %max3A_269 : memref<50016xf32, #tpu.memory_space<vmem>>[vector<16xi32>], vector<16xf32>,
      %mul3A_270 = arith.constant 8 : i32
      %mul3A_271 = arith.muli %mul3A_270, %while3A_162 : i32
      %add3A_272 = arith.constant 0 : i32
      %add3A_273 = arith.addi %add3A_272, %mul3A_271 : i32
      %add3A_274 = arith.constant 6 : i32
      %add3A_275 = arith.addi %add3A_273, %add3A_274 : i32
      %mul3A_276 = arith.constant 8 : i32
      %mul3A_277 = arith.muli %mul3A_276, %while3A_162 : i32
      %add3A_278 = arith.constant 6 : i32
      %add3A_279 = arith.addi %mul3A_277, %add3A_278 : i32
      %broadcast_in_dim3A_280 = vector.broadcast %add3A_275 : i32 to vector<16xi32>
      %gather3A_281 = tpu.vector_load_idx %arg14[%broadcast_in_dim3A_280] : memref<3456xi32, #tpu.memory_space<vmem>>[vector<16xi32>], vector<16xi32>,
      %add3A_282 = arith.constant 1 : i32
      %add3A_283 = arith.addi %add3A_275, %add3A_282 : i32
      %broadcast_in_dim3A_284 = vector.broadcast %add3A_283 : i32 to vector<16xi32>
      %gather3A_285 = tpu.vector_load_idx %arg14[%broadcast_in_dim3A_284] : memref<3456xi32, #tpu.memory_space<vmem>>[vector<16xi32>], vector<16xi32>,
      %get3A_286 = arith.index_cast %add3A_279 : i32 to index
      %get3A_287 = arith.constant 0 : index
      %get3A_288 = tpu.vector_load %arg17[%get3A_286, %get3A_287] {strides = array<i32>} : memref<136x16xf32, #tpu.memory_space<vmem>>, vector<16xf32>,
      %add3A_289 = arith.constant 1 : i32
      %add3A_290 = arith.addi %add3A_279, %add3A_289 : i32
      %get3A_291 = arith.index_cast %add3A_290 : i32 to index
      %get3A_292 = arith.constant 0 : index
      %get3A_293 = tpu.vector_load %arg17[%get3A_291, %get3A_292] {strides = array<i32>} : memref<136x16xf32, #tpu.memory_space<vmem>>, vector<16xf32>,
      %mul3A_294 = arith.constant 16 : i32
      %mul3A_295 = vector.broadcast %mul3A_294 : i32 to vector<16xi32>
      %mul3A_296 = arith.muli %gather3A_281, %mul3A_295 : vector<16xi32>
      %add3A_297 = arith.addi %mul3A_296, %iota3A : vector<16xi32>
      %mul3A_298 = arith.constant 16 : i32
      %mul3A_299 = vector.broadcast %mul3A_298 : i32 to vector<16xi32>
      %mul3A_300 = arith.muli %gather3A_285, %mul3A_299 : vector<16xi32>
      %add3A_301 = arith.addi %mul3A_300, %iota3A : vector<16xi32>
      %gather3A_302 = tpu.vector_load_idx %arg6[%add3A_297] : memref<50016xf32, #tpu.memory_space<vmem>>[vector<16xi32>], vector<16xf32>,
      %gather3A_303 = tpu.vector_load_idx %arg7[%add3A_301] : memref<50016xf32, #tpu.memory_space<vmem>>[vector<16xi32>], vector<16xf32>,
      %max3A_304 = arith.maximumf %gather3A_302, %get3A_288 : vector<16xf32>
      tpu.vector_store_idx %arg6[%add3A_297], %max3A_304 : memref<50016xf32, #tpu.memory_space<vmem>>[vector<16xi32>], vector<16xf32>,
      %max3A_305 = arith.maximumf %gather3A_303, %get3A_293 : vector<16xf32>
      tpu.vector_store_idx %arg7[%add3A_301], %max3A_305 : memref<50016xf32, #tpu.memory_space<vmem>>[vector<16xi32>], vector<16xf32>,
      %while3A_306 = arith.constant 0 : i32
      scf.yield %while3A_306 : i32
    }
    %while3A_143 = arith.constant 1 : i32
    %while3A_144 = arith.constant 0 : i32
    %while3A_145 = arith.subi %select_n3A, %while3A_143 : i32
    %while3A_146 = arith.addi %while3A_143, %while3A_145 : i32
    %while3A_147 = arith.constant 1 : i32
    %while3A_148 = arith.divsi %while3A_145, %while3A_147 : i32
    %while3A_149 = arith.muli %while3A_148, %while3A_147 : i32
    %while3A_150 = arith.addi %while3A_143, %while3A_149 : i32
    %while3A_151 = arith.constant 1 : i32
    %while3A_152 = scf.for %while3A_162 = %while3A_143 to %while3A_150 step %while3A_151 iter_args(%while3A_163 = %while3A_144) -> (i32)  : i32 {
      %mul3A_164 = arith.constant 128 : i32
      %mul3A_165 = arith.muli %while3A_162, %mul3A_164 : i32
      %dma_start3A_166 = arith.constant 0 : i32
      %dma_start3A_167 = arith.constant 0 : i32
      %dma_start3A_168 = tpu.memref_slice %arg17[%dma_start3A_166, %dma_start3A_167] : memref<136x16xf32, #tpu.memory_space<vmem>> -> memref<128x16xf32, #tpu.memory_space<vmem>>
      %dma_start3A_169 = tpu.memref_slice %arg15[%mul3A_165] : memref<3456xi32, #tpu.memory_space<vmem>> -> memref<128xi32, #tpu.memory_space<vmem>>
      %dma_start3A_170 = arith.constant 0 : i32
      %dma_start3A_171 = arith.constant 0 : i32
      %dma_start3A_172 = tpu.memref_slice %arg2[%dma_start3A_170, %dma_start3A_171] : memref<100000x16xf32, #tpu.memory_space<hbm>> -> memref<100000x16xf32, #tpu.memory_space<hbm>>
      tpu.enqueue_indirect_dma source(%dma_start3A_172 : memref<100000x16xf32, #tpu.memory_space<hbm>>) target(%dma_start3A_168 : memref<128x16xf32, #tpu.memory_space<vmem>>) offsets(%dma_start3A_169 : memref<128xi32, #tpu.memory_space<vmem>>) semaphore(%arg21 : memref<!tpu.dma_semaphore, #tpu.memory_space<semaphore_mem>>)
      %dma_wait3A = arith.constant 0 : i32
      %dma_wait3A_173 = arith.constant 0 : i32
      %dma_wait3A_174 = tpu.memref_slice %arg17[%dma_wait3A, %dma_wait3A_173] : memref<136x16xf32, #tpu.memory_space<vmem>> -> memref<128x16xf32, #tpu.memory_space<vmem>>
      %dma_wait3A_175 = tpu.memref_slice %arg15[%mul3A_165] : memref<3456xi32, #tpu.memory_space<vmem>> -> memref<128xi32, #tpu.memory_space<vmem>>
      %dma_wait3A_176 = arith.constant 0 : i32
      %dma_wait3A_177 = arith.constant 0 : i32
      %dma_wait3A_178 = tpu.memref_slice %arg2[%dma_wait3A_176, %dma_wait3A_177] : memref<100000x16xf32, #tpu.memory_space<hbm>> -> memref<100000x16xf32, #tpu.memory_space<hbm>>
      tpu.wait_indirect_dma semaphore(%arg21 : memref<!tpu.dma_semaphore, #tpu.memory_space<semaphore_mem>>) src(%dma_wait3A_178 : memref<100000x16xf32, #tpu.memory_space<hbm>>) dst(%dma_wait3A_174 : memref<128x16xf32, #tpu.memory_space<vmem>>)
      %mul3A_179 = arith.constant 128 : i32
      %mul3A_180 = arith.muli %while3A_162, %mul3A_179 : i32
      %sub3A_181 = arith.subi %scan3A_39, %mul3A_180 : i32
      %jit3A_182 = arith.constant 0 : i32
      %jit3A_183 = arith.constant 128 : i32
      %max3A_184 = arith.maxsi %jit3A_182, %sub3A_181 : i32
      %min3A_185 = arith.minsi %jit3A_183, %max3A_184 : i32
      %add3A_186 = arith.constant 1 : i32
      %add3A_187 = arith.addi %min3A_185, %add3A_186 : i32
      %jit3A_188 = arith.constant 2 : i32
      %div3A_189 = arith.divsi %add3A_187, %jit3A_188 : i32
      %sign3A_190 = arith.constant 0 : i32
      %sign3A_191 = arith.cmpi sgt, %add3A_187, %sign3A_190 : i32
      %sign3A_192 = arith.extui %sign3A_191 : i1 to i32
      %sign3A_193 = arith.constant 0 : i32
      %sign3A_194 = arith.cmpi slt, %add3A_187, %sign3A_193 : i32
      %sign3A_195 = arith.extui %sign3A_194 : i1 to i32
      %sign3A_196 = arith.subi %sign3A_192, %sign3A_195 : i32
      %sign3A_197 = arith.constant 0 : i32
      %sign3A_198 = arith.cmpi sgt, %jit3A_188, %sign3A_197 : i32
      %sign3A_199 = arith.extui %sign3A_198 : i1 to i32
      %sign3A_200 = arith.constant 0 : i32
      %sign3A_201 = arith.cmpi slt, %jit3A_188, %sign3A_200 : i32
      %sign3A_202 = arith.extui %sign3A_201 : i1 to i32
      %sign3A_203 = arith.subi %sign3A_199, %sign3A_202 : i32
      %ne3A_204 = arith.cmpi ne, %sign3A_196, %sign3A_203 : i32
      %rem3A_205 = arith.remsi %add3A_187, %jit3A_188 : i32
      %ne3A_206 = arith.constant 0 : i32
      %ne3A_207 = arith.cmpi ne, %rem3A_205, %ne3A_206 : i32
      %and3A_208 = arith.andi %ne3A_204, %ne3A_207 : i1
      %sub3A_209 = arith.constant 1 : i32
      %sub3A_210 = arith.subi %div3A_189, %sub3A_209 : i32
      %select_n3A_211 = arith.select %and3A_208, %sub3A_210, %div3A_189 : i32
      %while3A_212 = arith.constant 0 : i32
      %while3A_213 = arith.constant 0 : i32
      %while3A_214 = arith.subi %select_n3A_211, %while3A_212 : i32
      %while3A_215 = arith.addi %while3A_212, %while3A_214 : i32
      %while3A_216 = arith.constant 1 : i32
      %while3A_217 = arith.divsi %while3A_214, %while3A_216 : i32
      %while3A_218 = arith.muli %while3A_217, %while3A_216 : i32
      %while3A_219 = arith.addi %while3A_212, %while3A_218 : i32
      %while3A_220 = arith.constant 1 : i32
      %while3A_221 = scf.for %while3A_225 = %while3A_212 to %while3A_219 step %while3A_220 iter_args(%while3A_226 = %while3A_213) -> (i32)  : i32 {
        %mul3A_227 = arith.constant 128 : i32
        %mul3A_228 = arith.muli %while3A_162, %mul3A_227 : i32
        %mul3A_229 = arith.constant 2 : i32
        %mul3A_230 = arith.muli %mul3A_229, %while3A_225 : i32
        %add3A_231 = arith.addi %mul3A_228, %mul3A_230 : i32
        %broadcast_in_dim3A_232 = vector.broadcast %add3A_231 : i32 to vector<16xi32>
        %gather3A = tpu.vector_load_idx %arg14[%broadcast_in_dim3A_232] : memref<3456xi32, #tpu.memory_space<vmem>>[vector<16xi32>], vector<16xi32>,
        %add3A_233 = arith.constant 1 : i32
        %add3A_234 = arith.addi %add3A_231, %add3A_233 : i32
        %broadcast_in_dim3A_235 = vector.broadcast %add3A_234 : i32 to vector<16xi32>
        %gather3A_236 = tpu.vector_load_idx %arg14[%broadcast_in_dim3A_235] : memref<3456xi32, #tpu.memory_space<vmem>>[vector<16xi32>], vector<16xi32>,
        %mul3A_237 = arith.constant 2 : i32
        %mul3A_238 = arith.muli %mul3A_237, %while3A_225 : i32
        %get3A = arith.index_cast %mul3A_238 : i32 to index
        %get3A_239 = arith.constant 0 : index
        %get3A_240 = tpu.vector_load %arg17[%get3A, %get3A_239] {strides = array<i32>} : memref<136x16xf32, #tpu.memory_space<vmem>>, vector<16xf32>,
        %mul3A_241 = arith.constant 2 : i32
        %mul3A_242 = arith.muli %mul3A_241, %while3A_225 : i32
        %add3A_243 = arith.constant 1 : i32
        %add3A_244 = arith.addi %mul3A_242, %add3A_243 : i32
        %get3A_245 = arith.index_cast %add3A_244 : i32 to index
        %get3A_246 = arith.constant 0 : index
        %get3A_247 = tpu.vector_load %arg17[%get3A_245, %get3A_246] {strides = array<i32>} : memref<136x16xf32, #tpu.memory_space<vmem>>, vector<16xf32>,
        %mul3A_248 = arith.constant 16 : i32
        %mul3A_249 = vector.broadcast %mul3A_248 : i32 to vector<16xi32>
        %mul3A_250 = arith.muli %gather3A, %mul3A_249 : vector<16xi32>
        %add3A_251 = arith.addi %mul3A_250, %iota3A : vector<16xi32>
        %mul3A_252 = arith.constant 16 : i32
        %mul3A_253 = vector.broadcast %mul3A_252 : i32 to vector<16xi32>
        %mul3A_254 = arith.muli %gather3A_236, %mul3A_253 : vector<16xi32>
        %add3A_255 = arith.addi %mul3A_254, %iota3A : vector<16xi32>
        %gather3A_256 = tpu.vector_load_idx %arg6[%add3A_251] : memref<50016xf32, #tpu.memory_space<vmem>>[vector<16xi32>], vector<16xf32>,
        %gather3A_257 = tpu.vector_load_idx %arg7[%add3A_255] : memref<50016xf32, #tpu.memory_space<vmem>>[vector<16xi32>], vector<16xf32>,
        %max3A_258 = arith.maximumf %gather3A_256, %get3A_240 : vector<16xf32>
        tpu.vector_store_idx %arg6[%add3A_251], %max3A_258 : memref<50016xf32, #tpu.memory_space<vmem>>[vector<16xi32>], vector<16xf32>,
        %max3A_259 = arith.maximumf %gather3A_257, %get3A_247 : vector<16xf32>
        tpu.vector_store_idx %arg7[%add3A_255], %max3A_259 : memref<50016xf32, #tpu.memory_space<vmem>>[vector<16xi32>], vector<16xf32>,
        %while3A_260 = arith.constant 0 : i32
        scf.yield %while3A_260 : i32
      }
      %while3A_222 = arith.constant 1 : i32
      %while3A_223 = scf.for %while3A_225 = %while3A_219 to %while3A_215 step %while3A_222 iter_args(%while3A_226 = %while3A_221) -> (i32)  : i32 {
        %mul3A_227 = arith.constant 128 : i32
        %mul3A_228 = arith.muli %while3A_162, %mul3A_227 : i32
        %mul3A_229 = arith.constant 2 : i32
        %mul3A_230 = arith.muli %mul3A_229, %while3A_225 : i32
        %add3A_231 = arith.addi %mul3A_228, %mul3A_230 : i32
        %broadcast_in_dim3A_232 = vector.broadcast %add3A_231 : i32 to vector<16xi32>
        %gather3A = tpu.vector_load_idx %arg14[%broadcast_in_dim3A_232] : memref<3456xi32, #tpu.memory_space<vmem>>[vector<16xi32>], vector<16xi32>,
        %add3A_233 = arith.constant 1 : i32
        %add3A_234 = arith.addi %add3A_231, %add3A_233 : i32
        %broadcast_in_dim3A_235 = vector.broadcast %add3A_234 : i32 to vector<16xi32>
        %gather3A_236 = tpu.vector_load_idx %arg14[%broadcast_in_dim3A_235] : memref<3456xi32, #tpu.memory_space<vmem>>[vector<16xi32>], vector<16xi32>,
        %mul3A_237 = arith.constant 2 : i32
        %mul3A_238 = arith.muli %mul3A_237, %while3A_225 : i32
        %get3A = arith.index_cast %mul3A_238 : i32 to index
        %get3A_239 = arith.constant 0 : index
        %get3A_240 = tpu.vector_load %arg17[%get3A, %get3A_239] {strides = array<i32>} : memref<136x16xf32, #tpu.memory_space<vmem>>, vector<16xf32>,
        %mul3A_241 = arith.constant 2 : i32
        %mul3A_242 = arith.muli %mul3A_241, %while3A_225 : i32
        %add3A_243 = arith.constant 1 : i32
        %add3A_244 = arith.addi %mul3A_242, %add3A_243 : i32
        %get3A_245 = arith.index_cast %add3A_244 : i32 to index
        %get3A_246 = arith.constant 0 : index
        %get3A_247 = tpu.vector_load %arg17[%get3A_245, %get3A_246] {strides = array<i32>} : memref<136x16xf32, #tpu.memory_space<vmem>>, vector<16xf32>,
        %mul3A_248 = arith.constant 16 : i32
        %mul3A_249 = vector.broadcast %mul3A_248 : i32 to vector<16xi32>
        %mul3A_250 = arith.muli %gather3A, %mul3A_249 : vector<16xi32>
        %add3A_251 = arith.addi %mul3A_250, %iota3A : vector<16xi32>
        %mul3A_252 = arith.constant 16 : i32
        %mul3A_253 = vector.broadcast %mul3A_252 : i32 to vector<16xi32>
        %mul3A_254 = arith.muli %gather3A_236, %mul3A_253 : vector<16xi32>
        %add3A_255 = arith.addi %mul3A_254, %iota3A : vector<16xi32>
        %gather3A_256 = tpu.vector_load_idx %arg6[%add3A_251] : memref<50016xf32, #tpu.memory_space<vmem>>[vector<16xi32>], vector<16xf32>,
        %gather3A_257 = tpu.vector_load_idx %arg7[%add3A_255] : memref<50016xf32, #tpu.memory_space<vmem>>[vector<16xi32>], vector<16xf32>,
        %max3A_258 = arith.maximumf %gather3A_256, %get3A_240 : vector<16xf32>
        tpu.vector_store_idx %arg6[%add3A_251], %max3A_258 : memref<50016xf32, #tpu.memory_space<vmem>>[vector<16xi32>], vector<16xf32>,
        %max3A_259 = arith.maximumf %gather3A_257, %get3A_247 : vector<16xf32>
        tpu.vector_store_idx %arg7[%add3A_255], %max3A_259 : memref<50016xf32, #tpu.memory_space<vmem>>[vector<16xi32>], vector<16xf32>,
        %while3A_260 = arith.constant 0 : i32
        scf.yield %while3A_260 : i32
      }
      %while3A_224 = arith.constant 0 : i32
      scf.yield %while3A_224 : i32
    }
    %while3A_153 = arith.constant 1 : i32
    %while3A_154 = scf.for %while3A_162 = %while3A_150 to %while3A_146 step %while3A_153 iter_args(%while3A_163 = %while3A_152) -> (i32)  : i32 {
      %mul3A_164 = arith.constant 128 : i32
      %mul3A_165 = arith.muli %while3A_162, %mul3A_164 : i32
      %dma_start3A_166 = arith.constant 0 : i32
      %dma_start3A_167 = arith.constant 0 : i32
      %dma_start3A_168 = tpu.memref_slice %arg17[%dma_start3A_166, %dma_start3A_167] : memref<136x16xf32, #tpu.memory_space<vmem>> -> memref<128x16xf32, #tpu.memory_space<vmem>>
      %dma_start3A_169 = tpu.memref_slice %arg15[%mul3A_165] : memref<3456xi32, #tpu.memory_space<vmem>> -> memref<128xi32, #tpu.memory_space<vmem>>
      %dma_start3A_170 = arith.constant 0 : i32
      %dma_start3A_171 = arith.constant 0 : i32
      %dma_start3A_172 = tpu.memref_slice %arg2[%dma_start3A_170, %dma_start3A_171] : memref<100000x16xf32, #tpu.memory_space<hbm>> -> memref<100000x16xf32, #tpu.memory_space<hbm>>
      tpu.enqueue_indirect_dma source(%dma_start3A_172 : memref<100000x16xf32, #tpu.memory_space<hbm>>) target(%dma_start3A_168 : memref<128x16xf32, #tpu.memory_space<vmem>>) offsets(%dma_start3A_169 : memref<128xi32, #tpu.memory_space<vmem>>) semaphore(%arg21 : memref<!tpu.dma_semaphore, #tpu.memory_space<semaphore_mem>>)
      %dma_wait3A = arith.constant 0 : i32
      %dma_wait3A_173 = arith.constant 0 : i32
      %dma_wait3A_174 = tpu.memref_slice %arg17[%dma_wait3A, %dma_wait3A_173] : memref<136x16xf32, #tpu.memory_space<vmem>> -> memref<128x16xf32, #tpu.memory_space<vmem>>
      %dma_wait3A_175 = tpu.memref_slice %arg15[%mul3A_165] : memref<3456xi32, #tpu.memory_space<vmem>> -> memref<128xi32, #tpu.memory_space<vmem>>
      %dma_wait3A_176 = arith.constant 0 : i32
      %dma_wait3A_177 = arith.constant 0 : i32
      %dma_wait3A_178 = tpu.memref_slice %arg2[%dma_wait3A_176, %dma_wait3A_177] : memref<100000x16xf32, #tpu.memory_space<hbm>> -> memref<100000x16xf32, #tpu.memory_space<hbm>>
      tpu.wait_indirect_dma semaphore(%arg21 : memref<!tpu.dma_semaphore, #tpu.memory_space<semaphore_mem>>) src(%dma_wait3A_178 : memref<100000x16xf32, #tpu.memory_space<hbm>>) dst(%dma_wait3A_174 : memref<128x16xf32, #tpu.memory_space<vmem>>)
      %mul3A_179 = arith.constant 128 : i32
      %mul3A_180 = arith.muli %while3A_162, %mul3A_179 : i32
      %sub3A_181 = arith.subi %scan3A_39, %mul3A_180 : i32
      %jit3A_182 = arith.constant 0 : i32
      %jit3A_183 = arith.constant 128 : i32
      %max3A_184 = arith.maxsi %jit3A_182, %sub3A_181 : i32
      %min3A_185 = arith.minsi %jit3A_183, %max3A_184 : i32
      %add3A_186 = arith.constant 1 : i32
      %add3A_187 = arith.addi %min3A_185, %add3A_186 : i32
      %jit3A_188 = arith.constant 2 : i32
      %div3A_189 = arith.divsi %add3A_187, %jit3A_188 : i32
      %sign3A_190 = arith.constant 0 : i32
      %sign3A_191 = arith.cmpi sgt, %add3A_187, %sign3A_190 : i32
      %sign3A_192 = arith.extui %sign3A_191 : i1 to i32
      %sign3A_193 = arith.constant 0 : i32
      %sign3A_194 = arith.cmpi slt, %add3A_187, %sign3A_193 : i32
      %sign3A_195 = arith.extui %sign3A_194 : i1 to i32
      %sign3A_196 = arith.subi %sign3A_192, %sign3A_195 : i32
      %sign3A_197 = arith.constant 0 : i32
      %sign3A_198 = arith.cmpi sgt, %jit3A_188, %sign3A_197 : i32
      %sign3A_199 = arith.extui %sign3A_198 : i1 to i32
      %sign3A_200 = arith.constant 0 : i32
      %sign3A_201 = arith.cmpi slt, %jit3A_188, %sign3A_200 : i32
      %sign3A_202 = arith.extui %sign3A_201 : i1 to i32
      %sign3A_203 = arith.subi %sign3A_199, %sign3A_202 : i32
      %ne3A_204 = arith.cmpi ne, %sign3A_196, %sign3A_203 : i32
      %rem3A_205 = arith.remsi %add3A_187, %jit3A_188 : i32
      %ne3A_206 = arith.constant 0 : i32
      %ne3A_207 = arith.cmpi ne, %rem3A_205, %ne3A_206 : i32
      %and3A_208 = arith.andi %ne3A_204, %ne3A_207 : i1
      %sub3A_209 = arith.constant 1 : i32
      %sub3A_210 = arith.subi %div3A_189, %sub3A_209 : i32
      %select_n3A_211 = arith.select %and3A_208, %sub3A_210, %div3A_189 : i32
      %while3A_212 = arith.constant 0 : i32
      %while3A_213 = arith.constant 0 : i32
      %while3A_214 = arith.subi %select_n3A_211, %while3A_212 : i32
      %while3A_215 = arith.addi %while3A_212, %while3A_214 : i32
      %while3A_216 = arith.constant 1 : i32
      %while3A_217 = arith.divsi %while3A_214, %while3A_216 : i32
      %while3A_218 = arith.muli %while3A_217, %while3A_216 : i32
      %while3A_219 = arith.addi %while3A_212, %while3A_218 : i32
      %while3A_220 = arith.constant 1 : i32
      %while3A_221 = scf.for %while3A_225 = %while3A_212 to %while3A_219 step %while3A_220 iter_args(%while3A_226 = %while3A_213) -> (i32)  : i32 {
        %mul3A_227 = arith.constant 128 : i32
        %mul3A_228 = arith.muli %while3A_162, %mul3A_227 : i32
        %mul3A_229 = arith.constant 2 : i32
        %mul3A_230 = arith.muli %mul3A_229, %while3A_225 : i32
        %add3A_231 = arith.addi %mul3A_228, %mul3A_230 : i32
        %broadcast_in_dim3A_232 = vector.broadcast %add3A_231 : i32 to vector<16xi32>
        %gather3A = tpu.vector_load_idx %arg14[%broadcast_in_dim3A_232] : memref<3456xi32, #tpu.memory_space<vmem>>[vector<16xi32>], vector<16xi32>,
        %add3A_233 = arith.constant 1 : i32
        %add3A_234 = arith.addi %add3A_231, %add3A_233 : i32
        %broadcast_in_dim3A_235 = vector.broadcast %add3A_234 : i32 to vector<16xi32>
        %gather3A_236 = tpu.vector_load_idx %arg14[%broadcast_in_dim3A_235] : memref<3456xi32, #tpu.memory_space<vmem>>[vector<16xi32>], vector<16xi32>,
        %mul3A_237 = arith.constant 2 : i32
        %mul3A_238 = arith.muli %mul3A_237, %while3A_225 : i32
        %get3A = arith.index_cast %mul3A_238 : i32 to index
        %get3A_239 = arith.constant 0 : index
        %get3A_240 = tpu.vector_load %arg17[%get3A, %get3A_239] {strides = array<i32>} : memref<136x16xf32, #tpu.memory_space<vmem>>, vector<16xf32>,
        %mul3A_241 = arith.constant 2 : i32
        %mul3A_242 = arith.muli %mul3A_241, %while3A_225 : i32
        %add3A_243 = arith.constant 1 : i32
        %add3A_244 = arith.addi %mul3A_242, %add3A_243 : i32
        %get3A_245 = arith.index_cast %add3A_244 : i32 to index
        %get3A_246 = arith.constant 0 : index
        %get3A_247 = tpu.vector_load %arg17[%get3A_245, %get3A_246] {strides = array<i32>} : memref<136x16xf32, #tpu.memory_space<vmem>>, vector<16xf32>,
        %mul3A_248 = arith.constant 16 : i32
        %mul3A_249 = vector.broadcast %mul3A_248 : i32 to vector<16xi32>
        %mul3A_250 = arith.muli %gather3A, %mul3A_249 : vector<16xi32>
        %add3A_251 = arith.addi %mul3A_250, %iota3A : vector<16xi32>
        %mul3A_252 = arith.constant 16 : i32
        %mul3A_253 = vector.broadcast %mul3A_252 : i32 to vector<16xi32>
        %mul3A_254 = arith.muli %gather3A_236, %mul3A_253 : vector<16xi32>
        %add3A_255 = arith.addi %mul3A_254, %iota3A : vector<16xi32>
        %gather3A_256 = tpu.vector_load_idx %arg6[%add3A_251] : memref<50016xf32, #tpu.memory_space<vmem>>[vector<16xi32>], vector<16xf32>,
        %gather3A_257 = tpu.vector_load_idx %arg7[%add3A_255] : memref<50016xf32, #tpu.memory_space<vmem>>[vector<16xi32>], vector<16xf32>,
        %max3A_258 = arith.maximumf %gather3A_256, %get3A_240 : vector<16xf32>
        tpu.vector_store_idx %arg6[%add3A_251], %max3A_258 : memref<50016xf32, #tpu.memory_space<vmem>>[vector<16xi32>], vector<16xf32>,
        %max3A_259 = arith.maximumf %gather3A_257, %get3A_247 : vector<16xf32>
        tpu.vector_store_idx %arg7[%add3A_255], %max3A_259 : memref<50016xf32, #tpu.memory_space<vmem>>[vector<16xi32>], vector<16xf32>,
        %while3A_260 = arith.constant 0 : i32
        scf.yield %while3A_260 : i32
      }
      %while3A_222 = arith.constant 1 : i32
      %while3A_223 = scf.for %while3A_225 = %while3A_219 to %while3A_215 step %while3A_222 iter_args(%while3A_226 = %while3A_221) -> (i32)  : i32 {
        %mul3A_227 = arith.constant 128 : i32
        %mul3A_228 = arith.muli %while3A_162, %mul3A_227 : i32
        %mul3A_229 = arith.constant 2 : i32
        %mul3A_230 = arith.muli %mul3A_229, %while3A_225 : i32
        %add3A_231 = arith.addi %mul3A_228, %mul3A_230 : i32
        %broadcast_in_dim3A_232 = vector.broadcast %add3A_231 : i32 to vector<16xi32>
        %gather3A = tpu.vector_load_idx %arg14[%broadcast_in_dim3A_232] : memref<3456xi32, #tpu.memory_space<vmem>>[vector<16xi32>], vector<16xi32>,
        %add3A_233 = arith.constant 1 : i32
        %add3A_234 = arith.addi %add3A_231, %add3A_233 : i32
        %broadcast_in_dim3A_235 = vector.broadcast %add3A_234 : i32 to vector<16xi32>
        %gather3A_236 = tpu.vector_load_idx %arg14[%broadcast_in_dim3A_235] : memref<3456xi32, #tpu.memory_space<vmem>>[vector<16xi32>], vector<16xi32>,
        %mul3A_237 = arith.constant 2 : i32
        %mul3A_238 = arith.muli %mul3A_237, %while3A_225 : i32
        %get3A = arith.index_cast %mul3A_238 : i32 to index
        %get3A_239 = arith.constant 0 : index
        %get3A_240 = tpu.vector_load %arg17[%get3A, %get3A_239] {strides = array<i32>} : memref<136x16xf32, #tpu.memory_space<vmem>>, vector<16xf32>,
        %mul3A_241 = arith.constant 2 : i32
        %mul3A_242 = arith.muli %mul3A_241, %while3A_225 : i32
        %add3A_243 = arith.constant 1 : i32
        %add3A_244 = arith.addi %mul3A_242, %add3A_243 : i32
        %get3A_245 = arith.index_cast %add3A_244 : i32 to index
        %get3A_246 = arith.constant 0 : index
        %get3A_247 = tpu.vector_load %arg17[%get3A_245, %get3A_246] {strides = array<i32>} : memref<136x16xf32, #tpu.memory_space<vmem>>, vector<16xf32>,
        %mul3A_248 = arith.constant 16 : i32
        %mul3A_249 = vector.broadcast %mul3A_248 : i32 to vector<16xi32>
        %mul3A_250 = arith.muli %gather3A, %mul3A_249 : vector<16xi32>
        %add3A_251 = arith.addi %mul3A_250, %iota3A : vector<16xi32>
        %mul3A_252 = arith.constant 16 : i32
        %mul3A_253 = vector.broadcast %mul3A_252 : i32 to vector<16xi32>
        %mul3A_254 = arith.muli %gather3A_236, %mul3A_253 : vector<16xi32>
        %add3A_255 = arith.addi %mul3A_254, %iota3A : vector<16xi32>
        %gather3A_256 = tpu.vector_load_idx %arg6[%add3A_251] : memref<50016xf32, #tpu.memory_space<vmem>>[vector<16xi32>], vector<16xf32>,
        %gather3A_257 = tpu.vector_load_idx %arg7[%add3A_255] : memref<50016xf32, #tpu.memory_space<vmem>>[vector<16xi32>], vector<16xf32>,
        %max3A_258 = arith.maximumf %gather3A_256, %get3A_240 : vector<16xf32>
        tpu.vector_store_idx %arg6[%add3A_251], %max3A_258 : memref<50016xf32, #tpu.memory_space<vmem>>[vector<16xi32>], vector<16xf32>,
        %max3A_259 = arith.maximumf %gather3A_257, %get3A_247 : vector<16xf32>
        tpu.vector_store_idx %arg7[%add3A_255], %max3A_259 : memref<50016xf32, #tpu.memory_space<vmem>>[vector<16xi32>], vector<16xf32>,
        %while3A_260 = arith.constant 0 : i32
        scf.yield %while3A_260 : i32
      }
      %while3A_224 = arith.constant 0 : i32
      scf.yield %while3A_224 : i32
    }
    %scan3A_155 = arith.constant 0 : i32
    %scan3A_156 = arith.constant 0 : i32
    %scan3A_157 = arith.constant 3125 : i32
    %scan3A_158 = arith.addi %scan3A_156, %scan3A_157 : i32
    %scan3A_159 = arith.constant 1 : i32
    %scan3A_160 = scf.for %scan3A_162 = %scan3A_156 to %scan3A_158 step %scan3A_159 iter_args(%scan3A_163 = %scan3A_155) -> (i32)  : i32 {
      %mul3A_164 = arith.constant 16 : i32
      %mul3A_165 = arith.muli %scan3A_162, %mul3A_164 : i32
      %get3A = arith.index_cast %mul3A_165 : i32 to index
      %get3A_166 = tpu.vector_load %arg6[%get3A] {strides = array<i32>} : memref<50016xf32, #tpu.memory_space<vmem>>, vector<16xf32>,
      %mul3A_167 = arith.constant 16 : i32
      %mul3A_168 = arith.muli %scan3A_162, %mul3A_167 : i32
      %get3A_169 = arith.index_cast %mul3A_168 : i32 to index
      %get3A_170 = tpu.vector_load %arg7[%get3A_169] {strides = array<i32>} : memref<50016xf32, #tpu.memory_space<vmem>>, vector<16xf32>,
      %max3A_171 = arith.maximumf %get3A_166, %get3A_170 : vector<16xf32>
      %mul3A_172 = arith.constant 16 : i32
      %mul3A_173 = arith.muli %scan3A_162, %mul3A_172 : i32
      %swap3A = arith.index_cast %mul3A_173 : i32 to index
      %swap3A_174 = tpu.vector_load %arg6[%swap3A] {strides = array<i32>} : memref<50016xf32, #tpu.memory_space<vmem>>, vector<16xf32>,
      tpu.vector_store %arg6[%swap3A], %max3A_171 {strides = array<i32>} : memref<50016xf32, #tpu.memory_space<vmem>>, vector<16xf32>,
      %scan3A_175 = arith.constant 0 : i32
      scf.yield %scan3A_175 : i32
    }
    %scan3A_161 = arith.constant 3125 : i32
    "tpu.region"() ({
      %run_scoped3A = tpu.sem_alloc : memref<!tpu.dma_semaphore, #tpu.memory_space<semaphore_mem>>
      %dma_start3A_162 = arith.constant 0 : i32
      %dma_start3A_163 = tpu.memref_slice %arg6[%dma_start3A_162] : memref<50016xf32, #tpu.memory_space<vmem>> -> memref<50000xf32, #tpu.memory_space<vmem>>
      %dma_start3A_164 = arith.constant 0 : i32
      %dma_start3A_165 = tpu.memref_slice %arg5[%add3A, %dma_start3A_164] : memref<32x50000xf32, #tpu.memory_space<hbm>> -> memref<1x50000xf32, #tpu.memory_space<hbm>>
      %dma_start3A_166 = tpu.memref_squeeze %dma_start3A_165 : memref<1x50000xf32, #tpu.memory_space<hbm>> -> memref<50000xf32, #tpu.memory_space<hbm>>
      %dma_start3A_167 = arith.constant 0 : i32
      %dma_start3A_168 = tpu.memref_slice %arg5[%add3A, %dma_start3A_167] : memref<32x50000xf32, #tpu.memory_space<hbm>> -> memref<1x50000xf32, #tpu.memory_space<hbm>>
      %dma_start3A_169 = tpu.memref_squeeze %dma_start3A_168 : memref<1x50000xf32, #tpu.memory_space<hbm>> -> memref<50000xf32, #tpu.memory_space<hbm>>
      %dma_start3A_170 = arith.constant 0 : i32
      %dma_start3A_171 = tpu.memref_slice %arg6[%dma_start3A_170] : memref<50016xf32, #tpu.memory_space<vmem>> -> memref<50000xf32, #tpu.memory_space<vmem>>
      tpu.enqueue_dma source(%dma_start3A_171 : memref<50000xf32, #tpu.memory_space<vmem>>) target(%dma_start3A_169 : memref<50000xf32, #tpu.memory_space<hbm>>) target_semaphore(%run_scoped3A : memref<!tpu.dma_semaphore, #tpu.memory_space<semaphore_mem>>)
      %dma_wait3A = arith.constant 0 : i32
      %dma_wait3A_172 = tpu.memref_slice %arg6[%dma_wait3A] : memref<50016xf32, #tpu.memory_space<vmem>> -> memref<50000xf32, #tpu.memory_space<vmem>>
      %dma_wait3A_173 = arith.constant 0 : i32
      %dma_wait3A_174 = tpu.memref_slice %arg5[%add3A, %dma_wait3A_173] : memref<32x50000xf32, #tpu.memory_space<hbm>> -> memref<1x50000xf32, #tpu.memory_space<hbm>>
      %dma_wait3A_175 = tpu.memref_squeeze %dma_wait3A_174 : memref<1x50000xf32, #tpu.memory_space<hbm>> -> memref<50000xf32, #tpu.memory_space<hbm>>
      %dma_wait3A_176 = arith.constant 0 : i32
      %dma_wait3A_177 = tpu.memref_slice %arg5[%add3A, %dma_wait3A_176] : memref<32x50000xf32, #tpu.memory_space<hbm>> -> memref<1x50000xf32, #tpu.memory_space<hbm>>
      %dma_wait3A_178 = tpu.memref_squeeze %dma_wait3A_177 : memref<1x50000xf32, #tpu.memory_space<hbm>> -> memref<50000xf32, #tpu.memory_space<hbm>>
      %dma_wait3A_179 = arith.constant 0 : i32
      %dma_wait3A_180 = tpu.memref_slice %arg6[%dma_wait3A_179] : memref<50016xf32, #tpu.memory_space<vmem>> -> memref<50000xf32, #tpu.memory_space<vmem>>
      tpu.wait_dma2 semaphore(%run_scoped3A : memref<!tpu.dma_semaphore, #tpu.memory_space<semaphore_mem>>) src(%dma_wait3A_180 : memref<50000xf32, #tpu.memory_space<vmem>>) dst(%dma_wait3A_178 : memref<50000xf32, #tpu.memory_space<hbm>>)
      tpu.yield
    }) : () -> ()
    return
  }
}

module attributes {stable_mosaic.version = 14 : i64} {
  func.func @_tc_pre_body(%arg0: i32, %arg1: memref<2000x10xf32, #tpu.memory_space<vmem>>, %arg2: memref<10x16xf32, #tpu.memory_space<vmem>>, %arg3: memref<10x16xf32, #tpu.memory_space<vmem>>, %arg4: memref<1x16xf32, #tpu.memory_space<vmem>>, %arg5: memref<2000x16xf32, #tpu.memory_space<vmem>>, %arg6: memref<2000x16xf32, #tpu.memory_space<vmem>>) attributes {dimension_semantics = [#tpu.dimension_semantics<arbitrary>], iteration_bounds = array<i64: 50>, scalar_prefetch = 0 : i64, scratch_operands = 0 : i64, tpu.core_type = #tpu.core_type<tc>, window_params = [{transform_indices = @transform_0, window_bounds = array<i64: 2000, 10>}, {pipeline_mode = #tpu.pipeline_mode<synchronous>, transform_indices = @transform_1, window_bounds = array<i64: 10, 16>}, {pipeline_mode = #tpu.pipeline_mode<synchronous>, transform_indices = @transform_2, window_bounds = array<i64: 10, 16>}, {pipeline_mode = #tpu.pipeline_mode<synchronous>, transform_indices = @transform_3, window_bounds = array<i64: 1, 16>}, {transform_indices = @transform_4, window_bounds = array<i64: 2000, 16>}, {transform_indices = @transform_5, window_bounds = array<i64: 2000, 16>}]} {
    %get3A = arith.constant 0 : index
    %get3A_0 = arith.constant 0 : index
    %get3A_1 = vector.load %arg1[%get3A, %get3A_0] : memref<2000x10xf32, #tpu.memory_space<vmem>>, vector<2000x10xf32>
    %get3A_2 = arith.constant 0 : index
    %get3A_3 = arith.constant 0 : index
    %get3A_4 = vector.load %arg2[%get3A_2, %get3A_3] : memref<10x16xf32, #tpu.memory_space<vmem>>, vector<10x16xf32>
    %dot_general3A = arith.constant dense<0.000000e+00> : vector<2000x16xf32>
    %dot_general3A_5 = tpu.matmul %get3A_1, %get3A_4, %dot_general3A {dimension_numbers = #tpu.dot_dimension_numbers<[1], [0], [0], [1], [0, 0, 1, 1], [], []>, transpose_lhs_hint = false} : vector<2000x10xf32>, vector<10x16xf32>, vector<2000x16xf32> -> vector<2000x16xf32>
    %swap3A = arith.constant 0 : index
    %swap3A_6 = arith.constant 0 : index
    %swap3A_7 = vector.load %arg5[%swap3A, %swap3A_6] : memref<2000x16xf32, #tpu.memory_space<vmem>>, vector<2000x16xf32>
    tpu.vector_store %arg5[%swap3A, %swap3A_6], %dot_general3A_5 {strides = array<i32>} : memref<2000x16xf32, #tpu.memory_space<vmem>>, vector<2000x16xf32>,
    %get3A_8 = arith.constant 0 : index
    %get3A_9 = arith.constant 0 : index
    %get3A_10 = vector.load %arg3[%get3A_8, %get3A_9] : memref<10x16xf32, #tpu.memory_space<vmem>>, vector<10x16xf32>
    %dot_general3A_11 = arith.constant dense<0.000000e+00> : vector<2000x16xf32>
    %dot_general3A_12 = tpu.matmul %get3A_1, %get3A_10, %dot_general3A_11 {dimension_numbers = #tpu.dot_dimension_numbers<[1], [0], [0], [1], [0, 0, 1, 1], [], []>, transpose_lhs_hint = false} : vector<2000x10xf32>, vector<10x16xf32>, vector<2000x16xf32> -> vector<2000x16xf32>
    %get3A_13 = arith.constant 0 : index
    %get3A_14 = arith.constant 0 : index
    %get3A_15 = vector.load %arg4[%get3A_13, %get3A_14] : memref<1x16xf32, #tpu.memory_space<vmem>>, vector<1x16xf32>
    %add3A = vector.broadcast %get3A_15 : vector<1x16xf32> to vector<2000x16xf32>
    %add3A_16 = arith.addf %dot_general3A_12, %add3A : vector<2000x16xf32>
    %swap3A_17 = arith.constant 0 : index
    %swap3A_18 = arith.constant 0 : index
    %swap3A_19 = vector.load %arg6[%swap3A_17, %swap3A_18] : memref<2000x16xf32, #tpu.memory_space<vmem>>, vector<2000x16xf32>
    tpu.vector_store %arg6[%swap3A_17, %swap3A_18], %add3A_16 {strides = array<i32>} : memref<2000x16xf32, #tpu.memory_space<vmem>>, vector<2000x16xf32>,
    return
  }
  func.func @transform_0(%arg0: i32) -> (i32, i32) {
    %c0_i32 = arith.constant 0 : i32
    %c0_i32_0 = arith.constant 0 : i32
    return %arg0, %c0_i32 : i32, i32
  }
  func.func @transform_1(%arg0: i32) -> (i32, i32) {
    %c0_i32 = arith.constant 0 : i32
    %c0_i32_0 = arith.constant 0 : i32
    %c0_i32_1 = arith.constant 0 : i32
    return %c0_i32, %c0_i32_0 : i32, i32
  }
  func.func @transform_2(%arg0: i32) -> (i32, i32) {
    %c0_i32 = arith.constant 0 : i32
    %c0_i32_0 = arith.constant 0 : i32
    %c0_i32_1 = arith.constant 0 : i32
    return %c0_i32, %c0_i32_0 : i32, i32
  }
  func.func @transform_3(%arg0: i32) -> (i32, i32) {
    %c0_i32 = arith.constant 0 : i32
    %c0_i32_0 = arith.constant 0 : i32
    %c0_i32_1 = arith.constant 0 : i32
    return %c0_i32, %c0_i32_0 : i32, i32
  }
  func.func @transform_4(%arg0: i32) -> (i32, i32) {
    %c0_i32 = arith.constant 0 : i32
    %c0_i32_0 = arith.constant 0 : i32
    return %arg0, %c0_i32 : i32, i32
  }
  func.func @transform_5(%arg0: i32) -> (i32, i32) {
    %c0_i32 = arith.constant 0 : i32
    %c0_i32_0 = arith.constant 0 : i32
    return %arg0, %c0_i32 : i32, i32
  }
}

module attributes {stable_mosaic.version = 14 : i64} {
  func.func @_tc_post_body(%arg0: i32, %arg1: memref<2000x16xf32, #tpu.memory_space<vmem>>, %arg2: memref<2000x16xf32, #tpu.memory_space<vmem>>, %arg3: memref<16x10xf32, #tpu.memory_space<vmem>>, %arg4: memref<1x10xf32, #tpu.memory_space<vmem>>, %arg5: memref<2000x10xf32, #tpu.memory_space<vmem>>) attributes {dimension_semantics = [#tpu.dimension_semantics<arbitrary>], iteration_bounds = array<i64: 50>, scalar_prefetch = 0 : i64, scratch_operands = 0 : i64, tpu.core_type = #tpu.core_type<tc>, window_params = [{transform_indices = @transform_0, window_bounds = array<i64: 2000, 16>}, {transform_indices = @transform_1, window_bounds = array<i64: 2000, 16>}, {pipeline_mode = #tpu.pipeline_mode<synchronous>, transform_indices = @transform_2, window_bounds = array<i64: 16, 10>}, {pipeline_mode = #tpu.pipeline_mode<synchronous>, transform_indices = @transform_3, window_bounds = array<i64: 1, 10>}, {transform_indices = @transform_4, window_bounds = array<i64: 2000, 10>}]} {
    %get3A = arith.constant 0 : index
    %get3A_0 = arith.constant 0 : index
    %get3A_1 = vector.load %arg1[%get3A, %get3A_0] : memref<2000x16xf32, #tpu.memory_space<vmem>>, vector<2000x16xf32>
    %eq3A = arith.constant 0xFF800000 : f32
    %eq3A_2 = vector.broadcast %eq3A : f32 to vector<2000x16xf32>
    %eq3A_3 = arith.cmpf oeq, %get3A_1, %eq3A_2 : vector<2000x16xf32>
    %get3A_4 = arith.constant 0 : index
    %get3A_5 = arith.constant 0 : index
    %get3A_6 = vector.load %arg2[%get3A_4, %get3A_5] : memref<2000x16xf32, #tpu.memory_space<vmem>>, vector<2000x16xf32>
    %add3A = arith.addf %get3A_6, %get3A_1 : vector<2000x16xf32>
    %jit3A = arith.constant 0.000000e+00 : f32
    %broadcast_in_dim3A = vector.broadcast %jit3A : f32 to vector<2000x16xf32>
    %select_n3A = arith.select %eq3A_3, %broadcast_in_dim3A, %add3A : vector<2000x16xi1>, vector<2000x16xf32>
    %get3A_7 = arith.constant 0 : index
    %get3A_8 = arith.constant 0 : index
    %get3A_9 = vector.load %arg3[%get3A_7, %get3A_8] : memref<16x10xf32, #tpu.memory_space<vmem>>, vector<16x10xf32>
    %dot_general3A = arith.constant dense<0.000000e+00> : vector<2000x10xf32>
    %dot_general3A_10 = tpu.matmul %select_n3A, %get3A_9, %dot_general3A {dimension_numbers = #tpu.dot_dimension_numbers<[1], [0], [0], [1], [0, 0, 1, 1], [], []>, transpose_lhs_hint = false} : vector<2000x16xf32>, vector<16x10xf32>, vector<2000x10xf32> -> vector<2000x10xf32>
    %get3A_11 = arith.constant 0 : index
    %get3A_12 = arith.constant 0 : index
    %get3A_13 = vector.load %arg4[%get3A_11, %get3A_12] : memref<1x10xf32, #tpu.memory_space<vmem>>, vector<1x10xf32>
    %add3A_14 = vector.broadcast %get3A_13 : vector<1x10xf32> to vector<2000x10xf32>
    %add3A_15 = arith.addf %dot_general3A_10, %add3A_14 : vector<2000x10xf32>
    %swap3A = arith.constant 0 : index
    %swap3A_16 = arith.constant 0 : index
    %swap3A_17 = vector.load %arg5[%swap3A, %swap3A_16] : memref<2000x10xf32, #tpu.memory_space<vmem>>, vector<2000x10xf32>
    tpu.vector_store %arg5[%swap3A, %swap3A_16], %add3A_15 {strides = array<i32>} : memref<2000x10xf32, #tpu.memory_space<vmem>>, vector<2000x10xf32>,
    return
  }
  func.func @transform_0(%arg0: i32) -> (i32, i32) {
    %c0_i32 = arith.constant 0 : i32
    %c0_i32_0 = arith.constant 0 : i32
    return %arg0, %c0_i32 : i32, i32
  }
  func.func @transform_1(%arg0: i32) -> (i32, i32) {
    %c0_i32 = arith.constant 0 : i32
    %c0_i32_0 = arith.constant 0 : i32
    return %arg0, %c0_i32 : i32, i32
  }
  func.func @transform_2(%arg0: i32) -> (i32, i32) {
    %c0_i32 = arith.constant 0 : i32
    %c0_i32_0 = arith.constant 0 : i32
    %c0_i32_1 = arith.constant 0 : i32
    return %c0_i32, %c0_i32_0 : i32, i32
  }
  func.func @transform_3(%arg0: i32) -> (i32, i32) {
    %c0_i32 = arith.constant 0 : i32
    %c0_i32_0 = arith.constant 0 : i32
    %c0_i32_1 = arith.constant 0 : i32
    return %c0_i32, %c0_i32_0 : i32, i32
  }
  func.func @transform_4(%arg0: i32) -> (i32, i32) {
    %c0_i32 = arith.constant 0 : i32
    %c0_i32_0 = arith.constant 0 : i32
    return %arg0, %c0_i32 : i32, i32
  }
}

</mosaic_0001>

<sc_bundles>
// kernel: kernel.5.cloned.1.call-start
scs
__scs_entry_jumppad:
0x0: {  	(pc) =	sbr.rel $0x88, $3  }
0x1: {  	(tag) =	ssettag $0x0;
	lr =	simm.s32 $0x1  }
0x2: {  	[smem:$0x3F9B] =	sst lr;
	_ =	strace $0xD0000000  }
0x3: {  	_ = 	snop  }
0x4: {  	_ = 	snop  }
0x5: {  	_ = 	snop  }
0x6: {  	_ = 	snop  }
0x7: {  	_ = 	snop  }
__scs_overlays_trampoline_lowered:
0x8: {  	[smem:$0x3FAA] =	sst s0  }
0x9: {  	[smem:$0x3FAB] =	sst s1  }
0xa: {  	[smem:$0x3FAC] =	sst s2  }
0xb: {  	[smem:$0x3FAD] =	sst s3  }
0xc: {  	[smem:$0x3FAE] =	sst s4  }
0xd: {  	[smem:$0x3FAF] =	sst s5  }
0xe: {  	[smem:$0x3FB0] =	sst s6  }
0xf: {  	[smem:$0x3FB1] =	sst s7  }
0x10: {  	[smem:$0x3FB2] =	sst s8  }
0x11: {  	[smem:$0x3FB3] =	sst s9;
	s0 =	simm.s32 @!p0 $0x0  }
0x12: {  	s1 =	sld [smem:$0x3F99];
	s0 =	simm.s32 @p0 $0x1  }
0x13: {  	[smem:$0x3FB4] =	sst s0;
	s0 =	simm.s32 @!p1 $0x0  }
0x14: {  	s2 =	sld [smem:$0x3F98];
	s0 =	simm.s32 @p1 $0x1  }
0x15: {  	[smem:$0x3FB5] =	sst s0;
	s0 =	simm.s32 @!p2 $0x0  }
0x16: {  	s3 =	sld [smem:$0x3FDB];
	s0 =	simm.s32 @p2 $0x1  }
0x17: {  	s4 =	simm.s32 $0x1BF5;
	[smem:$0x3FB7] =	sst s0  }
0x18: {  	s0 =	sld [smem:$0x3F9A];
	_ =	swait.ge [sflag:s4], $0x0  }
0x19: {  	s7 =	sld [smem:$0x3F9B]  }
0x1a: {  	s8 =	sadd.s32 $0xFFFFE003, lr  }
0x1b: {  	s9 =	sadd.s32 $0xFFFFFEF7, lr;
	s5 =	simm.s32 $0xFFFFFFFF;
	p2 =	slt.u32 s8, $0xFFFFF086  }
0x1c: {  	p1 =	slt.u32 s9, $0xF7A;
	s5 =	simm.s32 @!p2 $0x0  }
0x1d: {  	s5 =	simm.s32 @p1 $0x1;
	p0 =	seq.s32 s7, s2  }
0x1e: {  	s7 =	smul.u32 @!p0 $0xF7A, s2;
	p2 =	seq.s32 @!p0 s5, $0x0  }
0x1f: {  	s9 =	smul.u32 $0xF7A, s1;
	s8 =	simm.s32 @!p0 $0x1BF5;
	p2 =	por !p2, p0  }
0x20: {  	[sflag:s8] =	ssyncset.s32 @!p0 $0xFFFFF086;
	s6 =	sadd.s32 @!p0 s3, s7;
	s7 =	simm.s32 @!p0 $0x108  }
0x21: {  	s3 =	sadd.s32 s3, s9;
	s6 =	sadd.s32 @!p0 $0x88, s6;
	s7 =	simm.s32 @p2 $0x1082  }
0x22: {  	[simem:s7], [sflag:s8] =	dma.local @!p0 [hbm:s6], $0xF7A  }
0x23: {  	s9 =	sor.u32 $0xD0000000, s2;
	s6 =	simm.s32 $0x108;
	_ =	swait.ge @!p0 [sflag:s8], $0x0  }
0x24: {  	s3 =	sadd.s32 $0x88, s3;
	s6 =	simm.s32 @!p1 $0x1082;
	[sflag:s4] =	ssyncset.s32 $0xFFFFF086  }
0x25: {  	[simem:s6], [sflag:s4] =	dma.local [hbm:s3], $0xF7A  }
0x26: {  	[smem:$0x3F9B] =	sst s1;
	(tag) =	ssettag s2;
	_ =	strace s9  }
0x27: {  	s1 =	sld [smem:$0x3FAB]  }
0x28: {  	s2 =	sld [smem:$0x3FAC]  }
0x29: {  	s4 =	sld [smem:$0x3FAE]  }
0x2a: {  	p0 =	seq.s32 s5, $0x0;
	s5 =	sld [smem:$0x3FAF]  }
0x2b: {  	s6 =	sld [smem:$0x3FB0]  }
0x2c: {  	s7 =	sld [smem:$0x3FB1]  }
0x2d: {  	s3 =	simm.s32 $0x108;
	s8 =	sld [smem:$0x3FB2]  }
0x2e: {  	s3 =	simm.s32 @!p0 $0x1082;
	s9 =	sld [smem:$0x3FB3]  }
0x2f: {  	lr =	sadd.s32 s0, s3;
	s0 =	sld [smem:$0x3FAA]  }
0x30: {  	s3 =	sld [smem:$0x3FAD]  }
0x31: {  	[smem:$0x3FB6] =	sst s10  }
0x32: {  	s10 =	sld [smem:$0x3FB4];
	_ =	sdelay $0x3  }
0x33: {  	p0 =	seq.s32 s10, $0x1;
	s10 =	sld [smem:$0x3FB6];
	_ =	sdelay $0x3  }
0x34: {  	[smem:$0x3FB6] =	sst s10  }
0x35: {  	s10 =	sld [smem:$0x3FB5];
	_ =	sdelay $0x3  }
0x36: {  	p1 =	seq.s32 s10, $0x1;
	s10 =	sld [smem:$0x3FB6];
	_ =	sdelay $0x3  }
0x37: {  	[smem:$0x3FB6] =	sst s10  }
0x38: {  	s10 =	sld [smem:$0x3FB7]  }
0x39: {  	_ = 	snop;
	(pc) =	sbr.ind lr, $3  }
0x3a: {  	_ = 	snop  }
0x3b: {  	_ = 	snop  }
0x3c: {  	p2 =	seq.s32 s10, $0x1;
	s10 =	sld [smem:$0x3FB6]  }
0x3d: {  	_ =	shalt  }
0x3e: {  	_ =	shalt  }
0x3f: {  	_ =	shalt  }
0x40: {  	_ =	shalt  }
0x41: {  	_ =	shalt  }
0x42: {  	_ =	shalt  }
0x43: {  	_ =	shalt  }
0x44: {  	_ =	shalt  }
0x45: {  	_ =	shalt  }
0x46: {  	_ =	shalt  }
0x47: {  	_ =	shalt  }
0x48: {  	_ =	shalt  }
0x49: {  	_ =	shalt  }
0x4a: {  	_ =	shalt  }
0x4b: {  	_ =	shalt  }
0x4c: {  	_ =	shalt  }
0x4d: {  	_ =	shalt  }
0x4e: {  	_ =	shalt  }
0x4f: {  	_ =	shalt  }
0x50: {  	_ =	shalt  }
0x51: {  	_ =	shalt  }
0x52: {  	_ =	shalt  }
0x53: {  	_ =	shalt  }
0x54: {  	_ =	shalt  }
0x55: {  	_ =	shalt  }
0x56: {  	_ =	shalt  }
0x57: {  	_ =	shalt  }
0x58: {  	_ =	shalt  }
0x59: {  	_ =	shalt  }
0x5a: {  	_ =	shalt  }
0x5b: {  	_ =	shalt  }
0x5c: {  	_ =	shalt  }
0x5d: {  	_ =	shalt  }
0x5e: {  	_ =	shalt  }
0x5f: {  	_ =	shalt  }
0x60: {  	_ =	shalt  }
0x61: {  	_ =	shalt  }
0x62: {  	_ =	shalt  }
0x63: {  	_ =	shalt  }
0x64: {  	_ =	shalt  }
0x65: {  	_ =	shalt  }
0x66: {  	_ =	shalt  }
0x67: {  	_ =	shalt  }
0x68: {  	_ =	shalt  }
0x69: {  	_ =	shalt  }
0x6a: {  	_ =	shalt  }
0x6b: {  	_ =	shalt  }
0x6c: {  	_ =	shalt  }
0x6d: {  	_ =	shalt  }
0x6e: {  	_ =	shalt  }
0x6f: {  	_ =	shalt  }
0x70: {  	_ =	shalt  }
0x71: {  	_ =	shalt  }
0x72: {  	_ =	shalt  }
0x73: {  	_ =	shalt  }
0x74: {  	_ =	shalt  }
0x75: {  	_ =	shalt  }
0x76: {  	_ =	shalt  }
0x77: {  	_ =	shalt  }
0x78: {  	_ =	shalt  }
0x79: {  	_ =	shalt  }
0x7a: {  	_ =	shalt  }
0x7b: {  	_ =	shalt  }
0x7c: {  	_ =	shalt  }
0x7d: {  	_ =	shalt  }
0x7e: {  	_ =	shalt  }
0x7f: {  	_ =	shalt  }
0x80: {  	_ =	shalt  }
0x81: {  	_ =	shalt  }
0x82: {  	_ =	shalt  }
0x83: {  	_ =	shalt  }
0x84: {  	_ =	shalt  }
0x85: {  	_ =	shalt  }
0x86: {  	_ =	shalt  }
0x87: {  	_ =	shalt  }
.Lfunc_end0:
.L_simem_size_0:
called_computation_lowered:
.L_overlay_start_0:
0x88: {  	s2 =	sld [smem:$0x3FD9]  }
0x89: {  	s3 =	sld [smem:$0x3FFE];
	_ =	sdelay $0x1  }
0x8a: {  	s1 =	srdreg.scid  }
0x8b: {  	s0 =	sand.u32 $0x1, s1  }
0x8c: {  	s17 =	sshll.u32 s0, $0xA;
	s2 =	sadd.s32 s3, s2  }
0x8d: {  	s2 =	sadd.s32 s2, s17  }
0x8e: {  	[smem:$0x3FC2] =	sst s2  }
0x8f: {  	_ = 	snop  }
0x90: {  	s2 =	sld [smem:$0x3FD0];
	(tm) =	ssettm $0x1  }
0x91: {  	s18 =	sld [smem:$0x3FFB];
	_ =	sdelay $0x3  }
0x92: {  	_ =	strace s18  }
0x93: {  	s3 =	sld [smem:$0x3FFC];
	_ =	sdelay $0x3  }
0x94: {  	_ =	strace s3  }
0x95: {  	s3 =	sld [smem:$0x3FFD];
	_ =	sdelay $0x3  }
0x96: {  	_ =	strace s3  }
0x97: {  	_ =	strace $0x8FFFFFFF  }
0x98: {  	s19 =	sld [smem:$0x3FDB];
	_ =	sdelay $0x1  }
0x99: {  	s4 =	simm.s32 $_scs_section_size  }
0x9a: {  	s5 =	simm.s32 $_size__tile_overlayer_lowered;
	s6 =	simm.s32 $_tile_overlayer_lowered  }
0x9b: {  	s22 =	simm.s32 $0x1BFF;
	s21 =	sshll.u32 s6, $0x1;
	s3 =	sadd.s32 s4, s19  }
0x9c: {  	s7 =	simm.s32 $0x0;
	s20 =	sshll.u32 s5, $0x1;
	s5 =	sadd.s32 s21, s3  }
0x9d: {  	[timem:s7], [sflag:s22] =	dma.local [hbm:s5], s20  }
0x9e: {  	_ =	swait.ge [sflag:s22], s20  }
0x9f: {  	s4 =	ssub.s32 $0x0, s20;
	[sflag:s22] =	ssyncset.done $0x0  }
0xa0: {  	[sflag:s22] =	ssyncadd.s32 s4;
	_ =	sdelay $0x1  }
0xa1: {  	s23 =	simm.s32 $0x1B8B  }
0xa2: {  	_ =	swait.ge [sflag:s23], $0x1  }
0xa3: {  	[sflag:s23] =	ssyncset.done $0x0  }
0xa4: {  	s25 =	simm.s32 $0x1B8E;
	s24 =	sld [smem:$0x3FFE];
	[sflag:s23] =	ssyncadd.s32 $0xFFFFFFFF  }
0xa5: {  	s26 =	simm.s32 $execute0_lowered;
	[smem:$0x3FD2] =	sst s25  }
0xa6: {  	s5 =	sshll.u32 s26, $0x1;
	_ =	strace $0x80000046;
	[dreg:$0x1] =	wrdreg $0xFFFFFFFF  }
0xa7: {  	s28 =	simm.s32 $_size_execute0_lowered;
	s3 =	sadd.s32 s3, s5;
	[dreg:$0x0] =	wrdreg $0x0  }
0xa8: {  	s5 =	sshll.u32 s28, $0x1;
	[dreg:$0x2] =	wrdreg s3  }
0xa9: {  	[dreg:$0x3] =	wrdreg s5  }
0xaa: {  	[dreg:$0x4] =	wrdreg $0xC0  }
0xab: {  	_ =	task [dreg:s7], $0x5FFFF  }
0xac: {  	[dreg:$0x1] =	wrdreg $0xFFFFFFFF  }
0xad: {  	[dreg:$0x0] =	wrdreg $0x60  }
0xae: {  	[dreg:$0x2] =	wrdreg s2  }
0xaf: {  	[dreg:$0x3] =	wrdreg s24  }
0xb0: {  	[dreg:$0x4] =	wrdreg $0x9  }
0xb1: {  	_ =	task.clear_ibuf [dreg:s7], $0x5FFFF;
	_ =	strace $0x90000046  }
0xb2: {  	s29 =	simm.s32 $0x9;
	_ =	strace $0x80000048  }
0xb3: {  	_ =	swait.ge [sflag:s29], $0x1  }
0xb4: {  	[sflag:s29] =	ssyncadd.s32 $0xFFFFFFFF  }
0xb5: {  	_ =	strace $0x90000048  }
0xb6: {  	_ =	sfence  }
0xb7: {  	s30 =	sld [smem:$0x0];
	_ =	sdelay $0x2  }
0xb8: {  	s31 =	sshll.u32 s1, $0xD;
	s1 =	sshrl.u32 s1, $0x2  }
0xb9: {  	s3 =	sand.u32 $0x4000, s31;
	s1 =	sadd.s32 s1, s30  }
0xba: {  	s0 =	sor.u32 s3, s0;
	s1 =	sshll.u32 s1, $0x11  }
0xbb: {  	s0 =	sor.u32 s1, s0  }
0xbc: {  	s0 =	sadd.s32 $0x8F2B, s0  }
0xbd: {  	[sflag:s0] =	ssyncadd.remote.s32 $0x1  }
0xbe: {  	_ =	sfence.sel $0xFFFF  }
0xbf: {  	[dreg:$0x0] =	wrdreg $0xFFFFFFFF;
	(pc) =	sbr.abs _section_cstart, $3  }
0xc0: {  	[dreg:$0x1] =	wrdreg $0xFFFFFFFF  }
0xc1: {  	_ =	task.clear_ibuf [dreg:s7], $0x2FFFF;
	_ =	strace $0x9FFFFFFF  }
0xc2: {  	(tm) =	ssettm $0x7FFFFFFF  }
0xc3: {  	_ =	shalt  }
tec
execute0_lowered:
.L_overlay_start_1:
0x0: {  	(tag) =	ssettag $0x1  }
0x1: {  	s2 =	rddreg [dreg:$0x0];
	s0 =	srdreg.scid  }
0x2: {  	s3 =	stileid.u32;
	s1 =	rddreg [dreg:$0x1]  }
0x3: {  	s10 =	simm.s32 $0xC360;
	s15 =	simm.s32 $0x1;
	s16 =	simm.s32 $0x1B8C0  }
0x4: {  	s17 =	simm.s32 $0x1C640;
	s18 =	simm.s32 $0x1D3C0;
	s19 =	simm.s32 $0x80  }
0x5: {  	s20 =	simm.s32 $0x1F740;
	s21 =	simm.s32 $0x4;
	s22 =	simm.s32 $0x2  }
0x6: {  	s23 =	simm.s32 $0x1E140;
	s0 =	sand.u32 $0x1, s0;
	s4 =	sshll.u32 s3, $0x1  }
0x7: {  	s3 =	simm.s32 $0x0;
	s5 =	sadd.s32 $0x2800, s1;
	s9 =	sadd.s32 $0x64590, s1  }
0x8: {  	s6 =	sor.u32 s0, s4;
	[smem:$0x7FF] =	sst s3;
	s0 =	ssub.s32 $0x2, s0  }
0x9: {  	s4 =	sadd.s32 $0x64400, s1;
	s7 =	smul.u32 $0x186A, s6;
	_ =	strace $0x80000047  }
0xa: {  	s8 =	sshrl.u32 s0, $0x1;
	s29 =	smul.u32 $0xC35, s6;
	[dreg:$0x3] =	wrdreg s9  }
0xb: {  	s0 =	ssub.s32 s0, s8;
	s7 =	sadd.s32 s7, s1;
	s1 =	sadd.s32 $0x2990, s1  }
0xc: {  	v2 =	vlaneseq.u32;
	v3 =	vimm.f32 $-Inf;
	v4 =	vimm.s32 $0x0;
	s30 =	smul.u32 $0x3D, s6;
	s0 =	smax.u32 s0, $0x1;
	[dreg:$0x4] =	wrdreg s1  }
0xd: {  	vm0 =	vcmask $0x300;
	s24 =	simm.s32 $0x1EEC0;
	v5 =	vimm.s32 $0xF;
	v6 =	vimm.s32 $0xC35;
	s31 =	sadd.s32 $0xC6000, s7;
	[dreg:$0x6] =	wrdreg s0  }
0xe: {  	s25 =	simm.s32 $0x3;
	s28 =	simm.s32 $0x0;
	v7 =	vsel vm0, $0x3, v4;
	v0 =	vmov s29;
	v1 =	vmov s30;
	[dreg:$0x5] =	wrdreg s31  }
.LBB2_1:
0xf: {  	v8 =	vor.u32 s3, v2;
	_ =	sdelay $0x4  }
0x10: {  	s0 =	simm.s32 $0x10;
	[tilespmem:v8+s3+$0x0] =	vst.idx.msk $0xffff, v3  }
.LBB2_2:
0x11: {  	[tilespmem:v8+s10+$0x0] =	vst.idx.msk $0xffff, v3;
	v8 =	vor.u32 s0, v2;
	p0 =	sne.s32 s0, $0xC350  }
.Ltmp0:
0x12: {  	s0 =	sadd.s32 $0x10, s0;
	(pc) =	sbr.rel @p0 .LBB2_2-.Ltmp0, $2  }
0x13: {  	_ =	sdelay $0x2  }
0x14: {  	[tilespmem:v8+s3+$0x0] =	vst.idx.msk $0xffff, v3  }
0x15: {  	_ =	sdelay $0x3  }
0x16: {  	[tilespmem:v8+s10+$0x0] =	vst.idx.msk $0xffff, v3;
	s30 =	simm.s32 $0x0;
	s0 =	simm.s32 $0x186C0  }
0x17: {  	[tilespmem:s0], [sflag:$0x1] =	stream.linear.gather [hbm4b:s4+s30], $0xC80, $0x38;
	v63 =	vld [tilespmem:$0x0]  }
0x18: {  	s13 =	simm.s32 $0x19340  }
0x19: {  	[tilespmem:s13], [sflag:$0x1] =	stream.linear.gather [hbm4b:s5+s30], $0xC80, $0x38;
	v63 =	vld [tilespmem:$0x0]  }
.Ltmp1:
0x1a: {  	_ = 	snop;
	(pc) =	sbr.rel .LBB2_4-.Ltmp1, $4  }
0x1b: {  	s14 =	rddreg [dreg:$0x3];
	s1 =	simm.s32 $0x19FC0  }
0x1c: {  	[tilespmem:s1], [sflag:$0x2] =	stream.linear.gather [hbm4b:s14+s30], $0xC80, $0x38;
	v63 =	vld [tilespmem:$0x0]  }
0x1d: {  	s26 =	rddreg [dreg:$0x4];
	s31 =	simm.s32 $0x1AC40;
	s29 =	simm.s32 $0x0  }
0x1e: {  	[tilespmem:s31], [sflag:$0x2] =	stream.linear.gather [hbm4b:s26+s30], $0xC80, $0x38;
	v63 =	vld [tilespmem:$0x0]  }
.LBB2_32:
0x1f: {  	s29 =	sadd.s32 $0x1, s29  }
0x20: {  	p0 =	sne.s32 s29, $0x1F4  }
.Ltmp2:
0x21: {  	_ = 	snop;
	(pc) =	sbr.rel @!p0 .LBB2_33-.Ltmp2, $1  }
0x22: {  	_ =	sdelay $0x3  }
.LBB2_4:
0x23: {  	_ =	swait.ge [sflag:s15], $0xC80  }
0x24: {  	[sflag:s15] =	ssyncset.done $0x0  }
0x25: {  	[sflag:s15] =	ssyncadd.s32 $0xFFFFF380  }
0x26: {  	_ =	swait.ge [sflag:s15], $0xC80  }
0x27: {  	[sflag:s15] =	ssyncset.done $0x0  }
0x28: {  	s0 =	simm.s32 $0x0;
	[sflag:s15] =	ssyncadd.s32 $0xFFFFF380  }
0x29: {  	v8 =	vld [tilespmem:s0+$0x186C0];
	_ =	sdelay $0x1  }
0x2a: {  	v9 =	vld [tilespmem:s0+$0x186D0];
	_ =	sdelay $0x1  }
0x2b: {  	v10 =	vld [tilespmem:s0+$0x186E0]  }
0x2c: {  	v8 =	vsub.s32 v8, v0  }
0x2d: {  	v11 =	vld [tilespmem:s0+$0x186F0];
	vm5 =	vlt.u32 v8, $0xC35  }
0x2e: {  	v12 =	vsub.s32 v9, v0;
	v9 =	vsel vm5, $0x1, v4  }
0x2f: {  	v13 =	vld [tilespmem:s0+$0x18700];
	vm2 =	vlt.u32 v12, $0xC35;
	(xrf0) =	vadd.scan.msk.s32 $0xffff, v9  }
0x30: {  	v10 =	vsub.s32 v10, v0;
	v9 =	vsel vm2, $0x1, v4  }
0x31: {  	v14 =	vld [tilespmem:s0+$0x18710];
	vm1 =	vlt.u32 v10, $0xC35;
	(xrf0) =	vadd.scan.msk.s32 $0xffff, v9  }
0x32: {  	v15 =	vld [tilespmem:s0+$0x18720];
	v11 =	vsub.s32 v11, v0;
	v9 =	vsel vm1, $0x1, v4  }
0x33: {  	vm3 =	vlt.u32 v11, $0xC35;
	(xrf0) =	vadd.scan.msk.s32 $0xffff, v9  }
0x34: {  	v16 =	vld [tilespmem:s0+$0x18730];
	v13 =	vsub.s32 v13, v0;
	v17 =	vsel vm3, $0x1, v4  }
0x35: {  	v18 =	vimm.s32 $0xFFFFFFFF;
	v49 =	vld [tilespmem:s0+$0x193A0];
	vm4 =	vlt.u32 v13, $0xC35;
	(xrf0) =	vadd.scan.msk.s32 $0xffff, v17;
	v19, _, _ =	vpop (xrf0)  }
0x36: {  	v21 =	vld [tilespmem:s0+$0x19390];
	v14 =	vsub.s32 v14, v0;
	v20 =	vsel vm4, $0x1, v4;
	v22 =	vperm.xlane v19, v5  }
0x37: {  	v23 =	vld [tilespmem:s0+$0x19380];
	v15 =	vsub.s32 v15, v0;
	vm6 =	vlt.u32 v14, $0xC35;
	(xrf0) =	vadd.scan.msk.s32 $0xffff, v20;
	v19 =	vadd.s32 v18, v19;
	v50, _, _ =	vpop (xrf0)  }
0x38: {  	v26 =	vld [tilespmem:s0+$0x19340];
	v24 =	vsel vm6, $0x1, v4;
	v25 =	vperm.xlane v50, v5;
	v18 =	vadd.s32 v18, v22  }
0x39: {  	v52 =	vld [tilespmem:s0+$0x19370];
	vm7 =	vlt.u32 v15, $0xC35;
	(xrf0) =	vadd.scan.msk.s32 $0xffff, v24;
	v51, _, _ =	vpop (xrf0);
	v20 =	vadd.s32 v50, v18  }
0x3a: {  	v53 =	vld [tilespmem:s0+$0x19350];
	v27 =	vsel vm7, $0x1, v4;
	v28 =	vperm.xlane v51, v5;
	v18 =	vadd.s32 v18, v25  }
0x3b: {  	v29 =	vld [tilespmem:s0+$0x19360];
	v16 =	vsub.s32 v16, v0;
	(xrf0) =	vadd.scan.msk.s32 $0xffff, v27;
	v54, _, _ =	vpop (xrf0);
	v22 =	vadd.s32 v51, v18  }
0x3c: {  	vm0 =	vlt.u32 v16, $0xC35;
	v9 =	vld [tilespmem:s0+$0x193B0];
	v30 =	vperm.xlane v54, v5;
	v18 =	vadd.s32 v18, v28;
	[tilespmem:v19+s16+$0x0] =	vst.idx.msk vm5, v8  }
0x3d: {  	v8 =	vsel vm0, $0x1, v4;
	v55, _, _ =	vpop (xrf0);
	v56 =	vadd.s32 v54, v18;
	[tilespmem:v19+s17+$0x0] =	vst.idx.msk vm5, v26  }
0x3e: {  	v18 =	vadd.s32 v18, v30;
	(xrf0) =	vadd.scan.msk.s32 $0xffff, v8;
	v8 =	vperm.xlane v55, v5;
	[tilespmem:v20+s16+$0x0] =	vst.idx.msk vm2, v12  }
0x3f: {  	v57, _, _ =	vpop (xrf0);
	v58 =	vadd.s32 v55, v18;
	[tilespmem:v20+s17+$0x0] =	vst.idx.msk vm2, v53  }
0x40: {  	v59 =	vperm.xlane v57, v5;
	v8 =	vadd.s32 v18, v8;
	[tilespmem:v22+s16+$0x0] =	vst.idx.msk vm1, v10  }
0x41: {  	v12 =	vadd.s32 v57, v8;
	v10, _, _ =	vpop (xrf0);
	[tilespmem:v22+s17+$0x0] =	vst.idx.msk vm1, v29  }
0x42: {  	v8 =	vadd.s32 v8, v59;
	v60 =	vperm.xlane v10, v5;
	[tilespmem:v56+s16+$0x0] =	vst.idx.msk vm3, v11  }
0x43: {  	v11 =	vadd.s32 v10, v8;
	[tilespmem:v56+s17+$0x0] =	vst.idx.msk vm3, v52  }
0x44: {  	v61, _, _ =	vpop (xrf0);
	v8 =	vadd.s32 v8, v60;
	[tilespmem:v58+s16+$0x0] =	vst.idx.msk vm4, v13  }
0x45: {  	v10 =	vadd.s32 v61, v8;
	[tilespmem:v58+s17+$0x0] =	vst.idx.msk vm4, v23  }
0x46: {  	[tilespmem:v12+s16+$0x0] =	vst.idx.msk vm6, v14  }
0x47: {  	[tilespmem:v12+s17+$0x0] =	vst.idx.msk vm6, v21  }
0x48: {  	v62 =	vperm.xlane v61, v5;
	[tilespmem:v11+s16+$0x0] =	vst.idx.msk vm7, v15  }
0x49: {  	[tilespmem:v11+s17+$0x0] =	vst.idx.msk vm7, v49  }
0x4a: {  	s1 =	simm.s32 $0x400;
	s0 =	simm.s32 $0x200;
	v8 =	vadd.s32 v8, v62;
	[tilespmem:v10+s16+$0x0] =	vst.idx.msk vm0, v16  }
.LBB2_5:
0x4b: {  	p0 =	sne.s32 s1, $0x3000  }
0x4c: {  	s6 =	sshra.s32 s0, $0x2;
	[tilespmem:v10+s17+$0x0] =	vst.idx.msk vm0, v9;
	s0 =	smov.u32 s1;
	s1 =	sadd.s32 $0x200, s1  }
0x4d: {  	v9 =	vld [tilespmem:s6+$0x186C0]  }
0x4e: {  	v10 =	vld [tilespmem:s6+$0x186D0]  }
0x4f: {  	v11 =	vld [tilespmem:s6+$0x186E0]  }
0x50: {  	v12 =	vld [tilespmem:s6+$0x186F0]  }
0x51: {  	v13 =	vld [tilespmem:s6+$0x18700]  }
0x52: {  	v14 =	vsub.s32 v9, v0;
	v9 =	vld [tilespmem:s6+$0x18710]  }
0x53: {  	vm7 =	vlt.u32 v14, $0xC35;
	v10 =	vsub.s32 v10, v0;
	v15 =	vld [tilespmem:s6+$0x18720]  }
0x54: {  	v16 =	vsel vm7, $0x1, v4;
	vm5 =	vlt.u32 v10, $0xC35;
	v11 =	vsub.s32 v11, v0;
	v17 =	vld [tilespmem:s6+$0x18730]  }
0x55: {  	v18 =	vsel vm5, $0x1, v4;
	vm1 =	vlt.u32 v11, $0xC35;
	v12 =	vsub.s32 v12, v0;
	(xrf0) =	vadd.scan.msk.s32 $0xffff, v16  }
0x56: {  	v16 =	vsel vm1, $0x1, v4;
	vm2 =	vlt.u32 v12, $0xC35;
	v13 =	vsub.s32 v13, v0;
	(xrf0) =	vadd.scan.msk.s32 $0xffff, v18  }
0x57: {  	v18 =	vsel vm2, $0x1, v4;
	vm3 =	vlt.u32 v13, $0xC35;
	v19 =	vsub.s32 v9, v0;
	(xrf0) =	vadd.scan.msk.s32 $0xffff, v16  }
0x58: {  	v9 =	vsel vm3, $0x1, v4;
	vm4 =	vlt.u32 v19, $0xC35;
	v15 =	vsub.s32 v15, v0;
	(xrf0) =	vadd.scan.msk.s32 $0xffff, v18  }
0x59: {  	v16 =	vsel vm4, $0x1, v4;
	vm6 =	vlt.u32 v15, $0xC35;
	v17 =	vsub.s32 v17, v0;
	(xrf0) =	vadd.scan.msk.s32 $0xffff, v9  }
0x5a: {  	v18 =	vsel vm6, $0x1, v4;
	v9 =	vld [tilespmem:s6+$0x193B0];
	vm0 =	vlt.u32 v17, $0xC35;
	(xrf0) =	vadd.scan.msk.s32 $0xffff, v16  }
0x5b: {  	v16 =	vld [tilespmem:s6+$0x193A0];
	v20 =	vsel vm0, $0x1, v4;
	v21, _, _ =	vpop (xrf0);
	(xrf0) =	vadd.scan.msk.s32 $0xffff, v18  }
0x5c: {  	v18 =	vld [tilespmem:s6+$0x19390];
	v22 =	vadd.s32 v8, v21;
	v21 =	vperm.xlane v21, v5;
	v23, _, _ =	vpop (xrf0);
	(xrf0) =	vadd.scan.msk.s32 $0xffff, v20  }
0x5d: {  	v20 =	vld [tilespmem:s6+$0x19380];
	v24 =	vperm.xlane v23, v5;
	v25, _, _ =	vpop (xrf0)  }
0x5e: {  	v26 =	vld [tilespmem:s6+$0x19340];
	v8 =	vadd.s32 v8, v21;
	v21 =	vperm.xlane v25, v5;
	v27, _, _ =	vpop (xrf0)  }
0x5f: {  	v28 =	vld [tilespmem:s6+$0x19370];
	v23 =	vadd.s32 v23, v8;
	v8 =	vadd.s32 v8, v24;
	v24 =	vperm.xlane v27, v5;
	v29, _, _ =	vpop (xrf0)  }
0x60: {  	v30 =	vld [tilespmem:s6+$0x19350];
	v21 =	vadd.s32 v8, v21;
	v31 =	vperm.xlane v29, v5;
	v32, _, _ =	vpop (xrf0)  }
0x61: {  	v25 =	vadd.s32 v25, v8;
	v33 =	vld [tilespmem:s6+$0x19360];
	v8 =	vadd.s32 v21, v24;
	v24 =	vperm.xlane v32, v5;
	v34, _, _ =	vpop (xrf0)  }
0x62: {  	[tilespmem:v22+s16+$0x0] =	vst.idx.msk vm7, v14;
	v14 =	vadd.s32 v8, v31;
	v31 =	vperm.xlane v34, v5;
	v35, _, _ =	vpop (xrf0)  }
0x63: {  	v21 =	vadd.s32 v27, v21;
	[tilespmem:v22+s17+$0x0] =	vst.idx.msk vm7, v26;
	v22 =	vadd.s32 v14, v24  }
0x64: {  	v24 =	vperm.xlane v35, v5;
	[tilespmem:v23+s16+$0x0] =	vst.idx.msk vm5, v10;
	v10 =	vadd.s32 v22, v31  }
0x65: {  	[tilespmem:v23+s17+$0x0] =	vst.idx.msk vm5, v30;
	v23 =	vadd.s32 v29, v8  }
0x66: {  	v8 =	vadd.s32 v10, v24;
	[tilespmem:v25+s16+$0x0] =	vst.idx.msk vm1, v11  }
0x67: {  	v11 =	vadd.s32 v32, v14;
	[tilespmem:v25+s17+$0x0] =	vst.idx.msk vm1, v33  }
0x68: {  	[tilespmem:v21+s16+$0x0] =	vst.idx.msk vm2, v12  }
0x69: {  	v12 =	vadd.s32 v34, v22;
	[tilespmem:v21+s17+$0x0] =	vst.idx.msk vm2, v28  }
0x6a: {  	[tilespmem:v23+s16+$0x0] =	vst.idx.msk vm3, v13  }
0x6b: {  	v10 =	vadd.s32 v35, v10;
	[tilespmem:v23+s17+$0x0] =	vst.idx.msk vm3, v20  }
.Ltmp3:
0x6c: {  	[tilespmem:v11+s16+$0x0] =	vst.idx.msk vm4, v19;
	(pc) =	sbr.rel @p0 .LBB2_5-.Ltmp3, $4  }
0x6d: {  	[tilespmem:v11+s17+$0x0] =	vst.idx.msk vm4, v18  }
0x6e: {  	[tilespmem:v12+s16+$0x0] =	vst.idx.msk vm6, v15  }
0x6f: {  	[tilespmem:v12+s17+$0x0] =	vst.idx.msk vm6, v16  }
0x70: {  	[tilespmem:v10+s16+$0x0] =	vst.idx.msk vm0, v17  }
0x71: {  	_ =	sdelay $0x4  }
0x72: {  	s0 =	sshra.s32 s0, $0x2;
	[tilespmem:v10+s17+$0x0] =	vst.idx.msk vm0, v9  }
0x73: {  	v9 =	vld [tilespmem:s0+$0x186C0]  }
0x74: {  	v10 =	vld [tilespmem:s0+$0x186D0]  }
0x75: {  	v11 =	vld [tilespmem:s0+$0x186E0]  }
0x76: {  	v12 =	vld [tilespmem:s0+$0x186F0]  }
0x77: {  	v13 =	vld [tilespmem:s0+$0x18700]  }
0x78: {  	v14 =	vld [tilespmem:s0+$0x18710];
	v9 =	vsub.s32 v9, v0  }
0x79: {  	v15 =	vld [tilespmem:s0+$0x18720];
	v10 =	vsub.s32 v10, v0;
	vm15 =	vlt.u32 v9, $0xC35  }
0x7a: {  	v17 =	vld [tilespmem:s0+$0x18730];
	v11 =	vsub.s32 v11, v0;
	vm1 =	vlt.u32 v10, $0xC35;
	v16 =	vsel vm15, $0x1, v4  }
0x7b: {  	v12 =	vsub.s32 v12, v0;
	vm2 =	vlt.u32 v11, $0xC35;
	v18 =	vsel vm1, $0x1, v4;
	(xrf0) =	vadd.scan.msk.s32 $0xffff, v16  }
0x7c: {  	v13 =	vsub.s32 v13, v0;
	vm3 =	vlt.u32 v12, $0xC35;
	v50 =	vsel vm2, $0x1, v4;
	(xrf0) =	vadd.scan.msk.s32 $0xffff, v18  }
0x7d: {  	v14 =	vsub.s32 v14, v0;
	vm6 =	vlt.u32 v13, $0xC35;
	v51 =	vsel vm3, $0x1, v4;
	(xrf0) =	vadd.scan.msk.s32 $0xffff, v50  }
0x7e: {  	v15 =	vsub.s32 v15, v0;
	vm4 =	vlt.u32 v14, $0xC35;
	v52 =	vsel vm6, $0x1, v4;
	(xrf0) =	vadd.scan.msk.s32 $0xffff, v51  }
0x7f: {  	v17 =	vsub.s32 v17, v0;
	vm5 =	vlt.u32 v15, $0xC35;
	v53 =	vsel vm4, $0x1, v4;
	(xrf0) =	vadd.scan.msk.s32 $0xffff, v52  }
0x80: {  	vm7 =	vlt.u32 v17, $0xC35;
	v54 =	vsel vm5, $0x1, v4;
	(xrf0) =	vadd.scan.msk.s32 $0xffff, v53  }
0x81: {  	v55 =	vsel vm7, $0x1, v4;
	v19, _, _ =	vpop (xrf0);
	(xrf0) =	vadd.scan.msk.s32 $0xffff, v54  }
0x82: {  	v56 =	vperm.xlane v19, v5;
	v20, _, _ =	vpop (xrf0);
	(xrf0) =	vadd.scan.msk.s32 $0xffff, v55  }
0x83: {  	v57 =	vperm.xlane v20, v5;
	v21, _, _ =	vpop (xrf0)  }
0x84: {  	v16 =	vadd.s32 v8, v56;
	v22 =	vperm.xlane v21, v5;
	v23, _, _ =	vpop (xrf0)  }
0x85: {  	v18 =	vadd.s32 v16, v57;
	v24 =	vperm.xlane v23, v5;
	v25, _, _ =	vpop (xrf0)  }
0x86: {  	v22 =	vadd.s32 v18, v22;
	v26 =	vperm.xlane v25, v5;
	v27, _, _ =	vpop (xrf0)  }
0x87: {  	v24 =	vadd.s32 v22, v24;
	v28 =	vperm.xlane v27, v5;
	v29, _, _ =	vpop (xrf0)  }
0x88: {  	v26 =	vadd.s32 v24, v26;
	v30 =	vperm.xlane v29, v5;
	v31, _, _ =	vpop (xrf0)  }
0x89: {  	v28 =	vadd.s32 v26, v28;
	v32 =	vperm.xlane v31, v5  }
0x8a: {  	v30 =	vadd.s32 v28, v30  }
0x8b: {  	v32 =	vadd.s32 v30, v32  }
0x8c: {  	v32 =	vxor.u32 $0x80000000, v32  }
0x8d: {  	(xrf0) =	vmax.scan.msk.u32 $0xffff, v32;
	_ =	sdelay $0x5  }
0x8e: {  	v34, _, _ =	vpop (xrf0)  }
0x8f: {  	v58 =	vld [tilespmem:s0+$0x193B0];
	(v2sf) =	vpush v34, $0xF  }
0x90: {  	v33 =	vld [tilespmem:s0+$0x193A0]  }
0x91: {  	v35 =	vld [tilespmem:s0+$0x19390];
	v8 =	vadd.s32 v8, v19  }
0x92: {  	v60 =	vld [tilespmem:s0+$0x19340]  }
0x93: {  	v59 =	vld [tilespmem:s0+$0x19380];
	v16 =	vadd.s32 v20, v16  }
0x94: {  	v61 =	vld [tilespmem:s0+$0x19350]  }
0x95: {  	v36 =	vld [tilespmem:s0+$0x19370];
	v18 =	vadd.s32 v21, v18  }
0x96: {  	v62 =	vld [tilespmem:s0+$0x19360];
	[tilespmem:v8+s16+$0x0] =	vst.idx.msk vm15, v9  }
0x97: {  	[tilespmem:v8+s17+$0x0] =	vst.idx.msk vm15, v60;
	v8 =	vadd.s32 v23, v22  }
0x98: {  	[tilespmem:v16+s16+$0x0] =	vst.idx.msk vm1, v10  }
0x99: {  	v9 =	vadd.s32 v25, v24;
	[tilespmem:v16+s17+$0x0] =	vst.idx.msk vm1, v61  }
0x9a: {  	[tilespmem:v18+s16+$0x0] =	vst.idx.msk vm2, v11  }
0x9b: {  	v10 =	vadd.s32 v27, v26;
	[tilespmem:v18+s17+$0x0] =	vst.idx.msk vm2, v62  }
0x9c: {  	[tilespmem:v8+s16+$0x0] =	vst.idx.msk vm3, v12  }
0x9d: {  	v11 =	vadd.s32 v29, v28;
	[tilespmem:v8+s17+$0x0] =	vst.idx.msk vm3, v36  }
0x9e: {  	[tilespmem:v9+s16+$0x0] =	vst.idx.msk vm6, v13;
	s0 =	spop (v2sf)  }
0x9f: {  	[tilespmem:v9+s17+$0x0] =	vst.idx.msk vm6, v59;
	v9 =	vadd.s32 v31, v30;
	s31 =	sadd.s32 $0x80000001, s0  }
0xa0: {  	[tilespmem:v10+s16+$0x0] =	vst.idx.msk vm4, v14;
	s1 =	sadd.s32 $0x0, s31  }
0xa1: {  	[tilespmem:v10+s17+$0x0] =	vst.idx.msk vm4, v35;
	v8 =	vadd.s32 s1, v2  }
0xa2: {  	[tilespmem:v11+s16+$0x0] =	vst.idx.msk vm5, v15  }
0xa3: {  	[tilespmem:v11+s17+$0x0] =	vst.idx.msk vm5, v33;
	v10 =	vmul.u32 $0x4D5, v8  }
0xa4: {  	[tilespmem:v9+s16+$0x0] =	vst.idx.msk vm7, v17  }
0xa5: {  	[tilespmem:v9+s17+$0x0] =	vst.idx.msk vm7, v58;
	s1 =	simm.s32 $0x10;
	v9 =	vadd.s32 v1, v10  }
.LBB2_7:
0xa6: {  	s6 =	sadd.s32 s1, s31;
	[tilespmem:v8+s16+$0x0] =	vst.idx.msk $0xffff, v6;
	v9 =	vand.u32 $0xFFFF, v9;
	p0 =	sne.s32 s1, $0x70  }
.Ltmp4:
0xa7: {  	s1 =	sadd.s32 $0x10, s1;
	[tilespmem:v8+s17+$0x0] =	vst.idx.msk $0xffff, v9;
	v8 =	vadd.s32 s6, v2;
	(pc) =	sbr.rel @p0 .LBB2_7-.Ltmp4, $3  }
0xa8: {  	_ = 	snop  }
0xa9: {  	v9 =	vmul.u32 $0x4D5, v8;
	_ =	sdelay $0x1  }
0xaa: {  	v9 =	vadd.s32 v1, v9  }
0xab: {  	s1 =	sadd.s32 $0x80000080, s0;
	s6 =	sand.u32 $0x7F, s0  }
0xac: {  	s7 =	sshra.s32 s1, $0x1F;
	p0 =	slt.s32 s1, $0x1;
	p1 =	sne.s32 s6, $0x0  }
0xad: {  	s6 =	simm.s32 $0x1;
	s14 =	sshrl.u32 s7, $0x19;
	p0 =	por !p0, !p1  }
0xae: {  	p1 =	seq.s32 s29, $0x1F3;
	s1 =	sadd.s32 s14, s1;
	p0 =	por !p0, !p0  }
0xaf: {  	s9 =	smul.u32 @!p1 $0x1900, s29;
	s1 =	sshra.s32 s1, $0x7;
	s6 =	simm.s32 @!p0 $0x0  }
0xb0: {  	s1 =	ssub.s32 s1, s6  }
0xb1: {  	[tilespmem:v8+s16+$0x0] =	vst.idx.msk $0xffff, v6;
	v9 =	vand.u32 $0xFFFF, v9;
	s11 =	sshrl.u32 @!p1 s9, $0x3;
	p0 =	slt.s32 s1, $0x1  }
0xb2: {  	[tilespmem:v8+s17+$0x0] =	vst.idx.msk $0xffff, v9;
	s6 =	simm.s32 @!p0 $0x80;
	s7 =	simm.s32 @!p0 $0x1C640;
	s8 =	simm.s32 @!p0 $0x1EEC0  }
0xb3: {  	[tilespmem:s8], [sflag:$0x3] =	stream.indirect.gather @!p0 [hbm4b:s2+s6], $0x10, s7, s6, $0xb8;
	v63 =	vld [tilespmem:$0x0]  }
0xb4: {  	s26 =	sadd.s32 $0x7F, s30;
	s6 =	sadd.s32 @!p1 $0x320, s11  }
0xb5: {  	s9 =	simm.s32 @!p1 $0x186C0;
	s8 =	simm.s32 @!p1 $0x0;
	s7 =	sadd.s32 @!p1 s4, s6  }
0xb6: {  	[tilespmem:s9], [sflag:$0x1] =	stream.linear.gather @!p1 [hbm4b:s7+s8], $0xC80, $0x38;
	v63 =	vld [tilespmem:$0x0]  }
0xb7: {  	s12 =	sshra.s32 s26, $0x1F;
	p2 =	slt.s32 s26, $0x1;
	s9 =	sand.u32 $0x7F, s26  }
0xb8: {  	s6 =	sadd.s32 @!p1 s5, s6;
	s7 =	simm.s32 @!p1 $0x19340;
	p3 =	sne.s32 s9, $0x0  }
0xb9: {  	[tilespmem:s7], [sflag:$0x1] =	stream.linear.gather @!p1 [hbm4b:s6+s8], $0xC80, $0x38;
	v63 =	vld [tilespmem:$0x0]  }
0xba: {  	s13 =	sshrl.u32 s12, $0x19;
	p2 =	por !p2, !p3  }
0xbb: {  	s6 =	sadd.s32 s13, s26;
	s7 =	simm.s32 $0x1;
	p2 =	por !p2, !p2  }
0xbc: {  	s6 =	sshra.s32 s6, $0x7;
	s7 =	simm.s32 @!p2 $0x0  }
0xbd: {  	s12 =	ssub.s32 s6, s7  }
0xbe: {  	p2 =	slt.s32 s12, $0x1;
	s6 =	smov.u32 s12  }
0xbf: {  	p3 =	sgt.s32 s30, $0x0;
	s7 =	smov.u32 s30;
	s6 =	simm.s32 @!p2 $0x1  }
0xc0: {  	s7 =	simm.s32 @!p3 $0x0;
	s6 =	sshll.u32 s6, $0x7  }
0xc1: {  	p3 =	slt.s32 s6, s7  }
0xc2: {  	s7 =	smov.u32 @p3 s6  }
0xc3: {  	s6 =	sadd.s32 $0x1, s7;
	p3 =	slt.u32 s7, $0x7FFFFFFF;
	s7 =	simm.s32 $0x1  }
0xc4: {  	s7 =	simm.s32 @!p3 $0x0;
	s14 =	sshra.s32 s6, $0x1F  }
0xc5: {  	s26 =	sand.u32 $0x1, s6;
	s7 =	sadd.s32 s7, s14  }
0xc6: {  	p4 =	seq.s32 s26, $0x1;
	p6 =	sne.s32 s7, $0x1  }
0xc7: {  	s9 =	sshrl.u32 s6, $0x1F;
	p3 =	por !p6, !p4  }
0xc8: {  	s6 =	sadd.s32 s9, s6;
	s7 =	simm.s32 $0x1;
	p3 =	por !p3, !p3  }
0xc9: {  	s6 =	sshra.s32 s6, $0x1;
	s7 =	simm.s32 @!p3 $0x0  }
0xca: {  	s6 =	ssub.s32 s6, s7  }
0xcb: {  	s7 =	sadd.s32 $0x3, s6  }
0xcc: {  	s13 =	sand.u32 $0x3, s7  }
0xcd: {  	p5 =	slt.s32 s6, $0xFFFFFFFE;
	s14 =	sshra.s32 s7, $0x1F;
	p6 =	sne.s32 s13, $0x0  }
0xce: {  	s26 =	sshrl.u32 s14, $0x1E;
	p3 =	por !p5, !p6  }
0xcf: {  	s6 =	sadd.s32 s26, s7;
	s7 =	simm.s32 $0x1;
	p3 =	por !p3, !p3  }
0xd0: {  	s6 =	sshra.s32 s6, $0x2;
	s7 =	simm.s32 @!p3 $0x0  }
0xd1: {  	s13 =	ssub.s32 s6, s7  }
0xd2: {  	p3 =	sgt.s32 s13, $0x0  }
.Ltmp5:
0xd3: {  	_ = 	snop;
	(pc) =	sbr.rel @!p3 .LBB2_11-.Ltmp5, $4  }
0xd4: {  	s8 =	simm.s32 @!p2 $0x4  }
0xd5: {  	_ =	swait.ge @!p2 [sflag:s8], $0x800  }
0xd6: {  	[sflag:s8] =	ssyncset.done @!p2 $0x0  }
0xd7: {  	[sflag:s8] =	ssyncadd.s32 @!p2 $0xFFFFF800  }
0xd8: {  	s14 =	simm.s32 $0x0;
	s6 =	simm.s32 $0x1F780  }
.LBB2_10:
0xd9: {  	s7 =	sadd.s32 $0x1, s14  }
0xda: {  	v8 =	vmov s14;
	v9 =	vmov s7  }
0xdb: {  	v8 =	vshrl.u32 v8, $0x3;
	v9 =	vshrl.u32 v9, $0x3  }
0xdc: {  	v8 =	vshll.u32 v8, v7;
	v9 =	vshll.u32 v9, v7  }
0xdd: {  	v8 =	vbroadcast v8, $0x0;
	v9 =	vadd.s32 $0x1, v9  }
0xde: {  	v9 =	vbroadcast v9, $0x0;
	_ =	sdelay $0x4  }
0xdf: {  	v8 =	vld.idx.msk [tilespmem:v8+s18+$0x0], $0xffff  }
0xe0: {  	v9 =	vld.idx.msk [tilespmem:v9+s18+$0x0], $0xffff;
	_ =	sdelay $0x3  }
0xe1: {  	v8 =	vshll.u32 v8, $0x4  }
0xe2: {  	v8 =	vor.u32 v2, v8;
	v9 =	vshll.u32 v9, $0x4  }
0xe3: {  	v9 =	vor.u32 v2, v9  }
0xe4: {  	s8 =	sadd.s32 $0x2, s14  }
0xe5: {  	v10 =	vld [tilespmem:s6+$0xFFFFFFC0];
	s9 =	sadd.s32 $0x3, s14;
	v11 =	vmov s8  }
0xe6: {  	v12 =	vld [tilespmem:s6+$0xFFFFFFD0];
	v13 =	vmov s9;
	v11 =	vshrl.u32 v11, $0x3  }
0xe7: {  	v13 =	vshrl.u32 v13, $0x3;
	v11 =	vshll.u32 v11, v7;
	v14 =	vld.idx.msk [tilespmem:v8+s3+$0x0], $0xffff  }
0xe8: {  	v13 =	vshll.u32 v13, v7;
	v11 =	vadd.s32 $0x2, v11;
	v15 =	vld.idx.msk [tilespmem:v9+s10+$0x0], $0xffff  }
0xe9: {  	v13 =	vadd.s32 $0x3, v13;
	v11 =	vbroadcast v11, $0x0  }
0xea: {  	v13 =	vbroadcast v13, $0x0;
	_ =	sdelay $0x1  }
0xeb: {  	v10 =	vmax.f32 v14, v10  }
0xec: {  	[tilespmem:v8+s3+$0x0] =	vst.idx.msk $0xffff, v10;
	v8 =	vmax.f32 v15, v12  }
0xed: {  	[tilespmem:v9+s10+$0x0] =	vst.idx.msk $0xffff, v8  }
0xee: {  	v8 =	vld.idx.msk [tilespmem:v11+s18+$0x0], $0xffff  }
0xef: {  	v9 =	vld.idx.msk [tilespmem:v13+s18+$0x0], $0xffff;
	_ =	sdelay $0x3  }
0xf0: {  	v8 =	vshll.u32 v8, $0x4  }
0xf1: {  	v9 =	vshll.u32 v9, $0x4;
	v8 =	vor.u32 v2, v8  }
0xf2: {  	v9 =	vor.u32 v2, v9  }
0xf3: {  	s26 =	sadd.s32 $0x4, s14  }
0xf4: {  	v50 =	vmov s26;
	s8 =	sadd.s32 $0x5, s14;
	v10 =	vld [tilespmem:s6+$0xFFFFFFE0]  }
0xf5: {  	v52 =	vmov s8;
	v51 =	vld [tilespmem:s6+$0xFFFFFFF0];
	v11 =	vshrl.u32 v50, $0x3  }
0xf6: {  	v13 =	vshrl.u32 v52, $0x3;
	v11 =	vshll.u32 v11, v7;
	v53 =	vld.idx.msk [tilespmem:v8+s3+$0x0], $0xffff  }
0xf7: {  	v13 =	vshll.u32 v13, v7;
	v11 =	vadd.s32 $0x4, v11;
	v54 =	vld.idx.msk [tilespmem:v9+s10+$0x0], $0xffff  }
0xf8: {  	v13 =	vadd.s32 $0x5, v13;
	v11 =	vbroadcast v11, $0x0  }
0xf9: {  	v13 =	vbroadcast v13, $0x0;
	_ =	sdelay $0x1  }
0xfa: {  	v10 =	vmax.f32 v53, v10  }
0xfb: {  	[tilespmem:v8+s3+$0x0] =	vst.idx.msk $0xffff, v10;
	v8 =	vmax.f32 v54, v51  }
0xfc: {  	[tilespmem:v9+s10+$0x0] =	vst.idx.msk $0xffff, v8  }
0xfd: {  	v8 =	vld.idx.msk [tilespmem:v11+s18+$0x0], $0xffff  }
0xfe: {  	v9 =	vld.idx.msk [tilespmem:v13+s18+$0x0], $0xffff;
	_ =	sdelay $0x3  }
0xff: {  	v8 =	vshll.u32 v8, $0x4  }
0x100: {  	v9 =	vshll.u32 v9, $0x4;
	v8 =	vor.u32 v2, v8  }
0x101: {  	v9 =	vor.u32 v2, v9  }
0x102: {  	s9 =	sadd.s32 $0x6, s14  }
0x103: {  	s26 =	sadd.s32 $0x7, s14;
	v55 =	vmov s9;
	v10 =	vld [tilespmem:s6+$0x0]  }
0x104: {  	v57 =	vmov s26;
	v56 =	vld [tilespmem:s6+$0x10];
	v11 =	vshrl.u32 v55, $0x3  }
0x105: {  	v13 =	vshrl.u32 v57, $0x3;
	v11 =	vshll.u32 v11, v7;
	v58 =	vld.idx.msk [tilespmem:v8+s3+$0x0], $0xffff  }
0x106: {  	v13 =	vshll.u32 v13, v7;
	v11 =	vadd.s32 $0x6, v11;
	v59 =	vld.idx.msk [tilespmem:v9+s10+$0x0], $0xffff  }
0x107: {  	v13 =	vadd.s32 $0x7, v13;
	v11 =	vbroadcast v11, $0x0  }
0x108: {  	v13 =	vbroadcast v13, $0x0;
	_ =	sdelay $0x1  }
0x109: {  	v10 =	vmax.f32 v58, v10  }
0x10a: {  	[tilespmem:v8+s3+$0x0] =	vst.idx.msk $0xffff, v10;
	v8 =	vmax.f32 v59, v56  }
0x10b: {  	[tilespmem:v9+s10+$0x0] =	vst.idx.msk $0xffff, v8  }
0x10c: {  	v8 =	vld.idx.msk [tilespmem:v11+s18+$0x0], $0xffff  }
0x10d: {  	v9 =	vld.idx.msk [tilespmem:v13+s18+$0x0], $0xffff;
	_ =	sdelay $0x3  }
0x10e: {  	v8 =	vshll.u32 v8, $0x4  }
0x10f: {  	v9 =	vshll.u32 v9, $0x4;
	v8 =	vor.u32 v2, v8  }
0x110: {  	v9 =	vor.u32 v2, v9;
	_ =	sdelay $0x1  }
0x111: {  	v10 =	vld [tilespmem:s6+$0x20]  }
0x112: {  	v60 =	vld [tilespmem:s6+$0x30]  }
0x113: {  	v61 =	vld.idx.msk [tilespmem:v8+s3+$0x0], $0xffff  }
0x114: {  	v62 =	vld.idx.msk [tilespmem:v9+s10+$0x0], $0xffff  }
0x115: {  	p2 =	seq.s32 s13, $0x1  }
.Ltmp6:
0x116: {  	_ = 	snop;
	(pc) =	sbr.rel @!p2 .LBB2_10-.Ltmp6, $4  }
0x117: {  	_ = 	snop  }
0x118: {  	v10 =	vmax.f32 v61, v10  }
0x119: {  	[tilespmem:v8+s3+$0x0] =	vst.idx.msk $0xffff, v10;
	v8 =	vmax.f32 v62, v60  }
0x11a: {  	s13 =	sadd.s32 $0xFFFFFFFF, s13;
	s14 =	sadd.s32 $0x8, s14;
	s6 =	sadd.s32 $0x80, s6;
	[tilespmem:v9+s10+$0x0] =	vst.idx.msk $0xffff, v8  }
.LBB2_11:
0x11b: {  	p2 =	slt.s32 s12, $0x2  }
.Ltmp7:
0x11c: {  	_ = 	snop;
	(pc) =	sbr.rel @p2 .LBB2_18-.Ltmp7, $1  }
0x11d: {  	_ =	sdelay $0x3  }
.Ltmp8:
0x11e: {  	(pc) =	sbr.rel .LBB2_13-.Ltmp8, $2  }
0x11f: {  	_ =	sdelay $0x2  }
0x120: {  	s6 =	sadd.s32 $0xFFFFFF80, s30;
	s13 =	simm.s32 $0x1;
	s14 =	simm.s32 $0x81  }
.LBB2_16:
0x121: {  	_ =	sdelay $0x3  }
0x122: {  	v11 =	vld.idx.msk [tilespmem:v9+s3+$0x0], $0xffff  }
0x123: {  	v12 =	vld.idx.msk [tilespmem:v8+s10+$0x0], $0xffff  }
0x124: {  	v13 =	vld [tilespmem:s7+$0x0];
	_ =	sdelay $0x3  }
0x125: {  	v10 =	vmax.f32 v11, v10  }
0x126: {  	v62 =	vmax.f32 v12, v13;
	[tilespmem:v9+s3+$0x0] =	vst.idx.msk $0xffff, v10  }
0x127: {  	[tilespmem:v8+s10+$0x0] =	vst.idx.msk $0xffff, v62  }
.LBB2_17:
0x128: {  	s13 =	sadd.s32 $0x1, s13  }
0x129: {  	p2 =	sne.s32 s13, s12  }
.Ltmp9:
0x12a: {  	_ = 	snop;
	(pc) =	sbr.rel @!p2 .LBB2_18-.Ltmp9, $2  }
0x12b: {  	_ =	sdelay $0x2  }
0x12c: {  	s6 =	sadd.s32 $0xFFFFFF80, s6;
	s14 =	sadd.s32 $0x80, s14  }
.LBB2_13:
0x12d: {  	s7 =	sshll.u32 s13, $0x7  }
0x12e: {  	s8 =	sadd.s32 $0x1E140, s7;
	s7 =	ssub.s32 s30, s7  }
0x12f: {  	p2 =	slt.s32 s7, $0x1  }
.Ltmp10:
0x130: {  	_ = 	snop;
	(pc) =	sbr.rel @p2 .LBB2_17-.Ltmp10, $4  }
0x131: {  	[tilespmem:s20], [sflag:$0x4] =	stream.indirect.gather [hbm4b:s2+s19], $0x10, s8, s19, $0xb8;
	v63 =	vld [tilespmem:$0x0]  }
0x132: {  	_ =	swait.ge [sflag:s21], $0x800  }
0x133: {  	[sflag:s21] =	ssyncset.done $0x0  }
0x134: {  	[sflag:s21] =	ssyncadd.s32 $0xFFFFF800  }
0x135: {  	s7 =	sadd.s32 $0xFFFFFFFF, s14  }
0x136: {  	v8 =	vmov s7  }
0x137: {  	v8 =	vand.u32 $0xFFFFFFFE, v8  }
0x138: {  	v8 =	vbroadcast v8, $0x0;
	_ =	sdelay $0x1  }
0x139: {  	v9 =	vmov s14;
	_ =	sdelay $0x1  }
0x13a: {  	p2 =	sgt.s32 s6, $0x0;
	s7 =	smov.u32 s6  }
0x13b: {  	s7 =	simm.s32 @!p2 $0x0  }
0x13c: {  	s7 =	smin.u32 s7, $0x80;
	v8 =	vld.idx.msk [tilespmem:v8+s18+$0x0], $0xffff  }
0x13d: {  	s7 =	sadd.s32 $0x1, s7;
	v9 =	vld.idx.msk [tilespmem:v9+s18+$0x0], $0xffff  }
0x13e: {  	s7 =	sshrl.u32 s7, $0x1  }
0x13f: {  	s7 =	ssub.s32 $0x0, s7  }
0x140: {  	s8 =	sadd.s32 $0x1, s7  }
0x141: {  	p2 =	seq.s32 s8, $0x0;
	v8 =	vshll.u32 v8, $0x4  }
.Ltmp11:
0x142: {  	v10 =	vshll.u32 v9, $0x4;
	v9 =	vor.u32 v2, v8;
	(pc) =	sbr.rel @p2 .LBB2_16-.Ltmp11, $3  }
0x143: {  	v8 =	vor.u32 v2, v10;
	_ =	sdelay $0x1  }
0x144: {  	s7 =	simm.s32 $0x1F750  }
0x145: {  	s9 =	sadd.s32 $0x2, s14;
	v10 =	vld [tilespmem:s7+$0xFFFFFFF0]  }
.LBB2_15:
0x146: {  	s26 =	sadd.s32 $0xFFFFFFFF, s9;
	v11 =	vld.idx.msk [tilespmem:v9+s3+$0x0], $0xffff  }
0x147: {  	s8 =	sadd.s32 $0x1, s8;
	v12 =	vmov s26;
	v13 =	vld.idx.msk [tilespmem:v8+s10+$0x0], $0xffff  }
0x148: {  	p2 =	seq.s32 s8, $0x0;
	v12 =	vand.u32 $0xFFFFFFFE, v12;
	v14 =	vld [tilespmem:s7+$0x0]  }
0x149: {  	v12 =	vbroadcast v12, $0x0;
	_ =	sdelay $0x1  }
0x14a: {  	v15 =	vmov s9  }
0x14b: {  	v10 =	vmax.f32 v11, v10  }
0x14c: {  	[tilespmem:v9+s3+$0x0] =	vst.idx.msk $0xffff, v10;
	v9 =	vmax.f32 v13, v14  }
0x14d: {  	[tilespmem:v8+s10+$0x0] =	vst.idx.msk $0xffff, v9  }
0x14e: {  	v8 =	vld.idx.msk [tilespmem:v12+s18+$0x0], $0xffff  }
0x14f: {  	v9 =	vld.idx.msk [tilespmem:v15+s18+$0x0], $0xffff;
	_ =	sdelay $0x4  }
0x150: {  	v8 =	vshll.u32 v8, $0x4  }
.Ltmp12:
0x151: {  	v10 =	vshll.u32 v9, $0x4;
	v9 =	vor.u32 v2, v8;
	(pc) =	sbr.rel @!p2 .LBB2_15-.Ltmp12, $3  }
0x152: {  	v8 =	vor.u32 v2, v10;
	_ =	sdelay $0x1  }
0x153: {  	s7 =	sadd.s32 $0x20, s7  }
0x154: {  	s9 =	sadd.s32 $0x2, s9;
	v10 =	vld [tilespmem:s7+$0xFFFFFFF0]  }
.Ltmp13:
0x155: {  	_ = 	snop;
	(pc) =	sbr.rel .LBB2_16-.Ltmp13, $1  }
0x156: {  	_ =	sdelay $0x3  }
.LBB2_18:
0x157: {  	_ =	swait.ge [sflag:s22], $0xC80  }
0x158: {  	[sflag:s22] =	ssyncset.done $0x0  }
0x159: {  	[sflag:s22] =	ssyncadd.s32 $0xFFFFF380  }
0x15a: {  	_ =	swait.ge [sflag:s22], $0xC80  }
0x15b: {  	[sflag:s22] =	ssyncset.done $0x0  }
0x15c: {  	s6 =	simm.s32 $0x0;
	[sflag:s22] =	ssyncadd.s32 $0xFFFFF380  }
0x15d: {  	v8 =	vld [tilespmem:s6+$0x19FC0];
	_ =	sdelay $0x1  }
0x15e: {  	v9 =	vld [tilespmem:s6+$0x19FD0];
	_ =	sdelay $0x1  }
0x15f: {  	v10 =	vld [tilespmem:s6+$0x19FE0]  }
0x160: {  	v8 =	vsub.s32 v8, v0  }
0x161: {  	v11 =	vld [tilespmem:s6+$0x19FF0];
	vm5 =	vlt.u32 v8, $0xC35  }
0x162: {  	v12 =	vsub.s32 v9, v0;
	v9 =	vsel vm5, $0x1, v4  }
0x163: {  	v13 =	vld [tilespmem:s6+$0x1A000];
	vm2 =	vlt.u32 v12, $0xC35;
	(xrf0) =	vadd.scan.msk.s32 $0xffff, v9  }
0x164: {  	v10 =	vsub.s32 v10, v0;
	v9 =	vsel vm2, $0x1, v4  }
0x165: {  	v14 =	vld [tilespmem:s6+$0x1A010];
	vm1 =	vlt.u32 v10, $0xC35;
	(xrf0) =	vadd.scan.msk.s32 $0xffff, v9  }
0x166: {  	v15 =	vld [tilespmem:s6+$0x1A020];
	v11 =	vsub.s32 v11, v0;
	v9 =	vsel vm1, $0x1, v4  }
0x167: {  	vm3 =	vlt.u32 v11, $0xC35;
	(xrf0) =	vadd.scan.msk.s32 $0xffff, v9  }
0x168: {  	v16 =	vld [tilespmem:s6+$0x1A030];
	v13 =	vsub.s32 v13, v0;
	v17 =	vsel vm3, $0x1, v4  }
0x169: {  	v18 =	vimm.s32 $0xFFFFFFFF;
	v49 =	vld [tilespmem:s6+$0x1ACA0];
	vm4 =	vlt.u32 v13, $0xC35;
	(xrf0) =	vadd.scan.msk.s32 $0xffff, v17;
	v19, _, _ =	vpop (xrf0)  }
0x16a: {  	v21 =	vld [tilespmem:s6+$0x1AC90];
	v14 =	vsub.s32 v14, v0;
	v20 =	vsel vm4, $0x1, v4;
	v22 =	vperm.xlane v19, v5  }
0x16b: {  	v23 =	vld [tilespmem:s6+$0x1AC80];
	v15 =	vsub.s32 v15, v0;
	vm6 =	vlt.u32 v14, $0xC35;
	(xrf0) =	vadd.scan.msk.s32 $0xffff, v20;
	v19 =	vadd.s32 v18, v19;
	v50, _, _ =	vpop (xrf0)  }
0x16c: {  	v26 =	vld [tilespmem:s6+$0x1AC40];
	v24 =	vsel vm6, $0x1, v4;
	v25 =	vperm.xlane v50, v5;
	v18 =	vadd.s32 v18, v22  }
0x16d: {  	v52 =	vld [tilespmem:s6+$0x1AC70];
	vm7 =	vlt.u32 v15, $0xC35;
	(xrf0) =	vadd.scan.msk.s32 $0xffff, v24;
	v51, _, _ =	vpop (xrf0);
	v20 =	vadd.s32 v50, v18  }
0x16e: {  	v53 =	vld [tilespmem:s6+$0x1AC50];
	v27 =	vsel vm7, $0x1, v4;
	v28 =	vperm.xlane v51, v5;
	v18 =	vadd.s32 v18, v25  }
0x16f: {  	v29 =	vld [tilespmem:s6+$0x1AC60];
	v16 =	vsub.s32 v16, v0;
	(xrf0) =	vadd.scan.msk.s32 $0xffff, v27;
	v54, _, _ =	vpop (xrf0);
	v22 =	vadd.s32 v51, v18  }
0x170: {  	vm0 =	vlt.u32 v16, $0xC35;
	v9 =	vld [tilespmem:s6+$0x1ACB0];
	v30 =	vperm.xlane v54, v5;
	v18 =	vadd.s32 v18, v28;
	[tilespmem:v19+s18+$0x0] =	vst.idx.msk vm5, v8  }
0x171: {  	v8 =	vsel vm0, $0x1, v4;
	v55, _, _ =	vpop (xrf0);
	v56 =	vadd.s32 v54, v18;
	[tilespmem:v19+s23+$0x0] =	vst.idx.msk vm5, v26  }
0x172: {  	v18 =	vadd.s32 v18, v30;
	(xrf0) =	vadd.scan.msk.s32 $0xffff, v8;
	v8 =	vperm.xlane v55, v5;
	[tilespmem:v20+s18+$0x0] =	vst.idx.msk vm2, v12  }
0x173: {  	v57, _, _ =	vpop (xrf0);
	v58 =	vadd.s32 v55, v18;
	[tilespmem:v20+s23+$0x0] =	vst.idx.msk vm2, v53  }
0x174: {  	v59 =	vperm.xlane v57, v5;
	v8 =	vadd.s32 v18, v8;
	[tilespmem:v22+s18+$0x0] =	vst.idx.msk vm1, v10  }
0x175: {  	v12 =	vadd.s32 v57, v8;
	v10, _, _ =	vpop (xrf0);
	[tilespmem:v22+s23+$0x0] =	vst.idx.msk vm1, v29  }
0x176: {  	v8 =	vadd.s32 v8, v59;
	v60 =	vperm.xlane v10, v5;
	[tilespmem:v56+s18+$0x0] =	vst.idx.msk vm3, v11  }
0x177: {  	v11 =	vadd.s32 v10, v8;
	[tilespmem:v56+s23+$0x0] =	vst.idx.msk vm3, v52  }
0x178: {  	v61, _, _ =	vpop (xrf0);
	v8 =	vadd.s32 v8, v60;
	[tilespmem:v58+s18+$0x0] =	vst.idx.msk vm4, v13  }
0x179: {  	v10 =	vadd.s32 v61, v8;
	[tilespmem:v58+s23+$0x0] =	vst.idx.msk vm4, v23  }
0x17a: {  	[tilespmem:v12+s18+$0x0] =	vst.idx.msk vm6, v14  }
0x17b: {  	[tilespmem:v12+s23+$0x0] =	vst.idx.msk vm6, v21  }
0x17c: {  	v62 =	vperm.xlane v61, v5;
	[tilespmem:v11+s18+$0x0] =	vst.idx.msk vm7, v15  }
0x17d: {  	s14 =	smov.u32 s1;
	[tilespmem:v11+s23+$0x0] =	vst.idx.msk vm7, v49  }
0x17e: {  	s12 =	simm.s32 $0x200;
	s13 =	simm.s32 $0x400;
	s14 =	simm.s32 @!p0 $0x1;
	v8 =	vadd.s32 v8, v62;
	[tilespmem:v10+s18+$0x0] =	vst.idx.msk vm0, v16  }
.LBB2_19:
0x17f: {  	p2 =	sne.s32 s13, $0x3000  }
0x180: {  	s6 =	sshra.s32 s12, $0x2;
	[tilespmem:v10+s23+$0x0] =	vst.idx.msk vm0, v9;
	s12 =	smov.u32 s13;
	s13 =	sadd.s32 $0x200, s13  }
0x181: {  	v9 =	vld [tilespmem:s6+$0x19FC0]  }
0x182: {  	v10 =	vld [tilespmem:s6+$0x19FD0]  }
0x183: {  	v11 =	vld [tilespmem:s6+$0x19FE0]  }
0x184: {  	v12 =	vld [tilespmem:s6+$0x19FF0]  }
0x185: {  	v13 =	vld [tilespmem:s6+$0x1A000]  }
0x186: {  	v14 =	vsub.s32 v9, v0;
	v9 =	vld [tilespmem:s6+$0x1A010]  }
0x187: {  	vm7 =	vlt.u32 v14, $0xC35;
	v10 =	vsub.s32 v10, v0;
	v15 =	vld [tilespmem:s6+$0x1A020]  }
0x188: {  	v16 =	vsel vm7, $0x1, v4;
	vm5 =	vlt.u32 v10, $0xC35;
	v11 =	vsub.s32 v11, v0;
	v17 =	vld [tilespmem:s6+$0x1A030]  }
0x189: {  	v18 =	vsel vm5, $0x1, v4;
	vm1 =	vlt.u32 v11, $0xC35;
	v12 =	vsub.s32 v12, v0;
	(xrf0) =	vadd.scan.msk.s32 $0xffff, v16  }
0x18a: {  	v16 =	vsel vm1, $0x1, v4;
	vm2 =	vlt.u32 v12, $0xC35;
	v13 =	vsub.s32 v13, v0;
	(xrf0) =	vadd.scan.msk.s32 $0xffff, v18  }
0x18b: {  	v18 =	vsel vm2, $0x1, v4;
	vm3 =	vlt.u32 v13, $0xC35;
	v19 =	vsub.s32 v9, v0;
	(xrf0) =	vadd.scan.msk.s32 $0xffff, v16  }
0x18c: {  	v9 =	vsel vm3, $0x1, v4;
	vm4 =	vlt.u32 v19, $0xC35;
	v15 =	vsub.s32 v15, v0;
	(xrf0) =	vadd.scan.msk.s32 $0xffff, v18  }
0x18d: {  	v16 =	vsel vm4, $0x1, v4;
	vm6 =	vlt.u32 v15, $0xC35;
	v17 =	vsub.s32 v17, v0;
	(xrf0) =	vadd.scan.msk.s32 $0xffff, v9  }
0x18e: {  	v18 =	vsel vm6, $0x1, v4;
	v9 =	vld [tilespmem:s6+$0x1ACB0];
	vm0 =	vlt.u32 v17, $0xC35;
	(xrf0) =	vadd.scan.msk.s32 $0xffff, v16  }
0x18f: {  	v16 =	vld [tilespmem:s6+$0x1ACA0];
	v20 =	vsel vm0, $0x1, v4;
	v21, _, _ =	vpop (xrf0);
	(xrf0) =	vadd.scan.msk.s32 $0xffff, v18  }
0x190: {  	v18 =	vld [tilespmem:s6+$0x1AC90];
	v22 =	vadd.s32 v8, v21;
	v21 =	vperm.xlane v21, v5;
	v23, _, _ =	vpop (xrf0);
	(xrf0) =	vadd.scan.msk.s32 $0xffff, v20  }
0x191: {  	v20 =	vld [tilespmem:s6+$0x1AC80];
	v24 =	vperm.xlane v23, v5;
	v25, _, _ =	vpop (xrf0)  }
0x192: {  	v26 =	vld [tilespmem:s6+$0x1AC40];
	v8 =	vadd.s32 v8, v21;
	v21 =	vperm.xlane v25, v5;
	v27, _, _ =	vpop (xrf0)  }
0x193: {  	v28 =	vld [tilespmem:s6+$0x1AC70];
	v23 =	vadd.s32 v23, v8;
	v8 =	vadd.s32 v8, v24;
	v24 =	vperm.xlane v27, v5;
	v29, _, _ =	vpop (xrf0)  }
0x194: {  	v30 =	vld [tilespmem:s6+$0x1AC50];
	v21 =	vadd.s32 v8, v21;
	v31 =	vperm.xlane v29, v5;
	v32, _, _ =	vpop (xrf0)  }
0x195: {  	v25 =	vadd.s32 v25, v8;
	v33 =	vld [tilespmem:s6+$0x1AC60];
	v8 =	vadd.s32 v21, v24;
	v24 =	vperm.xlane v32, v5;
	v34, _, _ =	vpop (xrf0)  }
0x196: {  	[tilespmem:v22+s18+$0x0] =	vst.idx.msk vm7, v14;
	v14 =	vadd.s32 v8, v31;
	v31 =	vperm.xlane v34, v5;
	v35, _, _ =	vpop (xrf0)  }
0x197: {  	v21 =	vadd.s32 v27, v21;
	[tilespmem:v22+s23+$0x0] =	vst.idx.msk vm7, v26;
	v22 =	vadd.s32 v14, v24  }
0x198: {  	v24 =	vperm.xlane v35, v5;
	[tilespmem:v23+s18+$0x0] =	vst.idx.msk vm5, v10;
	v10 =	vadd.s32 v22, v31  }
0x199: {  	[tilespmem:v23+s23+$0x0] =	vst.idx.msk vm5, v30;
	v23 =	vadd.s32 v29, v8  }
0x19a: {  	v8 =	vadd.s32 v10, v24;
	[tilespmem:v25+s18+$0x0] =	vst.idx.msk vm1, v11  }
0x19b: {  	v11 =	vadd.s32 v32, v14;
	[tilespmem:v25+s23+$0x0] =	vst.idx.msk vm1, v33  }
0x19c: {  	[tilespmem:v21+s18+$0x0] =	vst.idx.msk vm2, v12  }
0x19d: {  	v12 =	vadd.s32 v34, v22;
	[tilespmem:v21+s23+$0x0] =	vst.idx.msk vm2, v28  }
0x19e: {  	[tilespmem:v23+s18+$0x0] =	vst.idx.msk vm3, v13  }
0x19f: {  	v10 =	vadd.s32 v35, v10;
	[tilespmem:v23+s23+$0x0] =	vst.idx.msk vm3, v20  }
.Ltmp14:
0x1a0: {  	[tilespmem:v11+s18+$0x0] =	vst.idx.msk vm4, v19;
	(pc) =	sbr.rel @p2 .LBB2_19-.Ltmp14, $4  }
0x1a1: {  	[tilespmem:v11+s23+$0x0] =	vst.idx.msk vm4, v18  }
0x1a2: {  	[tilespmem:v12+s18+$0x0] =	vst.idx.msk vm6, v15  }
0x1a3: {  	[tilespmem:v12+s23+$0x0] =	vst.idx.msk vm6, v16  }
0x1a4: {  	[tilespmem:v10+s18+$0x0] =	vst.idx.msk vm0, v17  }
0x1a5: {  	_ =	sdelay $0x4  }
0x1a6: {  	s6 =	sshra.s32 s12, $0x2;
	[tilespmem:v10+s23+$0x0] =	vst.idx.msk vm0, v9  }
0x1a7: {  	v9 =	vld [tilespmem:s6+$0x19FC0]  }
0x1a8: {  	v10 =	vld [tilespmem:s6+$0x19FD0]  }
0x1a9: {  	v11 =	vld [tilespmem:s6+$0x19FE0]  }
0x1aa: {  	v12 =	vld [tilespmem:s6+$0x19FF0]  }
0x1ab: {  	v13 =	vld [tilespmem:s6+$0x1A000]  }
0x1ac: {  	v14 =	vld [tilespmem:s6+$0x1A010];
	v9 =	vsub.s32 v9, v0  }
0x1ad: {  	v15 =	vld [tilespmem:s6+$0x1A020];
	v10 =	vsub.s32 v10, v0;
	vm15 =	vlt.u32 v9, $0xC35  }
0x1ae: {  	v17 =	vld [tilespmem:s6+$0x1A030];
	v11 =	vsub.s32 v11, v0;
	vm1 =	vlt.u32 v10, $0xC35;
	v16 =	vsel vm15, $0x1, v4  }
0x1af: {  	v12 =	vsub.s32 v12, v0;
	vm2 =	vlt.u32 v11, $0xC35;
	v18 =	vsel vm1, $0x1, v4;
	(xrf0) =	vadd.scan.msk.s32 $0xffff, v16  }
0x1b0: {  	v13 =	vsub.s32 v13, v0;
	vm3 =	vlt.u32 v12, $0xC35;
	v50 =	vsel vm2, $0x1, v4;
	(xrf0) =	vadd.scan.msk.s32 $0xffff, v18  }
0x1b1: {  	v14 =	vsub.s32 v14, v0;
	vm6 =	vlt.u32 v13, $0xC35;
	v51 =	vsel vm3, $0x1, v4;
	(xrf0) =	vadd.scan.msk.s32 $0xffff, v50  }
0x1b2: {  	v15 =	vsub.s32 v15, v0;
	vm4 =	vlt.u32 v14, $0xC35;
	v52 =	vsel vm6, $0x1, v4;
	(xrf0) =	vadd.scan.msk.s32 $0xffff, v51  }
0x1b3: {  	v17 =	vsub.s32 v17, v0;
	vm5 =	vlt.u32 v15, $0xC35;
	v53 =	vsel vm4, $0x1, v4;
	(xrf0) =	vadd.scan.msk.s32 $0xffff, v52  }
0x1b4: {  	vm7 =	vlt.u32 v17, $0xC35;
	v54 =	vsel vm5, $0x1, v4;
	(xrf0) =	vadd.scan.msk.s32 $0xffff, v53  }
0x1b5: {  	v55 =	vsel vm7, $0x1, v4;
	v19, _, _ =	vpop (xrf0);
	(xrf0) =	vadd.scan.msk.s32 $0xffff, v54  }
0x1b6: {  	v56 =	vperm.xlane v19, v5;
	v20, _, _ =	vpop (xrf0);
	(xrf0) =	vadd.scan.msk.s32 $0xffff, v55  }
0x1b7: {  	v57 =	vperm.xlane v20, v5;
	v21, _, _ =	vpop (xrf0)  }
0x1b8: {  	v16 =	vadd.s32 v8, v56;
	v22 =	vperm.xlane v21, v5;
	v23, _, _ =	vpop (xrf0)  }
0x1b9: {  	v18 =	vadd.s32 v16, v57;
	v24 =	vperm.xlane v23, v5;
	v25, _, _ =	vpop (xrf0)  }
0x1ba: {  	v22 =	vadd.s32 v18, v22;
	v26 =	vperm.xlane v25, v5;
	v27, _, _ =	vpop (xrf0)  }
0x1bb: {  	v24 =	vadd.s32 v22, v24;
	v28 =	vperm.xlane v27, v5;
	v29, _, _ =	vpop (xrf0)  }
0x1bc: {  	v26 =	vadd.s32 v24, v26;
	v30 =	vperm.xlane v29, v5;
	v31, _, _ =	vpop (xrf0)  }
0x1bd: {  	v28 =	vadd.s32 v26, v28;
	v32 =	vperm.xlane v31, v5  }
0x1be: {  	v30 =	vadd.s32 v28, v30  }
0x1bf: {  	v32 =	vadd.s32 v30, v32  }
0x1c0: {  	v32 =	vxor.u32 $0x80000000, v32  }
0x1c1: {  	(xrf0) =	vmax.scan.msk.u32 $0xffff, v32;
	_ =	sdelay $0x5  }
0x1c2: {  	v34, _, _ =	vpop (xrf0)  }
0x1c3: {  	v58 =	vld [tilespmem:s6+$0x1ACB0];
	(v2sf) =	vpush v34, $0xF  }
0x1c4: {  	v33 =	vld [tilespmem:s6+$0x1ACA0]  }
0x1c5: {  	v35 =	vld [tilespmem:s6+$0x1AC90];
	v8 =	vadd.s32 v8, v19  }
0x1c6: {  	v60 =	vld [tilespmem:s6+$0x1AC40]  }
0x1c7: {  	v59 =	vld [tilespmem:s6+$0x1AC80];
	v16 =	vadd.s32 v20, v16  }
0x1c8: {  	v61 =	vld [tilespmem:s6+$0x1AC50]  }
0x1c9: {  	v36 =	vld [tilespmem:s6+$0x1AC70];
	v18 =	vadd.s32 v21, v18  }
0x1ca: {  	v62 =	vld [tilespmem:s6+$0x1AC60];
	[tilespmem:v8+s18+$0x0] =	vst.idx.msk vm15, v9  }
0x1cb: {  	[tilespmem:v8+s23+$0x0] =	vst.idx.msk vm15, v60;
	v8 =	vadd.s32 v23, v22  }
0x1cc: {  	[tilespmem:v16+s18+$0x0] =	vst.idx.msk vm1, v10  }
0x1cd: {  	v9 =	vadd.s32 v25, v24;
	[tilespmem:v16+s23+$0x0] =	vst.idx.msk vm1, v61  }
0x1ce: {  	[tilespmem:v18+s18+$0x0] =	vst.idx.msk vm2, v11  }
0x1cf: {  	v10 =	vadd.s32 v27, v26;
	[tilespmem:v18+s23+$0x0] =	vst.idx.msk vm2, v62  }
0x1d0: {  	[tilespmem:v8+s18+$0x0] =	vst.idx.msk vm3, v12  }
0x1d1: {  	v11 =	vadd.s32 v29, v28;
	[tilespmem:v8+s23+$0x0] =	vst.idx.msk vm3, v36  }
0x1d2: {  	[tilespmem:v9+s18+$0x0] =	vst.idx.msk vm6, v13;
	s13 =	spop (v2sf)  }
0x1d3: {  	[tilespmem:v9+s23+$0x0] =	vst.idx.msk vm6, v59;
	v9 =	vadd.s32 v31, v30;
	s30 =	sadd.s32 $0x80000001, s13  }
0x1d4: {  	[tilespmem:v10+s18+$0x0] =	vst.idx.msk vm4, v14;
	s26 =	sadd.s32 $0x0, s30  }
0x1d5: {  	[tilespmem:v10+s23+$0x0] =	vst.idx.msk vm4, v35;
	v8 =	vadd.s32 s26, v2  }
0x1d6: {  	[tilespmem:v11+s18+$0x0] =	vst.idx.msk vm5, v15  }
0x1d7: {  	[tilespmem:v11+s23+$0x0] =	vst.idx.msk vm5, v33;
	v10 =	vmul.u32 $0x4D5, v8  }
0x1d8: {  	[tilespmem:v9+s18+$0x0] =	vst.idx.msk vm7, v17  }
0x1d9: {  	s6 =	simm.s32 $0x10;
	[tilespmem:v9+s23+$0x0] =	vst.idx.msk vm7, v58;
	v9 =	vadd.s32 v1, v10  }
.LBB2_21:
0x1da: {  	s7 =	sadd.s32 s6, s30;
	[tilespmem:v8+s18+$0x0] =	vst.idx.msk $0xffff, v6;
	v9 =	vand.u32 $0xFFFF, v9;
	p2 =	sne.s32 s6, $0x70  }
.Ltmp15:
0x1db: {  	s6 =	sadd.s32 $0x10, s6;
	[tilespmem:v8+s23+$0x0] =	vst.idx.msk $0xffff, v9;
	v8 =	vadd.s32 s7, v2;
	(pc) =	sbr.rel @p2 .LBB2_21-.Ltmp15, $3  }
0x1dc: {  	_ = 	snop  }
0x1dd: {  	v9 =	vmul.u32 $0x4D5, v8;
	_ =	sdelay $0x1  }
0x1de: {  	v9 =	vadd.s32 v1, v9  }
0x1df: {  	s6 =	sadd.s32 $0x80000080, s13;
	s7 =	sand.u32 $0x7F, s13  }
0x1e0: {  	s8 =	sshra.s32 s6, $0x1F;
	p2 =	slt.s32 s6, $0x1;
	p3 =	sne.s32 s7, $0x0  }
0x1e1: {  	s12 =	sshrl.u32 s8, $0x19;
	p2 =	por !p2, !p3  }
0x1e2: {  	s7 =	simm.s32 $0x1;
	s6 =	sadd.s32 s12, s6;
	p2 =	por !p2, !p2  }
0x1e3: {  	s6 =	sshra.s32 s6, $0x7;
	s7 =	simm.s32 @!p2 $0x0  }
0x1e4: {  	s12 =	ssub.s32 s6, s7  }
0x1e5: {  	[tilespmem:v8+s18+$0x0] =	vst.idx.msk $0xffff, v6;
	v9 =	vand.u32 $0xFFFF, v9;
	p2 =	slt.s32 s12, $0x1  }
0x1e6: {  	[tilespmem:v8+s23+$0x0] =	vst.idx.msk $0xffff, v9;
	s6 =	simm.s32 @!p2 $0x80;
	s7 =	simm.s32 @!p2 $0x1E140;
	s8 =	simm.s32 @!p2 $0x1F740  }
0x1e7: {  	[tilespmem:s8], [sflag:$0x4] =	stream.indirect.gather @!p2 [hbm4b:s2+s6], $0x10, s7, s6, $0xb8;
	v63 =	vld [tilespmem:$0x0]  }
0x1e8: {  	s6 =	sadd.s32 @!p1 $0x4B0, s11  }
0x1e9: {  	s9 =	simm.s32 @!p1 $0x19FC0;
	s8 =	simm.s32 @!p1 $0x0;
	s7 =	sadd.s32 @!p1 s4, s6  }
0x1ea: {  	[tilespmem:s9], [sflag:$0x2] =	stream.linear.gather @!p1 [hbm4b:s7+s8], $0xC80, $0x38;
	v63 =	vld [tilespmem:$0x0]  }
0x1eb: {  	s6 =	sadd.s32 @!p1 s5, s6;
	s7 =	simm.s32 @!p1 $0x1AC40  }
0x1ec: {  	[tilespmem:s7], [sflag:$0x2] =	stream.linear.gather @!p1 [hbm4b:s6+s8], $0xC80, $0x38;
	v63 =	vld [tilespmem:$0x0]  }
0x1ed: {  	p1 =	sgt.s32 s31, $0x0;
	s6 =	smov.u32 s31  }
0x1ee: {  	s7 =	sshll.u32 s14, $0x7;
	s6 =	simm.s32 @!p1 $0x0  }
0x1ef: {  	p1 =	slt.s32 s7, s6  }
0x1f0: {  	s6 =	smov.u32 @p1 s7  }
0x1f1: {  	s7 =	sadd.s32 $0x1, s6;
	p1 =	slt.u32 s6, $0x7FFFFFFF;
	s6 =	simm.s32 $0x1  }
0x1f2: {  	s6 =	simm.s32 @!p1 $0x0;
	s14 =	sshra.s32 s7, $0x1F  }
0x1f3: {  	s26 =	sand.u32 $0x1, s7;
	s6 =	sadd.s32 s6, s14  }
0x1f4: {  	p4 =	seq.s32 s26, $0x1;
	p3 =	sne.s32 s6, $0x1  }
0x1f5: {  	s9 =	sshrl.u32 s7, $0x1F;
	p1 =	por !p3, !p4  }
0x1f6: {  	s6 =	sadd.s32 s9, s7;
	s7 =	simm.s32 $0x1;
	p1 =	por !p1, !p1  }
0x1f7: {  	s6 =	sshra.s32 s6, $0x1;
	s7 =	simm.s32 @!p1 $0x0  }
0x1f8: {  	s6 =	ssub.s32 s6, s7  }
0x1f9: {  	s7 =	sadd.s32 $0x3, s6  }
0x1fa: {  	s11 =	sand.u32 $0x3, s7  }
0x1fb: {  	p5 =	slt.s32 s6, $0xFFFFFFFE;
	s14 =	sshra.s32 s7, $0x1F;
	p6 =	sne.s32 s11, $0x0  }
0x1fc: {  	s26 =	sshrl.u32 s14, $0x1E;
	p1 =	por !p5, !p6  }
0x1fd: {  	s6 =	sadd.s32 s26, s7;
	s7 =	simm.s32 $0x1;
	p1 =	por !p1, !p1  }
0x1fe: {  	s6 =	sshra.s32 s6, $0x2;
	s7 =	simm.s32 @!p1 $0x0  }
0x1ff: {  	s11 =	ssub.s32 s6, s7  }
0x200: {  	p1 =	sgt.s32 s11, $0x0  }
.Ltmp16:
0x201: {  	_ = 	snop;
	(pc) =	sbr.rel @!p1 .LBB2_25-.Ltmp16, $4  }
0x202: {  	s8 =	simm.s32 @!p0 $0x3  }
0x203: {  	_ =	swait.ge @!p0 [sflag:s8], $0x800  }
0x204: {  	[sflag:s8] =	ssyncset.done @!p0 $0x0  }
0x205: {  	[sflag:s8] =	ssyncadd.s32 @!p0 $0xFFFFF800  }
0x206: {  	s14 =	simm.s32 $0x0;
	s6 =	simm.s32 $0x1EF00  }
.LBB2_24:
0x207: {  	s7 =	sadd.s32 $0x1, s14  }
0x208: {  	v8 =	vmov s14;
	v9 =	vmov s7  }
0x209: {  	v8 =	vshrl.u32 v8, $0x3;
	v9 =	vshrl.u32 v9, $0x3  }
0x20a: {  	v8 =	vshll.u32 v8, v7;
	v9 =	vshll.u32 v9, v7  }
0x20b: {  	v8 =	vbroadcast v8, $0x0;
	v9 =	vadd.s32 $0x1, v9  }
0x20c: {  	v9 =	vbroadcast v9, $0x0;
	_ =	sdelay $0x4  }
0x20d: {  	v8 =	vld.idx.msk [tilespmem:v8+s16+$0x0], $0xffff  }
0x20e: {  	v9 =	vld.idx.msk [tilespmem:v9+s16+$0x0], $0xffff;
	_ =	sdelay $0x3  }
0x20f: {  	v8 =	vshll.u32 v8, $0x4  }
0x210: {  	v8 =	vor.u32 v2, v8;
	v9 =	vshll.u32 v9, $0x4  }
0x211: {  	v9 =	vor.u32 v2, v9  }
0x212: {  	s8 =	sadd.s32 $0x2, s14  }
0x213: {  	v10 =	vld [tilespmem:s6+$0xFFFFFFC0];
	s9 =	sadd.s32 $0x3, s14;
	v11 =	vmov s8  }
0x214: {  	v12 =	vld [tilespmem:s6+$0xFFFFFFD0];
	v13 =	vmov s9;
	v11 =	vshrl.u32 v11, $0x3  }
0x215: {  	v13 =	vshrl.u32 v13, $0x3;
	v11 =	vshll.u32 v11, v7;
	v14 =	vld.idx.msk [tilespmem:v8+s3+$0x0], $0xffff  }
0x216: {  	v13 =	vshll.u32 v13, v7;
	v11 =	vadd.s32 $0x2, v11;
	v15 =	vld.idx.msk [tilespmem:v9+s10+$0x0], $0xffff  }
0x217: {  	v13 =	vadd.s32 $0x3, v13;
	v11 =	vbroadcast v11, $0x0  }
0x218: {  	v13 =	vbroadcast v13, $0x0;
	_ =	sdelay $0x1  }
0x219: {  	v10 =	vmax.f32 v14, v10  }
0x21a: {  	[tilespmem:v8+s3+$0x0] =	vst.idx.msk $0xffff, v10;
	v8 =	vmax.f32 v15, v12  }
0x21b: {  	[tilespmem:v9+s10+$0x0] =	vst.idx.msk $0xffff, v8  }
0x21c: {  	v8 =	vld.idx.msk [tilespmem:v11+s16+$0x0], $0xffff  }
0x21d: {  	v9 =	vld.idx.msk [tilespmem:v13+s16+$0x0], $0xffff;
	_ =	sdelay $0x3  }
0x21e: {  	v8 =	vshll.u32 v8, $0x4  }
0x21f: {  	v9 =	vshll.u32 v9, $0x4;
	v8 =	vor.u32 v2, v8  }
0x220: {  	v9 =	vor.u32 v2, v9  }
0x221: {  	s26 =	sadd.s32 $0x4, s14  }
0x222: {  	v50 =	vmov s26;
	s8 =	sadd.s32 $0x5, s14;
	v10 =	vld [tilespmem:s6+$0xFFFFFFE0]  }
0x223: {  	v52 =	vmov s8;
	v51 =	vld [tilespmem:s6+$0xFFFFFFF0];
	v11 =	vshrl.u32 v50, $0x3  }
0x224: {  	v13 =	vshrl.u32 v52, $0x3;
	v11 =	vshll.u32 v11, v7;
	v53 =	vld.idx.msk [tilespmem:v8+s3+$0x0], $0xffff  }
0x225: {  	v13 =	vshll.u32 v13, v7;
	v11 =	vadd.s32 $0x4, v11;
	v54 =	vld.idx.msk [tilespmem:v9+s10+$0x0], $0xffff  }
0x226: {  	v13 =	vadd.s32 $0x5, v13;
	v11 =	vbroadcast v11, $0x0  }
0x227: {  	v13 =	vbroadcast v13, $0x0;
	_ =	sdelay $0x1  }
0x228: {  	v10 =	vmax.f32 v53, v10  }
0x229: {  	[tilespmem:v8+s3+$0x0] =	vst.idx.msk $0xffff, v10;
	v8 =	vmax.f32 v54, v51  }
0x22a: {  	[tilespmem:v9+s10+$0x0] =	vst.idx.msk $0xffff, v8  }
0x22b: {  	v8 =	vld.idx.msk [tilespmem:v11+s16+$0x0], $0xffff  }
0x22c: {  	v9 =	vld.idx.msk [tilespmem:v13+s16+$0x0], $0xffff;
	_ =	sdelay $0x3  }
0x22d: {  	v8 =	vshll.u32 v8, $0x4  }
0x22e: {  	v9 =	vshll.u32 v9, $0x4;
	v8 =	vor.u32 v2, v8  }
0x22f: {  	v9 =	vor.u32 v2, v9  }
0x230: {  	s9 =	sadd.s32 $0x6, s14  }
0x231: {  	s26 =	sadd.s32 $0x7, s14;
	v55 =	vmov s9;
	v10 =	vld [tilespmem:s6+$0x0]  }
0x232: {  	v57 =	vmov s26;
	v56 =	vld [tilespmem:s6+$0x10];
	v11 =	vshrl.u32 v55, $0x3  }
0x233: {  	v13 =	vshrl.u32 v57, $0x3;
	v11 =	vshll.u32 v11, v7;
	v58 =	vld.idx.msk [tilespmem:v8+s3+$0x0], $0xffff  }
0x234: {  	v13 =	vshll.u32 v13, v7;
	v11 =	vadd.s32 $0x6, v11;
	v59 =	vld.idx.msk [tilespmem:v9+s10+$0x0], $0xffff  }
0x235: {  	v13 =	vadd.s32 $0x7, v13;
	v11 =	vbroadcast v11, $0x0  }
0x236: {  	v13 =	vbroadcast v13, $0x0;
	_ =	sdelay $0x1  }
0x237: {  	v10 =	vmax.f32 v58, v10  }
0x238: {  	[tilespmem:v8+s3+$0x0] =	vst.idx.msk $0xffff, v10;
	v8 =	vmax.f32 v59, v56  }
0x239: {  	[tilespmem:v9+s10+$0x0] =	vst.idx.msk $0xffff, v8  }
0x23a: {  	v8 =	vld.idx.msk [tilespmem:v11+s16+$0x0], $0xffff  }
0x23b: {  	v9 =	vld.idx.msk [tilespmem:v13+s16+$0x0], $0xffff;
	_ =	sdelay $0x3  }
0x23c: {  	v8 =	vshll.u32 v8, $0x4  }
0x23d: {  	v9 =	vshll.u32 v9, $0x4;
	v8 =	vor.u32 v2, v8  }
0x23e: {  	v9 =	vor.u32 v2, v9;
	_ =	sdelay $0x1  }
0x23f: {  	v10 =	vld [tilespmem:s6+$0x20]  }
0x240: {  	v60 =	vld [tilespmem:s6+$0x30]  }
0x241: {  	v61 =	vld.idx.msk [tilespmem:v8+s3+$0x0], $0xffff  }
0x242: {  	v62 =	vld.idx.msk [tilespmem:v9+s10+$0x0], $0xffff  }
0x243: {  	p0 =	seq.s32 s11, $0x1  }
.Ltmp17:
0x244: {  	_ = 	snop;
	(pc) =	sbr.rel @!p0 .LBB2_24-.Ltmp17, $4  }
0x245: {  	_ = 	snop  }
0x246: {  	v10 =	vmax.f32 v61, v10  }
0x247: {  	[tilespmem:v8+s3+$0x0] =	vst.idx.msk $0xffff, v10;
	v8 =	vmax.f32 v62, v60  }
0x248: {  	s11 =	sadd.s32 $0xFFFFFFFF, s11;
	s14 =	sadd.s32 $0x8, s14;
	s6 =	sadd.s32 $0x80, s6;
	[tilespmem:v9+s10+$0x0] =	vst.idx.msk $0xffff, v8  }
.LBB2_25:
0x249: {  	p0 =	slt.s32 s1, $0x2  }
.Ltmp18:
0x24a: {  	_ = 	snop;
	(pc) =	sbr.rel @p0 .LBB2_32-.Ltmp18, $1  }
0x24b: {  	_ =	sdelay $0x3  }
.Ltmp19:
0x24c: {  	(pc) =	sbr.rel .LBB2_27-.Ltmp19, $2  }
0x24d: {  	_ =	sdelay $0x2  }
0x24e: {  	s0 =	sadd.s32 $0x7FFFFF81, s0;
	s6 =	simm.s32 $0x1;
	s11 =	simm.s32 $0x81  }
.LBB2_30:
0x24f: {  	_ =	sdelay $0x3  }
0x250: {  	v11 =	vld.idx.msk [tilespmem:v9+s3+$0x0], $0xffff  }
0x251: {  	v12 =	vld.idx.msk [tilespmem:v8+s10+$0x0], $0xffff  }
0x252: {  	v13 =	vld [tilespmem:s7+$0x0];
	_ =	sdelay $0x3  }
0x253: {  	v10 =	vmax.f32 v11, v10  }
0x254: {  	v62 =	vmax.f32 v12, v13;
	[tilespmem:v9+s3+$0x0] =	vst.idx.msk $0xffff, v10  }
0x255: {  	[tilespmem:v8+s10+$0x0] =	vst.idx.msk $0xffff, v62  }
.LBB2_31:
0x256: {  	s6 =	sadd.s32 $0x1, s6  }
0x257: {  	p0 =	sne.s32 s6, s1  }
.Ltmp20:
0x258: {  	_ = 	snop;
	(pc) =	sbr.rel @!p0 .LBB2_32-.Ltmp20, $2  }
0x259: {  	_ =	sdelay $0x2  }
0x25a: {  	s0 =	sadd.s32 $0xFFFFFF80, s0;
	s11 =	sadd.s32 $0x80, s11  }
.LBB2_27:
0x25b: {  	s7 =	sshll.u32 s6, $0x7  }
0x25c: {  	s8 =	sadd.s32 $0x1C640, s7;
	s7 =	ssub.s32 s31, s7  }
0x25d: {  	p0 =	slt.s32 s7, $0x1  }
.Ltmp21:
0x25e: {  	_ = 	snop;
	(pc) =	sbr.rel @p0 .LBB2_31-.Ltmp21, $4  }
0x25f: {  	[tilespmem:s24], [sflag:$0x3] =	stream.indirect.gather [hbm4b:s2+s19], $0x10, s8, s19, $0xb8;
	v63 =	vld [tilespmem:$0x0]  }
0x260: {  	_ =	swait.ge [sflag:s25], $0x800  }
0x261: {  	[sflag:s25] =	ssyncset.done $0x0  }
0x262: {  	[sflag:s25] =	ssyncadd.s32 $0xFFFFF800  }
0x263: {  	s7 =	sadd.s32 $0xFFFFFFFF, s11  }
0x264: {  	v8 =	vmov s7  }
0x265: {  	v8 =	vand.u32 $0xFFFFFFFE, v8  }
0x266: {  	v8 =	vbroadcast v8, $0x0;
	_ =	sdelay $0x1  }
0x267: {  	v9 =	vmov s11;
	_ =	sdelay $0x1  }
0x268: {  	p0 =	sgt.s32 s0, $0x0;
	s7 =	smov.u32 s0  }
0x269: {  	s7 =	simm.s32 @!p0 $0x0  }
0x26a: {  	s7 =	smin.u32 s7, $0x80;
	v8 =	vld.idx.msk [tilespmem:v8+s16+$0x0], $0xffff  }
0x26b: {  	s7 =	sadd.s32 $0x1, s7;
	v9 =	vld.idx.msk [tilespmem:v9+s16+$0x0], $0xffff  }
0x26c: {  	s7 =	sshrl.u32 s7, $0x1  }
0x26d: {  	s7 =	ssub.s32 $0x0, s7  }
0x26e: {  	s8 =	sadd.s32 $0x1, s7  }
0x26f: {  	p0 =	seq.s32 s8, $0x0;
	v8 =	vshll.u32 v8, $0x4  }
.Ltmp22:
0x270: {  	v10 =	vshll.u32 v9, $0x4;
	v9 =	vor.u32 v2, v8;
	(pc) =	sbr.rel @p0 .LBB2_30-.Ltmp22, $3  }
0x271: {  	v8 =	vor.u32 v2, v10;
	_ =	sdelay $0x1  }
0x272: {  	s7 =	simm.s32 $0x1EED0  }
0x273: {  	s9 =	sadd.s32 $0x2, s11;
	v10 =	vld [tilespmem:s7+$0xFFFFFFF0]  }
.LBB2_29:
0x274: {  	s14 =	sadd.s32 $0xFFFFFFFF, s9;
	v11 =	vld.idx.msk [tilespmem:v9+s3+$0x0], $0xffff  }
0x275: {  	s8 =	sadd.s32 $0x1, s8;
	v12 =	vmov s14;
	v13 =	vld.idx.msk [tilespmem:v8+s10+$0x0], $0xffff  }
0x276: {  	p0 =	seq.s32 s8, $0x0;
	v12 =	vand.u32 $0xFFFFFFFE, v12;
	v14 =	vld [tilespmem:s7+$0x0]  }
0x277: {  	v12 =	vbroadcast v12, $0x0;
	_ =	sdelay $0x1  }
0x278: {  	v15 =	vmov s9  }
0x279: {  	v10 =	vmax.f32 v11, v10  }
0x27a: {  	[tilespmem:v9+s3+$0x0] =	vst.idx.msk $0xffff, v10;
	v9 =	vmax.f32 v13, v14  }
0x27b: {  	[tilespmem:v8+s10+$0x0] =	vst.idx.msk $0xffff, v9  }
0x27c: {  	v8 =	vld.idx.msk [tilespmem:v12+s16+$0x0], $0xffff  }
0x27d: {  	v9 =	vld.idx.msk [tilespmem:v15+s16+$0x0], $0xffff;
	_ =	sdelay $0x4  }
0x27e: {  	v8 =	vshll.u32 v8, $0x4  }
.Ltmp23:
0x27f: {  	v10 =	vshll.u32 v9, $0x4;
	v9 =	vor.u32 v2, v8;
	(pc) =	sbr.rel @!p0 .LBB2_29-.Ltmp23, $3  }
0x280: {  	v8 =	vor.u32 v2, v10;
	_ =	sdelay $0x1  }
0x281: {  	s7 =	sadd.s32 $0x20, s7  }
0x282: {  	s9 =	sadd.s32 $0x2, s9;
	v10 =	vld [tilespmem:s7+$0xFFFFFFF0]  }
.Ltmp24:
0x283: {  	_ = 	snop;
	(pc) =	sbr.rel .LBB2_30-.Ltmp24, $1  }
0x284: {  	_ =	sdelay $0x3  }
.LBB2_33:
0x285: {  	s0 =	smov.u32 s12  }
0x286: {  	p0 =	sgt.s32 s30, $0x0;
	s1 =	smov.u32 s30;
	s0 =	simm.s32 @!p2 $0x1  }
0x287: {  	s1 =	simm.s32 @!p0 $0x0;
	s0 =	sshll.u32 s0, $0x7  }
0x288: {  	p0 =	slt.s32 s0, s1  }
0x289: {  	s1 =	smov.u32 @p0 s0  }
0x28a: {  	s0 =	sadd.s32 $0x1, s1;
	p0 =	slt.u32 s1, $0x7FFFFFFF;
	s1 =	simm.s32 $0x1  }
0x28b: {  	s1 =	simm.s32 @!p0 $0x0;
	s6 =	sshra.s32 s0, $0x1F  }
0x28c: {  	s14 =	sand.u32 $0x1, s0;
	s1 =	sadd.s32 s1, s6  }
0x28d: {  	p1 =	seq.s32 s14, $0x1;
	p4 =	sne.s32 s1, $0x1  }
0x28e: {  	s26 =	sshrl.u32 s0, $0x1F;
	p0 =	por !p4, !p1  }
0x28f: {  	s0 =	sadd.s32 s26, s0;
	s1 =	simm.s32 $0x1;
	p0 =	por !p0, !p0  }
0x290: {  	s0 =	sshra.s32 s0, $0x1;
	s1 =	simm.s32 @!p0 $0x0  }
0x291: {  	s0 =	ssub.s32 s0, s1  }
0x292: {  	s1 =	sadd.s32 $0x3, s0  }
0x293: {  	s29 =	sand.u32 $0x3, s1  }
0x294: {  	p5 =	slt.s32 s0, $0xFFFFFFFE;
	s7 =	sshra.s32 s1, $0x1F;
	p6 =	sne.s32 s29, $0x0  }
0x295: {  	s31 =	sshrl.u32 s7, $0x1E;
	p0 =	por !p5, !p6  }
0x296: {  	s0 =	sadd.s32 s31, s1;
	s1 =	simm.s32 $0x1;
	p0 =	por !p0, !p0  }
0x297: {  	s0 =	sshra.s32 s0, $0x2;
	s1 =	simm.s32 @!p0 $0x0  }
0x298: {  	s0 =	ssub.s32 s0, s1  }
0x299: {  	p0 =	sgt.s32 s0, $0x0  }
.Ltmp25:
0x29a: {  	_ = 	snop;
	(pc) =	sbr.rel @!p0 .LBB2_36-.Ltmp25, $4  }
0x29b: {  	s6 =	simm.s32 @!p2 $0x4  }
0x29c: {  	_ =	swait.ge @!p2 [sflag:s6], $0x800  }
0x29d: {  	[sflag:s6] =	ssyncset.done @!p2 $0x0  }
0x29e: {  	[sflag:s6] =	ssyncadd.s32 @!p2 $0xFFFFF800  }
0x29f: {  	s1 =	simm.s32 $0x0;
	s6 =	simm.s32 $0x1F780  }
.LBB2_35:
0x2a0: {  	s7 =	sadd.s32 $0x1, s1  }
0x2a1: {  	v8 =	vmov s1;
	v9 =	vmov s7  }
0x2a2: {  	v8 =	vshrl.u32 v8, $0x3;
	v9 =	vshrl.u32 v9, $0x3  }
0x2a3: {  	v8 =	vshll.u32 v8, v7;
	v9 =	vshll.u32 v9, v7  }
0x2a4: {  	v8 =	vbroadcast v8, $0x0;
	v9 =	vadd.s32 $0x1, v9  }
0x2a5: {  	v9 =	vbroadcast v9, $0x0;
	_ =	sdelay $0x4  }
0x2a6: {  	v8 =	vld.idx.msk [tilespmem:v8+s18+$0x0], $0xffff  }
0x2a7: {  	v9 =	vld.idx.msk [tilespmem:v9+s18+$0x0], $0xffff;
	_ =	sdelay $0x3  }
0x2a8: {  	v8 =	vshll.u32 v8, $0x4  }
0x2a9: {  	v8 =	vor.u32 v2, v8;
	v9 =	vshll.u32 v9, $0x4  }
0x2aa: {  	v9 =	vor.u32 v2, v9  }
0x2ab: {  	s9 =	sadd.s32 $0x2, s1  }
0x2ac: {  	v10 =	vld [tilespmem:s6+$0xFFFFFFC0];
	s11 =	sadd.s32 $0x3, s1;
	v11 =	vmov s9  }
0x2ad: {  	v12 =	vld [tilespmem:s6+$0xFFFFFFD0];
	v13 =	vmov s11;
	v11 =	vshrl.u32 v11, $0x3  }
0x2ae: {  	v13 =	vshrl.u32 v13, $0x3;
	v11 =	vshll.u32 v11, v7;
	v14 =	vld.idx.msk [tilespmem:v8+s3+$0x0], $0xffff  }
0x2af: {  	v13 =	vshll.u32 v13, v7;
	v11 =	vadd.s32 $0x2, v11;
	v15 =	vld.idx.msk [tilespmem:v9+s10+$0x0], $0xffff  }
0x2b0: {  	v13 =	vadd.s32 $0x3, v13;
	v11 =	vbroadcast v11, $0x0  }
0x2b1: {  	v13 =	vbroadcast v13, $0x0;
	_ =	sdelay $0x1  }
0x2b2: {  	v10 =	vmax.f32 v14, v10  }
0x2b3: {  	[tilespmem:v8+s3+$0x0] =	vst.idx.msk $0xffff, v10;
	v8 =	vmax.f32 v15, v12  }
0x2b4: {  	[tilespmem:v9+s10+$0x0] =	vst.idx.msk $0xffff, v8  }
0x2b5: {  	v8 =	vld.idx.msk [tilespmem:v11+s18+$0x0], $0xffff  }
0x2b6: {  	v9 =	vld.idx.msk [tilespmem:v13+s18+$0x0], $0xffff;
	_ =	sdelay $0x3  }
0x2b7: {  	v8 =	vshll.u32 v8, $0x4  }
0x2b8: {  	v9 =	vshll.u32 v9, $0x4;
	v8 =	vor.u32 v2, v8  }
0x2b9: {  	v9 =	vor.u32 v2, v9  }
0x2ba: {  	s14 =	sadd.s32 $0x4, s1  }
0x2bb: {  	s26 =	sadd.s32 $0x5, s1;
	v50 =	vmov s14;
	v10 =	vld [tilespmem:s6+$0xFFFFFFE0]  }
0x2bc: {  	v52 =	vmov s26;
	v51 =	vld [tilespmem:s6+$0xFFFFFFF0];
	v11 =	vshrl.u32 v50, $0x3  }
0x2bd: {  	v13 =	vshrl.u32 v52, $0x3;
	v11 =	vshll.u32 v11, v7;
	v53 =	vld.idx.msk [tilespmem:v8+s3+$0x0], $0xffff  }
0x2be: {  	v13 =	vshll.u32 v13, v7;
	v11 =	vadd.s32 $0x4, v11;
	v54 =	vld.idx.msk [tilespmem:v9+s10+$0x0], $0xffff  }
0x2bf: {  	v13 =	vadd.s32 $0x5, v13;
	v11 =	vbroadcast v11, $0x0  }
0x2c0: {  	v13 =	vbroadcast v13, $0x0;
	_ =	sdelay $0x1  }
0x2c1: {  	v10 =	vmax.f32 v53, v10  }
0x2c2: {  	[tilespmem:v8+s3+$0x0] =	vst.idx.msk $0xffff, v10;
	v8 =	vmax.f32 v54, v51  }
0x2c3: {  	[tilespmem:v9+s10+$0x0] =	vst.idx.msk $0xffff, v8  }
0x2c4: {  	v8 =	vld.idx.msk [tilespmem:v11+s18+$0x0], $0xffff  }
0x2c5: {  	v9 =	vld.idx.msk [tilespmem:v13+s18+$0x0], $0xffff;
	_ =	sdelay $0x3  }
0x2c6: {  	v8 =	vshll.u32 v8, $0x4  }
0x2c7: {  	v9 =	vshll.u32 v9, $0x4;
	v8 =	vor.u32 v2, v8  }
0x2c8: {  	v9 =	vor.u32 v2, v9  }
0x2c9: {  	s29 =	sadd.s32 $0x6, s1  }
0x2ca: {  	s31 =	sadd.s32 $0x7, s1;
	v55 =	vmov s29;
	v10 =	vld [tilespmem:s6+$0x0]  }
0x2cb: {  	v57 =	vmov s31;
	v56 =	vld [tilespmem:s6+$0x10];
	v11 =	vshrl.u32 v55, $0x3  }
0x2cc: {  	v13 =	vshrl.u32 v57, $0x3;
	v11 =	vshll.u32 v11, v7;
	v58 =	vld.idx.msk [tilespmem:v8+s3+$0x0], $0xffff  }
0x2cd: {  	v13 =	vshll.u32 v13, v7;
	v11 =	vadd.s32 $0x6, v11;
	v59 =	vld.idx.msk [tilespmem:v9+s10+$0x0], $0xffff  }
0x2ce: {  	v13 =	vadd.s32 $0x7, v13;
	v11 =	vbroadcast v11, $0x0  }
0x2cf: {  	v13 =	vbroadcast v13, $0x0;
	_ =	sdelay $0x1  }
0x2d0: {  	v10 =	vmax.f32 v58, v10  }
0x2d1: {  	[tilespmem:v8+s3+$0x0] =	vst.idx.msk $0xffff, v10;
	v8 =	vmax.f32 v59, v56  }
0x2d2: {  	[tilespmem:v9+s10+$0x0] =	vst.idx.msk $0xffff, v8  }
0x2d3: {  	v8 =	vld.idx.msk [tilespmem:v11+s18+$0x0], $0xffff  }
0x2d4: {  	v9 =	vld.idx.msk [tilespmem:v13+s18+$0x0], $0xffff;
	_ =	sdelay $0x3  }
0x2d5: {  	v8 =	vshll.u32 v8, $0x4  }
0x2d6: {  	v9 =	vshll.u32 v9, $0x4;
	v8 =	vor.u32 v2, v8  }
0x2d7: {  	v9 =	vor.u32 v2, v9;
	_ =	sdelay $0x1  }
0x2d8: {  	v10 =	vld [tilespmem:s6+$0x20]  }
0x2d9: {  	v60 =	vld [tilespmem:s6+$0x30]  }
0x2da: {  	v61 =	vld.idx.msk [tilespmem:v8+s3+$0x0], $0xffff  }
0x2db: {  	v62 =	vld.idx.msk [tilespmem:v9+s10+$0x0], $0xffff  }
0x2dc: {  	p0 =	seq.s32 s0, $0x1  }
.Ltmp26:
0x2dd: {  	_ = 	snop;
	(pc) =	sbr.rel @!p0 .LBB2_35-.Ltmp26, $4  }
0x2de: {  	_ = 	snop  }
0x2df: {  	v10 =	vmax.f32 v61, v10  }
0x2e0: {  	[tilespmem:v8+s3+$0x0] =	vst.idx.msk $0xffff, v10;
	v8 =	vmax.f32 v62, v60  }
0x2e1: {  	s1 =	sadd.s32 $0x8, s1;
	s0 =	sadd.s32 $0xFFFFFFFF, s0;
	s6 =	sadd.s32 $0x80, s6;
	[tilespmem:v9+s10+$0x0] =	vst.idx.msk $0xffff, v8  }
.LBB2_36:
0x2e2: {  	p0 =	slt.s32 s12, $0x2  }
.Ltmp27:
0x2e3: {  	_ = 	snop;
	(pc) =	sbr.rel @p0 .LBB2_43-.Ltmp27, $1  }
0x2e4: {  	_ =	sdelay $0x3  }
.Ltmp28:
0x2e5: {  	(pc) =	sbr.rel .LBB2_38-.Ltmp28, $2  }
0x2e6: {  	_ =	sdelay $0x2  }
0x2e7: {  	s0 =	sadd.s32 $0x7FFFFF81, s13;
	s1 =	simm.s32 $0x1;
	s6 =	simm.s32 $0x81  }
.LBB2_41:
0x2e8: {  	_ =	sdelay $0x3  }
0x2e9: {  	v11 =	vld.idx.msk [tilespmem:v9+s3+$0x0], $0xffff  }
0x2ea: {  	v12 =	vld.idx.msk [tilespmem:v8+s10+$0x0], $0xffff  }
0x2eb: {  	v13 =	vld [tilespmem:s7+$0x0];
	_ =	sdelay $0x3  }
0x2ec: {  	v10 =	vmax.f32 v11, v10  }
0x2ed: {  	v62 =	vmax.f32 v12, v13;
	[tilespmem:v9+s3+$0x0] =	vst.idx.msk $0xffff, v10  }
0x2ee: {  	[tilespmem:v8+s10+$0x0] =	vst.idx.msk $0xffff, v62  }
.LBB2_42:
0x2ef: {  	s1 =	sadd.s32 $0x1, s1  }
0x2f0: {  	p0 =	sne.s32 s1, s12  }
.Ltmp29:
0x2f1: {  	_ = 	snop;
	(pc) =	sbr.rel @!p0 .LBB2_43-.Ltmp29, $2  }
0x2f2: {  	_ =	sdelay $0x2  }
0x2f3: {  	s0 =	sadd.s32 $0xFFFFFF80, s0;
	s6 =	sadd.s32 $0x80, s6  }
.LBB2_38:
0x2f4: {  	s7 =	sshll.u32 s1, $0x7  }
0x2f5: {  	s8 =	sadd.s32 $0x1E140, s7;
	s7 =	ssub.s32 s30, s7  }
0x2f6: {  	p0 =	slt.s32 s7, $0x1  }
.Ltmp30:
0x2f7: {  	_ = 	snop;
	(pc) =	sbr.rel @p0 .LBB2_42-.Ltmp30, $4  }
0x2f8: {  	[tilespmem:s20], [sflag:$0x4] =	stream.indirect.gather [hbm4b:s2+s19], $0x10, s8, s19, $0xb8;
	v63 =	vld [tilespmem:$0x0]  }
0x2f9: {  	_ =	swait.ge [sflag:s21], $0x800  }
0x2fa: {  	[sflag:s21] =	ssyncset.done $0x0  }
0x2fb: {  	[sflag:s21] =	ssyncadd.s32 $0xFFFFF800  }
0x2fc: {  	s7 =	sadd.s32 $0xFFFFFFFF, s6  }
0x2fd: {  	v8 =	vmov s7  }
0x2fe: {  	v8 =	vand.u32 $0xFFFFFFFE, v8  }
0x2ff: {  	v8 =	vbroadcast v8, $0x0;
	_ =	sdelay $0x1  }
0x300: {  	v9 =	vmov s6;
	_ =	sdelay $0x1  }
0x301: {  	p0 =	sgt.s32 s0, $0x0;
	s7 =	smov.u32 s0  }
0x302: {  	s7 =	simm.s32 @!p0 $0x0  }
0x303: {  	s7 =	smin.u32 s7, $0x80;
	v8 =	vld.idx.msk [tilespmem:v8+s18+$0x0], $0xffff  }
0x304: {  	s7 =	sadd.s32 $0x1, s7;
	v9 =	vld.idx.msk [tilespmem:v9+s18+$0x0], $0xffff  }
0x305: {  	s7 =	sshrl.u32 s7, $0x1  }
0x306: {  	s7 =	ssub.s32 $0x0, s7  }
0x307: {  	s8 =	sadd.s32 $0x1, s7  }
0x308: {  	p0 =	seq.s32 s8, $0x0;
	v8 =	vshll.u32 v8, $0x4  }
.Ltmp31:
0x309: {  	v10 =	vshll.u32 v9, $0x4;
	v9 =	vor.u32 v2, v8;
	(pc) =	sbr.rel @p0 .LBB2_41-.Ltmp31, $3  }
0x30a: {  	v8 =	vor.u32 v2, v10;
	_ =	sdelay $0x1  }
0x30b: {  	s7 =	simm.s32 $0x1F750  }
0x30c: {  	s9 =	sadd.s32 $0x2, s6;
	v10 =	vld [tilespmem:s7+$0xFFFFFFF0]  }
.LBB2_40:
0x30d: {  	s11 =	sadd.s32 $0xFFFFFFFF, s9;
	v11 =	vld.idx.msk [tilespmem:v9+s3+$0x0], $0xffff  }
0x30e: {  	s8 =	sadd.s32 $0x1, s8;
	v12 =	vmov s11;
	v13 =	vld.idx.msk [tilespmem:v8+s10+$0x0], $0xffff  }
0x30f: {  	p0 =	seq.s32 s8, $0x0;
	v12 =	vand.u32 $0xFFFFFFFE, v12;
	v14 =	vld [tilespmem:s7+$0x0]  }
0x310: {  	v12 =	vbroadcast v12, $0x0;
	_ =	sdelay $0x1  }
0x311: {  	v15 =	vmov s9  }
0x312: {  	v10 =	vmax.f32 v11, v10  }
0x313: {  	[tilespmem:v9+s3+$0x0] =	vst.idx.msk $0xffff, v10;
	v9 =	vmax.f32 v13, v14  }
0x314: {  	[tilespmem:v8+s10+$0x0] =	vst.idx.msk $0xffff, v9  }
0x315: {  	v8 =	vld.idx.msk [tilespmem:v12+s18+$0x0], $0xffff  }
0x316: {  	v9 =	vld.idx.msk [tilespmem:v15+s18+$0x0], $0xffff;
	_ =	sdelay $0x4  }
0x317: {  	v8 =	vshll.u32 v8, $0x4  }
.Ltmp32:
0x318: {  	v10 =	vshll.u32 v9, $0x4;
	v9 =	vor.u32 v2, v8;
	(pc) =	sbr.rel @!p0 .LBB2_40-.Ltmp32, $3  }
0x319: {  	v8 =	vor.u32 v2, v10;
	_ =	sdelay $0x1  }
0x31a: {  	s7 =	sadd.s32 $0x20, s7  }
0x31b: {  	s9 =	sadd.s32 $0x2, s9;
	v10 =	vld [tilespmem:s7+$0xFFFFFFF0]  }
.Ltmp33:
0x31c: {  	_ = 	snop;
	(pc) =	sbr.rel .LBB2_41-.Ltmp33, $1  }
0x31d: {  	_ =	sdelay $0x3  }
.LBB2_43:
0x31e: {  	s0 =	simm.s32 $0x0  }
0x31f: {  	s1 =	simm.s32 $0x40;
	v8 =	vld [tilespmem:s0+$0xC360]  }
.LBB2_44:
0x320: {  	p0 =	sne.s32 s1, $0x30D00;
	v9 =	vld [tilespmem:s0+$0x0];
	_ =	sdelay $0x1  }
.Ltmp34:
0x321: {  	(pc) =	sbr.rel @p0 .LBB2_44-.Ltmp34, $3  }
0x322: {  	_ =	sdelay $0x1  }
0x323: {  	s6 =	sshra.s32 s1, $0x2;
	v9 =	vmax.f32 v9, v8  }
0x324: {  	s1 =	sadd.s32 $0x40, s1;
	v8 =	vld [tilespmem:s6+$0xC360];
	[tilespmem:s0+$0x0] =	vst v9;
	s0 =	smov.u32 s6  }
0x325: {  	v9 =	vld [tilespmem:s0+$0x0];
	_ =	sdelay $0x4  }
0x326: {  	v8 =	vmax.f32 v9, v8  }
0x327: {  	s30 =	rddreg [dreg:$0x5];
	s1 =	simm.s32 $0x5;
	[tilespmem:s0+$0x0] =	vst v8  }
0x328: {  	[hbm4b:s30+s3] =	stream.linear.scatter [tilespmem:s3], [sflag:$0x5], $0xC350, $0x38;
	v63 =	vld [tilespmem:$0x0]  }
0x329: {  	_ =	swait.ge [sflag:s1], $0xC350  }
0x32a: {  	s28 =	sadd.s32 $0x1, s28;
	s31 =	rddreg [dreg:$0x6]  }
0x32b: {  	p0 =	sne.s32 s28, s31  }
.Ltmp35:
0x32c: {  	_ = 	snop;
	(pc) =	sbr.rel @p0 .LBB2_1-.Ltmp35, $3  }
0x32d: {  	_ =	sdelay $0x1  }
0x32e: {  	[sflag:s1] =	ssyncset.done $0x0  }
0x32f: {  	[sflag:s1] =	ssyncadd.s32 $0xFFFF3CB0  }
0x330: {  	_ =	sfence.sel $0x180000  }
0x331: {  	[bflag:$0x0] =	sbarrier.arrive $0xFFFF  }
0x332: {  	_ =	strace $0x90000047  }
0x333: {  	s0 =	stileid.u32;
	[bflag:$0x2] =	sbarrier.arrive $0xFFFF  }
0x334: {  	p0 =	sne.s32 s0, $0x0;
	s0 =	rddreg [dreg:$0x2]  }
0x335: {  	s0 =	sadd.s32 @!p0 $0x100000, s0  }
0x336: {  	[sflag:s0] =	ssyncadd.tile.s32 @!p0 $0x1;
	_ =	shalt  }
.Lfunc_end2:
_tile_overlayer_lowered:
.L_overlay_start_2:
0x337: {  	(tag) =	ssettag $0x2  }
0x338: {  	s0 =	rddreg [dreg:$0x0];
	s2 =	stileid.u32  }
0x339: {  	s1 =	rddreg [dreg:$0x1];
	p0 =	sne.s32 s2, $0x0  }
0x33a: {  	s3 =	rddreg [dreg:$0x2];
	[bflag:$0x3] =	sbarrier.arrive $0xFFFF;
	s2 =	simm.s32 @!p0 $0x1C05  }
0x33b: {  	[timem:s3], [sflag:s2] =	dma.local @!p0 [hbm:s0], s1  }
0x33c: {  	s0 =	simm.s32 @!p0 $0x5  }
0x33d: {  	_ =	swait.ge @!p0 [sflag:s0], s1  }
0x33e: {  	s1 =	ssub.s32 @!p0 $0x0, s1;
	[sflag:s0] =	ssyncset.done @!p0 $0x0  }
0x33f: {  	[sflag:s0] =	ssyncadd.s32 @!p0 s1  }
0x340: {  	[bflag:$0x3] =	sbarrier.arrive $0xFFFF  }
0x341: {  	_ =	shalt  }

</sc_bundles>
